<compile_context>
chip_gen: v7x
topology: tpu7x:2x2x1
jax: 0.10.2.dev20260603
libtpu: 0.0.44.dev20260713+nightly
codegen_flags: <defaults>
</compile_context>

<pallas_src>
import functools

import jax
import jax.numpy as jnp
import numpy as np
from jax import lax
from jax.experimental import pallas as pl
from jax.experimental.pallas import tpu as pltpu
from jax.experimental.pallas import tpu_sc as plsc

_N = 10000
_HIDDEN = 256
_M = 5
_NUP = 2500
_NDOWN = _N - _NUP
_ROWS, _COLS = 8, 1280
_NPAD = _ROWS * _COLS


def _fps_mask_body(px_ref, py_ref, pz_ref, xs_ref, ys_ref, zs_ref,
                   mask_ref, dists_ref):
    px = px_ref[...]
    py = py_ref[...]
    pz = pz_ref[...]
    row = lax.broadcasted_iota(jnp.int32, (_ROWS, _COLS), 0)
    col = lax.broadcasted_iota(jnp.int32, (_ROWS, _COLS), 1)
    gidx = row * _COLS + col
    gidxf = gidx.astype(jnp.float32)
    valid = gidx < _N
    neg_inf = jnp.float32(-jnp.inf)
    dists_ref[...] = jnp.where(valid, jnp.float32(1e10), neg_inf)
    mask_ref[...] = (gidx == 0).astype(jnp.int32)

    def body(_, carry):
        x0, y0, z0 = carry
        dx = px - x0
        dy = py - y0
        dz = pz - z0
        d = (dx * dx + dy * dy) + dz * dz
        dists = jnp.minimum(dists_ref[...], d)
        dists_ref[...] = dists
        m = jnp.max(dists, axis=(0, 1), keepdims=True)
        sel = jnp.where(dists == m, gidxf, jnp.float32(3e7))
        folded = sel[:, 0:128]
        for c in range(1, _COLS // 128):
            folded = jnp.minimum(folded, sel[:, c * 128 : (c + 1) * 128])
        nxtf = jnp.min(folded)
        nxt = nxtf.astype(jnp.int32)
        mask_ref[...] = jnp.maximum(mask_ref[...],
                                    (gidx == nxt).astype(jnp.int32))
        return (xs_ref[nxt], ys_ref[nxt], zs_ref[nxt])

    lax.fori_loop(1, _NUP, body, (xs_ref[0], ys_ref[0], zs_ref[0]))


def _fps_mask(pos):
    def pad(c):
        return jnp.zeros((_NPAD,), jnp.float32).at[:_N].set(c).reshape(_ROWS, _COLS)

    pxp, pyp, pzp = pad(pos[:, 0]), pad(pos[:, 1]), pad(pos[:, 2])
    xs = jnp.zeros((_NPAD,), jnp.float32).at[:_N].set(pos[:, 0])
    ys = jnp.zeros((_NPAD,), jnp.float32).at[:_N].set(pos[:, 1])
    zs = jnp.zeros((_NPAD,), jnp.float32).at[:_N].set(pos[:, 2])
    sspec = pl.BlockSpec(memory_space=pltpu.SMEM)
    mask = pl.pallas_call(
        _fps_mask_body,
        in_specs=[pl.BlockSpec((_ROWS, _COLS), lambda: (0, 0))] * 3
        + [sspec] * 3,
        out_specs=pl.BlockSpec((_ROWS, _COLS), lambda: (0, 0)),
        out_shape=jax.ShapeDtypeStruct((_ROWS, _COLS), jnp.int32),
        scratch_shapes=[pltpu.VMEM((_ROWS, _COLS), jnp.float32)],
    )(pxp, pyp, pzp, xs, ys, zs)
    return mask.reshape(-1)[:_N].astype(bool)


_XCOLS = 384
_MMBLK = 1000
_KNNBLK = 768
_NDOWNPAD = 7680
_NUPPAD = 2560


def _dense_body(x_ref, w1_ref, b1_ref, w2_ref, b2_ref, feats_ref, g_ref):
    feats = jnp.dot(x_ref[...], w1_ref[...],
                    preferred_element_type=jnp.float32) + b1_ref[...]
    feats_ref[...] = feats
    g_ref[...] = jnp.dot(feats, w2_ref[...],
                         preferred_element_type=jnp.float32)


def _dense_feats_g(x, W1p, b1, W2, b2):
    grid = _N // _MMBLK
    return pl.pallas_call(
        _dense_body,
        grid=(grid,),
        in_specs=[
            pl.BlockSpec((_MMBLK, _XCOLS), lambda r: (r, 0)),
            pl.BlockSpec((_XCOLS, _HIDDEN), lambda r: (0, 0)),
            pl.BlockSpec((1, _HIDDEN), lambda r: (0, 0)),
            pl.BlockSpec((_HIDDEN, _HIDDEN), lambda r: (0, 0)),
            pl.BlockSpec((1, _HIDDEN), lambda r: (0, 0)),
        ],
        out_specs=[
            pl.BlockSpec((_MMBLK, _HIDDEN), lambda r: (r, 0)),
            pl.BlockSpec((_MMBLK, _HIDDEN), lambda r: (r, 0)),
        ],
        out_shape=[
            jax.ShapeDtypeStruct((_N, _HIDDEN), jnp.float32),
            jax.ShapeDtypeStruct((_N, _HIDDEN), jnp.float32),
        ],
    )(x, W1p, b1.reshape(1, _HIDDEN), W2, b2.reshape(1, _HIDDEN))


def _knn_body(pd_ref, pd2_ref, put_ref, pu2_ref, nbr_ref):
    mm = jnp.dot(pd_ref[...], put_ref[...], preferred_element_type=jnp.float32)
    d2 = (pd2_ref[...] + pu2_ref[...]) - 2.0 * mm
    col = lax.broadcasted_iota(jnp.int32, (_KNNBLK, _NUPPAD), 1)
    big = jnp.int32(2**30)
    inf = jnp.float32(jnp.inf)
    for k in range(_M):
        m = jnp.min(d2, axis=1, keepdims=True)
        amin = jnp.min(jnp.where(d2 == m, col, big), axis=1, keepdims=True)
        nbr_ref[:, k : k + 1] = amin
        d2 = jnp.where(col == amin, inf, d2)


def _knn(pd, pd2, put, pu2):
    grid = _NDOWNPAD // _KNNBLK
    return pl.pallas_call(
        _knn_body,
        grid=(grid,),
        in_specs=[
            pl.BlockSpec((_KNNBLK, 8), lambda r: (r, 0)),
            pl.BlockSpec((_KNNBLK, 1), lambda r: (r, 0)),
            pl.BlockSpec((8, _NUPPAD), lambda r: (0, 0)),
            pl.BlockSpec((1, _NUPPAD), lambda r: (0, 0)),
        ],
        out_specs=pl.BlockSpec((_KNNBLK, 8), lambda r: (r, 0)),
        out_shape=jax.ShapeDtypeStruct((_NDOWNPAD, 8), jnp.int32),
    )(pd, pd2, put, pu2)


_NW = 32
_UPW = 80
_EPAD = 37888
_EPW = _EPAD // _NW
_DCH = 48
_NROWS = 10016
_DUMP = 10008


def _edge_body(g_hbm, f_hbm, p_hbm, up_hbm, dn_hbm, nbr_hbm, b2_hbm,
               out_hbm, j_hbm,
               b2_v, nbrj_v, jidx_v, jbuf_v, p_v, unl_v, gu_v, fu_v,
               dnl_v, dnrow_v, sem):
    wid = lax.axis_index("s") * 2 + lax.axis_index("c")
    ubase = wid * _UPW

    pltpu.sync_copy(b2_hbm, b2_v)

    ebase = wid * _EPW
    pltpu.sync_copy(nbr_hbm.at[pl.ds(ebase, _EPW)], nbrj_v.at[pl.ds(0, _EPW)])
    pad_nb = jnp.full((16,), 2559, jnp.int32)
    for t in range(_EPW // 16, 1280 // 16):
        nbrj_v[pl.ds(t * 16, 16)] = pad_nb
    for cj in range(1280 // 128):
        for t in range(8):
            jidx_v[pl.ds(t * 16, 16)] = nbrj_v[pl.ds(cj * 128 + t * 16, 16)]
        pltpu.async_copy(up_hbm.at[jidx_v], jbuf_v, sem).wait()
        wlen = min(128, _EPW - cj * 128)
        if wlen > 0:
            pltpu.sync_copy(jbuf_v.at[pl.ds(0, wlen)],
                            j_hbm.at[pl.ds(ebase + cj * 128, wlen)])

    pltpu.sync_copy(p_hbm.at[pl.ds(ubase, _UPW)], p_v)
    pltpu.sync_copy(up_hbm.at[pl.ds(ubase, _UPW)], unl_v)
    pltpu.async_copy(g_hbm.at[unl_v], gu_v, sem).wait()
    pltpu.async_copy(f_hbm.at[unl_v], fu_v, sem).wait()
    fzero = jnp.full((16,), 0.0, jnp.float32)

    def upout(q, carry):
        for cc in range(16):
            pv = p_v[q, pl.ds(cc * 16, 16)]
            gv = gu_v[q, pl.ds(cc * 16, 16)]
            bv = b2_v[pl.ds(cc * 16, 16)]
            agg = jnp.maximum((pv - gv) + bv, fzero)
            fu_v[q, pl.ds(cc * 16, 16)] = fu_v[q, pl.ds(cc * 16, 16)] + agg
        return carry

    lax.fori_loop(0, _UPW, upout, 0)
    pltpu.async_copy(fu_v, out_hbm.at[unl_v], sem).wait()

    dbase = wid * (7680 // _NW)
    for c in range(240 // _DCH):
        pltpu.sync_copy(dn_hbm.at[pl.ds(dbase + c * _DCH, _DCH)], dnl_v)
        pltpu.async_copy(f_hbm.at[dnl_v], dnrow_v, sem).wait()
        pltpu.async_copy(dnrow_v, out_hbm.at[dnl_v], sem).wait()


def _edge_aggregate(G, feats, P, up_idx, dn_idx, nbrflat, b2):
    mesh = plsc.VectorSubcoreMesh(core_axis_name="c", subcore_axis_name="s")
    f = pl.kernel(
        _edge_body,
        out_type=[
            jax.ShapeDtypeStruct((_NROWS, _HIDDEN), jnp.float32),
            jax.ShapeDtypeStruct((_EPAD,), jnp.int32),
        ],
        mesh=mesh,
        scratch_types=[
            pltpu.VMEM((_HIDDEN,), jnp.float32),
            pltpu.VMEM((1280,), jnp.int32),
            pltpu.VMEM((128,), jnp.int32),
            pltpu.VMEM((128,), jnp.int32),
            pltpu.VMEM((_UPW, _HIDDEN), jnp.float32),
            pltpu.VMEM((_UPW,), jnp.int32),
            pltpu.VMEM((_UPW, _HIDDEN), jnp.float32),
            pltpu.VMEM((_UPW, _HIDDEN), jnp.float32),
            pltpu.VMEM((_DCH,), jnp.int32),
            pltpu.VMEM((_DCH, _HIDDEN), jnp.float32),
            pltpu.SemaphoreType.DMA,
        ],
    )
    return f(G, feats, P, up_idx, dn_idx, nbrflat, b2)


def kernel(h, s_l, W1, b1, W2, b2):
    pos = lax.stop_gradient(s_l)
    up_mask = _fps_mask(pos)

    mask_i = up_mask.astype(jnp.int32)
    csum = jnp.cumsum(mask_i)
    ar = jnp.arange(_N, dtype=jnp.int32)
    up_idx = jnp.zeros((_NUP,), jnp.int32).at[
        jnp.where(up_mask, csum - 1, _NUP)].set(ar, mode="drop")
    down_idx = jnp.zeros((_NDOWN,), jnp.int32).at[
        jnp.where(up_mask, _NDOWN, ar - csum)].set(ar, mode="drop")

    pd = pos[down_idx]
    pu = pos[up_idx]
    pd2 = jnp.sum(pd**2, axis=1)[:, None]
    pu2 = jnp.sum(pu**2, axis=1)[None, :]

    pdp = jnp.zeros((_NDOWNPAD, 8), jnp.float32).at[:_NDOWN, :3].set(pd)
    pd2p = jnp.zeros((_NDOWNPAD, 1), jnp.float32).at[:_NDOWN].set(pd2)
    putp = jnp.zeros((8, _NUPPAD), jnp.float32).at[:3, :_NUP].set(pu.T)
    pu2p = jnp.full((1, _NUPPAD), jnp.inf, jnp.float32).at[:, :_NUP].set(pu2)
    nbr = _knn(pdp, pd2p, putp, pu2p)[:_NDOWN, :_M]

    i = jnp.repeat(down_idx, _M)

    x = jnp.zeros((_N, _XCOLS), jnp.float32)
    x = x.at[:, :_HIDDEN].set(h).at[:, _HIDDEN : _HIDDEN + 3].set(s_l)
    W1p = jnp.zeros((_XCOLS, _HIDDEN), jnp.float32).at[: _HIDDEN + 3, :].set(W1)
    feats, G = _dense_feats_g(x, W1p, b1, W2, b2)

    up_pad = jnp.full((2560,), _DUMP, jnp.int32).at[:_NUP].set(up_idx)
    dn_pad = jnp.full((7680,), _DUMP, jnp.int32).at[:_NDOWN].set(down_idx)
    nbrflat = jnp.full((_EPAD,), 2559, jnp.int32).at[: _NDOWN * _M].set(
        nbr.reshape(-1))
    Gp = jnp.zeros((_NROWS, _HIDDEN), jnp.float32).at[:_N].set(G)
    Fp = jnp.zeros((_NROWS, _HIDDEN), jnp.float32).at[:_N].set(feats)
    Gd = G[down_idx]
    P = jax.ops.segment_max(jnp.repeat(Gd, _M, axis=0), nbr.reshape(-1),
                            num_segments=_NUP)
    Pp = jnp.full((2560, _HIDDEN), -jnp.inf, jnp.float32).at[:_NUP].set(P)
    out_full, j_full = _edge_aggregate(Gp, Fp, Pp, up_pad, dn_pad, nbrflat, b2)
    out = out_full[:_N]
    j = j_full[: _NDOWN * _M]
    return out, up_mask, i, j

# --- scband reference (transcript-rebuilt; emitter-appended) ---
"""Pipeline reference for scband-downsample-block-14001593385537 (READ-ONLY COPY).

The authoritative reference and input builder live on the scoring server;
editing this copy changes nothing except your own understanding.
"""

import jax, jax.numpy as jnp
import numpy as np

N = 10000
HIDDEN = 256
M = 5


def setup_inputs(seed: int = 0):
    key = jax.random.key(seed)
    k1, k2, k3, k4 = jax.random.split(key, 4)
    h = jax.random.normal(k1, (N, HIDDEN), dtype=jnp.float32)
    s_l = jax.random.normal(k2, (N, 3), dtype=jnp.float32)
    W1 = jax.random.normal(k3, (HIDDEN + 3, HIDDEN), dtype=jnp.float32) * (1.0 / np.sqrt(HIDDEN + 3))
    b1 = jnp.zeros((HIDDEN,), dtype=jnp.float32)
    W2 = jax.random.normal(k4, (HIDDEN, HIDDEN), dtype=jnp.float32) * (1.0 / np.sqrt(HIDDEN))
    b2 = jnp.zeros((HIDDEN,), dtype=jnp.float32)
    return {"h": h, "s_l": s_l, "W1": W1, "b1": b1, "W2": W2, "b2": b2}


def farthest_point_sampling(pos, n_sample):
    # pointops.farthest_point_sampling equivalent, start at index 0
    n = pos.shape[0]

    def body(k, state):
        idxs, dists, last = state
        d = jnp.sum((pos - pos[last]) ** 2, axis=1)
        dists = jnp.minimum(dists, d)
        nxt = jnp.argmax(dists).astype(jnp.int32)
        idxs = idxs.at[k].set(nxt)
        return (idxs, dists, nxt)

    idxs = jnp.zeros((n_sample,), dtype=jnp.int32)
    dists = jnp.full((n,), 1e10, dtype=jnp.float32)
    idxs, dists, _ = jax.lax.fori_loop(1, n_sample, body, (idxs, dists, jnp.int32(0)))
    return idxs


def _build_edges(pos):
    # all index computations (FPS + directional kNN); indices are non-differentiable
    n = pos.shape[0]
    n_up = int(np.floor(n * 0.25))
    fps_idx = farthest_point_sampling(pos, n_up)
    up_mask = jnp.zeros((n,), dtype=bool).at[fps_idx].set(True)
    up_idx = jnp.sort(fps_idx).astype(jnp.int32)  # nodes[up_mask] ordering
    down_idx = jnp.argsort(up_mask, stable=True)[: n - n_up].astype(jnp.int32)
    pd = pos[down_idx]  # [n_down, 3]
    pu = pos[up_idx]    # [n_up, 3]
    # squared euclidean distance matrix: select_knn_directional(down -> up)
    d2 = (jnp.sum(pd ** 2, axis=1)[:, None]
          + jnp.sum(pu ** 2, axis=1)[None, :]
          - 2.0 * pd @ pu.T)
    _, nbr = jax.lax.top_k(-d2, M)  # M nearest up points per down point
    j = up_idx[nbr].reshape(-1)
    i = jnp.repeat(down_idx, M)
    return up_mask, i, j


def reference(h, s_l, W1, b1, W2, b2):
    n = h.shape[0]
    up_mask, i, j = _build_edges(jax.lax.stop_gradient(s_l))
    # embedding_features_to_att: Linear(hidden_dim + 3 -> hidden_dim)
    feats = jnp.concatenate([h, s_l], axis=1) @ W1 + b1
    # MLP_difs_maxpool: per-edge MLP on feature differences, max-pooled at dst
    msg = jax.nn.relu((feats[i] - feats[j]) @ W2 + b2)
    agg = jax.ops.segment_max(msg, j, num_segments=n)
    agg = jnp.where(jnp.isfinite(agg), agg, 0.0)
    out = feats + agg
    return out, up_mask, i, j

if __name__ == "__main__":
    import jax
    _d = setup_inputs()
    print(jax.jit(kernel)(*tuple(_d.values())))

</pallas_src>

<mosaic_0001>
#map = affine_map<(d0, d1) -> (0, 0)>
#map1 = affine_map<(d0, d1) -> (0)>
module attributes {stable_mosaic.version = 14 : i64} {
  func.func @_edge_body(%arg0: i32, %arg1: i32, %arg2: memref<10016x256xf32, #tpu.memory_space<hbm>>, %arg3: memref<10016x256xf32, #tpu.memory_space<hbm>>, %arg4: memref<2560x256xf32, #tpu.memory_space<hbm>>, %arg5: memref<2560xi32, #tpu.memory_space<hbm>>, %arg6: memref<7680xi32, #tpu.memory_space<hbm>>, %arg7: memref<37888xi32, #tpu.memory_space<hbm>>, %arg8: memref<256xf32, #tpu.memory_space<hbm>>, %arg9: memref<10016x256xf32, #tpu.memory_space<hbm>>, %arg10: memref<37888xi32, #tpu.memory_space<hbm>>, %arg11: memref<256xf32, #tpu.memory_space<vmem>>, %arg12: memref<1280xi32, #tpu.memory_space<vmem>>, %arg13: memref<128xi32, #tpu.memory_space<vmem>>, %arg14: memref<128xi32, #tpu.memory_space<vmem>>, %arg15: memref<80x256xf32, #tpu.memory_space<vmem>>, %arg16: memref<80xi32, #tpu.memory_space<vmem>>, %arg17: memref<80x256xf32, #tpu.memory_space<vmem>>, %arg18: memref<80x256xf32, #tpu.memory_space<vmem>>, %arg19: memref<48xi32, #tpu.memory_space<vmem>>, %arg20: memref<48x256xf32, #tpu.memory_space<vmem>>, %arg21: memref<!tpu.dma_semaphore, #tpu.memory_space<semaphore_mem>>) attributes {dimension_semantics = [#tpu.dimension_semantics<core_parallel>, #tpu.dimension_semantics<subcore_parallel>], iteration_bounds = array<i64: 2, 16>, scalar_prefetch = 0 : i64, scratch_operands = 11 : i64, tpu.core_type = #tpu.core_type<sc_vector_subcore>, window_params = [{transform_indices = #map}, {transform_indices = #map}, {transform_indices = #map}, {transform_indices = #map1}, {transform_indices = #map1}, {transform_indices = #map1}, {transform_indices = #map1}, {transform_indices = #map}, {transform_indices = #map1}]} {
    %mul3A = arith.constant 2 : i32
    %mul3A_0 = arith.muli %arg1, %mul3A : i32
    %add3A = arith.addi %mul3A_0, %arg0 : i32
    %mul3A_1 = arith.constant 80 : i32
    %mul3A_2 = arith.muli %add3A, %mul3A_1 : i32
    "tpu.region"() ({
      %run_scoped3A = tpu.sem_alloc : memref<!tpu.dma_semaphore, #tpu.memory_space<semaphore_mem>>
      tpu.enqueue_dma source(%arg8 : memref<256xf32, #tpu.memory_space<hbm>>) target(%arg11 : memref<256xf32, #tpu.memory_space<vmem>>) target_semaphore(%run_scoped3A : memref<!tpu.dma_semaphore, #tpu.memory_space<semaphore_mem>>)
      tpu.wait_dma2 semaphore(%run_scoped3A : memref<!tpu.dma_semaphore, #tpu.memory_space<semaphore_mem>>) src(%arg8 : memref<256xf32, #tpu.memory_space<hbm>>) dst(%arg11 : memref<256xf32, #tpu.memory_space<vmem>>)
      tpu.yield
    }) : () -> ()
    %mul3A_3 = arith.constant 1184 : i32
    %mul3A_4 = arith.muli %add3A, %mul3A_3 : i32
    "tpu.region"() ({
      %run_scoped3A = tpu.sem_alloc : memref<!tpu.dma_semaphore, #tpu.memory_space<semaphore_mem>>
      %dma_start3A_743 = arith.constant 0 : i32
      %dma_start3A_744 = tpu.memref_slice %arg12[%dma_start3A_743] : memref<1280xi32, #tpu.memory_space<vmem>> -> memref<1184xi32, #tpu.memory_space<vmem>>
      %dma_start3A_745 = tpu.memref_slice %arg7[%mul3A_4] : memref<37888xi32, #tpu.memory_space<hbm>> -> memref<1184xi32, #tpu.memory_space<hbm>>
      %dma_start3A_746 = arith.constant 0 : i32
      %dma_start3A_747 = tpu.memref_slice %arg12[%dma_start3A_746] : memref<1280xi32, #tpu.memory_space<vmem>> -> memref<1184xi32, #tpu.memory_space<vmem>>
      %dma_start3A_748 = tpu.memref_slice %arg7[%mul3A_4] : memref<37888xi32, #tpu.memory_space<hbm>> -> memref<1184xi32, #tpu.memory_space<hbm>>
      tpu.enqueue_dma source(%dma_start3A_748 : memref<1184xi32, #tpu.memory_space<hbm>>) target(%dma_start3A_747 : memref<1184xi32, #tpu.memory_space<vmem>>) target_semaphore(%run_scoped3A : memref<!tpu.dma_semaphore, #tpu.memory_space<semaphore_mem>>)
      %dma_wait3A_749 = arith.constant 0 : i32
      %dma_wait3A_750 = tpu.memref_slice %arg12[%dma_wait3A_749] : memref<1280xi32, #tpu.memory_space<vmem>> -> memref<1184xi32, #tpu.memory_space<vmem>>
      %dma_wait3A_751 = tpu.memref_slice %arg7[%mul3A_4] : memref<37888xi32, #tpu.memory_space<hbm>> -> memref<1184xi32, #tpu.memory_space<hbm>>
      %dma_wait3A_752 = arith.constant 0 : i32
      %dma_wait3A_753 = tpu.memref_slice %arg12[%dma_wait3A_752] : memref<1280xi32, #tpu.memory_space<vmem>> -> memref<1184xi32, #tpu.memory_space<vmem>>
      %dma_wait3A_754 = tpu.memref_slice %arg7[%mul3A_4] : memref<37888xi32, #tpu.memory_space<hbm>> -> memref<1184xi32, #tpu.memory_space<hbm>>
      tpu.wait_dma2 semaphore(%run_scoped3A : memref<!tpu.dma_semaphore, #tpu.memory_space<semaphore_mem>>) src(%dma_wait3A_754 : memref<1184xi32, #tpu.memory_space<hbm>>) dst(%dma_wait3A_753 : memref<1184xi32, #tpu.memory_space<vmem>>)
      tpu.yield
    }) : () -> ()
    %broadcast_in_dim3A = arith.constant 2559 : i32
    %broadcast_in_dim3A_5 = vector.broadcast %broadcast_in_dim3A : i32 to vector<16xi32>
    %swap3A = arith.constant 1184 : index
    %swap3A_6 = tpu.vector_load %arg12[%swap3A] {strides = array<i32>} : memref<1280xi32, #tpu.memory_space<vmem>>, vector<16xi32>,
    %swap3A_7 = vector.shape_cast %swap3A_6 : vector<16xi32> to vector<16xi32>
    %swap3A_8 = vector.shape_cast %broadcast_in_dim3A_5 : vector<16xi32> to vector<16xi32>
    tpu.vector_store %arg12[%swap3A], %swap3A_8 {strides = array<i32>} : memref<1280xi32, #tpu.memory_space<vmem>>, vector<16xi32>,
    %swap3A_9 = arith.constant 1200 : index
    %swap3A_10 = tpu.vector_load %arg12[%swap3A_9] {strides = array<i32>} : memref<1280xi32, #tpu.memory_space<vmem>>, vector<16xi32>,
    %swap3A_11 = vector.shape_cast %swap3A_10 : vector<16xi32> to vector<16xi32>
    %swap3A_12 = vector.shape_cast %broadcast_in_dim3A_5 : vector<16xi32> to vector<16xi32>
    tpu.vector_store %arg12[%swap3A_9], %swap3A_12 {strides = array<i32>} : memref<1280xi32, #tpu.memory_space<vmem>>, vector<16xi32>,
    %swap3A_13 = arith.constant 1216 : index
    %swap3A_14 = tpu.vector_load %arg12[%swap3A_13] {strides = array<i32>} : memref<1280xi32, #tpu.memory_space<vmem>>, vector<16xi32>,
    %swap3A_15 = vector.shape_cast %swap3A_14 : vector<16xi32> to vector<16xi32>
    %swap3A_16 = vector.shape_cast %broadcast_in_dim3A_5 : vector<16xi32> to vector<16xi32>
    tpu.vector_store %arg12[%swap3A_13], %swap3A_16 {strides = array<i32>} : memref<1280xi32, #tpu.memory_space<vmem>>, vector<16xi32>,
    %swap3A_17 = arith.constant 1232 : index
    %swap3A_18 = tpu.vector_load %arg12[%swap3A_17] {strides = array<i32>} : memref<1280xi32, #tpu.memory_space<vmem>>, vector<16xi32>,
    %swap3A_19 = vector.shape_cast %swap3A_18 : vector<16xi32> to vector<16xi32>
    %swap3A_20 = vector.shape_cast %broadcast_in_dim3A_5 : vector<16xi32> to vector<16xi32>
    tpu.vector_store %arg12[%swap3A_17], %swap3A_20 {strides = array<i32>} : memref<1280xi32, #tpu.memory_space<vmem>>, vector<16xi32>,
    %swap3A_21 = arith.constant 1248 : index
    %swap3A_22 = tpu.vector_load %arg12[%swap3A_21] {strides = array<i32>} : memref<1280xi32, #tpu.memory_space<vmem>>, vector<16xi32>,
    %swap3A_23 = vector.shape_cast %swap3A_22 : vector<16xi32> to vector<16xi32>
    %swap3A_24 = vector.shape_cast %broadcast_in_dim3A_5 : vector<16xi32> to vector<16xi32>
    tpu.vector_store %arg12[%swap3A_21], %swap3A_24 {strides = array<i32>} : memref<1280xi32, #tpu.memory_space<vmem>>, vector<16xi32>,
    %swap3A_25 = arith.constant 1264 : index
    %swap3A_26 = tpu.vector_load %arg12[%swap3A_25] {strides = array<i32>} : memref<1280xi32, #tpu.memory_space<vmem>>, vector<16xi32>,
    %swap3A_27 = vector.shape_cast %swap3A_26 : vector<16xi32> to vector<16xi32>
    %swap3A_28 = vector.shape_cast %broadcast_in_dim3A_5 : vector<16xi32> to vector<16xi32>
    tpu.vector_store %arg12[%swap3A_25], %swap3A_28 {strides = array<i32>} : memref<1280xi32, #tpu.memory_space<vmem>>, vector<16xi32>,
    %get3A = arith.constant 0 : index
    %get3A_29 = tpu.vector_load %arg12[%get3A] {strides = array<i32>} : memref<1280xi32, #tpu.memory_space<vmem>>, vector<16xi32>,
    %get3A_30 = vector.shape_cast %get3A_29 : vector<16xi32> to vector<16xi32>
    %swap3A_31 = arith.constant 0 : index
    %swap3A_32 = tpu.vector_load %arg13[%swap3A_31] {strides = array<i32>} : memref<128xi32, #tpu.memory_space<vmem>>, vector<16xi32>,
    %swap3A_33 = vector.shape_cast %swap3A_32 : vector<16xi32> to vector<16xi32>
    %swap3A_34 = vector.shape_cast %get3A_30 : vector<16xi32> to vector<16xi32>
    tpu.vector_store %arg13[%swap3A_31], %swap3A_34 {strides = array<i32>} : memref<128xi32, #tpu.memory_space<vmem>>, vector<16xi32>,
    %get3A_35 = arith.constant 16 : index
    %get3A_36 = tpu.vector_load %arg12[%get3A_35] {strides = array<i32>} : memref<1280xi32, #tpu.memory_space<vmem>>, vector<16xi32>,
    %get3A_37 = vector.shape_cast %get3A_36 : vector<16xi32> to vector<16xi32>
    %swap3A_38 = arith.constant 16 : index
    %swap3A_39 = tpu.vector_load %arg13[%swap3A_38] {strides = array<i32>} : memref<128xi32, #tpu.memory_space<vmem>>, vector<16xi32>,
    %swap3A_40 = vector.shape_cast %swap3A_39 : vector<16xi32> to vector<16xi32>
    %swap3A_41 = vector.shape_cast %get3A_37 : vector<16xi32> to vector<16xi32>
    tpu.vector_store %arg13[%swap3A_38], %swap3A_41 {strides = array<i32>} : memref<128xi32, #tpu.memory_space<vmem>>, vector<16xi32>,
    %get3A_42 = arith.constant 32 : index
    %get3A_43 = tpu.vector_load %arg12[%get3A_42] {strides = array<i32>} : memref<1280xi32, #tpu.memory_space<vmem>>, vector<16xi32>,
    %get3A_44 = vector.shape_cast %get3A_43 : vector<16xi32> to vector<16xi32>
    %swap3A_45 = arith.constant 32 : index
    %swap3A_46 = tpu.vector_load %arg13[%swap3A_45] {strides = array<i32>} : memref<128xi32, #tpu.memory_space<vmem>>, vector<16xi32>,
    %swap3A_47 = vector.shape_cast %swap3A_46 : vector<16xi32> to vector<16xi32>
    %swap3A_48 = vector.shape_cast %get3A_44 : vector<16xi32> to vector<16xi32>
    tpu.vector_store %arg13[%swap3A_45], %swap3A_48 {strides = array<i32>} : memref<128xi32, #tpu.memory_space<vmem>>, vector<16xi32>,
    %get3A_49 = arith.constant 48 : index
    %get3A_50 = tpu.vector_load %arg12[%get3A_49] {strides = array<i32>} : memref<1280xi32, #tpu.memory_space<vmem>>, vector<16xi32>,
    %get3A_51 = vector.shape_cast %get3A_50 : vector<16xi32> to vector<16xi32>
    %swap3A_52 = arith.constant 48 : index
    %swap3A_53 = tpu.vector_load %arg13[%swap3A_52] {strides = array<i32>} : memref<128xi32, #tpu.memory_space<vmem>>, vector<16xi32>,
    %swap3A_54 = vector.shape_cast %swap3A_53 : vector<16xi32> to vector<16xi32>
    %swap3A_55 = vector.shape_cast %get3A_51 : vector<16xi32> to vector<16xi32>
    tpu.vector_store %arg13[%swap3A_52], %swap3A_55 {strides = array<i32>} : memref<128xi32, #tpu.memory_space<vmem>>, vector<16xi32>,
    %get3A_56 = arith.constant 64 : index
    %get3A_57 = tpu.vector_load %arg12[%get3A_56] {strides = array<i32>} : memref<1280xi32, #tpu.memory_space<vmem>>, vector<16xi32>,
    %get3A_58 = vector.shape_cast %get3A_57 : vector<16xi32> to vector<16xi32>
    %swap3A_59 = arith.constant 64 : index
    %swap3A_60 = tpu.vector_load %arg13[%swap3A_59] {strides = array<i32>} : memref<128xi32, #tpu.memory_space<vmem>>, vector<16xi32>,
    %swap3A_61 = vector.shape_cast %swap3A_60 : vector<16xi32> to vector<16xi32>
    %swap3A_62 = vector.shape_cast %get3A_58 : vector<16xi32> to vector<16xi32>
    tpu.vector_store %arg13[%swap3A_59], %swap3A_62 {strides = array<i32>} : memref<128xi32, #tpu.memory_space<vmem>>, vector<16xi32>,
    %get3A_63 = arith.constant 80 : index
    %get3A_64 = tpu.vector_load %arg12[%get3A_63] {strides = array<i32>} : memref<1280xi32, #tpu.memory_space<vmem>>, vector<16xi32>,
    %get3A_65 = vector.shape_cast %get3A_64 : vector<16xi32> to vector<16xi32>
    %swap3A_66 = arith.constant 80 : index
    %swap3A_67 = tpu.vector_load %arg13[%swap3A_66] {strides = array<i32>} : memref<128xi32, #tpu.memory_space<vmem>>, vector<16xi32>,
    %swap3A_68 = vector.shape_cast %swap3A_67 : vector<16xi32> to vector<16xi32>
    %swap3A_69 = vector.shape_cast %get3A_65 : vector<16xi32> to vector<16xi32>
    tpu.vector_store %arg13[%swap3A_66], %swap3A_69 {strides = array<i32>} : memref<128xi32, #tpu.memory_space<vmem>>, vector<16xi32>,
    %get3A_70 = arith.constant 96 : index
    %get3A_71 = tpu.vector_load %arg12[%get3A_70] {strides = array<i32>} : memref<1280xi32, #tpu.memory_space<vmem>>, vector<16xi32>,
    %get3A_72 = vector.shape_cast %get3A_71 : vector<16xi32> to vector<16xi32>
    %swap3A_73 = arith.constant 96 : index
    %swap3A_74 = tpu.vector_load %arg13[%swap3A_73] {strides = array<i32>} : memref<128xi32, #tpu.memory_space<vmem>>, vector<16xi32>,
    %swap3A_75 = vector.shape_cast %swap3A_74 : vector<16xi32> to vector<16xi32>
    %swap3A_76 = vector.shape_cast %get3A_72 : vector<16xi32> to vector<16xi32>
    tpu.vector_store %arg13[%swap3A_73], %swap3A_76 {strides = array<i32>} : memref<128xi32, #tpu.memory_space<vmem>>, vector<16xi32>,
    %get3A_77 = arith.constant 112 : index
    %get3A_78 = tpu.vector_load %arg12[%get3A_77] {strides = array<i32>} : memref<1280xi32, #tpu.memory_space<vmem>>, vector<16xi32>,
    %get3A_79 = vector.shape_cast %get3A_78 : vector<16xi32> to vector<16xi32>
    %swap3A_80 = arith.constant 112 : index
    %swap3A_81 = tpu.vector_load %arg13[%swap3A_80] {strides = array<i32>} : memref<128xi32, #tpu.memory_space<vmem>>, vector<16xi32>,
    %swap3A_82 = vector.shape_cast %swap3A_81 : vector<16xi32> to vector<16xi32>
    %swap3A_83 = vector.shape_cast %get3A_79 : vector<16xi32> to vector<16xi32>
    tpu.vector_store %arg13[%swap3A_80], %swap3A_83 {strides = array<i32>} : memref<128xi32, #tpu.memory_space<vmem>>, vector<16xi32>,
    %dma_start3A = arith.constant 0 : i32
    %dma_start3A_84 = tpu.memref_slice %arg5[%dma_start3A] : memref<2560xi32, #tpu.memory_space<hbm>> -> memref<2560xi32, #tpu.memory_space<hbm>>
    tpu.enqueue_indirect_dma source(%dma_start3A_84 : memref<2560xi32, #tpu.memory_space<hbm>>) target(%arg14 : memref<128xi32, #tpu.memory_space<vmem>>) offsets(%arg13 : memref<128xi32, #tpu.memory_space<vmem>>) semaphore(%arg21 : memref<!tpu.dma_semaphore, #tpu.memory_space<semaphore_mem>>)
    %dma_wait3A = arith.constant 0 : i32
    %dma_wait3A_85 = tpu.memref_slice %arg5[%dma_wait3A] : memref<2560xi32, #tpu.memory_space<hbm>> -> memref<2560xi32, #tpu.memory_space<hbm>>
    tpu.wait_indirect_dma semaphore(%arg21 : memref<!tpu.dma_semaphore, #tpu.memory_space<semaphore_mem>>) src(%dma_wait3A_85 : memref<2560xi32, #tpu.memory_space<hbm>>) dst(%arg14 : memref<128xi32, #tpu.memory_space<vmem>>)
    %add3A_86 = arith.constant 0 : i32
    %add3A_87 = arith.addi %mul3A_4, %add3A_86 : i32
    "tpu.region"() ({
      %run_scoped3A = tpu.sem_alloc : memref<!tpu.dma_semaphore, #tpu.memory_space<semaphore_mem>>
      %dma_start3A_743 = arith.constant 0 : i32
      %dma_start3A_744 = tpu.memref_slice %arg14[%dma_start3A_743] : memref<128xi32, #tpu.memory_space<vmem>> -> memref<128xi32, #tpu.memory_space<vmem>>
      %dma_start3A_745 = tpu.memref_slice %arg10[%add3A_87] : memref<37888xi32, #tpu.memory_space<hbm>> -> memref<128xi32, #tpu.memory_space<hbm>>
      %dma_start3A_746 = tpu.memref_slice %arg10[%add3A_87] : memref<37888xi32, #tpu.memory_space<hbm>> -> memref<128xi32, #tpu.memory_space<hbm>>
      %dma_start3A_747 = arith.constant 0 : i32
      %dma_start3A_748 = tpu.memref_slice %arg14[%dma_start3A_747] : memref<128xi32, #tpu.memory_space<vmem>> -> memref<128xi32, #tpu.memory_space<vmem>>
      tpu.enqueue_dma source(%dma_start3A_748 : memref<128xi32, #tpu.memory_space<vmem>>) target(%dma_start3A_746 : memref<128xi32, #tpu.memory_space<hbm>>) target_semaphore(%run_scoped3A : memref<!tpu.dma_semaphore, #tpu.memory_space<semaphore_mem>>)
      %dma_wait3A_749 = arith.constant 0 : i32
      %dma_wait3A_750 = tpu.memref_slice %arg14[%dma_wait3A_749] : memref<128xi32, #tpu.memory_space<vmem>> -> memref<128xi32, #tpu.memory_space<vmem>>
      %dma_wait3A_751 = tpu.memref_slice %arg10[%add3A_87] : memref<37888xi32, #tpu.memory_space<hbm>> -> memref<128xi32, #tpu.memory_space<hbm>>
      %dma_wait3A_752 = tpu.memref_slice %arg10[%add3A_87] : memref<37888xi32, #tpu.memory_space<hbm>> -> memref<128xi32, #tpu.memory_space<hbm>>
      %dma_wait3A_753 = arith.constant 0 : i32
      %dma_wait3A_754 = tpu.memref_slice %arg14[%dma_wait3A_753] : memref<128xi32, #tpu.memory_space<vmem>> -> memref<128xi32, #tpu.memory_space<vmem>>
      tpu.wait_dma2 semaphore(%run_scoped3A : memref<!tpu.dma_semaphore, #tpu.memory_space<semaphore_mem>>) src(%dma_wait3A_754 : memref<128xi32, #tpu.memory_space<vmem>>) dst(%dma_wait3A_752 : memref<128xi32, #tpu.memory_space<hbm>>)
      tpu.yield
    }) : () -> ()
    %get3A_88 = arith.constant 128 : index
    %get3A_89 = tpu.vector_load %arg12[%get3A_88] {strides = array<i32>} : memref<1280xi32, #tpu.memory_space<vmem>>, vector<16xi32>,
    %get3A_90 = vector.shape_cast %get3A_89 : vector<16xi32> to vector<16xi32>
    %swap3A_91 = arith.constant 0 : index
    %swap3A_92 = tpu.vector_load %arg13[%swap3A_91] {strides = array<i32>} : memref<128xi32, #tpu.memory_space<vmem>>, vector<16xi32>,
    %swap3A_93 = vector.shape_cast %swap3A_92 : vector<16xi32> to vector<16xi32>
    %swap3A_94 = vector.shape_cast %get3A_90 : vector<16xi32> to vector<16xi32>
    tpu.vector_store %arg13[%swap3A_91], %swap3A_94 {strides = array<i32>} : memref<128xi32, #tpu.memory_space<vmem>>, vector<16xi32>,
    %get3A_95 = arith.constant 144 : index
    %get3A_96 = tpu.vector_load %arg12[%get3A_95] {strides = array<i32>} : memref<1280xi32, #tpu.memory_space<vmem>>, vector<16xi32>,
    %get3A_97 = vector.shape_cast %get3A_96 : vector<16xi32> to vector<16xi32>
    %swap3A_98 = arith.constant 16 : index
    %swap3A_99 = tpu.vector_load %arg13[%swap3A_98] {strides = array<i32>} : memref<128xi32, #tpu.memory_space<vmem>>, vector<16xi32>,
    %swap3A_100 = vector.shape_cast %swap3A_99 : vector<16xi32> to vector<16xi32>
    %swap3A_101 = vector.shape_cast %get3A_97 : vector<16xi32> to vector<16xi32>
    tpu.vector_store %arg13[%swap3A_98], %swap3A_101 {strides = array<i32>} : memref<128xi32, #tpu.memory_space<vmem>>, vector<16xi32>,
    %get3A_102 = arith.constant 160 : index
    %get3A_103 = tpu.vector_load %arg12[%get3A_102] {strides = array<i32>} : memref<1280xi32, #tpu.memory_space<vmem>>, vector<16xi32>,
    %get3A_104 = vector.shape_cast %get3A_103 : vector<16xi32> to vector<16xi32>
    %swap3A_105 = arith.constant 32 : index
    %swap3A_106 = tpu.vector_load %arg13[%swap3A_105] {strides = array<i32>} : memref<128xi32, #tpu.memory_space<vmem>>, vector<16xi32>,
    %swap3A_107 = vector.shape_cast %swap3A_106 : vector<16xi32> to vector<16xi32>
    %swap3A_108 = vector.shape_cast %get3A_104 : vector<16xi32> to vector<16xi32>
    tpu.vector_store %arg13[%swap3A_105], %swap3A_108 {strides = array<i32>} : memref<128xi32, #tpu.memory_space<vmem>>, vector<16xi32>,
    %get3A_109 = arith.constant 176 : index
    %get3A_110 = tpu.vector_load %arg12[%get3A_109] {strides = array<i32>} : memref<1280xi32, #tpu.memory_space<vmem>>, vector<16xi32>,
    %get3A_111 = vector.shape_cast %get3A_110 : vector<16xi32> to vector<16xi32>
    %swap3A_112 = arith.constant 48 : index
    %swap3A_113 = tpu.vector_load %arg13[%swap3A_112] {strides = array<i32>} : memref<128xi32, #tpu.memory_space<vmem>>, vector<16xi32>,
    %swap3A_114 = vector.shape_cast %swap3A_113 : vector<16xi32> to vector<16xi32>
    %swap3A_115 = vector.shape_cast %get3A_111 : vector<16xi32> to vector<16xi32>
    tpu.vector_store %arg13[%swap3A_112], %swap3A_115 {strides = array<i32>} : memref<128xi32, #tpu.memory_space<vmem>>, vector<16xi32>,
    %get3A_116 = arith.constant 192 : index
    %get3A_117 = tpu.vector_load %arg12[%get3A_116] {strides = array<i32>} : memref<1280xi32, #tpu.memory_space<vmem>>, vector<16xi32>,
    %get3A_118 = vector.shape_cast %get3A_117 : vector<16xi32> to vector<16xi32>
    %swap3A_119 = arith.constant 64 : index
    %swap3A_120 = tpu.vector_load %arg13[%swap3A_119] {strides = array<i32>} : memref<128xi32, #tpu.memory_space<vmem>>, vector<16xi32>,
    %swap3A_121 = vector.shape_cast %swap3A_120 : vector<16xi32> to vector<16xi32>
    %swap3A_122 = vector.shape_cast %get3A_118 : vector<16xi32> to vector<16xi32>
    tpu.vector_store %arg13[%swap3A_119], %swap3A_122 {strides = array<i32>} : memref<128xi32, #tpu.memory_space<vmem>>, vector<16xi32>,
    %get3A_123 = arith.constant 208 : index
    %get3A_124 = tpu.vector_load %arg12[%get3A_123] {strides = array<i32>} : memref<1280xi32, #tpu.memory_space<vmem>>, vector<16xi32>,
    %get3A_125 = vector.shape_cast %get3A_124 : vector<16xi32> to vector<16xi32>
    %swap3A_126 = arith.constant 80 : index
    %swap3A_127 = tpu.vector_load %arg13[%swap3A_126] {strides = array<i32>} : memref<128xi32, #tpu.memory_space<vmem>>, vector<16xi32>,
    %swap3A_128 = vector.shape_cast %swap3A_127 : vector<16xi32> to vector<16xi32>
    %swap3A_129 = vector.shape_cast %get3A_125 : vector<16xi32> to vector<16xi32>
    tpu.vector_store %arg13[%swap3A_126], %swap3A_129 {strides = array<i32>} : memref<128xi32, #tpu.memory_space<vmem>>, vector<16xi32>,
    %get3A_130 = arith.constant 224 : index
    %get3A_131 = tpu.vector_load %arg12[%get3A_130] {strides = array<i32>} : memref<1280xi32, #tpu.memory_space<vmem>>, vector<16xi32>,
    %get3A_132 = vector.shape_cast %get3A_131 : vector<16xi32> to vector<16xi32>
    %swap3A_133 = arith.constant 96 : index
    %swap3A_134 = tpu.vector_load %arg13[%swap3A_133] {strides = array<i32>} : memref<128xi32, #tpu.memory_space<vmem>>, vector<16xi32>,
    %swap3A_135 = vector.shape_cast %swap3A_134 : vector<16xi32> to vector<16xi32>
    %swap3A_136 = vector.shape_cast %get3A_132 : vector<16xi32> to vector<16xi32>
    tpu.vector_store %arg13[%swap3A_133], %swap3A_136 {strides = array<i32>} : memref<128xi32, #tpu.memory_space<vmem>>, vector<16xi32>,
    %get3A_137 = arith.constant 240 : index
    %get3A_138 = tpu.vector_load %arg12[%get3A_137] {strides = array<i32>} : memref<1280xi32, #tpu.memory_space<vmem>>, vector<16xi32>,
    %get3A_139 = vector.shape_cast %get3A_138 : vector<16xi32> to vector<16xi32>
    %swap3A_140 = arith.constant 112 : index
    %swap3A_141 = tpu.vector_load %arg13[%swap3A_140] {strides = array<i32>} : memref<128xi32, #tpu.memory_space<vmem>>, vector<16xi32>,
    %swap3A_142 = vector.shape_cast %swap3A_141 : vector<16xi32> to vector<16xi32>
    %swap3A_143 = vector.shape_cast %get3A_139 : vector<16xi32> to vector<16xi32>
    tpu.vector_store %arg13[%swap3A_140], %swap3A_143 {strides = array<i32>} : memref<128xi32, #tpu.memory_space<vmem>>, vector<16xi32>,
    %dma_start3A_144 = arith.constant 0 : i32
    %dma_start3A_145 = tpu.memref_slice %arg5[%dma_start3A_144] : memref<2560xi32, #tpu.memory_space<hbm>> -> memref<2560xi32, #tpu.memory_space<hbm>>
    tpu.enqueue_indirect_dma source(%dma_start3A_145 : memref<2560xi32, #tpu.memory_space<hbm>>) target(%arg14 : memref<128xi32, #tpu.memory_space<vmem>>) offsets(%arg13 : memref<128xi32, #tpu.memory_space<vmem>>) semaphore(%arg21 : memref<!tpu.dma_semaphore, #tpu.memory_space<semaphore_mem>>)
    %dma_wait3A_146 = arith.constant 0 : i32
    %dma_wait3A_147 = tpu.memref_slice %arg5[%dma_wait3A_146] : memref<2560xi32, #tpu.memory_space<hbm>> -> memref<2560xi32, #tpu.memory_space<hbm>>
    tpu.wait_indirect_dma semaphore(%arg21 : memref<!tpu.dma_semaphore, #tpu.memory_space<semaphore_mem>>) src(%dma_wait3A_147 : memref<2560xi32, #tpu.memory_space<hbm>>) dst(%arg14 : memref<128xi32, #tpu.memory_space<vmem>>)
    %add3A_148 = arith.constant 128 : i32
    %add3A_149 = arith.addi %mul3A_4, %add3A_148 : i32
    "tpu.region"() ({
      %run_scoped3A = tpu.sem_alloc : memref<!tpu.dma_semaphore, #tpu.memory_space<semaphore_mem>>
      %dma_start3A_743 = arith.constant 0 : i32
      %dma_start3A_744 = tpu.memref_slice %arg14[%dma_start3A_743] : memref<128xi32, #tpu.memory_space<vmem>> -> memref<128xi32, #tpu.memory_space<vmem>>
      %dma_start3A_745 = tpu.memref_slice %arg10[%add3A_149] : memref<37888xi32, #tpu.memory_space<hbm>> -> memref<128xi32, #tpu.memory_space<hbm>>
      %dma_start3A_746 = tpu.memref_slice %arg10[%add3A_149] : memref<37888xi32, #tpu.memory_space<hbm>> -> memref<128xi32, #tpu.memory_space<hbm>>
      %dma_start3A_747 = arith.constant 0 : i32
      %dma_start3A_748 = tpu.memref_slice %arg14[%dma_start3A_747] : memref<128xi32, #tpu.memory_space<vmem>> -> memref<128xi32, #tpu.memory_space<vmem>>
      tpu.enqueue_dma source(%dma_start3A_748 : memref<128xi32, #tpu.memory_space<vmem>>) target(%dma_start3A_746 : memref<128xi32, #tpu.memory_space<hbm>>) target_semaphore(%run_scoped3A : memref<!tpu.dma_semaphore, #tpu.memory_space<semaphore_mem>>)
      %dma_wait3A_749 = arith.constant 0 : i32
      %dma_wait3A_750 = tpu.memref_slice %arg14[%dma_wait3A_749] : memref<128xi32, #tpu.memory_space<vmem>> -> memref<128xi32, #tpu.memory_space<vmem>>
      %dma_wait3A_751 = tpu.memref_slice %arg10[%add3A_149] : memref<37888xi32, #tpu.memory_space<hbm>> -> memref<128xi32, #tpu.memory_space<hbm>>
      %dma_wait3A_752 = tpu.memref_slice %arg10[%add3A_149] : memref<37888xi32, #tpu.memory_space<hbm>> -> memref<128xi32, #tpu.memory_space<hbm>>
      %dma_wait3A_753 = arith.constant 0 : i32
      %dma_wait3A_754 = tpu.memref_slice %arg14[%dma_wait3A_753] : memref<128xi32, #tpu.memory_space<vmem>> -> memref<128xi32, #tpu.memory_space<vmem>>
      tpu.wait_dma2 semaphore(%run_scoped3A : memref<!tpu.dma_semaphore, #tpu.memory_space<semaphore_mem>>) src(%dma_wait3A_754 : memref<128xi32, #tpu.memory_space<vmem>>) dst(%dma_wait3A_752 : memref<128xi32, #tpu.memory_space<hbm>>)
      tpu.yield
    }) : () -> ()
    %get3A_150 = arith.constant 256 : index
    %get3A_151 = tpu.vector_load %arg12[%get3A_150] {strides = array<i32>} : memref<1280xi32, #tpu.memory_space<vmem>>, vector<16xi32>,
    %get3A_152 = vector.shape_cast %get3A_151 : vector<16xi32> to vector<16xi32>
    %swap3A_153 = arith.constant 0 : index
    %swap3A_154 = tpu.vector_load %arg13[%swap3A_153] {strides = array<i32>} : memref<128xi32, #tpu.memory_space<vmem>>, vector<16xi32>,
    %swap3A_155 = vector.shape_cast %swap3A_154 : vector<16xi32> to vector<16xi32>
    %swap3A_156 = vector.shape_cast %get3A_152 : vector<16xi32> to vector<16xi32>
    tpu.vector_store %arg13[%swap3A_153], %swap3A_156 {strides = array<i32>} : memref<128xi32, #tpu.memory_space<vmem>>, vector<16xi32>,
    %get3A_157 = arith.constant 272 : index
    %get3A_158 = tpu.vector_load %arg12[%get3A_157] {strides = array<i32>} : memref<1280xi32, #tpu.memory_space<vmem>>, vector<16xi32>,
    %get3A_159 = vector.shape_cast %get3A_158 : vector<16xi32> to vector<16xi32>
    %swap3A_160 = arith.constant 16 : index
    %swap3A_161 = tpu.vector_load %arg13[%swap3A_160] {strides = array<i32>} : memref<128xi32, #tpu.memory_space<vmem>>, vector<16xi32>,
    %swap3A_162 = vector.shape_cast %swap3A_161 : vector<16xi32> to vector<16xi32>
    %swap3A_163 = vector.shape_cast %get3A_159 : vector<16xi32> to vector<16xi32>
    tpu.vector_store %arg13[%swap3A_160], %swap3A_163 {strides = array<i32>} : memref<128xi32, #tpu.memory_space<vmem>>, vector<16xi32>,
    %get3A_164 = arith.constant 288 : index
    %get3A_165 = tpu.vector_load %arg12[%get3A_164] {strides = array<i32>} : memref<1280xi32, #tpu.memory_space<vmem>>, vector<16xi32>,
    %get3A_166 = vector.shape_cast %get3A_165 : vector<16xi32> to vector<16xi32>
    %swap3A_167 = arith.constant 32 : index
    %swap3A_168 = tpu.vector_load %arg13[%swap3A_167] {strides = array<i32>} : memref<128xi32, #tpu.memory_space<vmem>>, vector<16xi32>,
    %swap3A_169 = vector.shape_cast %swap3A_168 : vector<16xi32> to vector<16xi32>
    %swap3A_170 = vector.shape_cast %get3A_166 : vector<16xi32> to vector<16xi32>
    tpu.vector_store %arg13[%swap3A_167], %swap3A_170 {strides = array<i32>} : memref<128xi32, #tpu.memory_space<vmem>>, vector<16xi32>,
    %get3A_171 = arith.constant 304 : index
    %get3A_172 = tpu.vector_load %arg12[%get3A_171] {strides = array<i32>} : memref<1280xi32, #tpu.memory_space<vmem>>, vector<16xi32>,
    %get3A_173 = vector.shape_cast %get3A_172 : vector<16xi32> to vector<16xi32>
    %swap3A_174 = arith.constant 48 : index
    %swap3A_175 = tpu.vector_load %arg13[%swap3A_174] {strides = array<i32>} : memref<128xi32, #tpu.memory_space<vmem>>, vector<16xi32>,
    %swap3A_176 = vector.shape_cast %swap3A_175 : vector<16xi32> to vector<16xi32>
    %swap3A_177 = vector.shape_cast %get3A_173 : vector<16xi32> to vector<16xi32>
    tpu.vector_store %arg13[%swap3A_174], %swap3A_177 {strides = array<i32>} : memref<128xi32, #tpu.memory_space<vmem>>, vector<16xi32>,
    %get3A_178 = arith.constant 320 : index
    %get3A_179 = tpu.vector_load %arg12[%get3A_178] {strides = array<i32>} : memref<1280xi32, #tpu.memory_space<vmem>>, vector<16xi32>,
    %get3A_180 = vector.shape_cast %get3A_179 : vector<16xi32> to vector<16xi32>
    %swap3A_181 = arith.constant 64 : index
    %swap3A_182 = tpu.vector_load %arg13[%swap3A_181] {strides = array<i32>} : memref<128xi32, #tpu.memory_space<vmem>>, vector<16xi32>,
    %swap3A_183 = vector.shape_cast %swap3A_182 : vector<16xi32> to vector<16xi32>
    %swap3A_184 = vector.shape_cast %get3A_180 : vector<16xi32> to vector<16xi32>
    tpu.vector_store %arg13[%swap3A_181], %swap3A_184 {strides = array<i32>} : memref<128xi32, #tpu.memory_space<vmem>>, vector<16xi32>,
    %get3A_185 = arith.constant 336 : index
    %get3A_186 = tpu.vector_load %arg12[%get3A_185] {strides = array<i32>} : memref<1280xi32, #tpu.memory_space<vmem>>, vector<16xi32>,
    %get3A_187 = vector.shape_cast %get3A_186 : vector<16xi32> to vector<16xi32>
    %swap3A_188 = arith.constant 80 : index
    %swap3A_189 = tpu.vector_load %arg13[%swap3A_188] {strides = array<i32>} : memref<128xi32, #tpu.memory_space<vmem>>, vector<16xi32>,
    %swap3A_190 = vector.shape_cast %swap3A_189 : vector<16xi32> to vector<16xi32>
    %swap3A_191 = vector.shape_cast %get3A_187 : vector<16xi32> to vector<16xi32>
    tpu.vector_store %arg13[%swap3A_188], %swap3A_191 {strides = array<i32>} : memref<128xi32, #tpu.memory_space<vmem>>, vector<16xi32>,
    %get3A_192 = arith.constant 352 : index
    %get3A_193 = tpu.vector_load %arg12[%get3A_192] {strides = array<i32>} : memref<1280xi32, #tpu.memory_space<vmem>>, vector<16xi32>,
    %get3A_194 = vector.shape_cast %get3A_193 : vector<16xi32> to vector<16xi32>
    %swap3A_195 = arith.constant 96 : index
    %swap3A_196 = tpu.vector_load %arg13[%swap3A_195] {strides = array<i32>} : memref<128xi32, #tpu.memory_space<vmem>>, vector<16xi32>,
    %swap3A_197 = vector.shape_cast %swap3A_196 : vector<16xi32> to vector<16xi32>
    %swap3A_198 = vector.shape_cast %get3A_194 : vector<16xi32> to vector<16xi32>
    tpu.vector_store %arg13[%swap3A_195], %swap3A_198 {strides = array<i32>} : memref<128xi32, #tpu.memory_space<vmem>>, vector<16xi32>,
    %get3A_199 = arith.constant 368 : index
    %get3A_200 = tpu.vector_load %arg12[%get3A_199] {strides = array<i32>} : memref<1280xi32, #tpu.memory_space<vmem>>, vector<16xi32>,
    %get3A_201 = vector.shape_cast %get3A_200 : vector<16xi32> to vector<16xi32>
    %swap3A_202 = arith.constant 112 : index
    %swap3A_203 = tpu.vector_load %arg13[%swap3A_202] {strides = array<i32>} : memref<128xi32, #tpu.memory_space<vmem>>, vector<16xi32>,
    %swap3A_204 = vector.shape_cast %swap3A_203 : vector<16xi32> to vector<16xi32>
    %swap3A_205 = vector.shape_cast %get3A_201 : vector<16xi32> to vector<16xi32>
    tpu.vector_store %arg13[%swap3A_202], %swap3A_205 {strides = array<i32>} : memref<128xi32, #tpu.memory_space<vmem>>, vector<16xi32>,
    %dma_start3A_206 = arith.constant 0 : i32
    %dma_start3A_207 = tpu.memref_slice %arg5[%dma_start3A_206] : memref<2560xi32, #tpu.memory_space<hbm>> -> memref<2560xi32, #tpu.memory_space<hbm>>
    tpu.enqueue_indirect_dma source(%dma_start3A_207 : memref<2560xi32, #tpu.memory_space<hbm>>) target(%arg14 : memref<128xi32, #tpu.memory_space<vmem>>) offsets(%arg13 : memref<128xi32, #tpu.memory_space<vmem>>) semaphore(%arg21 : memref<!tpu.dma_semaphore, #tpu.memory_space<semaphore_mem>>)
    %dma_wait3A_208 = arith.constant 0 : i32
    %dma_wait3A_209 = tpu.memref_slice %arg5[%dma_wait3A_208] : memref<2560xi32, #tpu.memory_space<hbm>> -> memref<2560xi32, #tpu.memory_space<hbm>>
    tpu.wait_indirect_dma semaphore(%arg21 : memref<!tpu.dma_semaphore, #tpu.memory_space<semaphore_mem>>) src(%dma_wait3A_209 : memref<2560xi32, #tpu.memory_space<hbm>>) dst(%arg14 : memref<128xi32, #tpu.memory_space<vmem>>)
    %add3A_210 = arith.constant 256 : i32
    %add3A_211 = arith.addi %mul3A_4, %add3A_210 : i32
    "tpu.region"() ({
      %run_scoped3A = tpu.sem_alloc : memref<!tpu.dma_semaphore, #tpu.memory_space<semaphore_mem>>
      %dma_start3A_743 = arith.constant 0 : i32
      %dma_start3A_744 = tpu.memref_slice %arg14[%dma_start3A_743] : memref<128xi32, #tpu.memory_space<vmem>> -> memref<128xi32, #tpu.memory_space<vmem>>
      %dma_start3A_745 = tpu.memref_slice %arg10[%add3A_211] : memref<37888xi32, #tpu.memory_space<hbm>> -> memref<128xi32, #tpu.memory_space<hbm>>
      %dma_start3A_746 = tpu.memref_slice %arg10[%add3A_211] : memref<37888xi32, #tpu.memory_space<hbm>> -> memref<128xi32, #tpu.memory_space<hbm>>
      %dma_start3A_747 = arith.constant 0 : i32
      %dma_start3A_748 = tpu.memref_slice %arg14[%dma_start3A_747] : memref<128xi32, #tpu.memory_space<vmem>> -> memref<128xi32, #tpu.memory_space<vmem>>
      tpu.enqueue_dma source(%dma_start3A_748 : memref<128xi32, #tpu.memory_space<vmem>>) target(%dma_start3A_746 : memref<128xi32, #tpu.memory_space<hbm>>) target_semaphore(%run_scoped3A : memref<!tpu.dma_semaphore, #tpu.memory_space<semaphore_mem>>)
      %dma_wait3A_749 = arith.constant 0 : i32
      %dma_wait3A_750 = tpu.memref_slice %arg14[%dma_wait3A_749] : memref<128xi32, #tpu.memory_space<vmem>> -> memref<128xi32, #tpu.memory_space<vmem>>
      %dma_wait3A_751 = tpu.memref_slice %arg10[%add3A_211] : memref<37888xi32, #tpu.memory_space<hbm>> -> memref<128xi32, #tpu.memory_space<hbm>>
      %dma_wait3A_752 = tpu.memref_slice %arg10[%add3A_211] : memref<37888xi32, #tpu.memory_space<hbm>> -> memref<128xi32, #tpu.memory_space<hbm>>
      %dma_wait3A_753 = arith.constant 0 : i32
      %dma_wait3A_754 = tpu.memref_slice %arg14[%dma_wait3A_753] : memref<128xi32, #tpu.memory_space<vmem>> -> memref<128xi32, #tpu.memory_space<vmem>>
      tpu.wait_dma2 semaphore(%run_scoped3A : memref<!tpu.dma_semaphore, #tpu.memory_space<semaphore_mem>>) src(%dma_wait3A_754 : memref<128xi32, #tpu.memory_space<vmem>>) dst(%dma_wait3A_752 : memref<128xi32, #tpu.memory_space<hbm>>)
      tpu.yield
    }) : () -> ()
    %get3A_212 = arith.constant 384 : index
    %get3A_213 = tpu.vector_load %arg12[%get3A_212] {strides = array<i32>} : memref<1280xi32, #tpu.memory_space<vmem>>, vector<16xi32>,
    %get3A_214 = vector.shape_cast %get3A_213 : vector<16xi32> to vector<16xi32>
    %swap3A_215 = arith.constant 0 : index
    %swap3A_216 = tpu.vector_load %arg13[%swap3A_215] {strides = array<i32>} : memref<128xi32, #tpu.memory_space<vmem>>, vector<16xi32>,
    %swap3A_217 = vector.shape_cast %swap3A_216 : vector<16xi32> to vector<16xi32>
    %swap3A_218 = vector.shape_cast %get3A_214 : vector<16xi32> to vector<16xi32>
    tpu.vector_store %arg13[%swap3A_215], %swap3A_218 {strides = array<i32>} : memref<128xi32, #tpu.memory_space<vmem>>, vector<16xi32>,
    %get3A_219 = arith.constant 400 : index
    %get3A_220 = tpu.vector_load %arg12[%get3A_219] {strides = array<i32>} : memref<1280xi32, #tpu.memory_space<vmem>>, vector<16xi32>,
    %get3A_221 = vector.shape_cast %get3A_220 : vector<16xi32> to vector<16xi32>
    %swap3A_222 = arith.constant 16 : index
    %swap3A_223 = tpu.vector_load %arg13[%swap3A_222] {strides = array<i32>} : memref<128xi32, #tpu.memory_space<vmem>>, vector<16xi32>,
    %swap3A_224 = vector.shape_cast %swap3A_223 : vector<16xi32> to vector<16xi32>
    %swap3A_225 = vector.shape_cast %get3A_221 : vector<16xi32> to vector<16xi32>
    tpu.vector_store %arg13[%swap3A_222], %swap3A_225 {strides = array<i32>} : memref<128xi32, #tpu.memory_space<vmem>>, vector<16xi32>,
    %get3A_226 = arith.constant 416 : index
    %get3A_227 = tpu.vector_load %arg12[%get3A_226] {strides = array<i32>} : memref<1280xi32, #tpu.memory_space<vmem>>, vector<16xi32>,
    %get3A_228 = vector.shape_cast %get3A_227 : vector<16xi32> to vector<16xi32>
    %swap3A_229 = arith.constant 32 : index
    %swap3A_230 = tpu.vector_load %arg13[%swap3A_229] {strides = array<i32>} : memref<128xi32, #tpu.memory_space<vmem>>, vector<16xi32>,
    %swap3A_231 = vector.shape_cast %swap3A_230 : vector<16xi32> to vector<16xi32>
    %swap3A_232 = vector.shape_cast %get3A_228 : vector<16xi32> to vector<16xi32>
    tpu.vector_store %arg13[%swap3A_229], %swap3A_232 {strides = array<i32>} : memref<128xi32, #tpu.memory_space<vmem>>, vector<16xi32>,
    %get3A_233 = arith.constant 432 : index
    %get3A_234 = tpu.vector_load %arg12[%get3A_233] {strides = array<i32>} : memref<1280xi32, #tpu.memory_space<vmem>>, vector<16xi32>,
    %get3A_235 = vector.shape_cast %get3A_234 : vector<16xi32> to vector<16xi32>
    %swap3A_236 = arith.constant 48 : index
    %swap3A_237 = tpu.vector_load %arg13[%swap3A_236] {strides = array<i32>} : memref<128xi32, #tpu.memory_space<vmem>>, vector<16xi32>,
    %swap3A_238 = vector.shape_cast %swap3A_237 : vector<16xi32> to vector<16xi32>
    %swap3A_239 = vector.shape_cast %get3A_235 : vector<16xi32> to vector<16xi32>
    tpu.vector_store %arg13[%swap3A_236], %swap3A_239 {strides = array<i32>} : memref<128xi32, #tpu.memory_space<vmem>>, vector<16xi32>,
    %get3A_240 = arith.constant 448 : index
    %get3A_241 = tpu.vector_load %arg12[%get3A_240] {strides = array<i32>} : memref<1280xi32, #tpu.memory_space<vmem>>, vector<16xi32>,
    %get3A_242 = vector.shape_cast %get3A_241 : vector<16xi32> to vector<16xi32>
    %swap3A_243 = arith.constant 64 : index
    %swap3A_244 = tpu.vector_load %arg13[%swap3A_243] {strides = array<i32>} : memref<128xi32, #tpu.memory_space<vmem>>, vector<16xi32>,
    %swap3A_245 = vector.shape_cast %swap3A_244 : vector<16xi32> to vector<16xi32>
    %swap3A_246 = vector.shape_cast %get3A_242 : vector<16xi32> to vector<16xi32>
    tpu.vector_store %arg13[%swap3A_243], %swap3A_246 {strides = array<i32>} : memref<128xi32, #tpu.memory_space<vmem>>, vector<16xi32>,
    %get3A_247 = arith.constant 464 : index
    %get3A_248 = tpu.vector_load %arg12[%get3A_247] {strides = array<i32>} : memref<1280xi32, #tpu.memory_space<vmem>>, vector<16xi32>,
    %get3A_249 = vector.shape_cast %get3A_248 : vector<16xi32> to vector<16xi32>
    %swap3A_250 = arith.constant 80 : index
    %swap3A_251 = tpu.vector_load %arg13[%swap3A_250] {strides = array<i32>} : memref<128xi32, #tpu.memory_space<vmem>>, vector<16xi32>,
    %swap3A_252 = vector.shape_cast %swap3A_251 : vector<16xi32> to vector<16xi32>
    %swap3A_253 = vector.shape_cast %get3A_249 : vector<16xi32> to vector<16xi32>
    tpu.vector_store %arg13[%swap3A_250], %swap3A_253 {strides = array<i32>} : memref<128xi32, #tpu.memory_space<vmem>>, vector<16xi32>,
    %get3A_254 = arith.constant 480 : index
    %get3A_255 = tpu.vector_load %arg12[%get3A_254] {strides = array<i32>} : memref<1280xi32, #tpu.memory_space<vmem>>, vector<16xi32>,
    %get3A_256 = vector.shape_cast %get3A_255 : vector<16xi32> to vector<16xi32>
    %swap3A_257 = arith.constant 96 : index
    %swap3A_258 = tpu.vector_load %arg13[%swap3A_257] {strides = array<i32>} : memref<128xi32, #tpu.memory_space<vmem>>, vector<16xi32>,
    %swap3A_259 = vector.shape_cast %swap3A_258 : vector<16xi32> to vector<16xi32>
    %swap3A_260 = vector.shape_cast %get3A_256 : vector<16xi32> to vector<16xi32>
    tpu.vector_store %arg13[%swap3A_257], %swap3A_260 {strides = array<i32>} : memref<128xi32, #tpu.memory_space<vmem>>, vector<16xi32>,
    %get3A_261 = arith.constant 496 : index
    %get3A_262 = tpu.vector_load %arg12[%get3A_261] {strides = array<i32>} : memref<1280xi32, #tpu.memory_space<vmem>>, vector<16xi32>,
    %get3A_263 = vector.shape_cast %get3A_262 : vector<16xi32> to vector<16xi32>
    %swap3A_264 = arith.constant 112 : index
    %swap3A_265 = tpu.vector_load %arg13[%swap3A_264] {strides = array<i32>} : memref<128xi32, #tpu.memory_space<vmem>>, vector<16xi32>,
    %swap3A_266 = vector.shape_cast %swap3A_265 : vector<16xi32> to vector<16xi32>
    %swap3A_267 = vector.shape_cast %get3A_263 : vector<16xi32> to vector<16xi32>
    tpu.vector_store %arg13[%swap3A_264], %swap3A_267 {strides = array<i32>} : memref<128xi32, #tpu.memory_space<vmem>>, vector<16xi32>,
    %dma_start3A_268 = arith.constant 0 : i32
    %dma_start3A_269 = tpu.memref_slice %arg5[%dma_start3A_268] : memref<2560xi32, #tpu.memory_space<hbm>> -> memref<2560xi32, #tpu.memory_space<hbm>>
    tpu.enqueue_indirect_dma source(%dma_start3A_269 : memref<2560xi32, #tpu.memory_space<hbm>>) target(%arg14 : memref<128xi32, #tpu.memory_space<vmem>>) offsets(%arg13 : memref<128xi32, #tpu.memory_space<vmem>>) semaphore(%arg21 : memref<!tpu.dma_semaphore, #tpu.memory_space<semaphore_mem>>)
    %dma_wait3A_270 = arith.constant 0 : i32
    %dma_wait3A_271 = tpu.memref_slice %arg5[%dma_wait3A_270] : memref<2560xi32, #tpu.memory_space<hbm>> -> memref<2560xi32, #tpu.memory_space<hbm>>
    tpu.wait_indirect_dma semaphore(%arg21 : memref<!tpu.dma_semaphore, #tpu.memory_space<semaphore_mem>>) src(%dma_wait3A_271 : memref<2560xi32, #tpu.memory_space<hbm>>) dst(%arg14 : memref<128xi32, #tpu.memory_space<vmem>>)
    %add3A_272 = arith.constant 384 : i32
    %add3A_273 = arith.addi %mul3A_4, %add3A_272 : i32
    "tpu.region"() ({
      %run_scoped3A = tpu.sem_alloc : memref<!tpu.dma_semaphore, #tpu.memory_space<semaphore_mem>>
      %dma_start3A_743 = arith.constant 0 : i32
      %dma_start3A_744 = tpu.memref_slice %arg14[%dma_start3A_743] : memref<128xi32, #tpu.memory_space<vmem>> -> memref<128xi32, #tpu.memory_space<vmem>>
      %dma_start3A_745 = tpu.memref_slice %arg10[%add3A_273] : memref<37888xi32, #tpu.memory_space<hbm>> -> memref<128xi32, #tpu.memory_space<hbm>>
      %dma_start3A_746 = tpu.memref_slice %arg10[%add3A_273] : memref<37888xi32, #tpu.memory_space<hbm>> -> memref<128xi32, #tpu.memory_space<hbm>>
      %dma_start3A_747 = arith.constant 0 : i32
      %dma_start3A_748 = tpu.memref_slice %arg14[%dma_start3A_747] : memref<128xi32, #tpu.memory_space<vmem>> -> memref<128xi32, #tpu.memory_space<vmem>>
      tpu.enqueue_dma source(%dma_start3A_748 : memref<128xi32, #tpu.memory_space<vmem>>) target(%dma_start3A_746 : memref<128xi32, #tpu.memory_space<hbm>>) target_semaphore(%run_scoped3A : memref<!tpu.dma_semaphore, #tpu.memory_space<semaphore_mem>>)
      %dma_wait3A_749 = arith.constant 0 : i32
      %dma_wait3A_750 = tpu.memref_slice %arg14[%dma_wait3A_749] : memref<128xi32, #tpu.memory_space<vmem>> -> memref<128xi32, #tpu.memory_space<vmem>>
      %dma_wait3A_751 = tpu.memref_slice %arg10[%add3A_273] : memref<37888xi32, #tpu.memory_space<hbm>> -> memref<128xi32, #tpu.memory_space<hbm>>
      %dma_wait3A_752 = tpu.memref_slice %arg10[%add3A_273] : memref<37888xi32, #tpu.memory_space<hbm>> -> memref<128xi32, #tpu.memory_space<hbm>>
      %dma_wait3A_753 = arith.constant 0 : i32
      %dma_wait3A_754 = tpu.memref_slice %arg14[%dma_wait3A_753] : memref<128xi32, #tpu.memory_space<vmem>> -> memref<128xi32, #tpu.memory_space<vmem>>
      tpu.wait_dma2 semaphore(%run_scoped3A : memref<!tpu.dma_semaphore, #tpu.memory_space<semaphore_mem>>) src(%dma_wait3A_754 : memref<128xi32, #tpu.memory_space<vmem>>) dst(%dma_wait3A_752 : memref<128xi32, #tpu.memory_space<hbm>>)
      tpu.yield
    }) : () -> ()
    %get3A_274 = arith.constant 512 : index
    %get3A_275 = tpu.vector_load %arg12[%get3A_274] {strides = array<i32>} : memref<1280xi32, #tpu.memory_space<vmem>>, vector<16xi32>,
    %get3A_276 = vector.shape_cast %get3A_275 : vector<16xi32> to vector<16xi32>
    %swap3A_277 = arith.constant 0 : index
    %swap3A_278 = tpu.vector_load %arg13[%swap3A_277] {strides = array<i32>} : memref<128xi32, #tpu.memory_space<vmem>>, vector<16xi32>,
    %swap3A_279 = vector.shape_cast %swap3A_278 : vector<16xi32> to vector<16xi32>
    %swap3A_280 = vector.shape_cast %get3A_276 : vector<16xi32> to vector<16xi32>
    tpu.vector_store %arg13[%swap3A_277], %swap3A_280 {strides = array<i32>} : memref<128xi32, #tpu.memory_space<vmem>>, vector<16xi32>,
    %get3A_281 = arith.constant 528 : index
    %get3A_282 = tpu.vector_load %arg12[%get3A_281] {strides = array<i32>} : memref<1280xi32, #tpu.memory_space<vmem>>, vector<16xi32>,
    %get3A_283 = vector.shape_cast %get3A_282 : vector<16xi32> to vector<16xi32>
    %swap3A_284 = arith.constant 16 : index
    %swap3A_285 = tpu.vector_load %arg13[%swap3A_284] {strides = array<i32>} : memref<128xi32, #tpu.memory_space<vmem>>, vector<16xi32>,
    %swap3A_286 = vector.shape_cast %swap3A_285 : vector<16xi32> to vector<16xi32>
    %swap3A_287 = vector.shape_cast %get3A_283 : vector<16xi32> to vector<16xi32>
    tpu.vector_store %arg13[%swap3A_284], %swap3A_287 {strides = array<i32>} : memref<128xi32, #tpu.memory_space<vmem>>, vector<16xi32>,
    %get3A_288 = arith.constant 544 : index
    %get3A_289 = tpu.vector_load %arg12[%get3A_288] {strides = array<i32>} : memref<1280xi32, #tpu.memory_space<vmem>>, vector<16xi32>,
    %get3A_290 = vector.shape_cast %get3A_289 : vector<16xi32> to vector<16xi32>
    %swap3A_291 = arith.constant 32 : index
    %swap3A_292 = tpu.vector_load %arg13[%swap3A_291] {strides = array<i32>} : memref<128xi32, #tpu.memory_space<vmem>>, vector<16xi32>,
    %swap3A_293 = vector.shape_cast %swap3A_292 : vector<16xi32> to vector<16xi32>
    %swap3A_294 = vector.shape_cast %get3A_290 : vector<16xi32> to vector<16xi32>
    tpu.vector_store %arg13[%swap3A_291], %swap3A_294 {strides = array<i32>} : memref<128xi32, #tpu.memory_space<vmem>>, vector<16xi32>,
    %get3A_295 = arith.constant 560 : index
    %get3A_296 = tpu.vector_load %arg12[%get3A_295] {strides = array<i32>} : memref<1280xi32, #tpu.memory_space<vmem>>, vector<16xi32>,
    %get3A_297 = vector.shape_cast %get3A_296 : vector<16xi32> to vector<16xi32>
    %swap3A_298 = arith.constant 48 : index
    %swap3A_299 = tpu.vector_load %arg13[%swap3A_298] {strides = array<i32>} : memref<128xi32, #tpu.memory_space<vmem>>, vector<16xi32>,
    %swap3A_300 = vector.shape_cast %swap3A_299 : vector<16xi32> to vector<16xi32>
    %swap3A_301 = vector.shape_cast %get3A_297 : vector<16xi32> to vector<16xi32>
    tpu.vector_store %arg13[%swap3A_298], %swap3A_301 {strides = array<i32>} : memref<128xi32, #tpu.memory_space<vmem>>, vector<16xi32>,
    %get3A_302 = arith.constant 576 : index
    %get3A_303 = tpu.vector_load %arg12[%get3A_302] {strides = array<i32>} : memref<1280xi32, #tpu.memory_space<vmem>>, vector<16xi32>,
    %get3A_304 = vector.shape_cast %get3A_303 : vector<16xi32> to vector<16xi32>
    %swap3A_305 = arith.constant 64 : index
    %swap3A_306 = tpu.vector_load %arg13[%swap3A_305] {strides = array<i32>} : memref<128xi32, #tpu.memory_space<vmem>>, vector<16xi32>,
    %swap3A_307 = vector.shape_cast %swap3A_306 : vector<16xi32> to vector<16xi32>
    %swap3A_308 = vector.shape_cast %get3A_304 : vector<16xi32> to vector<16xi32>
    tpu.vector_store %arg13[%swap3A_305], %swap3A_308 {strides = array<i32>} : memref<128xi32, #tpu.memory_space<vmem>>, vector<16xi32>,
    %get3A_309 = arith.constant 592 : index
    %get3A_310 = tpu.vector_load %arg12[%get3A_309] {strides = array<i32>} : memref<1280xi32, #tpu.memory_space<vmem>>, vector<16xi32>,
    %get3A_311 = vector.shape_cast %get3A_310 : vector<16xi32> to vector<16xi32>
    %swap3A_312 = arith.constant 80 : index
    %swap3A_313 = tpu.vector_load %arg13[%swap3A_312] {strides = array<i32>} : memref<128xi32, #tpu.memory_space<vmem>>, vector<16xi32>,
    %swap3A_314 = vector.shape_cast %swap3A_313 : vector<16xi32> to vector<16xi32>
    %swap3A_315 = vector.shape_cast %get3A_311 : vector<16xi32> to vector<16xi32>
    tpu.vector_store %arg13[%swap3A_312], %swap3A_315 {strides = array<i32>} : memref<128xi32, #tpu.memory_space<vmem>>, vector<16xi32>,
    %get3A_316 = arith.constant 608 : index
    %get3A_317 = tpu.vector_load %arg12[%get3A_316] {strides = array<i32>} : memref<1280xi32, #tpu.memory_space<vmem>>, vector<16xi32>,
    %get3A_318 = vector.shape_cast %get3A_317 : vector<16xi32> to vector<16xi32>
    %swap3A_319 = arith.constant 96 : index
    %swap3A_320 = tpu.vector_load %arg13[%swap3A_319] {strides = array<i32>} : memref<128xi32, #tpu.memory_space<vmem>>, vector<16xi32>,
    %swap3A_321 = vector.shape_cast %swap3A_320 : vector<16xi32> to vector<16xi32>
    %swap3A_322 = vector.shape_cast %get3A_318 : vector<16xi32> to vector<16xi32>
    tpu.vector_store %arg13[%swap3A_319], %swap3A_322 {strides = array<i32>} : memref<128xi32, #tpu.memory_space<vmem>>, vector<16xi32>,
    %get3A_323 = arith.constant 624 : index
    %get3A_324 = tpu.vector_load %arg12[%get3A_323] {strides = array<i32>} : memref<1280xi32, #tpu.memory_space<vmem>>, vector<16xi32>,
    %get3A_325 = vector.shape_cast %get3A_324 : vector<16xi32> to vector<16xi32>
    %swap3A_326 = arith.constant 112 : index
    %swap3A_327 = tpu.vector_load %arg13[%swap3A_326] {strides = array<i32>} : memref<128xi32, #tpu.memory_space<vmem>>, vector<16xi32>,
    %swap3A_328 = vector.shape_cast %swap3A_327 : vector<16xi32> to vector<16xi32>
    %swap3A_329 = vector.shape_cast %get3A_325 : vector<16xi32> to vector<16xi32>
    tpu.vector_store %arg13[%swap3A_326], %swap3A_329 {strides = array<i32>} : memref<128xi32, #tpu.memory_space<vmem>>, vector<16xi32>,
    %dma_start3A_330 = arith.constant 0 : i32
    %dma_start3A_331 = tpu.memref_slice %arg5[%dma_start3A_330] : memref<2560xi32, #tpu.memory_space<hbm>> -> memref<2560xi32, #tpu.memory_space<hbm>>
    tpu.enqueue_indirect_dma source(%dma_start3A_331 : memref<2560xi32, #tpu.memory_space<hbm>>) target(%arg14 : memref<128xi32, #tpu.memory_space<vmem>>) offsets(%arg13 : memref<128xi32, #tpu.memory_space<vmem>>) semaphore(%arg21 : memref<!tpu.dma_semaphore, #tpu.memory_space<semaphore_mem>>)
    %dma_wait3A_332 = arith.constant 0 : i32
    %dma_wait3A_333 = tpu.memref_slice %arg5[%dma_wait3A_332] : memref<2560xi32, #tpu.memory_space<hbm>> -> memref<2560xi32, #tpu.memory_space<hbm>>
    tpu.wait_indirect_dma semaphore(%arg21 : memref<!tpu.dma_semaphore, #tpu.memory_space<semaphore_mem>>) src(%dma_wait3A_333 : memref<2560xi32, #tpu.memory_space<hbm>>) dst(%arg14 : memref<128xi32, #tpu.memory_space<vmem>>)
    %add3A_334 = arith.constant 512 : i32
    %add3A_335 = arith.addi %mul3A_4, %add3A_334 : i32
    "tpu.region"() ({
      %run_scoped3A = tpu.sem_alloc : memref<!tpu.dma_semaphore, #tpu.memory_space<semaphore_mem>>
      %dma_start3A_743 = arith.constant 0 : i32
      %dma_start3A_744 = tpu.memref_slice %arg14[%dma_start3A_743] : memref<128xi32, #tpu.memory_space<vmem>> -> memref<128xi32, #tpu.memory_space<vmem>>
      %dma_start3A_745 = tpu.memref_slice %arg10[%add3A_335] : memref<37888xi32, #tpu.memory_space<hbm>> -> memref<128xi32, #tpu.memory_space<hbm>>
      %dma_start3A_746 = tpu.memref_slice %arg10[%add3A_335] : memref<37888xi32, #tpu.memory_space<hbm>> -> memref<128xi32, #tpu.memory_space<hbm>>
      %dma_start3A_747 = arith.constant 0 : i32
      %dma_start3A_748 = tpu.memref_slice %arg14[%dma_start3A_747] : memref<128xi32, #tpu.memory_space<vmem>> -> memref<128xi32, #tpu.memory_space<vmem>>
      tpu.enqueue_dma source(%dma_start3A_748 : memref<128xi32, #tpu.memory_space<vmem>>) target(%dma_start3A_746 : memref<128xi32, #tpu.memory_space<hbm>>) target_semaphore(%run_scoped3A : memref<!tpu.dma_semaphore, #tpu.memory_space<semaphore_mem>>)
      %dma_wait3A_749 = arith.constant 0 : i32
      %dma_wait3A_750 = tpu.memref_slice %arg14[%dma_wait3A_749] : memref<128xi32, #tpu.memory_space<vmem>> -> memref<128xi32, #tpu.memory_space<vmem>>
      %dma_wait3A_751 = tpu.memref_slice %arg10[%add3A_335] : memref<37888xi32, #tpu.memory_space<hbm>> -> memref<128xi32, #tpu.memory_space<hbm>>
      %dma_wait3A_752 = tpu.memref_slice %arg10[%add3A_335] : memref<37888xi32, #tpu.memory_space<hbm>> -> memref<128xi32, #tpu.memory_space<hbm>>
      %dma_wait3A_753 = arith.constant 0 : i32
      %dma_wait3A_754 = tpu.memref_slice %arg14[%dma_wait3A_753] : memref<128xi32, #tpu.memory_space<vmem>> -> memref<128xi32, #tpu.memory_space<vmem>>
      tpu.wait_dma2 semaphore(%run_scoped3A : memref<!tpu.dma_semaphore, #tpu.memory_space<semaphore_mem>>) src(%dma_wait3A_754 : memref<128xi32, #tpu.memory_space<vmem>>) dst(%dma_wait3A_752 : memref<128xi32, #tpu.memory_space<hbm>>)
      tpu.yield
    }) : () -> ()
    %get3A_336 = arith.constant 640 : index
    %get3A_337 = tpu.vector_load %arg12[%get3A_336] {strides = array<i32>} : memref<1280xi32, #tpu.memory_space<vmem>>, vector<16xi32>,
    %get3A_338 = vector.shape_cast %get3A_337 : vector<16xi32> to vector<16xi32>
    %swap3A_339 = arith.constant 0 : index
    %swap3A_340 = tpu.vector_load %arg13[%swap3A_339] {strides = array<i32>} : memref<128xi32, #tpu.memory_space<vmem>>, vector<16xi32>,
    %swap3A_341 = vector.shape_cast %swap3A_340 : vector<16xi32> to vector<16xi32>
    %swap3A_342 = vector.shape_cast %get3A_338 : vector<16xi32> to vector<16xi32>
    tpu.vector_store %arg13[%swap3A_339], %swap3A_342 {strides = array<i32>} : memref<128xi32, #tpu.memory_space<vmem>>, vector<16xi32>,
    %get3A_343 = arith.constant 656 : index
    %get3A_344 = tpu.vector_load %arg12[%get3A_343] {strides = array<i32>} : memref<1280xi32, #tpu.memory_space<vmem>>, vector<16xi32>,
    %get3A_345 = vector.shape_cast %get3A_344 : vector<16xi32> to vector<16xi32>
    %swap3A_346 = arith.constant 16 : index
    %swap3A_347 = tpu.vector_load %arg13[%swap3A_346] {strides = array<i32>} : memref<128xi32, #tpu.memory_space<vmem>>, vector<16xi32>,
    %swap3A_348 = vector.shape_cast %swap3A_347 : vector<16xi32> to vector<16xi32>
    %swap3A_349 = vector.shape_cast %get3A_345 : vector<16xi32> to vector<16xi32>
    tpu.vector_store %arg13[%swap3A_346], %swap3A_349 {strides = array<i32>} : memref<128xi32, #tpu.memory_space<vmem>>, vector<16xi32>,
    %get3A_350 = arith.constant 672 : index
    %get3A_351 = tpu.vector_load %arg12[%get3A_350] {strides = array<i32>} : memref<1280xi32, #tpu.memory_space<vmem>>, vector<16xi32>,
    %get3A_352 = vector.shape_cast %get3A_351 : vector<16xi32> to vector<16xi32>
    %swap3A_353 = arith.constant 32 : index
    %swap3A_354 = tpu.vector_load %arg13[%swap3A_353] {strides = array<i32>} : memref<128xi32, #tpu.memory_space<vmem>>, vector<16xi32>,
    %swap3A_355 = vector.shape_cast %swap3A_354 : vector<16xi32> to vector<16xi32>
    %swap3A_356 = vector.shape_cast %get3A_352 : vector<16xi32> to vector<16xi32>
    tpu.vector_store %arg13[%swap3A_353], %swap3A_356 {strides = array<i32>} : memref<128xi32, #tpu.memory_space<vmem>>, vector<16xi32>,
    %get3A_357 = arith.constant 688 : index
    %get3A_358 = tpu.vector_load %arg12[%get3A_357] {strides = array<i32>} : memref<1280xi32, #tpu.memory_space<vmem>>, vector<16xi32>,
    %get3A_359 = vector.shape_cast %get3A_358 : vector<16xi32> to vector<16xi32>
    %swap3A_360 = arith.constant 48 : index
    %swap3A_361 = tpu.vector_load %arg13[%swap3A_360] {strides = array<i32>} : memref<128xi32, #tpu.memory_space<vmem>>, vector<16xi32>,
    %swap3A_362 = vector.shape_cast %swap3A_361 : vector<16xi32> to vector<16xi32>
    %swap3A_363 = vector.shape_cast %get3A_359 : vector<16xi32> to vector<16xi32>
    tpu.vector_store %arg13[%swap3A_360], %swap3A_363 {strides = array<i32>} : memref<128xi32, #tpu.memory_space<vmem>>, vector<16xi32>,
    %get3A_364 = arith.constant 704 : index
    %get3A_365 = tpu.vector_load %arg12[%get3A_364] {strides = array<i32>} : memref<1280xi32, #tpu.memory_space<vmem>>, vector<16xi32>,
    %get3A_366 = vector.shape_cast %get3A_365 : vector<16xi32> to vector<16xi32>
    %swap3A_367 = arith.constant 64 : index
    %swap3A_368 = tpu.vector_load %arg13[%swap3A_367] {strides = array<i32>} : memref<128xi32, #tpu.memory_space<vmem>>, vector<16xi32>,
    %swap3A_369 = vector.shape_cast %swap3A_368 : vector<16xi32> to vector<16xi32>
    %swap3A_370 = vector.shape_cast %get3A_366 : vector<16xi32> to vector<16xi32>
    tpu.vector_store %arg13[%swap3A_367], %swap3A_370 {strides = array<i32>} : memref<128xi32, #tpu.memory_space<vmem>>, vector<16xi32>,
    %get3A_371 = arith.constant 720 : index
    %get3A_372 = tpu.vector_load %arg12[%get3A_371] {strides = array<i32>} : memref<1280xi32, #tpu.memory_space<vmem>>, vector<16xi32>,
    %get3A_373 = vector.shape_cast %get3A_372 : vector<16xi32> to vector<16xi32>
    %swap3A_374 = arith.constant 80 : index
    %swap3A_375 = tpu.vector_load %arg13[%swap3A_374] {strides = array<i32>} : memref<128xi32, #tpu.memory_space<vmem>>, vector<16xi32>,
    %swap3A_376 = vector.shape_cast %swap3A_375 : vector<16xi32> to vector<16xi32>
    %swap3A_377 = vector.shape_cast %get3A_373 : vector<16xi32> to vector<16xi32>
    tpu.vector_store %arg13[%swap3A_374], %swap3A_377 {strides = array<i32>} : memref<128xi32, #tpu.memory_space<vmem>>, vector<16xi32>,
    %get3A_378 = arith.constant 736 : index
    %get3A_379 = tpu.vector_load %arg12[%get3A_378] {strides = array<i32>} : memref<1280xi32, #tpu.memory_space<vmem>>, vector<16xi32>,
    %get3A_380 = vector.shape_cast %get3A_379 : vector<16xi32> to vector<16xi32>
    %swap3A_381 = arith.constant 96 : index
    %swap3A_382 = tpu.vector_load %arg13[%swap3A_381] {strides = array<i32>} : memref<128xi32, #tpu.memory_space<vmem>>, vector<16xi32>,
    %swap3A_383 = vector.shape_cast %swap3A_382 : vector<16xi32> to vector<16xi32>
    %swap3A_384 = vector.shape_cast %get3A_380 : vector<16xi32> to vector<16xi32>
    tpu.vector_store %arg13[%swap3A_381], %swap3A_384 {strides = array<i32>} : memref<128xi32, #tpu.memory_space<vmem>>, vector<16xi32>,
    %get3A_385 = arith.constant 752 : index
    %get3A_386 = tpu.vector_load %arg12[%get3A_385] {strides = array<i32>} : memref<1280xi32, #tpu.memory_space<vmem>>, vector<16xi32>,
    %get3A_387 = vector.shape_cast %get3A_386 : vector<16xi32> to vector<16xi32>
    %swap3A_388 = arith.constant 112 : index
    %swap3A_389 = tpu.vector_load %arg13[%swap3A_388] {strides = array<i32>} : memref<128xi32, #tpu.memory_space<vmem>>, vector<16xi32>,
    %swap3A_390 = vector.shape_cast %swap3A_389 : vector<16xi32> to vector<16xi32>
    %swap3A_391 = vector.shape_cast %get3A_387 : vector<16xi32> to vector<16xi32>
    tpu.vector_store %arg13[%swap3A_388], %swap3A_391 {strides = array<i32>} : memref<128xi32, #tpu.memory_space<vmem>>, vector<16xi32>,
    %dma_start3A_392 = arith.constant 0 : i32
    %dma_start3A_393 = tpu.memref_slice %arg5[%dma_start3A_392] : memref<2560xi32, #tpu.memory_space<hbm>> -> memref<2560xi32, #tpu.memory_space<hbm>>
    tpu.enqueue_indirect_dma source(%dma_start3A_393 : memref<2560xi32, #tpu.memory_space<hbm>>) target(%arg14 : memref<128xi32, #tpu.memory_space<vmem>>) offsets(%arg13 : memref<128xi32, #tpu.memory_space<vmem>>) semaphore(%arg21 : memref<!tpu.dma_semaphore, #tpu.memory_space<semaphore_mem>>)
    %dma_wait3A_394 = arith.constant 0 : i32
    %dma_wait3A_395 = tpu.memref_slice %arg5[%dma_wait3A_394] : memref<2560xi32, #tpu.memory_space<hbm>> -> memref<2560xi32, #tpu.memory_space<hbm>>
    tpu.wait_indirect_dma semaphore(%arg21 : memref<!tpu.dma_semaphore, #tpu.memory_space<semaphore_mem>>) src(%dma_wait3A_395 : memref<2560xi32, #tpu.memory_space<hbm>>) dst(%arg14 : memref<128xi32, #tpu.memory_space<vmem>>)
    %add3A_396 = arith.constant 640 : i32
    %add3A_397 = arith.addi %mul3A_4, %add3A_396 : i32
    "tpu.region"() ({
      %run_scoped3A = tpu.sem_alloc : memref<!tpu.dma_semaphore, #tpu.memory_space<semaphore_mem>>
      %dma_start3A_743 = arith.constant 0 : i32
      %dma_start3A_744 = tpu.memref_slice %arg14[%dma_start3A_743] : memref<128xi32, #tpu.memory_space<vmem>> -> memref<128xi32, #tpu.memory_space<vmem>>
      %dma_start3A_745 = tpu.memref_slice %arg10[%add3A_397] : memref<37888xi32, #tpu.memory_space<hbm>> -> memref<128xi32, #tpu.memory_space<hbm>>
      %dma_start3A_746 = tpu.memref_slice %arg10[%add3A_397] : memref<37888xi32, #tpu.memory_space<hbm>> -> memref<128xi32, #tpu.memory_space<hbm>>
      %dma_start3A_747 = arith.constant 0 : i32
      %dma_start3A_748 = tpu.memref_slice %arg14[%dma_start3A_747] : memref<128xi32, #tpu.memory_space<vmem>> -> memref<128xi32, #tpu.memory_space<vmem>>
      tpu.enqueue_dma source(%dma_start3A_748 : memref<128xi32, #tpu.memory_space<vmem>>) target(%dma_start3A_746 : memref<128xi32, #tpu.memory_space<hbm>>) target_semaphore(%run_scoped3A : memref<!tpu.dma_semaphore, #tpu.memory_space<semaphore_mem>>)
      %dma_wait3A_749 = arith.constant 0 : i32
      %dma_wait3A_750 = tpu.memref_slice %arg14[%dma_wait3A_749] : memref<128xi32, #tpu.memory_space<vmem>> -> memref<128xi32, #tpu.memory_space<vmem>>
      %dma_wait3A_751 = tpu.memref_slice %arg10[%add3A_397] : memref<37888xi32, #tpu.memory_space<hbm>> -> memref<128xi32, #tpu.memory_space<hbm>>
      %dma_wait3A_752 = tpu.memref_slice %arg10[%add3A_397] : memref<37888xi32, #tpu.memory_space<hbm>> -> memref<128xi32, #tpu.memory_space<hbm>>
      %dma_wait3A_753 = arith.constant 0 : i32
      %dma_wait3A_754 = tpu.memref_slice %arg14[%dma_wait3A_753] : memref<128xi32, #tpu.memory_space<vmem>> -> memref<128xi32, #tpu.memory_space<vmem>>
      tpu.wait_dma2 semaphore(%run_scoped3A : memref<!tpu.dma_semaphore, #tpu.memory_space<semaphore_mem>>) src(%dma_wait3A_754 : memref<128xi32, #tpu.memory_space<vmem>>) dst(%dma_wait3A_752 : memref<128xi32, #tpu.memory_space<hbm>>)
      tpu.yield
    }) : () -> ()
    %get3A_398 = arith.constant 768 : index
    %get3A_399 = tpu.vector_load %arg12[%get3A_398] {strides = array<i32>} : memref<1280xi32, #tpu.memory_space<vmem>>, vector<16xi32>,
    %get3A_400 = vector.shape_cast %get3A_399 : vector<16xi32> to vector<16xi32>
    %swap3A_401 = arith.constant 0 : index
    %swap3A_402 = tpu.vector_load %arg13[%swap3A_401] {strides = array<i32>} : memref<128xi32, #tpu.memory_space<vmem>>, vector<16xi32>,
    %swap3A_403 = vector.shape_cast %swap3A_402 : vector<16xi32> to vector<16xi32>
    %swap3A_404 = vector.shape_cast %get3A_400 : vector<16xi32> to vector<16xi32>
    tpu.vector_store %arg13[%swap3A_401], %swap3A_404 {strides = array<i32>} : memref<128xi32, #tpu.memory_space<vmem>>, vector<16xi32>,
    %get3A_405 = arith.constant 784 : index
    %get3A_406 = tpu.vector_load %arg12[%get3A_405] {strides = array<i32>} : memref<1280xi32, #tpu.memory_space<vmem>>, vector<16xi32>,
    %get3A_407 = vector.shape_cast %get3A_406 : vector<16xi32> to vector<16xi32>
    %swap3A_408 = arith.constant 16 : index
    %swap3A_409 = tpu.vector_load %arg13[%swap3A_408] {strides = array<i32>} : memref<128xi32, #tpu.memory_space<vmem>>, vector<16xi32>,
    %swap3A_410 = vector.shape_cast %swap3A_409 : vector<16xi32> to vector<16xi32>
    %swap3A_411 = vector.shape_cast %get3A_407 : vector<16xi32> to vector<16xi32>
    tpu.vector_store %arg13[%swap3A_408], %swap3A_411 {strides = array<i32>} : memref<128xi32, #tpu.memory_space<vmem>>, vector<16xi32>,
    %get3A_412 = arith.constant 800 : index
    %get3A_413 = tpu.vector_load %arg12[%get3A_412] {strides = array<i32>} : memref<1280xi32, #tpu.memory_space<vmem>>, vector<16xi32>,
    %get3A_414 = vector.shape_cast %get3A_413 : vector<16xi32> to vector<16xi32>
    %swap3A_415 = arith.constant 32 : index
    %swap3A_416 = tpu.vector_load %arg13[%swap3A_415] {strides = array<i32>} : memref<128xi32, #tpu.memory_space<vmem>>, vector<16xi32>,
    %swap3A_417 = vector.shape_cast %swap3A_416 : vector<16xi32> to vector<16xi32>
    %swap3A_418 = vector.shape_cast %get3A_414 : vector<16xi32> to vector<16xi32>
    tpu.vector_store %arg13[%swap3A_415], %swap3A_418 {strides = array<i32>} : memref<128xi32, #tpu.memory_space<vmem>>, vector<16xi32>,
    %get3A_419 = arith.constant 816 : index
    %get3A_420 = tpu.vector_load %arg12[%get3A_419] {strides = array<i32>} : memref<1280xi32, #tpu.memory_space<vmem>>, vector<16xi32>,
    %get3A_421 = vector.shape_cast %get3A_420 : vector<16xi32> to vector<16xi32>
    %swap3A_422 = arith.constant 48 : index
    %swap3A_423 = tpu.vector_load %arg13[%swap3A_422] {strides = array<i32>} : memref<128xi32, #tpu.memory_space<vmem>>, vector<16xi32>,
    %swap3A_424 = vector.shape_cast %swap3A_423 : vector<16xi32> to vector<16xi32>
    %swap3A_425 = vector.shape_cast %get3A_421 : vector<16xi32> to vector<16xi32>
    tpu.vector_store %arg13[%swap3A_422], %swap3A_425 {strides = array<i32>} : memref<128xi32, #tpu.memory_space<vmem>>, vector<16xi32>,
    %get3A_426 = arith.constant 832 : index
    %get3A_427 = tpu.vector_load %arg12[%get3A_426] {strides = array<i32>} : memref<1280xi32, #tpu.memory_space<vmem>>, vector<16xi32>,
    %get3A_428 = vector.shape_cast %get3A_427 : vector<16xi32> to vector<16xi32>
    %swap3A_429 = arith.constant 64 : index
    %swap3A_430 = tpu.vector_load %arg13[%swap3A_429] {strides = array<i32>} : memref<128xi32, #tpu.memory_space<vmem>>, vector<16xi32>,
    %swap3A_431 = vector.shape_cast %swap3A_430 : vector<16xi32> to vector<16xi32>
    %swap3A_432 = vector.shape_cast %get3A_428 : vector<16xi32> to vector<16xi32>
    tpu.vector_store %arg13[%swap3A_429], %swap3A_432 {strides = array<i32>} : memref<128xi32, #tpu.memory_space<vmem>>, vector<16xi32>,
    %get3A_433 = arith.constant 848 : index
    %get3A_434 = tpu.vector_load %arg12[%get3A_433] {strides = array<i32>} : memref<1280xi32, #tpu.memory_space<vmem>>, vector<16xi32>,
    %get3A_435 = vector.shape_cast %get3A_434 : vector<16xi32> to vector<16xi32>
    %swap3A_436 = arith.constant 80 : index
    %swap3A_437 = tpu.vector_load %arg13[%swap3A_436] {strides = array<i32>} : memref<128xi32, #tpu.memory_space<vmem>>, vector<16xi32>,
    %swap3A_438 = vector.shape_cast %swap3A_437 : vector<16xi32> to vector<16xi32>
    %swap3A_439 = vector.shape_cast %get3A_435 : vector<16xi32> to vector<16xi32>
    tpu.vector_store %arg13[%swap3A_436], %swap3A_439 {strides = array<i32>} : memref<128xi32, #tpu.memory_space<vmem>>, vector<16xi32>,
    %get3A_440 = arith.constant 864 : index
    %get3A_441 = tpu.vector_load %arg12[%get3A_440] {strides = array<i32>} : memref<1280xi32, #tpu.memory_space<vmem>>, vector<16xi32>,
    %get3A_442 = vector.shape_cast %get3A_441 : vector<16xi32> to vector<16xi32>
    %swap3A_443 = arith.constant 96 : index
    %swap3A_444 = tpu.vector_load %arg13[%swap3A_443] {strides = array<i32>} : memref<128xi32, #tpu.memory_space<vmem>>, vector<16xi32>,
    %swap3A_445 = vector.shape_cast %swap3A_444 : vector<16xi32> to vector<16xi32>
    %swap3A_446 = vector.shape_cast %get3A_442 : vector<16xi32> to vector<16xi32>
    tpu.vector_store %arg13[%swap3A_443], %swap3A_446 {strides = array<i32>} : memref<128xi32, #tpu.memory_space<vmem>>, vector<16xi32>,
    %get3A_447 = arith.constant 880 : index
    %get3A_448 = tpu.vector_load %arg12[%get3A_447] {strides = array<i32>} : memref<1280xi32, #tpu.memory_space<vmem>>, vector<16xi32>,
    %get3A_449 = vector.shape_cast %get3A_448 : vector<16xi32> to vector<16xi32>
    %swap3A_450 = arith.constant 112 : index
    %swap3A_451 = tpu.vector_load %arg13[%swap3A_450] {strides = array<i32>} : memref<128xi32, #tpu.memory_space<vmem>>, vector<16xi32>,
    %swap3A_452 = vector.shape_cast %swap3A_451 : vector<16xi32> to vector<16xi32>
    %swap3A_453 = vector.shape_cast %get3A_449 : vector<16xi32> to vector<16xi32>
    tpu.vector_store %arg13[%swap3A_450], %swap3A_453 {strides = array<i32>} : memref<128xi32, #tpu.memory_space<vmem>>, vector<16xi32>,
    %dma_start3A_454 = arith.constant 0 : i32
    %dma_start3A_455 = tpu.memref_slice %arg5[%dma_start3A_454] : memref<2560xi32, #tpu.memory_space<hbm>> -> memref<2560xi32, #tpu.memory_space<hbm>>
    tpu.enqueue_indirect_dma source(%dma_start3A_455 : memref<2560xi32, #tpu.memory_space<hbm>>) target(%arg14 : memref<128xi32, #tpu.memory_space<vmem>>) offsets(%arg13 : memref<128xi32, #tpu.memory_space<vmem>>) semaphore(%arg21 : memref<!tpu.dma_semaphore, #tpu.memory_space<semaphore_mem>>)
    %dma_wait3A_456 = arith.constant 0 : i32
    %dma_wait3A_457 = tpu.memref_slice %arg5[%dma_wait3A_456] : memref<2560xi32, #tpu.memory_space<hbm>> -> memref<2560xi32, #tpu.memory_space<hbm>>
    tpu.wait_indirect_dma semaphore(%arg21 : memref<!tpu.dma_semaphore, #tpu.memory_space<semaphore_mem>>) src(%dma_wait3A_457 : memref<2560xi32, #tpu.memory_space<hbm>>) dst(%arg14 : memref<128xi32, #tpu.memory_space<vmem>>)
    %add3A_458 = arith.constant 768 : i32
    %add3A_459 = arith.addi %mul3A_4, %add3A_458 : i32
    "tpu.region"() ({
      %run_scoped3A = tpu.sem_alloc : memref<!tpu.dma_semaphore, #tpu.memory_space<semaphore_mem>>
      %dma_start3A_743 = arith.constant 0 : i32
      %dma_start3A_744 = tpu.memref_slice %arg14[%dma_start3A_743] : memref<128xi32, #tpu.memory_space<vmem>> -> memref<128xi32, #tpu.memory_space<vmem>>
      %dma_start3A_745 = tpu.memref_slice %arg10[%add3A_459] : memref<37888xi32, #tpu.memory_space<hbm>> -> memref<128xi32, #tpu.memory_space<hbm>>
      %dma_start3A_746 = tpu.memref_slice %arg10[%add3A_459] : memref<37888xi32, #tpu.memory_space<hbm>> -> memref<128xi32, #tpu.memory_space<hbm>>
      %dma_start3A_747 = arith.constant 0 : i32
      %dma_start3A_748 = tpu.memref_slice %arg14[%dma_start3A_747] : memref<128xi32, #tpu.memory_space<vmem>> -> memref<128xi32, #tpu.memory_space<vmem>>
      tpu.enqueue_dma source(%dma_start3A_748 : memref<128xi32, #tpu.memory_space<vmem>>) target(%dma_start3A_746 : memref<128xi32, #tpu.memory_space<hbm>>) target_semaphore(%run_scoped3A : memref<!tpu.dma_semaphore, #tpu.memory_space<semaphore_mem>>)
      %dma_wait3A_749 = arith.constant 0 : i32
      %dma_wait3A_750 = tpu.memref_slice %arg14[%dma_wait3A_749] : memref<128xi32, #tpu.memory_space<vmem>> -> memref<128xi32, #tpu.memory_space<vmem>>
      %dma_wait3A_751 = tpu.memref_slice %arg10[%add3A_459] : memref<37888xi32, #tpu.memory_space<hbm>> -> memref<128xi32, #tpu.memory_space<hbm>>
      %dma_wait3A_752 = tpu.memref_slice %arg10[%add3A_459] : memref<37888xi32, #tpu.memory_space<hbm>> -> memref<128xi32, #tpu.memory_space<hbm>>
      %dma_wait3A_753 = arith.constant 0 : i32
      %dma_wait3A_754 = tpu.memref_slice %arg14[%dma_wait3A_753] : memref<128xi32, #tpu.memory_space<vmem>> -> memref<128xi32, #tpu.memory_space<vmem>>
      tpu.wait_dma2 semaphore(%run_scoped3A : memref<!tpu.dma_semaphore, #tpu.memory_space<semaphore_mem>>) src(%dma_wait3A_754 : memref<128xi32, #tpu.memory_space<vmem>>) dst(%dma_wait3A_752 : memref<128xi32, #tpu.memory_space<hbm>>)
      tpu.yield
    }) : () -> ()
    %get3A_460 = arith.constant 896 : index
    %get3A_461 = tpu.vector_load %arg12[%get3A_460] {strides = array<i32>} : memref<1280xi32, #tpu.memory_space<vmem>>, vector<16xi32>,
    %get3A_462 = vector.shape_cast %get3A_461 : vector<16xi32> to vector<16xi32>
    %swap3A_463 = arith.constant 0 : index
    %swap3A_464 = tpu.vector_load %arg13[%swap3A_463] {strides = array<i32>} : memref<128xi32, #tpu.memory_space<vmem>>, vector<16xi32>,
    %swap3A_465 = vector.shape_cast %swap3A_464 : vector<16xi32> to vector<16xi32>
    %swap3A_466 = vector.shape_cast %get3A_462 : vector<16xi32> to vector<16xi32>
    tpu.vector_store %arg13[%swap3A_463], %swap3A_466 {strides = array<i32>} : memref<128xi32, #tpu.memory_space<vmem>>, vector<16xi32>,
    %get3A_467 = arith.constant 912 : index
    %get3A_468 = tpu.vector_load %arg12[%get3A_467] {strides = array<i32>} : memref<1280xi32, #tpu.memory_space<vmem>>, vector<16xi32>,
    %get3A_469 = vector.shape_cast %get3A_468 : vector<16xi32> to vector<16xi32>
    %swap3A_470 = arith.constant 16 : index
    %swap3A_471 = tpu.vector_load %arg13[%swap3A_470] {strides = array<i32>} : memref<128xi32, #tpu.memory_space<vmem>>, vector<16xi32>,
    %swap3A_472 = vector.shape_cast %swap3A_471 : vector<16xi32> to vector<16xi32>
    %swap3A_473 = vector.shape_cast %get3A_469 : vector<16xi32> to vector<16xi32>
    tpu.vector_store %arg13[%swap3A_470], %swap3A_473 {strides = array<i32>} : memref<128xi32, #tpu.memory_space<vmem>>, vector<16xi32>,
    %get3A_474 = arith.constant 928 : index
    %get3A_475 = tpu.vector_load %arg12[%get3A_474] {strides = array<i32>} : memref<1280xi32, #tpu.memory_space<vmem>>, vector<16xi32>,
    %get3A_476 = vector.shape_cast %get3A_475 : vector<16xi32> to vector<16xi32>
    %swap3A_477 = arith.constant 32 : index
    %swap3A_478 = tpu.vector_load %arg13[%swap3A_477] {strides = array<i32>} : memref<128xi32, #tpu.memory_space<vmem>>, vector<16xi32>,
    %swap3A_479 = vector.shape_cast %swap3A_478 : vector<16xi32> to vector<16xi32>
    %swap3A_480 = vector.shape_cast %get3A_476 : vector<16xi32> to vector<16xi32>
    tpu.vector_store %arg13[%swap3A_477], %swap3A_480 {strides = array<i32>} : memref<128xi32, #tpu.memory_space<vmem>>, vector<16xi32>,
    %get3A_481 = arith.constant 944 : index
    %get3A_482 = tpu.vector_load %arg12[%get3A_481] {strides = array<i32>} : memref<1280xi32, #tpu.memory_space<vmem>>, vector<16xi32>,
    %get3A_483 = vector.shape_cast %get3A_482 : vector<16xi32> to vector<16xi32>
    %swap3A_484 = arith.constant 48 : index
    %swap3A_485 = tpu.vector_load %arg13[%swap3A_484] {strides = array<i32>} : memref<128xi32, #tpu.memory_space<vmem>>, vector<16xi32>,
    %swap3A_486 = vector.shape_cast %swap3A_485 : vector<16xi32> to vector<16xi32>
    %swap3A_487 = vector.shape_cast %get3A_483 : vector<16xi32> to vector<16xi32>
    tpu.vector_store %arg13[%swap3A_484], %swap3A_487 {strides = array<i32>} : memref<128xi32, #tpu.memory_space<vmem>>, vector<16xi32>,
    %get3A_488 = arith.constant 960 : index
    %get3A_489 = tpu.vector_load %arg12[%get3A_488] {strides = array<i32>} : memref<1280xi32, #tpu.memory_space<vmem>>, vector<16xi32>,
    %get3A_490 = vector.shape_cast %get3A_489 : vector<16xi32> to vector<16xi32>
    %swap3A_491 = arith.constant 64 : index
    %swap3A_492 = tpu.vector_load %arg13[%swap3A_491] {strides = array<i32>} : memref<128xi32, #tpu.memory_space<vmem>>, vector<16xi32>,
    %swap3A_493 = vector.shape_cast %swap3A_492 : vector<16xi32> to vector<16xi32>
    %swap3A_494 = vector.shape_cast %get3A_490 : vector<16xi32> to vector<16xi32>
    tpu.vector_store %arg13[%swap3A_491], %swap3A_494 {strides = array<i32>} : memref<128xi32, #tpu.memory_space<vmem>>, vector<16xi32>,
    %get3A_495 = arith.constant 976 : index
    %get3A_496 = tpu.vector_load %arg12[%get3A_495] {strides = array<i32>} : memref<1280xi32, #tpu.memory_space<vmem>>, vector<16xi32>,
    %get3A_497 = vector.shape_cast %get3A_496 : vector<16xi32> to vector<16xi32>
    %swap3A_498 = arith.constant 80 : index
    %swap3A_499 = tpu.vector_load %arg13[%swap3A_498] {strides = array<i32>} : memref<128xi32, #tpu.memory_space<vmem>>, vector<16xi32>,
    %swap3A_500 = vector.shape_cast %swap3A_499 : vector<16xi32> to vector<16xi32>
    %swap3A_501 = vector.shape_cast %get3A_497 : vector<16xi32> to vector<16xi32>
    tpu.vector_store %arg13[%swap3A_498], %swap3A_501 {strides = array<i32>} : memref<128xi32, #tpu.memory_space<vmem>>, vector<16xi32>,
    %get3A_502 = arith.constant 992 : index
    %get3A_503 = tpu.vector_load %arg12[%get3A_502] {strides = array<i32>} : memref<1280xi32, #tpu.memory_space<vmem>>, vector<16xi32>,
    %get3A_504 = vector.shape_cast %get3A_503 : vector<16xi32> to vector<16xi32>
    %swap3A_505 = arith.constant 96 : index
    %swap3A_506 = tpu.vector_load %arg13[%swap3A_505] {strides = array<i32>} : memref<128xi32, #tpu.memory_space<vmem>>, vector<16xi32>,
    %swap3A_507 = vector.shape_cast %swap3A_506 : vector<16xi32> to vector<16xi32>
    %swap3A_508 = vector.shape_cast %get3A_504 : vector<16xi32> to vector<16xi32>
    tpu.vector_store %arg13[%swap3A_505], %swap3A_508 {strides = array<i32>} : memref<128xi32, #tpu.memory_space<vmem>>, vector<16xi32>,
    %get3A_509 = arith.constant 1008 : index
    %get3A_510 = tpu.vector_load %arg12[%get3A_509] {strides = array<i32>} : memref<1280xi32, #tpu.memory_space<vmem>>, vector<16xi32>,
    %get3A_511 = vector.shape_cast %get3A_510 : vector<16xi32> to vector<16xi32>
    %swap3A_512 = arith.constant 112 : index
    %swap3A_513 = tpu.vector_load %arg13[%swap3A_512] {strides = array<i32>} : memref<128xi32, #tpu.memory_space<vmem>>, vector<16xi32>,
    %swap3A_514 = vector.shape_cast %swap3A_513 : vector<16xi32> to vector<16xi32>
    %swap3A_515 = vector.shape_cast %get3A_511 : vector<16xi32> to vector<16xi32>
    tpu.vector_store %arg13[%swap3A_512], %swap3A_515 {strides = array<i32>} : memref<128xi32, #tpu.memory_space<vmem>>, vector<16xi32>,
    %dma_start3A_516 = arith.constant 0 : i32
    %dma_start3A_517 = tpu.memref_slice %arg5[%dma_start3A_516] : memref<2560xi32, #tpu.memory_space<hbm>> -> memref<2560xi32, #tpu.memory_space<hbm>>
    tpu.enqueue_indirect_dma source(%dma_start3A_517 : memref<2560xi32, #tpu.memory_space<hbm>>) target(%arg14 : memref<128xi32, #tpu.memory_space<vmem>>) offsets(%arg13 : memref<128xi32, #tpu.memory_space<vmem>>) semaphore(%arg21 : memref<!tpu.dma_semaphore, #tpu.memory_space<semaphore_mem>>)
    %dma_wait3A_518 = arith.constant 0 : i32
    %dma_wait3A_519 = tpu.memref_slice %arg5[%dma_wait3A_518] : memref<2560xi32, #tpu.memory_space<hbm>> -> memref<2560xi32, #tpu.memory_space<hbm>>
    tpu.wait_indirect_dma semaphore(%arg21 : memref<!tpu.dma_semaphore, #tpu.memory_space<semaphore_mem>>) src(%dma_wait3A_519 : memref<2560xi32, #tpu.memory_space<hbm>>) dst(%arg14 : memref<128xi32, #tpu.memory_space<vmem>>)
    %add3A_520 = arith.constant 896 : i32
    %add3A_521 = arith.addi %mul3A_4, %add3A_520 : i32
    "tpu.region"() ({
      %run_scoped3A = tpu.sem_alloc : memref<!tpu.dma_semaphore, #tpu.memory_space<semaphore_mem>>
      %dma_start3A_743 = arith.constant 0 : i32
      %dma_start3A_744 = tpu.memref_slice %arg14[%dma_start3A_743] : memref<128xi32, #tpu.memory_space<vmem>> -> memref<128xi32, #tpu.memory_space<vmem>>
      %dma_start3A_745 = tpu.memref_slice %arg10[%add3A_521] : memref<37888xi32, #tpu.memory_space<hbm>> -> memref<128xi32, #tpu.memory_space<hbm>>
      %dma_start3A_746 = tpu.memref_slice %arg10[%add3A_521] : memref<37888xi32, #tpu.memory_space<hbm>> -> memref<128xi32, #tpu.memory_space<hbm>>
      %dma_start3A_747 = arith.constant 0 : i32
      %dma_start3A_748 = tpu.memref_slice %arg14[%dma_start3A_747] : memref<128xi32, #tpu.memory_space<vmem>> -> memref<128xi32, #tpu.memory_space<vmem>>
      tpu.enqueue_dma source(%dma_start3A_748 : memref<128xi32, #tpu.memory_space<vmem>>) target(%dma_start3A_746 : memref<128xi32, #tpu.memory_space<hbm>>) target_semaphore(%run_scoped3A : memref<!tpu.dma_semaphore, #tpu.memory_space<semaphore_mem>>)
      %dma_wait3A_749 = arith.constant 0 : i32
      %dma_wait3A_750 = tpu.memref_slice %arg14[%dma_wait3A_749] : memref<128xi32, #tpu.memory_space<vmem>> -> memref<128xi32, #tpu.memory_space<vmem>>
      %dma_wait3A_751 = tpu.memref_slice %arg10[%add3A_521] : memref<37888xi32, #tpu.memory_space<hbm>> -> memref<128xi32, #tpu.memory_space<hbm>>
      %dma_wait3A_752 = tpu.memref_slice %arg10[%add3A_521] : memref<37888xi32, #tpu.memory_space<hbm>> -> memref<128xi32, #tpu.memory_space<hbm>>
      %dma_wait3A_753 = arith.constant 0 : i32
      %dma_wait3A_754 = tpu.memref_slice %arg14[%dma_wait3A_753] : memref<128xi32, #tpu.memory_space<vmem>> -> memref<128xi32, #tpu.memory_space<vmem>>
      tpu.wait_dma2 semaphore(%run_scoped3A : memref<!tpu.dma_semaphore, #tpu.memory_space<semaphore_mem>>) src(%dma_wait3A_754 : memref<128xi32, #tpu.memory_space<vmem>>) dst(%dma_wait3A_752 : memref<128xi32, #tpu.memory_space<hbm>>)
      tpu.yield
    }) : () -> ()
    %get3A_522 = arith.constant 1024 : index
    %get3A_523 = tpu.vector_load %arg12[%get3A_522] {strides = array<i32>} : memref<1280xi32, #tpu.memory_space<vmem>>, vector<16xi32>,
    %get3A_524 = vector.shape_cast %get3A_523 : vector<16xi32> to vector<16xi32>
    %swap3A_525 = arith.constant 0 : index
    %swap3A_526 = tpu.vector_load %arg13[%swap3A_525] {strides = array<i32>} : memref<128xi32, #tpu.memory_space<vmem>>, vector<16xi32>,
    %swap3A_527 = vector.shape_cast %swap3A_526 : vector<16xi32> to vector<16xi32>
    %swap3A_528 = vector.shape_cast %get3A_524 : vector<16xi32> to vector<16xi32>
    tpu.vector_store %arg13[%swap3A_525], %swap3A_528 {strides = array<i32>} : memref<128xi32, #tpu.memory_space<vmem>>, vector<16xi32>,
    %get3A_529 = arith.constant 1040 : index
    %get3A_530 = tpu.vector_load %arg12[%get3A_529] {strides = array<i32>} : memref<1280xi32, #tpu.memory_space<vmem>>, vector<16xi32>,
    %get3A_531 = vector.shape_cast %get3A_530 : vector<16xi32> to vector<16xi32>
    %swap3A_532 = arith.constant 16 : index
    %swap3A_533 = tpu.vector_load %arg13[%swap3A_532] {strides = array<i32>} : memref<128xi32, #tpu.memory_space<vmem>>, vector<16xi32>,
    %swap3A_534 = vector.shape_cast %swap3A_533 : vector<16xi32> to vector<16xi32>
    %swap3A_535 = vector.shape_cast %get3A_531 : vector<16xi32> to vector<16xi32>
    tpu.vector_store %arg13[%swap3A_532], %swap3A_535 {strides = array<i32>} : memref<128xi32, #tpu.memory_space<vmem>>, vector<16xi32>,
    %get3A_536 = arith.constant 1056 : index
    %get3A_537 = tpu.vector_load %arg12[%get3A_536] {strides = array<i32>} : memref<1280xi32, #tpu.memory_space<vmem>>, vector<16xi32>,
    %get3A_538 = vector.shape_cast %get3A_537 : vector<16xi32> to vector<16xi32>
    %swap3A_539 = arith.constant 32 : index
    %swap3A_540 = tpu.vector_load %arg13[%swap3A_539] {strides = array<i32>} : memref<128xi32, #tpu.memory_space<vmem>>, vector<16xi32>,
    %swap3A_541 = vector.shape_cast %swap3A_540 : vector<16xi32> to vector<16xi32>
    %swap3A_542 = vector.shape_cast %get3A_538 : vector<16xi32> to vector<16xi32>
    tpu.vector_store %arg13[%swap3A_539], %swap3A_542 {strides = array<i32>} : memref<128xi32, #tpu.memory_space<vmem>>, vector<16xi32>,
    %get3A_543 = arith.constant 1072 : index
    %get3A_544 = tpu.vector_load %arg12[%get3A_543] {strides = array<i32>} : memref<1280xi32, #tpu.memory_space<vmem>>, vector<16xi32>,
    %get3A_545 = vector.shape_cast %get3A_544 : vector<16xi32> to vector<16xi32>
    %swap3A_546 = arith.constant 48 : index
    %swap3A_547 = tpu.vector_load %arg13[%swap3A_546] {strides = array<i32>} : memref<128xi32, #tpu.memory_space<vmem>>, vector<16xi32>,
    %swap3A_548 = vector.shape_cast %swap3A_547 : vector<16xi32> to vector<16xi32>
    %swap3A_549 = vector.shape_cast %get3A_545 : vector<16xi32> to vector<16xi32>
    tpu.vector_store %arg13[%swap3A_546], %swap3A_549 {strides = array<i32>} : memref<128xi32, #tpu.memory_space<vmem>>, vector<16xi32>,
    %get3A_550 = arith.constant 1088 : index
    %get3A_551 = tpu.vector_load %arg12[%get3A_550] {strides = array<i32>} : memref<1280xi32, #tpu.memory_space<vmem>>, vector<16xi32>,
    %get3A_552 = vector.shape_cast %get3A_551 : vector<16xi32> to vector<16xi32>
    %swap3A_553 = arith.constant 64 : index
    %swap3A_554 = tpu.vector_load %arg13[%swap3A_553] {strides = array<i32>} : memref<128xi32, #tpu.memory_space<vmem>>, vector<16xi32>,
    %swap3A_555 = vector.shape_cast %swap3A_554 : vector<16xi32> to vector<16xi32>
    %swap3A_556 = vector.shape_cast %get3A_552 : vector<16xi32> to vector<16xi32>
    tpu.vector_store %arg13[%swap3A_553], %swap3A_556 {strides = array<i32>} : memref<128xi32, #tpu.memory_space<vmem>>, vector<16xi32>,
    %get3A_557 = arith.constant 1104 : index
    %get3A_558 = tpu.vector_load %arg12[%get3A_557] {strides = array<i32>} : memref<1280xi32, #tpu.memory_space<vmem>>, vector<16xi32>,
    %get3A_559 = vector.shape_cast %get3A_558 : vector<16xi32> to vector<16xi32>
    %swap3A_560 = arith.constant 80 : index
    %swap3A_561 = tpu.vector_load %arg13[%swap3A_560] {strides = array<i32>} : memref<128xi32, #tpu.memory_space<vmem>>, vector<16xi32>,
    %swap3A_562 = vector.shape_cast %swap3A_561 : vector<16xi32> to vector<16xi32>
    %swap3A_563 = vector.shape_cast %get3A_559 : vector<16xi32> to vector<16xi32>
    tpu.vector_store %arg13[%swap3A_560], %swap3A_563 {strides = array<i32>} : memref<128xi32, #tpu.memory_space<vmem>>, vector<16xi32>,
    %get3A_564 = arith.constant 1120 : index
    %get3A_565 = tpu.vector_load %arg12[%get3A_564] {strides = array<i32>} : memref<1280xi32, #tpu.memory_space<vmem>>, vector<16xi32>,
    %get3A_566 = vector.shape_cast %get3A_565 : vector<16xi32> to vector<16xi32>
    %swap3A_567 = arith.constant 96 : index
    %swap3A_568 = tpu.vector_load %arg13[%swap3A_567] {strides = array<i32>} : memref<128xi32, #tpu.memory_space<vmem>>, vector<16xi32>,
    %swap3A_569 = vector.shape_cast %swap3A_568 : vector<16xi32> to vector<16xi32>
    %swap3A_570 = vector.shape_cast %get3A_566 : vector<16xi32> to vector<16xi32>
    tpu.vector_store %arg13[%swap3A_567], %swap3A_570 {strides = array<i32>} : memref<128xi32, #tpu.memory_space<vmem>>, vector<16xi32>,
    %get3A_571 = arith.constant 1136 : index
    %get3A_572 = tpu.vector_load %arg12[%get3A_571] {strides = array<i32>} : memref<1280xi32, #tpu.memory_space<vmem>>, vector<16xi32>,
    %get3A_573 = vector.shape_cast %get3A_572 : vector<16xi32> to vector<16xi32>
    %swap3A_574 = arith.constant 112 : index
    %swap3A_575 = tpu.vector_load %arg13[%swap3A_574] {strides = array<i32>} : memref<128xi32, #tpu.memory_space<vmem>>, vector<16xi32>,
    %swap3A_576 = vector.shape_cast %swap3A_575 : vector<16xi32> to vector<16xi32>
    %swap3A_577 = vector.shape_cast %get3A_573 : vector<16xi32> to vector<16xi32>
    tpu.vector_store %arg13[%swap3A_574], %swap3A_577 {strides = array<i32>} : memref<128xi32, #tpu.memory_space<vmem>>, vector<16xi32>,
    %dma_start3A_578 = arith.constant 0 : i32
    %dma_start3A_579 = tpu.memref_slice %arg5[%dma_start3A_578] : memref<2560xi32, #tpu.memory_space<hbm>> -> memref<2560xi32, #tpu.memory_space<hbm>>
    tpu.enqueue_indirect_dma source(%dma_start3A_579 : memref<2560xi32, #tpu.memory_space<hbm>>) target(%arg14 : memref<128xi32, #tpu.memory_space<vmem>>) offsets(%arg13 : memref<128xi32, #tpu.memory_space<vmem>>) semaphore(%arg21 : memref<!tpu.dma_semaphore, #tpu.memory_space<semaphore_mem>>)
    %dma_wait3A_580 = arith.constant 0 : i32
    %dma_wait3A_581 = tpu.memref_slice %arg5[%dma_wait3A_580] : memref<2560xi32, #tpu.memory_space<hbm>> -> memref<2560xi32, #tpu.memory_space<hbm>>
    tpu.wait_indirect_dma semaphore(%arg21 : memref<!tpu.dma_semaphore, #tpu.memory_space<semaphore_mem>>) src(%dma_wait3A_581 : memref<2560xi32, #tpu.memory_space<hbm>>) dst(%arg14 : memref<128xi32, #tpu.memory_space<vmem>>)
    %add3A_582 = arith.constant 1024 : i32
    %add3A_583 = arith.addi %mul3A_4, %add3A_582 : i32
    "tpu.region"() ({
      %run_scoped3A = tpu.sem_alloc : memref<!tpu.dma_semaphore, #tpu.memory_space<semaphore_mem>>
      %dma_start3A_743 = arith.constant 0 : i32
      %dma_start3A_744 = tpu.memref_slice %arg14[%dma_start3A_743] : memref<128xi32, #tpu.memory_space<vmem>> -> memref<128xi32, #tpu.memory_space<vmem>>
      %dma_start3A_745 = tpu.memref_slice %arg10[%add3A_583] : memref<37888xi32, #tpu.memory_space<hbm>> -> memref<128xi32, #tpu.memory_space<hbm>>
      %dma_start3A_746 = tpu.memref_slice %arg10[%add3A_583] : memref<37888xi32, #tpu.memory_space<hbm>> -> memref<128xi32, #tpu.memory_space<hbm>>
      %dma_start3A_747 = arith.constant 0 : i32
      %dma_start3A_748 = tpu.memref_slice %arg14[%dma_start3A_747] : memref<128xi32, #tpu.memory_space<vmem>> -> memref<128xi32, #tpu.memory_space<vmem>>
      tpu.enqueue_dma source(%dma_start3A_748 : memref<128xi32, #tpu.memory_space<vmem>>) target(%dma_start3A_746 : memref<128xi32, #tpu.memory_space<hbm>>) target_semaphore(%run_scoped3A : memref<!tpu.dma_semaphore, #tpu.memory_space<semaphore_mem>>)
      %dma_wait3A_749 = arith.constant 0 : i32
      %dma_wait3A_750 = tpu.memref_slice %arg14[%dma_wait3A_749] : memref<128xi32, #tpu.memory_space<vmem>> -> memref<128xi32, #tpu.memory_space<vmem>>
      %dma_wait3A_751 = tpu.memref_slice %arg10[%add3A_583] : memref<37888xi32, #tpu.memory_space<hbm>> -> memref<128xi32, #tpu.memory_space<hbm>>
      %dma_wait3A_752 = tpu.memref_slice %arg10[%add3A_583] : memref<37888xi32, #tpu.memory_space<hbm>> -> memref<128xi32, #tpu.memory_space<hbm>>
      %dma_wait3A_753 = arith.constant 0 : i32
      %dma_wait3A_754 = tpu.memref_slice %arg14[%dma_wait3A_753] : memref<128xi32, #tpu.memory_space<vmem>> -> memref<128xi32, #tpu.memory_space<vmem>>
      tpu.wait_dma2 semaphore(%run_scoped3A : memref<!tpu.dma_semaphore, #tpu.memory_space<semaphore_mem>>) src(%dma_wait3A_754 : memref<128xi32, #tpu.memory_space<vmem>>) dst(%dma_wait3A_752 : memref<128xi32, #tpu.memory_space<hbm>>)
      tpu.yield
    }) : () -> ()
    %get3A_584 = arith.constant 1152 : index
    %get3A_585 = tpu.vector_load %arg12[%get3A_584] {strides = array<i32>} : memref<1280xi32, #tpu.memory_space<vmem>>, vector<16xi32>,
    %get3A_586 = vector.shape_cast %get3A_585 : vector<16xi32> to vector<16xi32>
    %swap3A_587 = arith.constant 0 : index
    %swap3A_588 = tpu.vector_load %arg13[%swap3A_587] {strides = array<i32>} : memref<128xi32, #tpu.memory_space<vmem>>, vector<16xi32>,
    %swap3A_589 = vector.shape_cast %swap3A_588 : vector<16xi32> to vector<16xi32>
    %swap3A_590 = vector.shape_cast %get3A_586 : vector<16xi32> to vector<16xi32>
    tpu.vector_store %arg13[%swap3A_587], %swap3A_590 {strides = array<i32>} : memref<128xi32, #tpu.memory_space<vmem>>, vector<16xi32>,
    %get3A_591 = arith.constant 1168 : index
    %get3A_592 = tpu.vector_load %arg12[%get3A_591] {strides = array<i32>} : memref<1280xi32, #tpu.memory_space<vmem>>, vector<16xi32>,
    %get3A_593 = vector.shape_cast %get3A_592 : vector<16xi32> to vector<16xi32>
    %swap3A_594 = arith.constant 16 : index
    %swap3A_595 = tpu.vector_load %arg13[%swap3A_594] {strides = array<i32>} : memref<128xi32, #tpu.memory_space<vmem>>, vector<16xi32>,
    %swap3A_596 = vector.shape_cast %swap3A_595 : vector<16xi32> to vector<16xi32>
    %swap3A_597 = vector.shape_cast %get3A_593 : vector<16xi32> to vector<16xi32>
    tpu.vector_store %arg13[%swap3A_594], %swap3A_597 {strides = array<i32>} : memref<128xi32, #tpu.memory_space<vmem>>, vector<16xi32>,
    %get3A_598 = arith.constant 1184 : index
    %get3A_599 = tpu.vector_load %arg12[%get3A_598] {strides = array<i32>} : memref<1280xi32, #tpu.memory_space<vmem>>, vector<16xi32>,
    %get3A_600 = vector.shape_cast %get3A_599 : vector<16xi32> to vector<16xi32>
    %swap3A_601 = arith.constant 32 : index
    %swap3A_602 = tpu.vector_load %arg13[%swap3A_601] {strides = array<i32>} : memref<128xi32, #tpu.memory_space<vmem>>, vector<16xi32>,
    %swap3A_603 = vector.shape_cast %swap3A_602 : vector<16xi32> to vector<16xi32>
    %swap3A_604 = vector.shape_cast %get3A_600 : vector<16xi32> to vector<16xi32>
    tpu.vector_store %arg13[%swap3A_601], %swap3A_604 {strides = array<i32>} : memref<128xi32, #tpu.memory_space<vmem>>, vector<16xi32>,
    %get3A_605 = arith.constant 1200 : index
    %get3A_606 = tpu.vector_load %arg12[%get3A_605] {strides = array<i32>} : memref<1280xi32, #tpu.memory_space<vmem>>, vector<16xi32>,
    %get3A_607 = vector.shape_cast %get3A_606 : vector<16xi32> to vector<16xi32>
    %swap3A_608 = arith.constant 48 : index
    %swap3A_609 = tpu.vector_load %arg13[%swap3A_608] {strides = array<i32>} : memref<128xi32, #tpu.memory_space<vmem>>, vector<16xi32>,
    %swap3A_610 = vector.shape_cast %swap3A_609 : vector<16xi32> to vector<16xi32>
    %swap3A_611 = vector.shape_cast %get3A_607 : vector<16xi32> to vector<16xi32>
    tpu.vector_store %arg13[%swap3A_608], %swap3A_611 {strides = array<i32>} : memref<128xi32, #tpu.memory_space<vmem>>, vector<16xi32>,
    %get3A_612 = arith.constant 1216 : index
    %get3A_613 = tpu.vector_load %arg12[%get3A_612] {strides = array<i32>} : memref<1280xi32, #tpu.memory_space<vmem>>, vector<16xi32>,
    %get3A_614 = vector.shape_cast %get3A_613 : vector<16xi32> to vector<16xi32>
    %swap3A_615 = arith.constant 64 : index
    %swap3A_616 = tpu.vector_load %arg13[%swap3A_615] {strides = array<i32>} : memref<128xi32, #tpu.memory_space<vmem>>, vector<16xi32>,
    %swap3A_617 = vector.shape_cast %swap3A_616 : vector<16xi32> to vector<16xi32>
    %swap3A_618 = vector.shape_cast %get3A_614 : vector<16xi32> to vector<16xi32>
    tpu.vector_store %arg13[%swap3A_615], %swap3A_618 {strides = array<i32>} : memref<128xi32, #tpu.memory_space<vmem>>, vector<16xi32>,
    %get3A_619 = arith.constant 1232 : index
    %get3A_620 = tpu.vector_load %arg12[%get3A_619] {strides = array<i32>} : memref<1280xi32, #tpu.memory_space<vmem>>, vector<16xi32>,
    %get3A_621 = vector.shape_cast %get3A_620 : vector<16xi32> to vector<16xi32>
    %swap3A_622 = arith.constant 80 : index
    %swap3A_623 = tpu.vector_load %arg13[%swap3A_622] {strides = array<i32>} : memref<128xi32, #tpu.memory_space<vmem>>, vector<16xi32>,
    %swap3A_624 = vector.shape_cast %swap3A_623 : vector<16xi32> to vector<16xi32>
    %swap3A_625 = vector.shape_cast %get3A_621 : vector<16xi32> to vector<16xi32>
    tpu.vector_store %arg13[%swap3A_622], %swap3A_625 {strides = array<i32>} : memref<128xi32, #tpu.memory_space<vmem>>, vector<16xi32>,
    %get3A_626 = arith.constant 1248 : index
    %get3A_627 = tpu.vector_load %arg12[%get3A_626] {strides = array<i32>} : memref<1280xi32, #tpu.memory_space<vmem>>, vector<16xi32>,
    %get3A_628 = vector.shape_cast %get3A_627 : vector<16xi32> to vector<16xi32>
    %swap3A_629 = arith.constant 96 : index
    %swap3A_630 = tpu.vector_load %arg13[%swap3A_629] {strides = array<i32>} : memref<128xi32, #tpu.memory_space<vmem>>, vector<16xi32>,
    %swap3A_631 = vector.shape_cast %swap3A_630 : vector<16xi32> to vector<16xi32>
    %swap3A_632 = vector.shape_cast %get3A_628 : vector<16xi32> to vector<16xi32>
    tpu.vector_store %arg13[%swap3A_629], %swap3A_632 {strides = array<i32>} : memref<128xi32, #tpu.memory_space<vmem>>, vector<16xi32>,
    %get3A_633 = arith.constant 1264 : index
    %get3A_634 = tpu.vector_load %arg12[%get3A_633] {strides = array<i32>} : memref<1280xi32, #tpu.memory_space<vmem>>, vector<16xi32>,
    %get3A_635 = vector.shape_cast %get3A_634 : vector<16xi32> to vector<16xi32>
    %swap3A_636 = arith.constant 112 : index
    %swap3A_637 = tpu.vector_load %arg13[%swap3A_636] {strides = array<i32>} : memref<128xi32, #tpu.memory_space<vmem>>, vector<16xi32>,
    %swap3A_638 = vector.shape_cast %swap3A_637 : vector<16xi32> to vector<16xi32>
    %swap3A_639 = vector.shape_cast %get3A_635 : vector<16xi32> to vector<16xi32>
    tpu.vector_store %arg13[%swap3A_636], %swap3A_639 {strides = array<i32>} : memref<128xi32, #tpu.memory_space<vmem>>, vector<16xi32>,
    %dma_start3A_640 = arith.constant 0 : i32
    %dma_start3A_641 = tpu.memref_slice %arg5[%dma_start3A_640] : memref<2560xi32, #tpu.memory_space<hbm>> -> memref<2560xi32, #tpu.memory_space<hbm>>
    tpu.enqueue_indirect_dma source(%dma_start3A_641 : memref<2560xi32, #tpu.memory_space<hbm>>) target(%arg14 : memref<128xi32, #tpu.memory_space<vmem>>) offsets(%arg13 : memref<128xi32, #tpu.memory_space<vmem>>) semaphore(%arg21 : memref<!tpu.dma_semaphore, #tpu.memory_space<semaphore_mem>>)
    %dma_wait3A_642 = arith.constant 0 : i32
    %dma_wait3A_643 = tpu.memref_slice %arg5[%dma_wait3A_642] : memref<2560xi32, #tpu.memory_space<hbm>> -> memref<2560xi32, #tpu.memory_space<hbm>>
    tpu.wait_indirect_dma semaphore(%arg21 : memref<!tpu.dma_semaphore, #tpu.memory_space<semaphore_mem>>) src(%dma_wait3A_643 : memref<2560xi32, #tpu.memory_space<hbm>>) dst(%arg14 : memref<128xi32, #tpu.memory_space<vmem>>)
    %add3A_644 = arith.constant 1152 : i32
    %add3A_645 = arith.addi %mul3A_4, %add3A_644 : i32
    "tpu.region"() ({
      %run_scoped3A = tpu.sem_alloc : memref<!tpu.dma_semaphore, #tpu.memory_space<semaphore_mem>>
      %dma_start3A_743 = arith.constant 0 : i32
      %dma_start3A_744 = tpu.memref_slice %arg14[%dma_start3A_743] : memref<128xi32, #tpu.memory_space<vmem>> -> memref<32xi32, #tpu.memory_space<vmem>>
      %dma_start3A_745 = tpu.memref_slice %arg10[%add3A_645] : memref<37888xi32, #tpu.memory_space<hbm>> -> memref<32xi32, #tpu.memory_space<hbm>>
      %dma_start3A_746 = tpu.memref_slice %arg10[%add3A_645] : memref<37888xi32, #tpu.memory_space<hbm>> -> memref<32xi32, #tpu.memory_space<hbm>>
      %dma_start3A_747 = arith.constant 0 : i32
      %dma_start3A_748 = tpu.memref_slice %arg14[%dma_start3A_747] : memref<128xi32, #tpu.memory_space<vmem>> -> memref<32xi32, #tpu.memory_space<vmem>>
      tpu.enqueue_dma source(%dma_start3A_748 : memref<32xi32, #tpu.memory_space<vmem>>) target(%dma_start3A_746 : memref<32xi32, #tpu.memory_space<hbm>>) target_semaphore(%run_scoped3A : memref<!tpu.dma_semaphore, #tpu.memory_space<semaphore_mem>>)
      %dma_wait3A_749 = arith.constant 0 : i32
      %dma_wait3A_750 = tpu.memref_slice %arg14[%dma_wait3A_749] : memref<128xi32, #tpu.memory_space<vmem>> -> memref<32xi32, #tpu.memory_space<vmem>>
      %dma_wait3A_751 = tpu.memref_slice %arg10[%add3A_645] : memref<37888xi32, #tpu.memory_space<hbm>> -> memref<32xi32, #tpu.memory_space<hbm>>
      %dma_wait3A_752 = tpu.memref_slice %arg10[%add3A_645] : memref<37888xi32, #tpu.memory_space<hbm>> -> memref<32xi32, #tpu.memory_space<hbm>>
      %dma_wait3A_753 = arith.constant 0 : i32
      %dma_wait3A_754 = tpu.memref_slice %arg14[%dma_wait3A_753] : memref<128xi32, #tpu.memory_space<vmem>> -> memref<32xi32, #tpu.memory_space<vmem>>
      tpu.wait_dma2 semaphore(%run_scoped3A : memref<!tpu.dma_semaphore, #tpu.memory_space<semaphore_mem>>) src(%dma_wait3A_754 : memref<32xi32, #tpu.memory_space<vmem>>) dst(%dma_wait3A_752 : memref<32xi32, #tpu.memory_space<hbm>>)
      tpu.yield
    }) : () -> ()
    "tpu.region"() ({
      %run_scoped3A = tpu.sem_alloc : memref<!tpu.dma_semaphore, #tpu.memory_space<semaphore_mem>>
      %dma_start3A_743 = arith.constant 0 : i32
      %dma_start3A_744 = tpu.memref_slice %arg4[%mul3A_2, %dma_start3A_743] : memref<2560x256xf32, #tpu.memory_space<hbm>> -> memref<80x256xf32, #tpu.memory_space<hbm>>
      %dma_start3A_745 = arith.constant 0 : i32
      %dma_start3A_746 = tpu.memref_slice %arg4[%mul3A_2, %dma_start3A_745] : memref<2560x256xf32, #tpu.memory_space<hbm>> -> memref<80x256xf32, #tpu.memory_space<hbm>>
      tpu.enqueue_dma source(%dma_start3A_746 : memref<80x256xf32, #tpu.memory_space<hbm>>) target(%arg15 : memref<80x256xf32, #tpu.memory_space<vmem>>) target_semaphore(%run_scoped3A : memref<!tpu.dma_semaphore, #tpu.memory_space<semaphore_mem>>)
      %dma_wait3A_747 = arith.constant 0 : i32
      %dma_wait3A_748 = tpu.memref_slice %arg4[%mul3A_2, %dma_wait3A_747] : memref<2560x256xf32, #tpu.memory_space<hbm>> -> memref<80x256xf32, #tpu.memory_space<hbm>>
      %dma_wait3A_749 = arith.constant 0 : i32
      %dma_wait3A_750 = tpu.memref_slice %arg4[%mul3A_2, %dma_wait3A_749] : memref<2560x256xf32, #tpu.memory_space<hbm>> -> memref<80x256xf32, #tpu.memory_space<hbm>>
      tpu.wait_dma2 semaphore(%run_scoped3A : memref<!tpu.dma_semaphore, #tpu.memory_space<semaphore_mem>>) src(%dma_wait3A_750 : memref<80x256xf32, #tpu.memory_space<hbm>>) dst(%arg15 : memref<80x256xf32, #tpu.memory_space<vmem>>)
      tpu.yield
    }) : () -> ()
    "tpu.region"() ({
      %run_scoped3A = tpu.sem_alloc : memref<!tpu.dma_semaphore, #tpu.memory_space<semaphore_mem>>
      %dma_start3A_743 = tpu.memref_slice %arg5[%mul3A_2] : memref<2560xi32, #tpu.memory_space<hbm>> -> memref<80xi32, #tpu.memory_space<hbm>>
      %dma_start3A_744 = tpu.memref_slice %arg5[%mul3A_2] : memref<2560xi32, #tpu.memory_space<hbm>> -> memref<80xi32, #tpu.memory_space<hbm>>
      tpu.enqueue_dma source(%dma_start3A_744 : memref<80xi32, #tpu.memory_space<hbm>>) target(%arg16 : memref<80xi32, #tpu.memory_space<vmem>>) target_semaphore(%run_scoped3A : memref<!tpu.dma_semaphore, #tpu.memory_space<semaphore_mem>>)
      %dma_wait3A_745 = tpu.memref_slice %arg5[%mul3A_2] : memref<2560xi32, #tpu.memory_space<hbm>> -> memref<80xi32, #tpu.memory_space<hbm>>
      %dma_wait3A_746 = tpu.memref_slice %arg5[%mul3A_2] : memref<2560xi32, #tpu.memory_space<hbm>> -> memref<80xi32, #tpu.memory_space<hbm>>
      tpu.wait_dma2 semaphore(%run_scoped3A : memref<!tpu.dma_semaphore, #tpu.memory_space<semaphore_mem>>) src(%dma_wait3A_746 : memref<80xi32, #tpu.memory_space<hbm>>) dst(%arg16 : memref<80xi32, #tpu.memory_space<vmem>>)
      tpu.yield
    }) : () -> ()
    %dma_start3A_646 = arith.constant 0 : i32
    %dma_start3A_647 = arith.constant 0 : i32
    %dma_start3A_648 = tpu.memref_slice %arg2[%dma_start3A_646, %dma_start3A_647] : memref<10016x256xf32, #tpu.memory_space<hbm>> -> memref<10016x256xf32, #tpu.memory_space<hbm>>
    tpu.enqueue_indirect_dma source(%dma_start3A_648 : memref<10016x256xf32, #tpu.memory_space<hbm>>) target(%arg17 : memref<80x256xf32, #tpu.memory_space<vmem>>) offsets(%arg16 : memref<80xi32, #tpu.memory_space<vmem>>) semaphore(%arg21 : memref<!tpu.dma_semaphore, #tpu.memory_space<semaphore_mem>>)
    %dma_wait3A_649 = arith.constant 0 : i32
    %dma_wait3A_650 = arith.constant 0 : i32
    %dma_wait3A_651 = tpu.memref_slice %arg2[%dma_wait3A_649, %dma_wait3A_650] : memref<10016x256xf32, #tpu.memory_space<hbm>> -> memref<10016x256xf32, #tpu.memory_space<hbm>>
    tpu.wait_indirect_dma semaphore(%arg21 : memref<!tpu.dma_semaphore, #tpu.memory_space<semaphore_mem>>) src(%dma_wait3A_651 : memref<10016x256xf32, #tpu.memory_space<hbm>>) dst(%arg17 : memref<80x256xf32, #tpu.memory_space<vmem>>)
    %dma_start3A_652 = arith.constant 0 : i32
    %dma_start3A_653 = arith.constant 0 : i32
    %dma_start3A_654 = tpu.memref_slice %arg3[%dma_start3A_652, %dma_start3A_653] : memref<10016x256xf32, #tpu.memory_space<hbm>> -> memref<10016x256xf32, #tpu.memory_space<hbm>>
    tpu.enqueue_indirect_dma source(%dma_start3A_654 : memref<10016x256xf32, #tpu.memory_space<hbm>>) target(%arg18 : memref<80x256xf32, #tpu.memory_space<vmem>>) offsets(%arg16 : memref<80xi32, #tpu.memory_space<vmem>>) semaphore(%arg21 : memref<!tpu.dma_semaphore, #tpu.memory_space<semaphore_mem>>)
    %dma_wait3A_655 = arith.constant 0 : i32
    %dma_wait3A_656 = arith.constant 0 : i32
    %dma_wait3A_657 = tpu.memref_slice %arg3[%dma_wait3A_655, %dma_wait3A_656] : memref<10016x256xf32, #tpu.memory_space<hbm>> -> memref<10016x256xf32, #tpu.memory_space<hbm>>
    tpu.wait_indirect_dma semaphore(%arg21 : memref<!tpu.dma_semaphore, #tpu.memory_space<semaphore_mem>>) src(%dma_wait3A_657 : memref<10016x256xf32, #tpu.memory_space<hbm>>) dst(%arg18 : memref<80x256xf32, #tpu.memory_space<vmem>>)
    %broadcast_in_dim3A_658 = arith.constant 0.000000e+00 : f32
    %broadcast_in_dim3A_659 = vector.broadcast %broadcast_in_dim3A_658 : f32 to vector<16xf32>
    %scan3A = arith.constant 0 : i32
    %scan3A_660 = arith.constant 0 : i32
    %scan3A_661 = arith.constant 80 : i32
    %scan3A_662 = arith.addi %scan3A_660, %scan3A_661 : i32
    %scan3A_663 = arith.constant 1 : i32
    scf.for %scan3A_743 = %scan3A_660 to %scan3A_662 step %scan3A_663  : i32 {
      %get3A_744 = arith.index_cast %scan3A_743 : i32 to index
      %get3A_745 = arith.constant 0 : index
      %get3A_746 = tpu.vector_load %arg15[%get3A_744, %get3A_745] {strides = array<i32>} : memref<80x256xf32, #tpu.memory_space<vmem>>, vector<1x16xf32>,
      %get3A_747 = vector.shape_cast %get3A_746 : vector<1x16xf32> to vector<16xf32>
      %get3A_748 = arith.index_cast %scan3A_743 : i32 to index
      %get3A_749 = arith.constant 0 : index
      %get3A_750 = tpu.vector_load %arg17[%get3A_748, %get3A_749] {strides = array<i32>} : memref<80x256xf32, #tpu.memory_space<vmem>>, vector<1x16xf32>,
      %get3A_751 = vector.shape_cast %get3A_750 : vector<1x16xf32> to vector<16xf32>
      %get3A_752 = arith.constant 0 : index
      %get3A_753 = tpu.vector_load %arg11[%get3A_752] {strides = array<i32>} : memref<256xf32, #tpu.memory_space<vmem>>, vector<16xf32>,
      %get3A_754 = vector.shape_cast %get3A_753 : vector<16xf32> to vector<16xf32>
      %sub3A = arith.subf %get3A_747, %get3A_751 : vector<16xf32>
      %add3A_755 = arith.addf %sub3A, %get3A_754 : vector<16xf32>
      %max3A = arith.maximumf %add3A_755, %broadcast_in_dim3A_659 : vector<16xf32>
      %get3A_756 = arith.index_cast %scan3A_743 : i32 to index
      %get3A_757 = arith.constant 0 : index
      %get3A_758 = tpu.vector_load %arg18[%get3A_756, %get3A_757] {strides = array<i32>} : memref<80x256xf32, #tpu.memory_space<vmem>>, vector<1x16xf32>,
      %get3A_759 = vector.shape_cast %get3A_758 : vector<1x16xf32> to vector<16xf32>
      %add3A_760 = arith.addf %get3A_759, %max3A : vector<16xf32>
      %swap3A_761 = arith.index_cast %scan3A_743 : i32 to index
      %swap3A_762 = arith.constant 0 : index
      %swap3A_763 = tpu.vector_load %arg18[%swap3A_761, %swap3A_762] {strides = array<i32>} : memref<80x256xf32, #tpu.memory_space<vmem>>, vector<1x16xf32>,
      %swap3A_764 = vector.shape_cast %swap3A_763 : vector<1x16xf32> to vector<16xf32>
      %swap3A_765 = vector.shape_cast %add3A_760 : vector<16xf32> to vector<1x16xf32>
      tpu.vector_store %arg18[%swap3A_761, %swap3A_762], %swap3A_765 {strides = array<i32>} : memref<80x256xf32, #tpu.memory_space<vmem>>, vector<1x16xf32>,
      %get3A_766 = arith.index_cast %scan3A_743 : i32 to index
      %get3A_767 = arith.constant 16 : index
      %get3A_768 = tpu.vector_load %arg15[%get3A_766, %get3A_767] {strides = array<i32>} : memref<80x256xf32, #tpu.memory_space<vmem>>, vector<1x16xf32>,
      %get3A_769 = vector.shape_cast %get3A_768 : vector<1x16xf32> to vector<16xf32>
      %get3A_770 = arith.index_cast %scan3A_743 : i32 to index
      %get3A_771 = arith.constant 16 : index
      %get3A_772 = tpu.vector_load %arg17[%get3A_770, %get3A_771] {strides = array<i32>} : memref<80x256xf32, #tpu.memory_space<vmem>>, vector<1x16xf32>,
      %get3A_773 = vector.shape_cast %get3A_772 : vector<1x16xf32> to vector<16xf32>
      %get3A_774 = arith.constant 16 : index
      %get3A_775 = tpu.vector_load %arg11[%get3A_774] {strides = array<i32>} : memref<256xf32, #tpu.memory_space<vmem>>, vector<16xf32>,
      %get3A_776 = vector.shape_cast %get3A_775 : vector<16xf32> to vector<16xf32>
      %sub3A_777 = arith.subf %get3A_769, %get3A_773 : vector<16xf32>
      %add3A_778 = arith.addf %sub3A_777, %get3A_776 : vector<16xf32>
      %max3A_779 = arith.maximumf %add3A_778, %broadcast_in_dim3A_659 : vector<16xf32>
      %get3A_780 = arith.index_cast %scan3A_743 : i32 to index
      %get3A_781 = arith.constant 16 : index
      %get3A_782 = tpu.vector_load %arg18[%get3A_780, %get3A_781] {strides = array<i32>} : memref<80x256xf32, #tpu.memory_space<vmem>>, vector<1x16xf32>,
      %get3A_783 = vector.shape_cast %get3A_782 : vector<1x16xf32> to vector<16xf32>
      %add3A_784 = arith.addf %get3A_783, %max3A_779 : vector<16xf32>
      %swap3A_785 = arith.index_cast %scan3A_743 : i32 to index
      %swap3A_786 = arith.constant 16 : index
      %swap3A_787 = tpu.vector_load %arg18[%swap3A_785, %swap3A_786] {strides = array<i32>} : memref<80x256xf32, #tpu.memory_space<vmem>>, vector<1x16xf32>,
      %swap3A_788 = vector.shape_cast %swap3A_787 : vector<1x16xf32> to vector<16xf32>
      %swap3A_789 = vector.shape_cast %add3A_784 : vector<16xf32> to vector<1x16xf32>
      tpu.vector_store %arg18[%swap3A_785, %swap3A_786], %swap3A_789 {strides = array<i32>} : memref<80x256xf32, #tpu.memory_space<vmem>>, vector<1x16xf32>,
      %get3A_790 = arith.index_cast %scan3A_743 : i32 to index
      %get3A_791 = arith.constant 32 : index
      %get3A_792 = tpu.vector_load %arg15[%get3A_790, %get3A_791] {strides = array<i32>} : memref<80x256xf32, #tpu.memory_space<vmem>>, vector<1x16xf32>,
      %get3A_793 = vector.shape_cast %get3A_792 : vector<1x16xf32> to vector<16xf32>
      %get3A_794 = arith.index_cast %scan3A_743 : i32 to index
      %get3A_795 = arith.constant 32 : index
      %get3A_796 = tpu.vector_load %arg17[%get3A_794, %get3A_795] {strides = array<i32>} : memref<80x256xf32, #tpu.memory_space<vmem>>, vector<1x16xf32>,
      %get3A_797 = vector.shape_cast %get3A_796 : vector<1x16xf32> to vector<16xf32>
      %get3A_798 = arith.constant 32 : index
      %get3A_799 = tpu.vector_load %arg11[%get3A_798] {strides = array<i32>} : memref<256xf32, #tpu.memory_space<vmem>>, vector<16xf32>,
      %get3A_800 = vector.shape_cast %get3A_799 : vector<16xf32> to vector<16xf32>
      %sub3A_801 = arith.subf %get3A_793, %get3A_797 : vector<16xf32>
      %add3A_802 = arith.addf %sub3A_801, %get3A_800 : vector<16xf32>
      %max3A_803 = arith.maximumf %add3A_802, %broadcast_in_dim3A_659 : vector<16xf32>
      %get3A_804 = arith.index_cast %scan3A_743 : i32 to index
      %get3A_805 = arith.constant 32 : index
      %get3A_806 = tpu.vector_load %arg18[%get3A_804, %get3A_805] {strides = array<i32>} : memref<80x256xf32, #tpu.memory_space<vmem>>, vector<1x16xf32>,
      %get3A_807 = vector.shape_cast %get3A_806 : vector<1x16xf32> to vector<16xf32>
      %add3A_808 = arith.addf %get3A_807, %max3A_803 : vector<16xf32>
      %swap3A_809 = arith.index_cast %scan3A_743 : i32 to index
      %swap3A_810 = arith.constant 32 : index
      %swap3A_811 = tpu.vector_load %arg18[%swap3A_809, %swap3A_810] {strides = array<i32>} : memref<80x256xf32, #tpu.memory_space<vmem>>, vector<1x16xf32>,
      %swap3A_812 = vector.shape_cast %swap3A_811 : vector<1x16xf32> to vector<16xf32>
      %swap3A_813 = vector.shape_cast %add3A_808 : vector<16xf32> to vector<1x16xf32>
      tpu.vector_store %arg18[%swap3A_809, %swap3A_810], %swap3A_813 {strides = array<i32>} : memref<80x256xf32, #tpu.memory_space<vmem>>, vector<1x16xf32>,
      %get3A_814 = arith.index_cast %scan3A_743 : i32 to index
      %get3A_815 = arith.constant 48 : index
      %get3A_816 = tpu.vector_load %arg15[%get3A_814, %get3A_815] {strides = array<i32>} : memref<80x256xf32, #tpu.memory_space<vmem>>, vector<1x16xf32>,
      %get3A_817 = vector.shape_cast %get3A_816 : vector<1x16xf32> to vector<16xf32>
      %get3A_818 = arith.index_cast %scan3A_743 : i32 to index
      %get3A_819 = arith.constant 48 : index
      %get3A_820 = tpu.vector_load %arg17[%get3A_818, %get3A_819] {strides = array<i32>} : memref<80x256xf32, #tpu.memory_space<vmem>>, vector<1x16xf32>,
      %get3A_821 = vector.shape_cast %get3A_820 : vector<1x16xf32> to vector<16xf32>
      %get3A_822 = arith.constant 48 : index
      %get3A_823 = tpu.vector_load %arg11[%get3A_822] {strides = array<i32>} : memref<256xf32, #tpu.memory_space<vmem>>, vector<16xf32>,
      %get3A_824 = vector.shape_cast %get3A_823 : vector<16xf32> to vector<16xf32>
      %sub3A_825 = arith.subf %get3A_817, %get3A_821 : vector<16xf32>
      %add3A_826 = arith.addf %sub3A_825, %get3A_824 : vector<16xf32>
      %max3A_827 = arith.maximumf %add3A_826, %broadcast_in_dim3A_659 : vector<16xf32>
      %get3A_828 = arith.index_cast %scan3A_743 : i32 to index
      %get3A_829 = arith.constant 48 : index
      %get3A_830 = tpu.vector_load %arg18[%get3A_828, %get3A_829] {strides = array<i32>} : memref<80x256xf32, #tpu.memory_space<vmem>>, vector<1x16xf32>,
      %get3A_831 = vector.shape_cast %get3A_830 : vector<1x16xf32> to vector<16xf32>
      %add3A_832 = arith.addf %get3A_831, %max3A_827 : vector<16xf32>
      %swap3A_833 = arith.index_cast %scan3A_743 : i32 to index
      %swap3A_834 = arith.constant 48 : index
      %swap3A_835 = tpu.vector_load %arg18[%swap3A_833, %swap3A_834] {strides = array<i32>} : memref<80x256xf32, #tpu.memory_space<vmem>>, vector<1x16xf32>,
      %swap3A_836 = vector.shape_cast %swap3A_835 : vector<1x16xf32> to vector<16xf32>
      %swap3A_837 = vector.shape_cast %add3A_832 : vector<16xf32> to vector<1x16xf32>
      tpu.vector_store %arg18[%swap3A_833, %swap3A_834], %swap3A_837 {strides = array<i32>} : memref<80x256xf32, #tpu.memory_space<vmem>>, vector<1x16xf32>,
      %get3A_838 = arith.index_cast %scan3A_743 : i32 to index
      %get3A_839 = arith.constant 64 : index
      %get3A_840 = tpu.vector_load %arg15[%get3A_838, %get3A_839] {strides = array<i32>} : memref<80x256xf32, #tpu.memory_space<vmem>>, vector<1x16xf32>,
      %get3A_841 = vector.shape_cast %get3A_840 : vector<1x16xf32> to vector<16xf32>
      %get3A_842 = arith.index_cast %scan3A_743 : i32 to index
      %get3A_843 = arith.constant 64 : index
      %get3A_844 = tpu.vector_load %arg17[%get3A_842, %get3A_843] {strides = array<i32>} : memref<80x256xf32, #tpu.memory_space<vmem>>, vector<1x16xf32>,
      %get3A_845 = vector.shape_cast %get3A_844 : vector<1x16xf32> to vector<16xf32>
      %get3A_846 = arith.constant 64 : index
      %get3A_847 = tpu.vector_load %arg11[%get3A_846] {strides = array<i32>} : memref<256xf32, #tpu.memory_space<vmem>>, vector<16xf32>,
      %get3A_848 = vector.shape_cast %get3A_847 : vector<16xf32> to vector<16xf32>
      %sub3A_849 = arith.subf %get3A_841, %get3A_845 : vector<16xf32>
      %add3A_850 = arith.addf %sub3A_849, %get3A_848 : vector<16xf32>
      %max3A_851 = arith.maximumf %add3A_850, %broadcast_in_dim3A_659 : vector<16xf32>
      %get3A_852 = arith.index_cast %scan3A_743 : i32 to index
      %get3A_853 = arith.constant 64 : index
      %get3A_854 = tpu.vector_load %arg18[%get3A_852, %get3A_853] {strides = array<i32>} : memref<80x256xf32, #tpu.memory_space<vmem>>, vector<1x16xf32>,
      %get3A_855 = vector.shape_cast %get3A_854 : vector<1x16xf32> to vector<16xf32>
      %add3A_856 = arith.addf %get3A_855, %max3A_851 : vector<16xf32>
      %swap3A_857 = arith.index_cast %scan3A_743 : i32 to index
      %swap3A_858 = arith.constant 64 : index
      %swap3A_859 = tpu.vector_load %arg18[%swap3A_857, %swap3A_858] {strides = array<i32>} : memref<80x256xf32, #tpu.memory_space<vmem>>, vector<1x16xf32>,
      %swap3A_860 = vector.shape_cast %swap3A_859 : vector<1x16xf32> to vector<16xf32>
      %swap3A_861 = vector.shape_cast %add3A_856 : vector<16xf32> to vector<1x16xf32>
      tpu.vector_store %arg18[%swap3A_857, %swap3A_858], %swap3A_861 {strides = array<i32>} : memref<80x256xf32, #tpu.memory_space<vmem>>, vector<1x16xf32>,
      %get3A_862 = arith.index_cast %scan3A_743 : i32 to index
      %get3A_863 = arith.constant 80 : index
      %get3A_864 = tpu.vector_load %arg15[%get3A_862, %get3A_863] {strides = array<i32>} : memref<80x256xf32, #tpu.memory_space<vmem>>, vector<1x16xf32>,
      %get3A_865 = vector.shape_cast %get3A_864 : vector<1x16xf32> to vector<16xf32>
      %get3A_866 = arith.index_cast %scan3A_743 : i32 to index
      %get3A_867 = arith.constant 80 : index
      %get3A_868 = tpu.vector_load %arg17[%get3A_866, %get3A_867] {strides = array<i32>} : memref<80x256xf32, #tpu.memory_space<vmem>>, vector<1x16xf32>,
      %get3A_869 = vector.shape_cast %get3A_868 : vector<1x16xf32> to vector<16xf32>
      %get3A_870 = arith.constant 80 : index
      %get3A_871 = tpu.vector_load %arg11[%get3A_870] {strides = array<i32>} : memref<256xf32, #tpu.memory_space<vmem>>, vector<16xf32>,
      %get3A_872 = vector.shape_cast %get3A_871 : vector<16xf32> to vector<16xf32>
      %sub3A_873 = arith.subf %get3A_865, %get3A_869 : vector<16xf32>
      %add3A_874 = arith.addf %sub3A_873, %get3A_872 : vector<16xf32>
      %max3A_875 = arith.maximumf %add3A_874, %broadcast_in_dim3A_659 : vector<16xf32>
      %get3A_876 = arith.index_cast %scan3A_743 : i32 to index
      %get3A_877 = arith.constant 80 : index
      %get3A_878 = tpu.vector_load %arg18[%get3A_876, %get3A_877] {strides = array<i32>} : memref<80x256xf32, #tpu.memory_space<vmem>>, vector<1x16xf32>,
      %get3A_879 = vector.shape_cast %get3A_878 : vector<1x16xf32> to vector<16xf32>
      %add3A_880 = arith.addf %get3A_879, %max3A_875 : vector<16xf32>
      %swap3A_881 = arith.index_cast %scan3A_743 : i32 to index
      %swap3A_882 = arith.constant 80 : index
      %swap3A_883 = tpu.vector_load %arg18[%swap3A_881, %swap3A_882] {strides = array<i32>} : memref<80x256xf32, #tpu.memory_space<vmem>>, vector<1x16xf32>,
      %swap3A_884 = vector.shape_cast %swap3A_883 : vector<1x16xf32> to vector<16xf32>
      %swap3A_885 = vector.shape_cast %add3A_880 : vector<16xf32> to vector<1x16xf32>
      tpu.vector_store %arg18[%swap3A_881, %swap3A_882], %swap3A_885 {strides = array<i32>} : memref<80x256xf32, #tpu.memory_space<vmem>>, vector<1x16xf32>,
      %get3A_886 = arith.index_cast %scan3A_743 : i32 to index
      %get3A_887 = arith.constant 96 : index
      %get3A_888 = tpu.vector_load %arg15[%get3A_886, %get3A_887] {strides = array<i32>} : memref<80x256xf32, #tpu.memory_space<vmem>>, vector<1x16xf32>,
      %get3A_889 = vector.shape_cast %get3A_888 : vector<1x16xf32> to vector<16xf32>
      %get3A_890 = arith.index_cast %scan3A_743 : i32 to index
      %get3A_891 = arith.constant 96 : index
      %get3A_892 = tpu.vector_load %arg17[%get3A_890, %get3A_891] {strides = array<i32>} : memref<80x256xf32, #tpu.memory_space<vmem>>, vector<1x16xf32>,
      %get3A_893 = vector.shape_cast %get3A_892 : vector<1x16xf32> to vector<16xf32>
      %get3A_894 = arith.constant 96 : index
      %get3A_895 = tpu.vector_load %arg11[%get3A_894] {strides = array<i32>} : memref<256xf32, #tpu.memory_space<vmem>>, vector<16xf32>,
      %get3A_896 = vector.shape_cast %get3A_895 : vector<16xf32> to vector<16xf32>
      %sub3A_897 = arith.subf %get3A_889, %get3A_893 : vector<16xf32>
      %add3A_898 = arith.addf %sub3A_897, %get3A_896 : vector<16xf32>
      %max3A_899 = arith.maximumf %add3A_898, %broadcast_in_dim3A_659 : vector<16xf32>
      %get3A_900 = arith.index_cast %scan3A_743 : i32 to index
      %get3A_901 = arith.constant 96 : index
      %get3A_902 = tpu.vector_load %arg18[%get3A_900, %get3A_901] {strides = array<i32>} : memref<80x256xf32, #tpu.memory_space<vmem>>, vector<1x16xf32>,
      %get3A_903 = vector.shape_cast %get3A_902 : vector<1x16xf32> to vector<16xf32>
      %add3A_904 = arith.addf %get3A_903, %max3A_899 : vector<16xf32>
      %swap3A_905 = arith.index_cast %scan3A_743 : i32 to index
      %swap3A_906 = arith.constant 96 : index
      %swap3A_907 = tpu.vector_load %arg18[%swap3A_905, %swap3A_906] {strides = array<i32>} : memref<80x256xf32, #tpu.memory_space<vmem>>, vector<1x16xf32>,
      %swap3A_908 = vector.shape_cast %swap3A_907 : vector<1x16xf32> to vector<16xf32>
      %swap3A_909 = vector.shape_cast %add3A_904 : vector<16xf32> to vector<1x16xf32>
      tpu.vector_store %arg18[%swap3A_905, %swap3A_906], %swap3A_909 {strides = array<i32>} : memref<80x256xf32, #tpu.memory_space<vmem>>, vector<1x16xf32>,
      %get3A_910 = arith.index_cast %scan3A_743 : i32 to index
      %get3A_911 = arith.constant 112 : index
      %get3A_912 = tpu.vector_load %arg15[%get3A_910, %get3A_911] {strides = array<i32>} : memref<80x256xf32, #tpu.memory_space<vmem>>, vector<1x16xf32>,
      %get3A_913 = vector.shape_cast %get3A_912 : vector<1x16xf32> to vector<16xf32>
      %get3A_914 = arith.index_cast %scan3A_743 : i32 to index
      %get3A_915 = arith.constant 112 : index
      %get3A_916 = tpu.vector_load %arg17[%get3A_914, %get3A_915] {strides = array<i32>} : memref<80x256xf32, #tpu.memory_space<vmem>>, vector<1x16xf32>,
      %get3A_917 = vector.shape_cast %get3A_916 : vector<1x16xf32> to vector<16xf32>
      %get3A_918 = arith.constant 112 : index
      %get3A_919 = tpu.vector_load %arg11[%get3A_918] {strides = array<i32>} : memref<256xf32, #tpu.memory_space<vmem>>, vector<16xf32>,
      %get3A_920 = vector.shape_cast %get3A_919 : vector<16xf32> to vector<16xf32>
      %sub3A_921 = arith.subf %get3A_913, %get3A_917 : vector<16xf32>
      %add3A_922 = arith.addf %sub3A_921, %get3A_920 : vector<16xf32>
      %max3A_923 = arith.maximumf %add3A_922, %broadcast_in_dim3A_659 : vector<16xf32>
      %get3A_924 = arith.index_cast %scan3A_743 : i32 to index
      %get3A_925 = arith.constant 112 : index
      %get3A_926 = tpu.vector_load %arg18[%get3A_924, %get3A_925] {strides = array<i32>} : memref<80x256xf32, #tpu.memory_space<vmem>>, vector<1x16xf32>,
      %get3A_927 = vector.shape_cast %get3A_926 : vector<1x16xf32> to vector<16xf32>
      %add3A_928 = arith.addf %get3A_927, %max3A_923 : vector<16xf32>
      %swap3A_929 = arith.index_cast %scan3A_743 : i32 to index
      %swap3A_930 = arith.constant 112 : index
      %swap3A_931 = tpu.vector_load %arg18[%swap3A_929, %swap3A_930] {strides = array<i32>} : memref<80x256xf32, #tpu.memory_space<vmem>>, vector<1x16xf32>,
      %swap3A_932 = vector.shape_cast %swap3A_931 : vector<1x16xf32> to vector<16xf32>
      %swap3A_933 = vector.shape_cast %add3A_928 : vector<16xf32> to vector<1x16xf32>
      tpu.vector_store %arg18[%swap3A_929, %swap3A_930], %swap3A_933 {strides = array<i32>} : memref<80x256xf32, #tpu.memory_space<vmem>>, vector<1x16xf32>,
      %get3A_934 = arith.index_cast %scan3A_743 : i32 to index
      %get3A_935 = arith.constant 128 : index
      %get3A_936 = tpu.vector_load %arg15[%get3A_934, %get3A_935] {strides = array<i32>} : memref<80x256xf32, #tpu.memory_space<vmem>>, vector<1x16xf32>,
      %get3A_937 = vector.shape_cast %get3A_936 : vector<1x16xf32> to vector<16xf32>
      %get3A_938 = arith.index_cast %scan3A_743 : i32 to index
      %get3A_939 = arith.constant 128 : index
      %get3A_940 = tpu.vector_load %arg17[%get3A_938, %get3A_939] {strides = array<i32>} : memref<80x256xf32, #tpu.memory_space<vmem>>, vector<1x16xf32>,
      %get3A_941 = vector.shape_cast %get3A_940 : vector<1x16xf32> to vector<16xf32>
      %get3A_942 = arith.constant 128 : index
      %get3A_943 = tpu.vector_load %arg11[%get3A_942] {strides = array<i32>} : memref<256xf32, #tpu.memory_space<vmem>>, vector<16xf32>,
      %get3A_944 = vector.shape_cast %get3A_943 : vector<16xf32> to vector<16xf32>
      %sub3A_945 = arith.subf %get3A_937, %get3A_941 : vector<16xf32>
      %add3A_946 = arith.addf %sub3A_945, %get3A_944 : vector<16xf32>
      %max3A_947 = arith.maximumf %add3A_946, %broadcast_in_dim3A_659 : vector<16xf32>
      %get3A_948 = arith.index_cast %scan3A_743 : i32 to index
      %get3A_949 = arith.constant 128 : index
      %get3A_950 = tpu.vector_load %arg18[%get3A_948, %get3A_949] {strides = array<i32>} : memref<80x256xf32, #tpu.memory_space<vmem>>, vector<1x16xf32>,
      %get3A_951 = vector.shape_cast %get3A_950 : vector<1x16xf32> to vector<16xf32>
      %add3A_952 = arith.addf %get3A_951, %max3A_947 : vector<16xf32>
      %swap3A_953 = arith.index_cast %scan3A_743 : i32 to index
      %swap3A_954 = arith.constant 128 : index
      %swap3A_955 = tpu.vector_load %arg18[%swap3A_953, %swap3A_954] {strides = array<i32>} : memref<80x256xf32, #tpu.memory_space<vmem>>, vector<1x16xf32>,
      %swap3A_956 = vector.shape_cast %swap3A_955 : vector<1x16xf32> to vector<16xf32>
      %swap3A_957 = vector.shape_cast %add3A_952 : vector<16xf32> to vector<1x16xf32>
      tpu.vector_store %arg18[%swap3A_953, %swap3A_954], %swap3A_957 {strides = array<i32>} : memref<80x256xf32, #tpu.memory_space<vmem>>, vector<1x16xf32>,
      %get3A_958 = arith.index_cast %scan3A_743 : i32 to index
      %get3A_959 = arith.constant 144 : index
      %get3A_960 = tpu.vector_load %arg15[%get3A_958, %get3A_959] {strides = array<i32>} : memref<80x256xf32, #tpu.memory_space<vmem>>, vector<1x16xf32>,
      %get3A_961 = vector.shape_cast %get3A_960 : vector<1x16xf32> to vector<16xf32>
      %get3A_962 = arith.index_cast %scan3A_743 : i32 to index
      %get3A_963 = arith.constant 144 : index
      %get3A_964 = tpu.vector_load %arg17[%get3A_962, %get3A_963] {strides = array<i32>} : memref<80x256xf32, #tpu.memory_space<vmem>>, vector<1x16xf32>,
      %get3A_965 = vector.shape_cast %get3A_964 : vector<1x16xf32> to vector<16xf32>
      %get3A_966 = arith.constant 144 : index
      %get3A_967 = tpu.vector_load %arg11[%get3A_966] {strides = array<i32>} : memref<256xf32, #tpu.memory_space<vmem>>, vector<16xf32>,
      %get3A_968 = vector.shape_cast %get3A_967 : vector<16xf32> to vector<16xf32>
      %sub3A_969 = arith.subf %get3A_961, %get3A_965 : vector<16xf32>
      %add3A_970 = arith.addf %sub3A_969, %get3A_968 : vector<16xf32>
      %max3A_971 = arith.maximumf %add3A_970, %broadcast_in_dim3A_659 : vector<16xf32>
      %get3A_972 = arith.index_cast %scan3A_743 : i32 to index
      %get3A_973 = arith.constant 144 : index
      %get3A_974 = tpu.vector_load %arg18[%get3A_972, %get3A_973] {strides = array<i32>} : memref<80x256xf32, #tpu.memory_space<vmem>>, vector<1x16xf32>,
      %get3A_975 = vector.shape_cast %get3A_974 : vector<1x16xf32> to vector<16xf32>
      %add3A_976 = arith.addf %get3A_975, %max3A_971 : vector<16xf32>
      %swap3A_977 = arith.index_cast %scan3A_743 : i32 to index
      %swap3A_978 = arith.constant 144 : index
      %swap3A_979 = tpu.vector_load %arg18[%swap3A_977, %swap3A_978] {strides = array<i32>} : memref<80x256xf32, #tpu.memory_space<vmem>>, vector<1x16xf32>,
      %swap3A_980 = vector.shape_cast %swap3A_979 : vector<1x16xf32> to vector<16xf32>
      %swap3A_981 = vector.shape_cast %add3A_976 : vector<16xf32> to vector<1x16xf32>
      tpu.vector_store %arg18[%swap3A_977, %swap3A_978], %swap3A_981 {strides = array<i32>} : memref<80x256xf32, #tpu.memory_space<vmem>>, vector<1x16xf32>,
      %get3A_982 = arith.index_cast %scan3A_743 : i32 to index
      %get3A_983 = arith.constant 160 : index
      %get3A_984 = tpu.vector_load %arg15[%get3A_982, %get3A_983] {strides = array<i32>} : memref<80x256xf32, #tpu.memory_space<vmem>>, vector<1x16xf32>,
      %get3A_985 = vector.shape_cast %get3A_984 : vector<1x16xf32> to vector<16xf32>
      %get3A_986 = arith.index_cast %scan3A_743 : i32 to index
      %get3A_987 = arith.constant 160 : index
      %get3A_988 = tpu.vector_load %arg17[%get3A_986, %get3A_987] {strides = array<i32>} : memref<80x256xf32, #tpu.memory_space<vmem>>, vector<1x16xf32>,
      %get3A_989 = vector.shape_cast %get3A_988 : vector<1x16xf32> to vector<16xf32>
      %get3A_990 = arith.constant 160 : index
      %get3A_991 = tpu.vector_load %arg11[%get3A_990] {strides = array<i32>} : memref<256xf32, #tpu.memory_space<vmem>>, vector<16xf32>,
      %get3A_992 = vector.shape_cast %get3A_991 : vector<16xf32> to vector<16xf32>
      %sub3A_993 = arith.subf %get3A_985, %get3A_989 : vector<16xf32>
      %add3A_994 = arith.addf %sub3A_993, %get3A_992 : vector<16xf32>
      %max3A_995 = arith.maximumf %add3A_994, %broadcast_in_dim3A_659 : vector<16xf32>
      %get3A_996 = arith.index_cast %scan3A_743 : i32 to index
      %get3A_997 = arith.constant 160 : index
      %get3A_998 = tpu.vector_load %arg18[%get3A_996, %get3A_997] {strides = array<i32>} : memref<80x256xf32, #tpu.memory_space<vmem>>, vector<1x16xf32>,
      %get3A_999 = vector.shape_cast %get3A_998 : vector<1x16xf32> to vector<16xf32>
      %add3A_1000 = arith.addf %get3A_999, %max3A_995 : vector<16xf32>
      %swap3A_1001 = arith.index_cast %scan3A_743 : i32 to index
      %swap3A_1002 = arith.constant 160 : index
      %swap3A_1003 = tpu.vector_load %arg18[%swap3A_1001, %swap3A_1002] {strides = array<i32>} : memref<80x256xf32, #tpu.memory_space<vmem>>, vector<1x16xf32>,
      %swap3A_1004 = vector.shape_cast %swap3A_1003 : vector<1x16xf32> to vector<16xf32>
      %swap3A_1005 = vector.shape_cast %add3A_1000 : vector<16xf32> to vector<1x16xf32>
      tpu.vector_store %arg18[%swap3A_1001, %swap3A_1002], %swap3A_1005 {strides = array<i32>} : memref<80x256xf32, #tpu.memory_space<vmem>>, vector<1x16xf32>,
      %get3A_1006 = arith.index_cast %scan3A_743 : i32 to index
      %get3A_1007 = arith.constant 176 : index
      %get3A_1008 = tpu.vector_load %arg15[%get3A_1006, %get3A_1007] {strides = array<i32>} : memref<80x256xf32, #tpu.memory_space<vmem>>, vector<1x16xf32>,
      %get3A_1009 = vector.shape_cast %get3A_1008 : vector<1x16xf32> to vector<16xf32>
      %get3A_1010 = arith.index_cast %scan3A_743 : i32 to index
      %get3A_1011 = arith.constant 176 : index
      %get3A_1012 = tpu.vector_load %arg17[%get3A_1010, %get3A_1011] {strides = array<i32>} : memref<80x256xf32, #tpu.memory_space<vmem>>, vector<1x16xf32>,
      %get3A_1013 = vector.shape_cast %get3A_1012 : vector<1x16xf32> to vector<16xf32>
      %get3A_1014 = arith.constant 176 : index
      %get3A_1015 = tpu.vector_load %arg11[%get3A_1014] {strides = array<i32>} : memref<256xf32, #tpu.memory_space<vmem>>, vector<16xf32>,
      %get3A_1016 = vector.shape_cast %get3A_1015 : vector<16xf32> to vector<16xf32>
      %sub3A_1017 = arith.subf %get3A_1009, %get3A_1013 : vector<16xf32>
      %add3A_1018 = arith.addf %sub3A_1017, %get3A_1016 : vector<16xf32>
      %max3A_1019 = arith.maximumf %add3A_1018, %broadcast_in_dim3A_659 : vector<16xf32>
      %get3A_1020 = arith.index_cast %scan3A_743 : i32 to index
      %get3A_1021 = arith.constant 176 : index
      %get3A_1022 = tpu.vector_load %arg18[%get3A_1020, %get3A_1021] {strides = array<i32>} : memref<80x256xf32, #tpu.memory_space<vmem>>, vector<1x16xf32>,
      %get3A_1023 = vector.shape_cast %get3A_1022 : vector<1x16xf32> to vector<16xf32>
      %add3A_1024 = arith.addf %get3A_1023, %max3A_1019 : vector<16xf32>
      %swap3A_1025 = arith.index_cast %scan3A_743 : i32 to index
      %swap3A_1026 = arith.constant 176 : index
      %swap3A_1027 = tpu.vector_load %arg18[%swap3A_1025, %swap3A_1026] {strides = array<i32>} : memref<80x256xf32, #tpu.memory_space<vmem>>, vector<1x16xf32>,
      %swap3A_1028 = vector.shape_cast %swap3A_1027 : vector<1x16xf32> to vector<16xf32>
      %swap3A_1029 = vector.shape_cast %add3A_1024 : vector<16xf32> to vector<1x16xf32>
      tpu.vector_store %arg18[%swap3A_1025, %swap3A_1026], %swap3A_1029 {strides = array<i32>} : memref<80x256xf32, #tpu.memory_space<vmem>>, vector<1x16xf32>,
      %get3A_1030 = arith.index_cast %scan3A_743 : i32 to index
      %get3A_1031 = arith.constant 192 : index
      %get3A_1032 = tpu.vector_load %arg15[%get3A_1030, %get3A_1031] {strides = array<i32>} : memref<80x256xf32, #tpu.memory_space<vmem>>, vector<1x16xf32>,
      %get3A_1033 = vector.shape_cast %get3A_1032 : vector<1x16xf32> to vector<16xf32>
      %get3A_1034 = arith.index_cast %scan3A_743 : i32 to index
      %get3A_1035 = arith.constant 192 : index
      %get3A_1036 = tpu.vector_load %arg17[%get3A_1034, %get3A_1035] {strides = array<i32>} : memref<80x256xf32, #tpu.memory_space<vmem>>, vector<1x16xf32>,
      %get3A_1037 = vector.shape_cast %get3A_1036 : vector<1x16xf32> to vector<16xf32>
      %get3A_1038 = arith.constant 192 : index
      %get3A_1039 = tpu.vector_load %arg11[%get3A_1038] {strides = array<i32>} : memref<256xf32, #tpu.memory_space<vmem>>, vector<16xf32>,
      %get3A_1040 = vector.shape_cast %get3A_1039 : vector<16xf32> to vector<16xf32>
      %sub3A_1041 = arith.subf %get3A_1033, %get3A_1037 : vector<16xf32>
      %add3A_1042 = arith.addf %sub3A_1041, %get3A_1040 : vector<16xf32>
      %max3A_1043 = arith.maximumf %add3A_1042, %broadcast_in_dim3A_659 : vector<16xf32>
      %get3A_1044 = arith.index_cast %scan3A_743 : i32 to index
      %get3A_1045 = arith.constant 192 : index
      %get3A_1046 = tpu.vector_load %arg18[%get3A_1044, %get3A_1045] {strides = array<i32>} : memref<80x256xf32, #tpu.memory_space<vmem>>, vector<1x16xf32>,
      %get3A_1047 = vector.shape_cast %get3A_1046 : vector<1x16xf32> to vector<16xf32>
      %add3A_1048 = arith.addf %get3A_1047, %max3A_1043 : vector<16xf32>
      %swap3A_1049 = arith.index_cast %scan3A_743 : i32 to index
      %swap3A_1050 = arith.constant 192 : index
      %swap3A_1051 = tpu.vector_load %arg18[%swap3A_1049, %swap3A_1050] {strides = array<i32>} : memref<80x256xf32, #tpu.memory_space<vmem>>, vector<1x16xf32>,
      %swap3A_1052 = vector.shape_cast %swap3A_1051 : vector<1x16xf32> to vector<16xf32>
      %swap3A_1053 = vector.shape_cast %add3A_1048 : vector<16xf32> to vector<1x16xf32>
      tpu.vector_store %arg18[%swap3A_1049, %swap3A_1050], %swap3A_1053 {strides = array<i32>} : memref<80x256xf32, #tpu.memory_space<vmem>>, vector<1x16xf32>,
      %get3A_1054 = arith.index_cast %scan3A_743 : i32 to index
      %get3A_1055 = arith.constant 208 : index
      %get3A_1056 = tpu.vector_load %arg15[%get3A_1054, %get3A_1055] {strides = array<i32>} : memref<80x256xf32, #tpu.memory_space<vmem>>, vector<1x16xf32>,
      %get3A_1057 = vector.shape_cast %get3A_1056 : vector<1x16xf32> to vector<16xf32>
      %get3A_1058 = arith.index_cast %scan3A_743 : i32 to index
      %get3A_1059 = arith.constant 208 : index
      %get3A_1060 = tpu.vector_load %arg17[%get3A_1058, %get3A_1059] {strides = array<i32>} : memref<80x256xf32, #tpu.memory_space<vmem>>, vector<1x16xf32>,
      %get3A_1061 = vector.shape_cast %get3A_1060 : vector<1x16xf32> to vector<16xf32>
      %get3A_1062 = arith.constant 208 : index
      %get3A_1063 = tpu.vector_load %arg11[%get3A_1062] {strides = array<i32>} : memref<256xf32, #tpu.memory_space<vmem>>, vector<16xf32>,
      %get3A_1064 = vector.shape_cast %get3A_1063 : vector<16xf32> to vector<16xf32>
      %sub3A_1065 = arith.subf %get3A_1057, %get3A_1061 : vector<16xf32>
      %add3A_1066 = arith.addf %sub3A_1065, %get3A_1064 : vector<16xf32>
      %max3A_1067 = arith.maximumf %add3A_1066, %broadcast_in_dim3A_659 : vector<16xf32>
      %get3A_1068 = arith.index_cast %scan3A_743 : i32 to index
      %get3A_1069 = arith.constant 208 : index
      %get3A_1070 = tpu.vector_load %arg18[%get3A_1068, %get3A_1069] {strides = array<i32>} : memref<80x256xf32, #tpu.memory_space<vmem>>, vector<1x16xf32>,
      %get3A_1071 = vector.shape_cast %get3A_1070 : vector<1x16xf32> to vector<16xf32>
      %add3A_1072 = arith.addf %get3A_1071, %max3A_1067 : vector<16xf32>
      %swap3A_1073 = arith.index_cast %scan3A_743 : i32 to index
      %swap3A_1074 = arith.constant 208 : index
      %swap3A_1075 = tpu.vector_load %arg18[%swap3A_1073, %swap3A_1074] {strides = array<i32>} : memref<80x256xf32, #tpu.memory_space<vmem>>, vector<1x16xf32>,
      %swap3A_1076 = vector.shape_cast %swap3A_1075 : vector<1x16xf32> to vector<16xf32>
      %swap3A_1077 = vector.shape_cast %add3A_1072 : vector<16xf32> to vector<1x16xf32>
      tpu.vector_store %arg18[%swap3A_1073, %swap3A_1074], %swap3A_1077 {strides = array<i32>} : memref<80x256xf32, #tpu.memory_space<vmem>>, vector<1x16xf32>,
      %get3A_1078 = arith.index_cast %scan3A_743 : i32 to index
      %get3A_1079 = arith.constant 224 : index
      %get3A_1080 = tpu.vector_load %arg15[%get3A_1078, %get3A_1079] {strides = array<i32>} : memref<80x256xf32, #tpu.memory_space<vmem>>, vector<1x16xf32>,
      %get3A_1081 = vector.shape_cast %get3A_1080 : vector<1x16xf32> to vector<16xf32>
      %get3A_1082 = arith.index_cast %scan3A_743 : i32 to index
      %get3A_1083 = arith.constant 224 : index
      %get3A_1084 = tpu.vector_load %arg17[%get3A_1082, %get3A_1083] {strides = array<i32>} : memref<80x256xf32, #tpu.memory_space<vmem>>, vector<1x16xf32>,
      %get3A_1085 = vector.shape_cast %get3A_1084 : vector<1x16xf32> to vector<16xf32>
      %get3A_1086 = arith.constant 224 : index
      %get3A_1087 = tpu.vector_load %arg11[%get3A_1086] {strides = array<i32>} : memref<256xf32, #tpu.memory_space<vmem>>, vector<16xf32>,
      %get3A_1088 = vector.shape_cast %get3A_1087 : vector<16xf32> to vector<16xf32>
      %sub3A_1089 = arith.subf %get3A_1081, %get3A_1085 : vector<16xf32>
      %add3A_1090 = arith.addf %sub3A_1089, %get3A_1088 : vector<16xf32>
      %max3A_1091 = arith.maximumf %add3A_1090, %broadcast_in_dim3A_659 : vector<16xf32>
      %get3A_1092 = arith.index_cast %scan3A_743 : i32 to index
      %get3A_1093 = arith.constant 224 : index
      %get3A_1094 = tpu.vector_load %arg18[%get3A_1092, %get3A_1093] {strides = array<i32>} : memref<80x256xf32, #tpu.memory_space<vmem>>, vector<1x16xf32>,
      %get3A_1095 = vector.shape_cast %get3A_1094 : vector<1x16xf32> to vector<16xf32>
      %add3A_1096 = arith.addf %get3A_1095, %max3A_1091 : vector<16xf32>
      %swap3A_1097 = arith.index_cast %scan3A_743 : i32 to index
      %swap3A_1098 = arith.constant 224 : index
      %swap3A_1099 = tpu.vector_load %arg18[%swap3A_1097, %swap3A_1098] {strides = array<i32>} : memref<80x256xf32, #tpu.memory_space<vmem>>, vector<1x16xf32>,
      %swap3A_1100 = vector.shape_cast %swap3A_1099 : vector<1x16xf32> to vector<16xf32>
      %swap3A_1101 = vector.shape_cast %add3A_1096 : vector<16xf32> to vector<1x16xf32>
      tpu.vector_store %arg18[%swap3A_1097, %swap3A_1098], %swap3A_1101 {strides = array<i32>} : memref<80x256xf32, #tpu.memory_space<vmem>>, vector<1x16xf32>,
      %get3A_1102 = arith.index_cast %scan3A_743 : i32 to index
      %get3A_1103 = arith.constant 240 : index
      %get3A_1104 = tpu.vector_load %arg15[%get3A_1102, %get3A_1103] {strides = array<i32>} : memref<80x256xf32, #tpu.memory_space<vmem>>, vector<1x16xf32>,
      %get3A_1105 = vector.shape_cast %get3A_1104 : vector<1x16xf32> to vector<16xf32>
      %get3A_1106 = arith.index_cast %scan3A_743 : i32 to index
      %get3A_1107 = arith.constant 240 : index
      %get3A_1108 = tpu.vector_load %arg17[%get3A_1106, %get3A_1107] {strides = array<i32>} : memref<80x256xf32, #tpu.memory_space<vmem>>, vector<1x16xf32>,
      %get3A_1109 = vector.shape_cast %get3A_1108 : vector<1x16xf32> to vector<16xf32>
      %get3A_1110 = arith.constant 240 : index
      %get3A_1111 = tpu.vector_load %arg11[%get3A_1110] {strides = array<i32>} : memref<256xf32, #tpu.memory_space<vmem>>, vector<16xf32>,
      %get3A_1112 = vector.shape_cast %get3A_1111 : vector<16xf32> to vector<16xf32>
      %sub3A_1113 = arith.subf %get3A_1105, %get3A_1109 : vector<16xf32>
      %add3A_1114 = arith.addf %sub3A_1113, %get3A_1112 : vector<16xf32>
      %max3A_1115 = arith.maximumf %add3A_1114, %broadcast_in_dim3A_659 : vector<16xf32>
      %get3A_1116 = arith.index_cast %scan3A_743 : i32 to index
      %get3A_1117 = arith.constant 240 : index
      %get3A_1118 = tpu.vector_load %arg18[%get3A_1116, %get3A_1117] {strides = array<i32>} : memref<80x256xf32, #tpu.memory_space<vmem>>, vector<1x16xf32>,
      %get3A_1119 = vector.shape_cast %get3A_1118 : vector<1x16xf32> to vector<16xf32>
      %add3A_1120 = arith.addf %get3A_1119, %max3A_1115 : vector<16xf32>
      %swap3A_1121 = arith.index_cast %scan3A_743 : i32 to index
      %swap3A_1122 = arith.constant 240 : index
      %swap3A_1123 = tpu.vector_load %arg18[%swap3A_1121, %swap3A_1122] {strides = array<i32>} : memref<80x256xf32, #tpu.memory_space<vmem>>, vector<1x16xf32>,
      %swap3A_1124 = vector.shape_cast %swap3A_1123 : vector<1x16xf32> to vector<16xf32>
      %swap3A_1125 = vector.shape_cast %add3A_1120 : vector<16xf32> to vector<1x16xf32>
      tpu.vector_store %arg18[%swap3A_1121, %swap3A_1122], %swap3A_1125 {strides = array<i32>} : memref<80x256xf32, #tpu.memory_space<vmem>>, vector<1x16xf32>,
    }
    %scan3A_664 = arith.constant 80 : i32
    %dma_start3A_665 = arith.constant 0 : i32
    %dma_start3A_666 = arith.constant 0 : i32
    %dma_start3A_667 = tpu.memref_slice %arg9[%dma_start3A_665, %dma_start3A_666] : memref<10016x256xf32, #tpu.memory_space<hbm>> -> memref<10016x256xf32, #tpu.memory_space<hbm>>
    tpu.enqueue_indirect_dma source(%arg18 : memref<80x256xf32, #tpu.memory_space<vmem>>) target(%dma_start3A_667 : memref<10016x256xf32, #tpu.memory_space<hbm>>) offsets(%arg16 : memref<80xi32, #tpu.memory_space<vmem>>) semaphore(%arg21 : memref<!tpu.dma_semaphore, #tpu.memory_space<semaphore_mem>>)
    %dma_wait3A_668 = arith.constant 0 : i32
    %dma_wait3A_669 = arith.constant 0 : i32
    %dma_wait3A_670 = tpu.memref_slice %arg9[%dma_wait3A_668, %dma_wait3A_669] : memref<10016x256xf32, #tpu.memory_space<hbm>> -> memref<10016x256xf32, #tpu.memory_space<hbm>>
    tpu.wait_indirect_dma semaphore(%arg21 : memref<!tpu.dma_semaphore, #tpu.memory_space<semaphore_mem>>) src(%arg18 : memref<80x256xf32, #tpu.memory_space<vmem>>) dst(%dma_wait3A_670 : memref<10016x256xf32, #tpu.memory_space<hbm>>)
    %mul3A_671 = arith.constant 240 : i32
    %mul3A_672 = arith.muli %add3A, %mul3A_671 : i32
    %add3A_673 = arith.constant 0 : i32
    %add3A_674 = arith.addi %mul3A_672, %add3A_673 : i32
    "tpu.region"() ({
      %run_scoped3A = tpu.sem_alloc : memref<!tpu.dma_semaphore, #tpu.memory_space<semaphore_mem>>
      %dma_start3A_743 = tpu.memref_slice %arg6[%add3A_674] : memref<7680xi32, #tpu.memory_space<hbm>> -> memref<48xi32, #tpu.memory_space<hbm>>
      %dma_start3A_744 = tpu.memref_slice %arg6[%add3A_674] : memref<7680xi32, #tpu.memory_space<hbm>> -> memref<48xi32, #tpu.memory_space<hbm>>
      tpu.enqueue_dma source(%dma_start3A_744 : memref<48xi32, #tpu.memory_space<hbm>>) target(%arg19 : memref<48xi32, #tpu.memory_space<vmem>>) target_semaphore(%run_scoped3A : memref<!tpu.dma_semaphore, #tpu.memory_space<semaphore_mem>>)
      %dma_wait3A_745 = tpu.memref_slice %arg6[%add3A_674] : memref<7680xi32, #tpu.memory_space<hbm>> -> memref<48xi32, #tpu.memory_space<hbm>>
      %dma_wait3A_746 = tpu.memref_slice %arg6[%add3A_674] : memref<7680xi32, #tpu.memory_space<hbm>> -> memref<48xi32, #tpu.memory_space<hbm>>
      tpu.wait_dma2 semaphore(%run_scoped3A : memref<!tpu.dma_semaphore, #tpu.memory_space<semaphore_mem>>) src(%dma_wait3A_746 : memref<48xi32, #tpu.memory_space<hbm>>) dst(%arg19 : memref<48xi32, #tpu.memory_space<vmem>>)
      tpu.yield
    }) : () -> ()
    %dma_start3A_675 = arith.constant 0 : i32
    %dma_start3A_676 = arith.constant 0 : i32
    %dma_start3A_677 = tpu.memref_slice %arg3[%dma_start3A_675, %dma_start3A_676] : memref<10016x256xf32, #tpu.memory_space<hbm>> -> memref<10016x256xf32, #tpu.memory_space<hbm>>
    tpu.enqueue_indirect_dma source(%dma_start3A_677 : memref<10016x256xf32, #tpu.memory_space<hbm>>) target(%arg20 : memref<48x256xf32, #tpu.memory_space<vmem>>) offsets(%arg19 : memref<48xi32, #tpu.memory_space<vmem>>) semaphore(%arg21 : memref<!tpu.dma_semaphore, #tpu.memory_space<semaphore_mem>>)
    %dma_wait3A_678 = arith.constant 0 : i32
    %dma_wait3A_679 = arith.constant 0 : i32
    %dma_wait3A_680 = tpu.memref_slice %arg3[%dma_wait3A_678, %dma_wait3A_679] : memref<10016x256xf32, #tpu.memory_space<hbm>> -> memref<10016x256xf32, #tpu.memory_space<hbm>>
    tpu.wait_indirect_dma semaphore(%arg21 : memref<!tpu.dma_semaphore, #tpu.memory_space<semaphore_mem>>) src(%dma_wait3A_680 : memref<10016x256xf32, #tpu.memory_space<hbm>>) dst(%arg20 : memref<48x256xf32, #tpu.memory_space<vmem>>)
    %dma_start3A_681 = arith.constant 0 : i32
    %dma_start3A_682 = arith.constant 0 : i32
    %dma_start3A_683 = tpu.memref_slice %arg9[%dma_start3A_681, %dma_start3A_682] : memref<10016x256xf32, #tpu.memory_space<hbm>> -> memref<10016x256xf32, #tpu.memory_space<hbm>>
    tpu.enqueue_indirect_dma source(%arg20 : memref<48x256xf32, #tpu.memory_space<vmem>>) target(%dma_start3A_683 : memref<10016x256xf32, #tpu.memory_space<hbm>>) offsets(%arg19 : memref<48xi32, #tpu.memory_space<vmem>>) semaphore(%arg21 : memref<!tpu.dma_semaphore, #tpu.memory_space<semaphore_mem>>)
    %dma_wait3A_684 = arith.constant 0 : i32
    %dma_wait3A_685 = arith.constant 0 : i32
    %dma_wait3A_686 = tpu.memref_slice %arg9[%dma_wait3A_684, %dma_wait3A_685] : memref<10016x256xf32, #tpu.memory_space<hbm>> -> memref<10016x256xf32, #tpu.memory_space<hbm>>
    tpu.wait_indirect_dma semaphore(%arg21 : memref<!tpu.dma_semaphore, #tpu.memory_space<semaphore_mem>>) src(%arg20 : memref<48x256xf32, #tpu.memory_space<vmem>>) dst(%dma_wait3A_686 : memref<10016x256xf32, #tpu.memory_space<hbm>>)
    %add3A_687 = arith.constant 48 : i32
    %add3A_688 = arith.addi %mul3A_672, %add3A_687 : i32
    "tpu.region"() ({
      %run_scoped3A = tpu.sem_alloc : memref<!tpu.dma_semaphore, #tpu.memory_space<semaphore_mem>>
      %dma_start3A_743 = tpu.memref_slice %arg6[%add3A_688] : memref<7680xi32, #tpu.memory_space<hbm>> -> memref<48xi32, #tpu.memory_space<hbm>>
      %dma_start3A_744 = tpu.memref_slice %arg6[%add3A_688] : memref<7680xi32, #tpu.memory_space<hbm>> -> memref<48xi32, #tpu.memory_space<hbm>>
      tpu.enqueue_dma source(%dma_start3A_744 : memref<48xi32, #tpu.memory_space<hbm>>) target(%arg19 : memref<48xi32, #tpu.memory_space<vmem>>) target_semaphore(%run_scoped3A : memref<!tpu.dma_semaphore, #tpu.memory_space<semaphore_mem>>)
      %dma_wait3A_745 = tpu.memref_slice %arg6[%add3A_688] : memref<7680xi32, #tpu.memory_space<hbm>> -> memref<48xi32, #tpu.memory_space<hbm>>
      %dma_wait3A_746 = tpu.memref_slice %arg6[%add3A_688] : memref<7680xi32, #tpu.memory_space<hbm>> -> memref<48xi32, #tpu.memory_space<hbm>>
      tpu.wait_dma2 semaphore(%run_scoped3A : memref<!tpu.dma_semaphore, #tpu.memory_space<semaphore_mem>>) src(%dma_wait3A_746 : memref<48xi32, #tpu.memory_space<hbm>>) dst(%arg19 : memref<48xi32, #tpu.memory_space<vmem>>)
      tpu.yield
    }) : () -> ()
    %dma_start3A_689 = arith.constant 0 : i32
    %dma_start3A_690 = arith.constant 0 : i32
    %dma_start3A_691 = tpu.memref_slice %arg3[%dma_start3A_689, %dma_start3A_690] : memref<10016x256xf32, #tpu.memory_space<hbm>> -> memref<10016x256xf32, #tpu.memory_space<hbm>>
    tpu.enqueue_indirect_dma source(%dma_start3A_691 : memref<10016x256xf32, #tpu.memory_space<hbm>>) target(%arg20 : memref<48x256xf32, #tpu.memory_space<vmem>>) offsets(%arg19 : memref<48xi32, #tpu.memory_space<vmem>>) semaphore(%arg21 : memref<!tpu.dma_semaphore, #tpu.memory_space<semaphore_mem>>)
    %dma_wait3A_692 = arith.constant 0 : i32
    %dma_wait3A_693 = arith.constant 0 : i32
    %dma_wait3A_694 = tpu.memref_slice %arg3[%dma_wait3A_692, %dma_wait3A_693] : memref<10016x256xf32, #tpu.memory_space<hbm>> -> memref<10016x256xf32, #tpu.memory_space<hbm>>
    tpu.wait_indirect_dma semaphore(%arg21 : memref<!tpu.dma_semaphore, #tpu.memory_space<semaphore_mem>>) src(%dma_wait3A_694 : memref<10016x256xf32, #tpu.memory_space<hbm>>) dst(%arg20 : memref<48x256xf32, #tpu.memory_space<vmem>>)
    %dma_start3A_695 = arith.constant 0 : i32
    %dma_start3A_696 = arith.constant 0 : i32
    %dma_start3A_697 = tpu.memref_slice %arg9[%dma_start3A_695, %dma_start3A_696] : memref<10016x256xf32, #tpu.memory_space<hbm>> -> memref<10016x256xf32, #tpu.memory_space<hbm>>
    tpu.enqueue_indirect_dma source(%arg20 : memref<48x256xf32, #tpu.memory_space<vmem>>) target(%dma_start3A_697 : memref<10016x256xf32, #tpu.memory_space<hbm>>) offsets(%arg19 : memref<48xi32, #tpu.memory_space<vmem>>) semaphore(%arg21 : memref<!tpu.dma_semaphore, #tpu.memory_space<semaphore_mem>>)
    %dma_wait3A_698 = arith.constant 0 : i32
    %dma_wait3A_699 = arith.constant 0 : i32
    %dma_wait3A_700 = tpu.memref_slice %arg9[%dma_wait3A_698, %dma_wait3A_699] : memref<10016x256xf32, #tpu.memory_space<hbm>> -> memref<10016x256xf32, #tpu.memory_space<hbm>>
    tpu.wait_indirect_dma semaphore(%arg21 : memref<!tpu.dma_semaphore, #tpu.memory_space<semaphore_mem>>) src(%arg20 : memref<48x256xf32, #tpu.memory_space<vmem>>) dst(%dma_wait3A_700 : memref<10016x256xf32, #tpu.memory_space<hbm>>)
    %add3A_701 = arith.constant 96 : i32
    %add3A_702 = arith.addi %mul3A_672, %add3A_701 : i32
    "tpu.region"() ({
      %run_scoped3A = tpu.sem_alloc : memref<!tpu.dma_semaphore, #tpu.memory_space<semaphore_mem>>
      %dma_start3A_743 = tpu.memref_slice %arg6[%add3A_702] : memref<7680xi32, #tpu.memory_space<hbm>> -> memref<48xi32, #tpu.memory_space<hbm>>
      %dma_start3A_744 = tpu.memref_slice %arg6[%add3A_702] : memref<7680xi32, #tpu.memory_space<hbm>> -> memref<48xi32, #tpu.memory_space<hbm>>
      tpu.enqueue_dma source(%dma_start3A_744 : memref<48xi32, #tpu.memory_space<hbm>>) target(%arg19 : memref<48xi32, #tpu.memory_space<vmem>>) target_semaphore(%run_scoped3A : memref<!tpu.dma_semaphore, #tpu.memory_space<semaphore_mem>>)
      %dma_wait3A_745 = tpu.memref_slice %arg6[%add3A_702] : memref<7680xi32, #tpu.memory_space<hbm>> -> memref<48xi32, #tpu.memory_space<hbm>>
      %dma_wait3A_746 = tpu.memref_slice %arg6[%add3A_702] : memref<7680xi32, #tpu.memory_space<hbm>> -> memref<48xi32, #tpu.memory_space<hbm>>
      tpu.wait_dma2 semaphore(%run_scoped3A : memref<!tpu.dma_semaphore, #tpu.memory_space<semaphore_mem>>) src(%dma_wait3A_746 : memref<48xi32, #tpu.memory_space<hbm>>) dst(%arg19 : memref<48xi32, #tpu.memory_space<vmem>>)
      tpu.yield
    }) : () -> ()
    %dma_start3A_703 = arith.constant 0 : i32
    %dma_start3A_704 = arith.constant 0 : i32
    %dma_start3A_705 = tpu.memref_slice %arg3[%dma_start3A_703, %dma_start3A_704] : memref<10016x256xf32, #tpu.memory_space<hbm>> -> memref<10016x256xf32, #tpu.memory_space<hbm>>
    tpu.enqueue_indirect_dma source(%dma_start3A_705 : memref<10016x256xf32, #tpu.memory_space<hbm>>) target(%arg20 : memref<48x256xf32, #tpu.memory_space<vmem>>) offsets(%arg19 : memref<48xi32, #tpu.memory_space<vmem>>) semaphore(%arg21 : memref<!tpu.dma_semaphore, #tpu.memory_space<semaphore_mem>>)
    %dma_wait3A_706 = arith.constant 0 : i32
    %dma_wait3A_707 = arith.constant 0 : i32
    %dma_wait3A_708 = tpu.memref_slice %arg3[%dma_wait3A_706, %dma_wait3A_707] : memref<10016x256xf32, #tpu.memory_space<hbm>> -> memref<10016x256xf32, #tpu.memory_space<hbm>>
    tpu.wait_indirect_dma semaphore(%arg21 : memref<!tpu.dma_semaphore, #tpu.memory_space<semaphore_mem>>) src(%dma_wait3A_708 : memref<10016x256xf32, #tpu.memory_space<hbm>>) dst(%arg20 : memref<48x256xf32, #tpu.memory_space<vmem>>)
    %dma_start3A_709 = arith.constant 0 : i32
    %dma_start3A_710 = arith.constant 0 : i32
    %dma_start3A_711 = tpu.memref_slice %arg9[%dma_start3A_709, %dma_start3A_710] : memref<10016x256xf32, #tpu.memory_space<hbm>> -> memref<10016x256xf32, #tpu.memory_space<hbm>>
    tpu.enqueue_indirect_dma source(%arg20 : memref<48x256xf32, #tpu.memory_space<vmem>>) target(%dma_start3A_711 : memref<10016x256xf32, #tpu.memory_space<hbm>>) offsets(%arg19 : memref<48xi32, #tpu.memory_space<vmem>>) semaphore(%arg21 : memref<!tpu.dma_semaphore, #tpu.memory_space<semaphore_mem>>)
    %dma_wait3A_712 = arith.constant 0 : i32
    %dma_wait3A_713 = arith.constant 0 : i32
    %dma_wait3A_714 = tpu.memref_slice %arg9[%dma_wait3A_712, %dma_wait3A_713] : memref<10016x256xf32, #tpu.memory_space<hbm>> -> memref<10016x256xf32, #tpu.memory_space<hbm>>
    tpu.wait_indirect_dma semaphore(%arg21 : memref<!tpu.dma_semaphore, #tpu.memory_space<semaphore_mem>>) src(%arg20 : memref<48x256xf32, #tpu.memory_space<vmem>>) dst(%dma_wait3A_714 : memref<10016x256xf32, #tpu.memory_space<hbm>>)
    %add3A_715 = arith.constant 144 : i32
    %add3A_716 = arith.addi %mul3A_672, %add3A_715 : i32
    "tpu.region"() ({
      %run_scoped3A = tpu.sem_alloc : memref<!tpu.dma_semaphore, #tpu.memory_space<semaphore_mem>>
      %dma_start3A_743 = tpu.memref_slice %arg6[%add3A_716] : memref<7680xi32, #tpu.memory_space<hbm>> -> memref<48xi32, #tpu.memory_space<hbm>>
      %dma_start3A_744 = tpu.memref_slice %arg6[%add3A_716] : memref<7680xi32, #tpu.memory_space<hbm>> -> memref<48xi32, #tpu.memory_space<hbm>>
      tpu.enqueue_dma source(%dma_start3A_744 : memref<48xi32, #tpu.memory_space<hbm>>) target(%arg19 : memref<48xi32, #tpu.memory_space<vmem>>) target_semaphore(%run_scoped3A : memref<!tpu.dma_semaphore, #tpu.memory_space<semaphore_mem>>)
      %dma_wait3A_745 = tpu.memref_slice %arg6[%add3A_716] : memref<7680xi32, #tpu.memory_space<hbm>> -> memref<48xi32, #tpu.memory_space<hbm>>
      %dma_wait3A_746 = tpu.memref_slice %arg6[%add3A_716] : memref<7680xi32, #tpu.memory_space<hbm>> -> memref<48xi32, #tpu.memory_space<hbm>>
      tpu.wait_dma2 semaphore(%run_scoped3A : memref<!tpu.dma_semaphore, #tpu.memory_space<semaphore_mem>>) src(%dma_wait3A_746 : memref<48xi32, #tpu.memory_space<hbm>>) dst(%arg19 : memref<48xi32, #tpu.memory_space<vmem>>)
      tpu.yield
    }) : () -> ()
    %dma_start3A_717 = arith.constant 0 : i32
    %dma_start3A_718 = arith.constant 0 : i32
    %dma_start3A_719 = tpu.memref_slice %arg3[%dma_start3A_717, %dma_start3A_718] : memref<10016x256xf32, #tpu.memory_space<hbm>> -> memref<10016x256xf32, #tpu.memory_space<hbm>>
    tpu.enqueue_indirect_dma source(%dma_start3A_719 : memref<10016x256xf32, #tpu.memory_space<hbm>>) target(%arg20 : memref<48x256xf32, #tpu.memory_space<vmem>>) offsets(%arg19 : memref<48xi32, #tpu.memory_space<vmem>>) semaphore(%arg21 : memref<!tpu.dma_semaphore, #tpu.memory_space<semaphore_mem>>)
    %dma_wait3A_720 = arith.constant 0 : i32
    %dma_wait3A_721 = arith.constant 0 : i32
    %dma_wait3A_722 = tpu.memref_slice %arg3[%dma_wait3A_720, %dma_wait3A_721] : memref<10016x256xf32, #tpu.memory_space<hbm>> -> memref<10016x256xf32, #tpu.memory_space<hbm>>
    tpu.wait_indirect_dma semaphore(%arg21 : memref<!tpu.dma_semaphore, #tpu.memory_space<semaphore_mem>>) src(%dma_wait3A_722 : memref<10016x256xf32, #tpu.memory_space<hbm>>) dst(%arg20 : memref<48x256xf32, #tpu.memory_space<vmem>>)
    %dma_start3A_723 = arith.constant 0 : i32
    %dma_start3A_724 = arith.constant 0 : i32
    %dma_start3A_725 = tpu.memref_slice %arg9[%dma_start3A_723, %dma_start3A_724] : memref<10016x256xf32, #tpu.memory_space<hbm>> -> memref<10016x256xf32, #tpu.memory_space<hbm>>
    tpu.enqueue_indirect_dma source(%arg20 : memref<48x256xf32, #tpu.memory_space<vmem>>) target(%dma_start3A_725 : memref<10016x256xf32, #tpu.memory_space<hbm>>) offsets(%arg19 : memref<48xi32, #tpu.memory_space<vmem>>) semaphore(%arg21 : memref<!tpu.dma_semaphore, #tpu.memory_space<semaphore_mem>>)
    %dma_wait3A_726 = arith.constant 0 : i32
    %dma_wait3A_727 = arith.constant 0 : i32
    %dma_wait3A_728 = tpu.memref_slice %arg9[%dma_wait3A_726, %dma_wait3A_727] : memref<10016x256xf32, #tpu.memory_space<hbm>> -> memref<10016x256xf32, #tpu.memory_space<hbm>>
    tpu.wait_indirect_dma semaphore(%arg21 : memref<!tpu.dma_semaphore, #tpu.memory_space<semaphore_mem>>) src(%arg20 : memref<48x256xf32, #tpu.memory_space<vmem>>) dst(%dma_wait3A_728 : memref<10016x256xf32, #tpu.memory_space<hbm>>)
    %add3A_729 = arith.constant 192 : i32
    %add3A_730 = arith.addi %mul3A_672, %add3A_729 : i32
    "tpu.region"() ({
      %run_scoped3A = tpu.sem_alloc : memref<!tpu.dma_semaphore, #tpu.memory_space<semaphore_mem>>
      %dma_start3A_743 = tpu.memref_slice %arg6[%add3A_730] : memref<7680xi32, #tpu.memory_space<hbm>> -> memref<48xi32, #tpu.memory_space<hbm>>
      %dma_start3A_744 = tpu.memref_slice %arg6[%add3A_730] : memref<7680xi32, #tpu.memory_space<hbm>> -> memref<48xi32, #tpu.memory_space<hbm>>
      tpu.enqueue_dma source(%dma_start3A_744 : memref<48xi32, #tpu.memory_space<hbm>>) target(%arg19 : memref<48xi32, #tpu.memory_space<vmem>>) target_semaphore(%run_scoped3A : memref<!tpu.dma_semaphore, #tpu.memory_space<semaphore_mem>>)
      %dma_wait3A_745 = tpu.memref_slice %arg6[%add3A_730] : memref<7680xi32, #tpu.memory_space<hbm>> -> memref<48xi32, #tpu.memory_space<hbm>>
      %dma_wait3A_746 = tpu.memref_slice %arg6[%add3A_730] : memref<7680xi32, #tpu.memory_space<hbm>> -> memref<48xi32, #tpu.memory_space<hbm>>
      tpu.wait_dma2 semaphore(%run_scoped3A : memref<!tpu.dma_semaphore, #tpu.memory_space<semaphore_mem>>) src(%dma_wait3A_746 : memref<48xi32, #tpu.memory_space<hbm>>) dst(%arg19 : memref<48xi32, #tpu.memory_space<vmem>>)
      tpu.yield
    }) : () -> ()
    %dma_start3A_731 = arith.constant 0 : i32
    %dma_start3A_732 = arith.constant 0 : i32
    %dma_start3A_733 = tpu.memref_slice %arg3[%dma_start3A_731, %dma_start3A_732] : memref<10016x256xf32, #tpu.memory_space<hbm>> -> memref<10016x256xf32, #tpu.memory_space<hbm>>
    tpu.enqueue_indirect_dma source(%dma_start3A_733 : memref<10016x256xf32, #tpu.memory_space<hbm>>) target(%arg20 : memref<48x256xf32, #tpu.memory_space<vmem>>) offsets(%arg19 : memref<48xi32, #tpu.memory_space<vmem>>) semaphore(%arg21 : memref<!tpu.dma_semaphore, #tpu.memory_space<semaphore_mem>>)
    %dma_wait3A_734 = arith.constant 0 : i32
    %dma_wait3A_735 = arith.constant 0 : i32
    %dma_wait3A_736 = tpu.memref_slice %arg3[%dma_wait3A_734, %dma_wait3A_735] : memref<10016x256xf32, #tpu.memory_space<hbm>> -> memref<10016x256xf32, #tpu.memory_space<hbm>>
    tpu.wait_indirect_dma semaphore(%arg21 : memref<!tpu.dma_semaphore, #tpu.memory_space<semaphore_mem>>) src(%dma_wait3A_736 : memref<10016x256xf32, #tpu.memory_space<hbm>>) dst(%arg20 : memref<48x256xf32, #tpu.memory_space<vmem>>)
    %dma_start3A_737 = arith.constant 0 : i32
    %dma_start3A_738 = arith.constant 0 : i32
    %dma_start3A_739 = tpu.memref_slice %arg9[%dma_start3A_737, %dma_start3A_738] : memref<10016x256xf32, #tpu.memory_space<hbm>> -> memref<10016x256xf32, #tpu.memory_space<hbm>>
    tpu.enqueue_indirect_dma source(%arg20 : memref<48x256xf32, #tpu.memory_space<vmem>>) target(%dma_start3A_739 : memref<10016x256xf32, #tpu.memory_space<hbm>>) offsets(%arg19 : memref<48xi32, #tpu.memory_space<vmem>>) semaphore(%arg21 : memref<!tpu.dma_semaphore, #tpu.memory_space<semaphore_mem>>)
    %dma_wait3A_740 = arith.constant 0 : i32
    %dma_wait3A_741 = arith.constant 0 : i32
    %dma_wait3A_742 = tpu.memref_slice %arg9[%dma_wait3A_740, %dma_wait3A_741] : memref<10016x256xf32, #tpu.memory_space<hbm>> -> memref<10016x256xf32, #tpu.memory_space<hbm>>
    tpu.wait_indirect_dma semaphore(%arg21 : memref<!tpu.dma_semaphore, #tpu.memory_space<semaphore_mem>>) src(%arg20 : memref<48x256xf32, #tpu.memory_space<vmem>>) dst(%dma_wait3A_742 : memref<10016x256xf32, #tpu.memory_space<hbm>>)
    return
  }
}

module attributes {stable_mosaic.version = 14 : i64} {
  func.func @_fps_mask_body(%arg0: memref<8x1280xf32, #tpu.memory_space<vmem>>, %arg1: memref<8x1280xf32, #tpu.memory_space<vmem>>, %arg2: memref<8x1280xf32, #tpu.memory_space<vmem>>, %arg3: memref<10240xf32, #tpu.memory_space<smem>>, %arg4: memref<10240xf32, #tpu.memory_space<smem>>, %arg5: memref<10240xf32, #tpu.memory_space<smem>>, %arg6: memref<8x1280xi32, #tpu.memory_space<vmem>>, %arg7: memref<8x1280xf32, #tpu.memory_space<vmem>>) attributes {dimension_semantics = [], scalar_prefetch = 0 : i64, scratch_operands = 1 : i64, tpu.core_type = #tpu.core_type<tc>} {
    %get3A = arith.constant 0 : index
    %get3A_0 = arith.constant 0 : index
    %get3A_1 = vector.load %arg0[%get3A, %get3A_0] : memref<8x1280xf32, #tpu.memory_space<vmem>>, vector<8x1280xf32>
    %get3A_2 = arith.constant 0 : index
    %get3A_3 = arith.constant 0 : index
    %get3A_4 = vector.load %arg1[%get3A_2, %get3A_3] : memref<8x1280xf32, #tpu.memory_space<vmem>>, vector<8x1280xf32>
    %get3A_5 = arith.constant 0 : index
    %get3A_6 = arith.constant 0 : index
    %get3A_7 = vector.load %arg2[%get3A_5, %get3A_6] : memref<8x1280xf32, #tpu.memory_space<vmem>>, vector<8x1280xf32>
    %iota3A = tpu.iota {dimensions = array<i32: 0>} : vector<8x1280xi32>
    %iota3A_8 = tpu.iota {dimensions = array<i32: 1>} : vector<8x1280xi32>
    %mul3A = arith.constant 1280 : i32
    %mul3A_9 = vector.broadcast %mul3A : i32 to vector<8x1280xi32>
    %mul3A_10 = arith.muli %iota3A, %mul3A_9 : vector<8x1280xi32>
    %add3A = arith.addi %mul3A_10, %iota3A_8 : vector<8x1280xi32>
    %convert_element_type3A = arith.sitofp %add3A : vector<8x1280xi32> to vector<8x1280xf32>
    %lt3A = arith.constant 10000 : i32
    %lt3A_11 = vector.broadcast %lt3A : i32 to vector<8x1280xi32>
    %lt3A_12 = arith.cmpi slt, %add3A, %lt3A_11 : vector<8x1280xi32>
    %jit3A = arith.constant 1.000000e+10 : f32
    %jit3A_13 = arith.constant 0xFF800000 : f32
    %broadcast_in_dim3A = vector.broadcast %jit3A : f32 to vector<8x1280xf32>
    %broadcast_in_dim3A_14 = vector.broadcast %jit3A_13 : f32 to vector<8x1280xf32>
    %select_n3A = arith.select %lt3A_12, %broadcast_in_dim3A, %broadcast_in_dim3A_14 : vector<8x1280xi1>, vector<8x1280xf32>
    %swap3A = arith.constant 0 : index
    %swap3A_15 = arith.constant 0 : index
    %swap3A_16 = vector.load %arg7[%swap3A, %swap3A_15] : memref<8x1280xf32, #tpu.memory_space<vmem>>, vector<8x1280xf32>
    tpu.vector_store %arg7[%swap3A, %swap3A_15], %select_n3A {strides = array<i32>} : memref<8x1280xf32, #tpu.memory_space<vmem>>, vector<8x1280xf32>,
    %eq3A = arith.constant 0 : i32
    %eq3A_17 = vector.broadcast %eq3A : i32 to vector<8x1280xi32>
    %eq3A_18 = arith.cmpi eq, %add3A, %eq3A_17 : vector<8x1280xi32>
    %convert_element_type3A_19 = arith.extui %eq3A_18 : vector<8x1280xi1> to vector<8x1280xi32>
    %swap3A_20 = arith.constant 0 : index
    %swap3A_21 = arith.constant 0 : index
    %swap3A_22 = vector.load %arg6[%swap3A_20, %swap3A_21] : memref<8x1280xi32, #tpu.memory_space<vmem>>, vector<8x1280xi32>
    tpu.vector_store %arg6[%swap3A_20, %swap3A_21], %convert_element_type3A_19 {strides = array<i32>} : memref<8x1280xi32, #tpu.memory_space<vmem>>, vector<8x1280xi32>,
    %get3A_23 = arith.constant 0 : index
    %get3A_24 = memref.load %arg3[%get3A_23] : memref<10240xf32, #tpu.memory_space<smem>>
    %get3A_25 = arith.constant 0 : index
    %get3A_26 = memref.load %arg4[%get3A_25] : memref<10240xf32, #tpu.memory_space<smem>>
    %get3A_27 = arith.constant 0 : index
    %get3A_28 = memref.load %arg5[%get3A_27] : memref<10240xf32, #tpu.memory_space<smem>>
    %scan3A = arith.constant 0 : i32
    %scan3A_29 = arith.constant 2499 : i32
    %scan3A_30 = arith.addi %scan3A, %scan3A_29 : i32
    %scan3A_31 = arith.constant 1 : i32
    %scan3A_32:3 = scf.for %scan3A_33 = %scan3A to %scan3A_30 step %scan3A_31 iter_args(%scan3A_34 = %get3A_24, %scan3A_35 = %get3A_26, %scan3A_36 = %get3A_28) -> (f32, f32, f32)  : i32 {
      %sub3A = vector.broadcast %scan3A_34 : f32 to vector<8x1280xf32>
      %sub3A_37 = arith.subf %get3A_1, %sub3A : vector<8x1280xf32>
      %sub3A_38 = vector.broadcast %scan3A_35 : f32 to vector<8x1280xf32>
      %sub3A_39 = arith.subf %get3A_4, %sub3A_38 : vector<8x1280xf32>
      %sub3A_40 = vector.broadcast %scan3A_36 : f32 to vector<8x1280xf32>
      %sub3A_41 = arith.subf %get3A_7, %sub3A_40 : vector<8x1280xf32>
      %mul3A_42 = arith.mulf %sub3A_37, %sub3A_37 : vector<8x1280xf32>
      %mul3A_43 = arith.mulf %sub3A_39, %sub3A_39 : vector<8x1280xf32>
      %add3A_44 = arith.addf %mul3A_42, %mul3A_43 : vector<8x1280xf32>
      %mul3A_45 = arith.mulf %sub3A_41, %sub3A_41 : vector<8x1280xf32>
      %add3A_46 = arith.addf %add3A_44, %mul3A_45 : vector<8x1280xf32>
      %get3A_47 = arith.constant 0 : index
      %get3A_48 = arith.constant 0 : index
      %get3A_49 = vector.load %arg7[%get3A_47, %get3A_48] : memref<8x1280xf32, #tpu.memory_space<vmem>>, vector<8x1280xf32>
      %min3A = arith.minimumf %get3A_49, %add3A_46 : vector<8x1280xf32>
      %swap3A_50 = arith.constant 0 : index
      %swap3A_51 = arith.constant 0 : index
      %swap3A_52 = vector.load %arg7[%swap3A_50, %swap3A_51] : memref<8x1280xf32, #tpu.memory_space<vmem>>, vector<8x1280xf32>
      tpu.vector_store %arg7[%swap3A_50, %swap3A_51], %min3A {strides = array<i32>} : memref<8x1280xf32, #tpu.memory_space<vmem>>, vector<8x1280xf32>,
      %reduce_max3A = vector.shape_cast %min3A : vector<8x1280xf32> to vector<1x8x1280xf32>
      %reduce_max3A_53 = arith.constant dense<0xFF800000> : vector<1xf32>
      %reduce_max3A_54 = vector.multi_reduction <maximumf>, %reduce_max3A, %reduce_max3A_53 [1, 2] : vector<1x8x1280xf32> to vector<1xf32>
      %reduce_max3A_55 = vector.shape_cast %reduce_max3A_54 : vector<1xf32> to vector<1x1x1xf32>
      %reduce_max3A_56 = vector.extract %reduce_max3A_55[0, 0, 0] : f32 from vector<1x1x1xf32>
      %broadcast_in_dim3A_57 = vector.broadcast %reduce_max3A_56 : f32 to vector<1x1xf32>
      %eq3A_58 = vector.broadcast %broadcast_in_dim3A_57 : vector<1x1xf32> to vector<8x1280xf32>
      %eq3A_59 = arith.cmpf oeq, %min3A, %eq3A_58 : vector<8x1280xf32>
      %jit3A_60 = arith.constant 3.000000e+07 : f32
      %broadcast_in_dim3A_61 = vector.broadcast %jit3A_60 : f32 to vector<8x1280xf32>
      %select_n3A_62 = arith.select %eq3A_59, %convert_element_type3A, %broadcast_in_dim3A_61 : vector<8x1280xi1>, vector<8x1280xf32>
      %slice3A = vector.extract_strided_slice %select_n3A_62 {offsets = [0, 0], sizes = [8, 128], strides = [1, 1]} : vector<8x1280xf32> to vector<8x128xf32>
      %slice3A_63 = vector.extract_strided_slice %select_n3A_62 {offsets = [0, 128], sizes = [8, 128], strides = [1, 1]} : vector<8x1280xf32> to vector<8x128xf32>
      %min3A_64 = arith.minimumf %slice3A, %slice3A_63 : vector<8x128xf32>
      %slice3A_65 = vector.extract_strided_slice %select_n3A_62 {offsets = [0, 256], sizes = [8, 128], strides = [1, 1]} : vector<8x1280xf32> to vector<8x128xf32>
      %min3A_66 = arith.minimumf %min3A_64, %slice3A_65 : vector<8x128xf32>
      %slice3A_67 = vector.extract_strided_slice %select_n3A_62 {offsets = [0, 384], sizes = [8, 128], strides = [1, 1]} : vector<8x1280xf32> to vector<8x128xf32>
      %min3A_68 = arith.minimumf %min3A_66, %slice3A_67 : vector<8x128xf32>
      %slice3A_69 = vector.extract_strided_slice %select_n3A_62 {offsets = [0, 512], sizes = [8, 128], strides = [1, 1]} : vector<8x1280xf32> to vector<8x128xf32>
      %min3A_70 = arith.minimumf %min3A_68, %slice3A_69 : vector<8x128xf32>
      %slice3A_71 = vector.extract_strided_slice %select_n3A_62 {offsets = [0, 640], sizes = [8, 128], strides = [1, 1]} : vector<8x1280xf32> to vector<8x128xf32>
      %min3A_72 = arith.minimumf %min3A_70, %slice3A_71 : vector<8x128xf32>
      %slice3A_73 = vector.extract_strided_slice %select_n3A_62 {offsets = [0, 768], sizes = [8, 128], strides = [1, 1]} : vector<8x1280xf32> to vector<8x128xf32>
      %min3A_74 = arith.minimumf %min3A_72, %slice3A_73 : vector<8x128xf32>
      %slice3A_75 = vector.extract_strided_slice %select_n3A_62 {offsets = [0, 896], sizes = [8, 128], strides = [1, 1]} : vector<8x1280xf32> to vector<8x128xf32>
      %min3A_76 = arith.minimumf %min3A_74, %slice3A_75 : vector<8x128xf32>
      %slice3A_77 = vector.extract_strided_slice %select_n3A_62 {offsets = [0, 1024], sizes = [8, 128], strides = [1, 1]} : vector<8x1280xf32> to vector<8x128xf32>
      %min3A_78 = arith.minimumf %min3A_76, %slice3A_77 : vector<8x128xf32>
      %slice3A_79 = vector.extract_strided_slice %select_n3A_62 {offsets = [0, 1152], sizes = [8, 128], strides = [1, 1]} : vector<8x1280xf32> to vector<8x128xf32>
      %min3A_80 = arith.minimumf %min3A_78, %slice3A_79 : vector<8x128xf32>
      %reduce_min3A = vector.shape_cast %min3A_80 : vector<8x128xf32> to vector<1x8x128xf32>
      %reduce_min3A_81 = arith.constant dense<0x7F800000> : vector<1xf32>
      %reduce_min3A_82 = vector.multi_reduction <minimumf>, %reduce_min3A, %reduce_min3A_81 [1, 2] : vector<1x8x128xf32> to vector<1xf32>
      %reduce_min3A_83 = vector.shape_cast %reduce_min3A_82 : vector<1xf32> to vector<1x1x1xf32>
      %reduce_min3A_84 = vector.extract %reduce_min3A_83[0, 0, 0] : f32 from vector<1x1x1xf32>
      %convert_element_type3A_85 = arith.fptosi %reduce_min3A_84 : f32 to i32
      %get3A_86 = arith.constant 0 : index
      %get3A_87 = arith.constant 0 : index
      %get3A_88 = vector.load %arg6[%get3A_86, %get3A_87] : memref<8x1280xi32, #tpu.memory_space<vmem>>, vector<8x1280xi32>
      %eq3A_89 = vector.broadcast %convert_element_type3A_85 : i32 to vector<8x1280xi32>
      %eq3A_90 = arith.cmpi eq, %add3A, %eq3A_89 : vector<8x1280xi32>
      %convert_element_type3A_91 = arith.extui %eq3A_90 : vector<8x1280xi1> to vector<8x1280xi32>
      %max3A = arith.maxsi %get3A_88, %convert_element_type3A_91 : vector<8x1280xi32>
      %swap3A_92 = arith.constant 0 : index
      %swap3A_93 = arith.constant 0 : index
      %swap3A_94 = vector.load %arg6[%swap3A_92, %swap3A_93] : memref<8x1280xi32, #tpu.memory_space<vmem>>, vector<8x1280xi32>
      tpu.vector_store %arg6[%swap3A_92, %swap3A_93], %max3A {strides = array<i32>} : memref<8x1280xi32, #tpu.memory_space<vmem>>, vector<8x1280xi32>,
      %get3A_95 = arith.index_cast %convert_element_type3A_85 : i32 to index
      %get3A_96 = memref.load %arg3[%get3A_95] : memref<10240xf32, #tpu.memory_space<smem>>
      %get3A_97 = arith.index_cast %convert_element_type3A_85 : i32 to index
      %get3A_98 = memref.load %arg4[%get3A_97] : memref<10240xf32, #tpu.memory_space<smem>>
      %get3A_99 = arith.index_cast %convert_element_type3A_85 : i32 to index
      %get3A_100 = memref.load %arg5[%get3A_99] : memref<10240xf32, #tpu.memory_space<smem>>
      scf.yield %get3A_96, %get3A_98, %get3A_100 : f32, f32, f32
    }
    return
  }
}

module attributes {stable_mosaic.version = 14 : i64} {
  func.func @_knn_body(%arg0: i32, %arg1: memref<768x8xf32, #tpu.memory_space<vmem>>, %arg2: memref<768x1xf32, #tpu.memory_space<vmem>>, %arg3: memref<8x2560xf32, #tpu.memory_space<vmem>>, %arg4: memref<1x2560xf32, #tpu.memory_space<vmem>>, %arg5: memref<768x8xi32, #tpu.memory_space<vmem>>) attributes {dimension_semantics = [#tpu.dimension_semantics<arbitrary>], iteration_bounds = array<i64: 10>, scalar_prefetch = 0 : i64, scratch_operands = 0 : i64, tpu.core_type = #tpu.core_type<tc>, window_params = [{transform_indices = @transform_0, window_bounds = array<i64: 768, 8>}, {transform_indices = @transform_1, window_bounds = array<i64: 768, 1>}, {pipeline_mode = #tpu.pipeline_mode<synchronous>, transform_indices = @transform_2, window_bounds = array<i64: 8, 2560>}, {pipeline_mode = #tpu.pipeline_mode<synchronous>, transform_indices = @transform_3, window_bounds = array<i64: 1, 2560>}, {transform_indices = @transform_4, window_bounds = array<i64: 768, 8>}]} {
    %get3A = arith.constant 0 : index
    %get3A_0 = arith.constant 0 : index
    %get3A_1 = vector.load %arg1[%get3A, %get3A_0] : memref<768x8xf32, #tpu.memory_space<vmem>>, vector<768x8xf32>
    %get3A_2 = arith.constant 0 : index
    %get3A_3 = arith.constant 0 : index
    %get3A_4 = vector.load %arg3[%get3A_2, %get3A_3] : memref<8x2560xf32, #tpu.memory_space<vmem>>, vector<8x2560xf32>
    %dot_general3A = arith.constant dense<0.000000e+00> : vector<768x2560xf32>
    %dot_general3A_5 = tpu.matmul %get3A_1, %get3A_4, %dot_general3A {dimension_numbers = #tpu.dot_dimension_numbers<[1], [0], [0], [1], [0, 0, 1, 1], [], []>, transpose_lhs_hint = false} : vector<768x8xf32>, vector<8x2560xf32>, vector<768x2560xf32> -> vector<768x2560xf32>
    %get3A_6 = arith.constant 0 : index
    %get3A_7 = arith.constant 0 : index
    %get3A_8 = vector.load %arg2[%get3A_6, %get3A_7] : memref<768x1xf32, #tpu.memory_space<vmem>>, vector<768x1xf32>
    %get3A_9 = arith.constant 0 : index
    %get3A_10 = arith.constant 0 : index
    %get3A_11 = vector.load %arg4[%get3A_9, %get3A_10] : memref<1x2560xf32, #tpu.memory_space<vmem>>, vector<1x2560xf32>
    %add3A = vector.broadcast %get3A_8 : vector<768x1xf32> to vector<768x2560xf32>
    %add3A_12 = vector.broadcast %get3A_11 : vector<1x2560xf32> to vector<768x2560xf32>
    %add3A_13 = arith.addf %add3A, %add3A_12 : vector<768x2560xf32>
    %mul3A = arith.constant 2.000000e+00 : f32
    %mul3A_14 = vector.broadcast %mul3A : f32 to vector<768x2560xf32>
    %mul3A_15 = arith.mulf %mul3A_14, %dot_general3A_5 : vector<768x2560xf32>
    %sub3A = arith.subf %add3A_13, %mul3A_15 : vector<768x2560xf32>
    %iota3A = tpu.iota {dimensions = array<i32: 1>} : vector<768x2560xi32>
    %reduce_min3A = arith.constant dense<0x7F800000> : vector<768xf32>
    %reduce_min3A_16 = vector.multi_reduction <minimumf>, %sub3A, %reduce_min3A [1] : vector<768x2560xf32> to vector<768xf32>
    %broadcast_in_dim3A = vector.shape_cast %reduce_min3A_16 : vector<768xf32> to vector<768x1xf32>
    %eq3A = vector.broadcast %broadcast_in_dim3A : vector<768x1xf32> to vector<768x2560xf32>
    %eq3A_17 = arith.cmpf oeq, %sub3A, %eq3A : vector<768x2560xf32>
    %jit3A = arith.constant 1073741824 : i32
    %broadcast_in_dim3A_18 = vector.broadcast %jit3A : i32 to vector<768x2560xi32>
    %select_n3A = arith.select %eq3A_17, %iota3A, %broadcast_in_dim3A_18 : vector<768x2560xi1>, vector<768x2560xi32>
    %reduce_min3A_19 = arith.constant dense<2147483647> : vector<768xi32>
    %reduce_min3A_20 = vector.multi_reduction <minsi>, %select_n3A, %reduce_min3A_19 [1] : vector<768x2560xi32> to vector<768xi32>
    %broadcast_in_dim3A_21 = vector.shape_cast %reduce_min3A_20 : vector<768xi32> to vector<768x1xi32>
    %swap3A = arith.constant 0 : index
    %swap3A_22 = arith.constant 0 : index
    %swap3A_23 = vector.load %arg5[%swap3A, %swap3A_22] : memref<768x8xi32, #tpu.memory_space<vmem>>, vector<768x1xi32>
    tpu.vector_store %arg5[%swap3A, %swap3A_22], %broadcast_in_dim3A_21 {strides = array<i32>} : memref<768x8xi32, #tpu.memory_space<vmem>>, vector<768x1xi32>,
    %eq3A_24 = vector.broadcast %broadcast_in_dim3A_21 : vector<768x1xi32> to vector<768x2560xi32>
    %eq3A_25 = arith.cmpi eq, %iota3A, %eq3A_24 : vector<768x2560xi32>
    %jit3A_26 = arith.constant 0x7F800000 : f32
    %broadcast_in_dim3A_27 = vector.broadcast %jit3A_26 : f32 to vector<768x2560xf32>
    %select_n3A_28 = arith.select %eq3A_25, %broadcast_in_dim3A_27, %sub3A : vector<768x2560xi1>, vector<768x2560xf32>
    %reduce_min3A_29 = arith.constant dense<0x7F800000> : vector<768xf32>
    %reduce_min3A_30 = vector.multi_reduction <minimumf>, %select_n3A_28, %reduce_min3A_29 [1] : vector<768x2560xf32> to vector<768xf32>
    %broadcast_in_dim3A_31 = vector.shape_cast %reduce_min3A_30 : vector<768xf32> to vector<768x1xf32>
    %eq3A_32 = vector.broadcast %broadcast_in_dim3A_31 : vector<768x1xf32> to vector<768x2560xf32>
    %eq3A_33 = arith.cmpf oeq, %select_n3A_28, %eq3A_32 : vector<768x2560xf32>
    %jit3A_34 = arith.constant 1073741824 : i32
    %broadcast_in_dim3A_35 = vector.broadcast %jit3A_34 : i32 to vector<768x2560xi32>
    %select_n3A_36 = arith.select %eq3A_33, %iota3A, %broadcast_in_dim3A_35 : vector<768x2560xi1>, vector<768x2560xi32>
    %reduce_min3A_37 = arith.constant dense<2147483647> : vector<768xi32>
    %reduce_min3A_38 = vector.multi_reduction <minsi>, %select_n3A_36, %reduce_min3A_37 [1] : vector<768x2560xi32> to vector<768xi32>
    %broadcast_in_dim3A_39 = vector.shape_cast %reduce_min3A_38 : vector<768xi32> to vector<768x1xi32>
    %swap3A_40 = arith.constant 0 : index
    %swap3A_41 = arith.constant 1 : index
    %swap3A_42 = vector.load %arg5[%swap3A_40, %swap3A_41] : memref<768x8xi32, #tpu.memory_space<vmem>>, vector<768x1xi32>
    tpu.vector_store %arg5[%swap3A_40, %swap3A_41], %broadcast_in_dim3A_39 {strides = array<i32>} : memref<768x8xi32, #tpu.memory_space<vmem>>, vector<768x1xi32>,
    %eq3A_43 = vector.broadcast %broadcast_in_dim3A_39 : vector<768x1xi32> to vector<768x2560xi32>
    %eq3A_44 = arith.cmpi eq, %iota3A, %eq3A_43 : vector<768x2560xi32>
    %jit3A_45 = arith.constant 0x7F800000 : f32
    %broadcast_in_dim3A_46 = vector.broadcast %jit3A_45 : f32 to vector<768x2560xf32>
    %select_n3A_47 = arith.select %eq3A_44, %broadcast_in_dim3A_46, %select_n3A_28 : vector<768x2560xi1>, vector<768x2560xf32>
    %reduce_min3A_48 = arith.constant dense<0x7F800000> : vector<768xf32>
    %reduce_min3A_49 = vector.multi_reduction <minimumf>, %select_n3A_47, %reduce_min3A_48 [1] : vector<768x2560xf32> to vector<768xf32>
    %broadcast_in_dim3A_50 = vector.shape_cast %reduce_min3A_49 : vector<768xf32> to vector<768x1xf32>
    %eq3A_51 = vector.broadcast %broadcast_in_dim3A_50 : vector<768x1xf32> to vector<768x2560xf32>
    %eq3A_52 = arith.cmpf oeq, %select_n3A_47, %eq3A_51 : vector<768x2560xf32>
    %jit3A_53 = arith.constant 1073741824 : i32
    %broadcast_in_dim3A_54 = vector.broadcast %jit3A_53 : i32 to vector<768x2560xi32>
    %select_n3A_55 = arith.select %eq3A_52, %iota3A, %broadcast_in_dim3A_54 : vector<768x2560xi1>, vector<768x2560xi32>
    %reduce_min3A_56 = arith.constant dense<2147483647> : vector<768xi32>
    %reduce_min3A_57 = vector.multi_reduction <minsi>, %select_n3A_55, %reduce_min3A_56 [1] : vector<768x2560xi32> to vector<768xi32>
    %broadcast_in_dim3A_58 = vector.shape_cast %reduce_min3A_57 : vector<768xi32> to vector<768x1xi32>
    %swap3A_59 = arith.constant 0 : index
    %swap3A_60 = arith.constant 2 : index
    %swap3A_61 = vector.load %arg5[%swap3A_59, %swap3A_60] : memref<768x8xi32, #tpu.memory_space<vmem>>, vector<768x1xi32>
    tpu.vector_store %arg5[%swap3A_59, %swap3A_60], %broadcast_in_dim3A_58 {strides = array<i32>} : memref<768x8xi32, #tpu.memory_space<vmem>>, vector<768x1xi32>,
    %eq3A_62 = vector.broadcast %broadcast_in_dim3A_58 : vector<768x1xi32> to vector<768x2560xi32>
    %eq3A_63 = arith.cmpi eq, %iota3A, %eq3A_62 : vector<768x2560xi32>
    %jit3A_64 = arith.constant 0x7F800000 : f32
    %broadcast_in_dim3A_65 = vector.broadcast %jit3A_64 : f32 to vector<768x2560xf32>
    %select_n3A_66 = arith.select %eq3A_63, %broadcast_in_dim3A_65, %select_n3A_47 : vector<768x2560xi1>, vector<768x2560xf32>
    %reduce_min3A_67 = arith.constant dense<0x7F800000> : vector<768xf32>
    %reduce_min3A_68 = vector.multi_reduction <minimumf>, %select_n3A_66, %reduce_min3A_67 [1] : vector<768x2560xf32> to vector<768xf32>
    %broadcast_in_dim3A_69 = vector.shape_cast %reduce_min3A_68 : vector<768xf32> to vector<768x1xf32>
    %eq3A_70 = vector.broadcast %broadcast_in_dim3A_69 : vector<768x1xf32> to vector<768x2560xf32>
    %eq3A_71 = arith.cmpf oeq, %select_n3A_66, %eq3A_70 : vector<768x2560xf32>
    %jit3A_72 = arith.constant 1073741824 : i32
    %broadcast_in_dim3A_73 = vector.broadcast %jit3A_72 : i32 to vector<768x2560xi32>
    %select_n3A_74 = arith.select %eq3A_71, %iota3A, %broadcast_in_dim3A_73 : vector<768x2560xi1>, vector<768x2560xi32>
    %reduce_min3A_75 = arith.constant dense<2147483647> : vector<768xi32>
    %reduce_min3A_76 = vector.multi_reduction <minsi>, %select_n3A_74, %reduce_min3A_75 [1] : vector<768x2560xi32> to vector<768xi32>
    %broadcast_in_dim3A_77 = vector.shape_cast %reduce_min3A_76 : vector<768xi32> to vector<768x1xi32>
    %swap3A_78 = arith.constant 0 : index
    %swap3A_79 = arith.constant 3 : index
    %swap3A_80 = vector.load %arg5[%swap3A_78, %swap3A_79] : memref<768x8xi32, #tpu.memory_space<vmem>>, vector<768x1xi32>
    tpu.vector_store %arg5[%swap3A_78, %swap3A_79], %broadcast_in_dim3A_77 {strides = array<i32>} : memref<768x8xi32, #tpu.memory_space<vmem>>, vector<768x1xi32>,
    %eq3A_81 = vector.broadcast %broadcast_in_dim3A_77 : vector<768x1xi32> to vector<768x2560xi32>
    %eq3A_82 = arith.cmpi eq, %iota3A, %eq3A_81 : vector<768x2560xi32>
    %jit3A_83 = arith.constant 0x7F800000 : f32
    %broadcast_in_dim3A_84 = vector.broadcast %jit3A_83 : f32 to vector<768x2560xf32>
    %select_n3A_85 = arith.select %eq3A_82, %broadcast_in_dim3A_84, %select_n3A_66 : vector<768x2560xi1>, vector<768x2560xf32>
    %reduce_min3A_86 = arith.constant dense<0x7F800000> : vector<768xf32>
    %reduce_min3A_87 = vector.multi_reduction <minimumf>, %select_n3A_85, %reduce_min3A_86 [1] : vector<768x2560xf32> to vector<768xf32>
    %broadcast_in_dim3A_88 = vector.shape_cast %reduce_min3A_87 : vector<768xf32> to vector<768x1xf32>
    %eq3A_89 = vector.broadcast %broadcast_in_dim3A_88 : vector<768x1xf32> to vector<768x2560xf32>
    %eq3A_90 = arith.cmpf oeq, %select_n3A_85, %eq3A_89 : vector<768x2560xf32>
    %jit3A_91 = arith.constant 1073741824 : i32
    %broadcast_in_dim3A_92 = vector.broadcast %jit3A_91 : i32 to vector<768x2560xi32>
    %select_n3A_93 = arith.select %eq3A_90, %iota3A, %broadcast_in_dim3A_92 : vector<768x2560xi1>, vector<768x2560xi32>
    %reduce_min3A_94 = arith.constant dense<2147483647> : vector<768xi32>
    %reduce_min3A_95 = vector.multi_reduction <minsi>, %select_n3A_93, %reduce_min3A_94 [1] : vector<768x2560xi32> to vector<768xi32>
    %broadcast_in_dim3A_96 = vector.shape_cast %reduce_min3A_95 : vector<768xi32> to vector<768x1xi32>
    %swap3A_97 = arith.constant 0 : index
    %swap3A_98 = arith.constant 4 : index
    %swap3A_99 = vector.load %arg5[%swap3A_97, %swap3A_98] : memref<768x8xi32, #tpu.memory_space<vmem>>, vector<768x1xi32>
    tpu.vector_store %arg5[%swap3A_97, %swap3A_98], %broadcast_in_dim3A_96 {strides = array<i32>} : memref<768x8xi32, #tpu.memory_space<vmem>>, vector<768x1xi32>,
    return
  }
  func.func @transform_0(%arg0: i32) -> (i32, i32) {
    %c0_i32 = arith.constant 0 : i32
    %c0_i32_0 = arith.constant 0 : i32
    return %arg0, %c0_i32 : i32, i32
  }
  func.func @transform_1(%arg0: i32) -> (i32, i32) {
    %c0_i32 = arith.constant 0 : i32
    %c0_i32_0 = arith.constant 0 : i32
    return %arg0, %c0_i32 : i32, i32
  }
  func.func @transform_2(%arg0: i32) -> (i32, i32) {
    %c0_i32 = arith.constant 0 : i32
    %c0_i32_0 = arith.constant 0 : i32
    %c0_i32_1 = arith.constant 0 : i32
    return %c0_i32, %c0_i32_0 : i32, i32
  }
  func.func @transform_3(%arg0: i32) -> (i32, i32) {
    %c0_i32 = arith.constant 0 : i32
    %c0_i32_0 = arith.constant 0 : i32
    %c0_i32_1 = arith.constant 0 : i32
    return %c0_i32, %c0_i32_0 : i32, i32
  }
  func.func @transform_4(%arg0: i32) -> (i32, i32) {
    %c0_i32 = arith.constant 0 : i32
    %c0_i32_0 = arith.constant 0 : i32
    return %arg0, %c0_i32 : i32, i32
  }
}

module attributes {stable_mosaic.version = 14 : i64} {
  func.func @_dense_body(%arg0: i32, %arg1: memref<1000x384xf32, #tpu.memory_space<vmem>>, %arg2: memref<384x256xf32, #tpu.memory_space<vmem>>, %arg3: memref<1x256xf32, #tpu.memory_space<vmem>>, %arg4: memref<256x256xf32, #tpu.memory_space<vmem>>, %arg5: memref<1x256xf32, #tpu.memory_space<vmem>>, %arg6: memref<1000x256xf32, #tpu.memory_space<vmem>>, %arg7: memref<1000x256xf32, #tpu.memory_space<vmem>>) attributes {dimension_semantics = [#tpu.dimension_semantics<arbitrary>], iteration_bounds = array<i64: 10>, scalar_prefetch = 0 : i64, scratch_operands = 0 : i64, tpu.core_type = #tpu.core_type<tc>, window_params = [{transform_indices = @transform_0, window_bounds = array<i64: 1000, 384>}, {pipeline_mode = #tpu.pipeline_mode<synchronous>, transform_indices = @transform_1, window_bounds = array<i64: 384, 256>}, {pipeline_mode = #tpu.pipeline_mode<synchronous>, transform_indices = @transform_2, window_bounds = array<i64: 1, 256>}, {pipeline_mode = #tpu.pipeline_mode<synchronous>, transform_indices = @transform_3, window_bounds = array<i64: 256, 256>}, {pipeline_mode = #tpu.pipeline_mode<synchronous>, transform_indices = @transform_4, window_bounds = array<i64: 1, 256>}, {transform_indices = @transform_5, window_bounds = array<i64: 1000, 256>}, {transform_indices = @transform_6, window_bounds = array<i64: 1000, 256>}]} {
    %get3A = arith.constant 0 : index
    %get3A_0 = arith.constant 0 : index
    %get3A_1 = vector.load %arg1[%get3A, %get3A_0] : memref<1000x384xf32, #tpu.memory_space<vmem>>, vector<1000x384xf32>
    %get3A_2 = arith.constant 0 : index
    %get3A_3 = arith.constant 0 : index
    %get3A_4 = vector.load %arg2[%get3A_2, %get3A_3] : memref<384x256xf32, #tpu.memory_space<vmem>>, vector<384x256xf32>
    %dot_general3A = arith.constant dense<0.000000e+00> : vector<1000x256xf32>
    %dot_general3A_5 = tpu.matmul %get3A_1, %get3A_4, %dot_general3A {dimension_numbers = #tpu.dot_dimension_numbers<[1], [0], [0], [1], [0, 0, 1, 1], [], []>, transpose_lhs_hint = false} : vector<1000x384xf32>, vector<384x256xf32>, vector<1000x256xf32> -> vector<1000x256xf32>
    %get3A_6 = arith.constant 0 : index
    %get3A_7 = arith.constant 0 : index
    %get3A_8 = vector.load %arg3[%get3A_6, %get3A_7] : memref<1x256xf32, #tpu.memory_space<vmem>>, vector<1x256xf32>
    %add3A = vector.broadcast %get3A_8 : vector<1x256xf32> to vector<1000x256xf32>
    %add3A_9 = arith.addf %dot_general3A_5, %add3A : vector<1000x256xf32>
    %swap3A = arith.constant 0 : index
    %swap3A_10 = arith.constant 0 : index
    %swap3A_11 = vector.load %arg6[%swap3A, %swap3A_10] : memref<1000x256xf32, #tpu.memory_space<vmem>>, vector<1000x256xf32>
    tpu.vector_store %arg6[%swap3A, %swap3A_10], %add3A_9 {strides = array<i32>} : memref<1000x256xf32, #tpu.memory_space<vmem>>, vector<1000x256xf32>,
    %get3A_12 = arith.constant 0 : index
    %get3A_13 = arith.constant 0 : index
    %get3A_14 = vector.load %arg4[%get3A_12, %get3A_13] : memref<256x256xf32, #tpu.memory_space<vmem>>, vector<256x256xf32>
    %dot_general3A_15 = arith.constant dense<0.000000e+00> : vector<1000x256xf32>
    %dot_general3A_16 = tpu.matmul %add3A_9, %get3A_14, %dot_general3A_15 {dimension_numbers = #tpu.dot_dimension_numbers<[1], [0], [0], [1], [0, 0, 1, 1], [], []>, transpose_lhs_hint = false} : vector<1000x256xf32>, vector<256x256xf32>, vector<1000x256xf32> -> vector<1000x256xf32>
    %swap3A_17 = arith.constant 0 : index
    %swap3A_18 = arith.constant 0 : index
    %swap3A_19 = vector.load %arg7[%swap3A_17, %swap3A_18] : memref<1000x256xf32, #tpu.memory_space<vmem>>, vector<1000x256xf32>
    tpu.vector_store %arg7[%swap3A_17, %swap3A_18], %dot_general3A_16 {strides = array<i32>} : memref<1000x256xf32, #tpu.memory_space<vmem>>, vector<1000x256xf32>,
    return
  }
  func.func @transform_0(%arg0: i32) -> (i32, i32) {
    %c0_i32 = arith.constant 0 : i32
    %c0_i32_0 = arith.constant 0 : i32
    return %arg0, %c0_i32 : i32, i32
  }
  func.func @transform_1(%arg0: i32) -> (i32, i32) {
    %c0_i32 = arith.constant 0 : i32
    %c0_i32_0 = arith.constant 0 : i32
    %c0_i32_1 = arith.constant 0 : i32
    return %c0_i32, %c0_i32_0 : i32, i32
  }
  func.func @transform_2(%arg0: i32) -> (i32, i32) {
    %c0_i32 = arith.constant 0 : i32
    %c0_i32_0 = arith.constant 0 : i32
    %c0_i32_1 = arith.constant 0 : i32
    return %c0_i32, %c0_i32_0 : i32, i32
  }
  func.func @transform_3(%arg0: i32) -> (i32, i32) {
    %c0_i32 = arith.constant 0 : i32
    %c0_i32_0 = arith.constant 0 : i32
    %c0_i32_1 = arith.constant 0 : i32
    return %c0_i32, %c0_i32_0 : i32, i32
  }
  func.func @transform_4(%arg0: i32) -> (i32, i32) {
    %c0_i32 = arith.constant 0 : i32
    %c0_i32_0 = arith.constant 0 : i32
    %c0_i32_1 = arith.constant 0 : i32
    return %c0_i32, %c0_i32_0 : i32, i32
  }
  func.func @transform_5(%arg0: i32) -> (i32, i32) {
    %c0_i32 = arith.constant 0 : i32
    %c0_i32_0 = arith.constant 0 : i32
    return %arg0, %c0_i32 : i32, i32
  }
  func.func @transform_6(%arg0: i32) -> (i32, i32) {
    %c0_i32 = arith.constant 0 : i32
    %c0_i32_0 = arith.constant 0 : i32
    return %arg0, %c0_i32 : i32, i32
  }
}

</mosaic_0001>

<sc_bundles>
// kernel: kernel.6.cloned.1.call-start
scs
__scs_entry_jumppad:
0x0: {  	(pc) =	sbr.rel $0x88, $3  }
0x1: {  	(tag) =	ssettag $0x0;
	lr =	simm.s32 $0x1  }
0x2: {  	[smem:$0x3F9B] =	sst lr;
	_ =	strace $0xD0000000  }
0x3: {  	_ = 	snop  }
0x4: {  	_ = 	snop  }
0x5: {  	_ = 	snop  }
0x6: {  	_ = 	snop  }
0x7: {  	_ = 	snop  }
__scs_overlays_trampoline_lowered:
0x8: {  	[smem:$0x3FAA] =	sst s0  }
0x9: {  	[smem:$0x3FAB] =	sst s1  }
0xa: {  	[smem:$0x3FAC] =	sst s2  }
0xb: {  	[smem:$0x3FAD] =	sst s3  }
0xc: {  	[smem:$0x3FAE] =	sst s4  }
0xd: {  	[smem:$0x3FAF] =	sst s5  }
0xe: {  	[smem:$0x3FB0] =	sst s6  }
0xf: {  	[smem:$0x3FB1] =	sst s7  }
0x10: {  	[smem:$0x3FB2] =	sst s8  }
0x11: {  	[smem:$0x3FB3] =	sst s9;
	s0 =	simm.s32 @!p0 $0x0  }
0x12: {  	s1 =	sld [smem:$0x3F99];
	s0 =	simm.s32 @p0 $0x1  }
0x13: {  	[smem:$0x3FB4] =	sst s0;
	s0 =	simm.s32 @!p1 $0x0  }
0x14: {  	s2 =	sld [smem:$0x3F98];
	s0 =	simm.s32 @p1 $0x1  }
0x15: {  	[smem:$0x3FB5] =	sst s0;
	s0 =	simm.s32 @!p2 $0x0  }
0x16: {  	s3 =	sld [smem:$0x3FDB];
	s0 =	simm.s32 @p2 $0x1  }
0x17: {  	s4 =	simm.s32 $0x1BF5;
	[smem:$0x3FB7] =	sst s0  }
0x18: {  	s0 =	sld [smem:$0x3F9A];
	_ =	swait.ge [sflag:s4], $0x0  }
0x19: {  	s7 =	sld [smem:$0x3F9B]  }
0x1a: {  	s8 =	sadd.s32 $0xFFFFE003, lr  }
0x1b: {  	s9 =	sadd.s32 $0xFFFFFEF7, lr;
	s5 =	simm.s32 $0xFFFFFFFF;
	p2 =	slt.u32 s8, $0xFFFFF086  }
0x1c: {  	p1 =	slt.u32 s9, $0xF7A;
	s5 =	simm.s32 @!p2 $0x0  }
0x1d: {  	s5 =	simm.s32 @p1 $0x1;
	p0 =	seq.s32 s7, s2  }
0x1e: {  	s7 =	smul.u32 @!p0 $0xF7A, s2;
	p2 =	seq.s32 @!p0 s5, $0x0  }
0x1f: {  	s9 =	smul.u32 $0xF7A, s1;
	s8 =	simm.s32 @!p0 $0x1BF5;
	p2 =	por !p2, p0  }
0x20: {  	[sflag:s8] =	ssyncset.s32 @!p0 $0xFFFFF086;
	s6 =	sadd.s32 @!p0 s3, s7;
	s7 =	simm.s32 @!p0 $0x108  }
0x21: {  	s3 =	sadd.s32 s3, s9;
	s6 =	sadd.s32 @!p0 $0x88, s6;
	s7 =	simm.s32 @p2 $0x1082  }
0x22: {  	[simem:s7], [sflag:s8] =	dma.local @!p0 [hbm:s6], $0xF7A  }
0x23: {  	s9 =	sor.u32 $0xD0000000, s2;
	s6 =	simm.s32 $0x108;
	_ =	swait.ge @!p0 [sflag:s8], $0x0  }
0x24: {  	s3 =	sadd.s32 $0x88, s3;
	s6 =	simm.s32 @!p1 $0x1082;
	[sflag:s4] =	ssyncset.s32 $0xFFFFF086  }
0x25: {  	[simem:s6], [sflag:s4] =	dma.local [hbm:s3], $0xF7A  }
0x26: {  	[smem:$0x3F9B] =	sst s1;
	(tag) =	ssettag s2;
	_ =	strace s9  }
0x27: {  	s1 =	sld [smem:$0x3FAB]  }
0x28: {  	s2 =	sld [smem:$0x3FAC]  }
0x29: {  	s4 =	sld [smem:$0x3FAE]  }
0x2a: {  	p0 =	seq.s32 s5, $0x0;
	s5 =	sld [smem:$0x3FAF]  }
0x2b: {  	s6 =	sld [smem:$0x3FB0]  }
0x2c: {  	s7 =	sld [smem:$0x3FB1]  }
0x2d: {  	s3 =	simm.s32 $0x108;
	s8 =	sld [smem:$0x3FB2]  }
0x2e: {  	s3 =	simm.s32 @!p0 $0x1082;
	s9 =	sld [smem:$0x3FB3]  }
0x2f: {  	lr =	sadd.s32 s0, s3;
	s0 =	sld [smem:$0x3FAA]  }
0x30: {  	s3 =	sld [smem:$0x3FAD]  }
0x31: {  	[smem:$0x3FB6] =	sst s10  }
0x32: {  	s10 =	sld [smem:$0x3FB4];
	_ =	sdelay $0x3  }
0x33: {  	p0 =	seq.s32 s10, $0x1;
	s10 =	sld [smem:$0x3FB6];
	_ =	sdelay $0x3  }
0x34: {  	[smem:$0x3FB6] =	sst s10  }
0x35: {  	s10 =	sld [smem:$0x3FB5];
	_ =	sdelay $0x3  }
0x36: {  	p1 =	seq.s32 s10, $0x1;
	s10 =	sld [smem:$0x3FB6];
	_ =	sdelay $0x3  }
0x37: {  	[smem:$0x3FB6] =	sst s10  }
0x38: {  	s10 =	sld [smem:$0x3FB7]  }
0x39: {  	_ = 	snop;
	(pc) =	sbr.ind lr, $3  }
0x3a: {  	_ = 	snop  }
0x3b: {  	_ = 	snop  }
0x3c: {  	p2 =	seq.s32 s10, $0x1;
	s10 =	sld [smem:$0x3FB6]  }
0x3d: {  	_ =	shalt  }
0x3e: {  	_ =	shalt  }
0x3f: {  	_ =	shalt  }
0x40: {  	_ =	shalt  }
0x41: {  	_ =	shalt  }
0x42: {  	_ =	shalt  }
0x43: {  	_ =	shalt  }
0x44: {  	_ =	shalt  }
0x45: {  	_ =	shalt  }
0x46: {  	_ =	shalt  }
0x47: {  	_ =	shalt  }
0x48: {  	_ =	shalt  }
0x49: {  	_ =	shalt  }
0x4a: {  	_ =	shalt  }
0x4b: {  	_ =	shalt  }
0x4c: {  	_ =	shalt  }
0x4d: {  	_ =	shalt  }
0x4e: {  	_ =	shalt  }
0x4f: {  	_ =	shalt  }
0x50: {  	_ =	shalt  }
0x51: {  	_ =	shalt  }
0x52: {  	_ =	shalt  }
0x53: {  	_ =	shalt  }
0x54: {  	_ =	shalt  }
0x55: {  	_ =	shalt  }
0x56: {  	_ =	shalt  }
0x57: {  	_ =	shalt  }
0x58: {  	_ =	shalt  }
0x59: {  	_ =	shalt  }
0x5a: {  	_ =	shalt  }
0x5b: {  	_ =	shalt  }
0x5c: {  	_ =	shalt  }
0x5d: {  	_ =	shalt  }
0x5e: {  	_ =	shalt  }
0x5f: {  	_ =	shalt  }
0x60: {  	_ =	shalt  }
0x61: {  	_ =	shalt  }
0x62: {  	_ =	shalt  }
0x63: {  	_ =	shalt  }
0x64: {  	_ =	shalt  }
0x65: {  	_ =	shalt  }
0x66: {  	_ =	shalt  }
0x67: {  	_ =	shalt  }
0x68: {  	_ =	shalt  }
0x69: {  	_ =	shalt  }
0x6a: {  	_ =	shalt  }
0x6b: {  	_ =	shalt  }
0x6c: {  	_ =	shalt  }
0x6d: {  	_ =	shalt  }
0x6e: {  	_ =	shalt  }
0x6f: {  	_ =	shalt  }
0x70: {  	_ =	shalt  }
0x71: {  	_ =	shalt  }
0x72: {  	_ =	shalt  }
0x73: {  	_ =	shalt  }
0x74: {  	_ =	shalt  }
0x75: {  	_ =	shalt  }
0x76: {  	_ =	shalt  }
0x77: {  	_ =	shalt  }
0x78: {  	_ =	shalt  }
0x79: {  	_ =	shalt  }
0x7a: {  	_ =	shalt  }
0x7b: {  	_ =	shalt  }
0x7c: {  	_ =	shalt  }
0x7d: {  	_ =	shalt  }
0x7e: {  	_ =	shalt  }
0x7f: {  	_ =	shalt  }
0x80: {  	_ =	shalt  }
0x81: {  	_ =	shalt  }
0x82: {  	_ =	shalt  }
0x83: {  	_ =	shalt  }
0x84: {  	_ =	shalt  }
0x85: {  	_ =	shalt  }
0x86: {  	_ =	shalt  }
0x87: {  	_ =	shalt  }
.Lfunc_end0:
.L_simem_size_0:
called_computation.1_lowered:
.L_overlay_start_0:
0x88: {  	s2 =	sld [smem:$0x3FD9]  }
0x89: {  	s3 =	sld [smem:$0x3FFE];
	_ =	sdelay $0x1  }
0x8a: {  	s1 =	srdreg.scid  }
0x8b: {  	s0 =	sand.u32 $0x1, s1  }
0x8c: {  	s14 =	sshll.u32 s0, $0xA;
	s2 =	sadd.s32 s3, s2  }
0x8d: {  	s2 =	sadd.s32 s2, s14  }
0x8e: {  	[smem:$0x3FC2] =	sst s2  }
0x8f: {  	_ = 	snop  }
0x90: {  	s2 =	sld [smem:$0x3FD0];
	_ =	sdelay $0x2  }
0x91: {  	s4 =	simm.s32 $0xA;
	s5 =	simm.s32 $0x10;
	s15 =	sld [smem:$0x3FC4]  }
0x92: {  	[smem:s5], [sflag:s4] =	dma.local [hbm:s2], $0x1  }
0x93: {  	_ =	swait.eq [sflag:s4], $0x1  }
0x94: {  	[sflag:s4] =	ssyncset.done $0x0  }
0x95: {  	s16 =	sld [smem:$0x10];
	[sflag:s4] =	ssyncadd.s32 $0xFFFFFFFF  }
0x96: {  	s17 =	sld [smem:$0x13];
	(tm) =	ssettm $0x1  }
0x97: {  	s18 =	sld [smem:$0x3FFB];
	_ =	sdelay $0x3  }
0x98: {  	_ =	strace s18  }
0x99: {  	s5 =	sld [smem:$0x3FFC];
	_ =	sdelay $0x3  }
0x9a: {  	_ =	strace s5  }
0x9b: {  	s5 =	sld [smem:$0x3FFD];
	_ =	sdelay $0x3  }
0x9c: {  	_ =	strace s5  }
0x9d: {  	_ =	strace $0x8FFFFFFF  }
0x9e: {  	s19 =	sld [smem:$0x3FDB];
	_ =	sdelay $0x1  }
0x9f: {  	s6 =	simm.s32 $_scs_section_size  }
0xa0: {  	s7 =	simm.s32 $_size__tile_overlayer_lowered;
	s8 =	simm.s32 $_tile_overlayer_lowered  }
0xa1: {  	s22 =	simm.s32 $0x1BFF;
	s21 =	sshll.u32 s8, $0x1;
	s5 =	sadd.s32 s6, s19  }
0xa2: {  	s9 =	simm.s32 $0x0;
	s20 =	sshll.u32 s7, $0x1;
	s7 =	sadd.s32 s21, s5  }
0xa3: {  	[timem:s9], [sflag:s22] =	dma.local [hbm:s7], s20  }
0xa4: {  	_ =	swait.ge [sflag:s22], s20  }
0xa5: {  	s6 =	ssub.s32 $0x0, s20;
	[sflag:s22] =	ssyncset.done $0x0  }
0xa6: {  	[sflag:s22] =	ssyncadd.s32 s6;
	_ =	sdelay $0x1  }
0xa7: {  	s23 =	simm.s32 $0x1B8B  }
0xa8: {  	_ =	swait.ge [sflag:s23], $0x1  }
0xa9: {  	[sflag:s23] =	ssyncset.done $0x0  }
0xaa: {  	s25 =	simm.s32 $0x1B8E;
	s24 =	sld [smem:$0x3FFE];
	[sflag:s23] =	ssyncadd.s32 $0xFFFFFFFF  }
0xab: {  	s26 =	simm.s32 $execute0_lowered;
	[smem:$0x3FD2] =	sst s25  }
0xac: {  	s7 =	sshll.u32 s26, $0x1;
	_ =	strace $0x80000049;
	[dreg:$0x1] =	wrdreg $0xFFFFFFFF  }
0xad: {  	s28 =	simm.s32 $_size_execute0_lowered;
	s5 =	sadd.s32 s5, s7;
	[dreg:$0x0] =	wrdreg $0x0  }
0xae: {  	s7 =	sshll.u32 s28, $0x1;
	[dreg:$0x2] =	wrdreg s5  }
0xaf: {  	[dreg:$0x3] =	wrdreg s7  }
0xb0: {  	[dreg:$0x4] =	wrdreg $0xC0  }
0xb1: {  	_ =	task [dreg:s9], $0x5FFFF  }
0xb2: {  	[dreg:$0x1] =	wrdreg $0xFFFFFFFF  }
0xb3: {  	[dreg:$0x0] =	wrdreg $0x60  }
0xb4: {  	[dreg:$0x2] =	wrdreg s24  }
0xb5: {  	[dreg:$0x3] =	wrdreg s16  }
0xb6: {  	[dreg:$0x4] =	wrdreg s15  }
0xb7: {  	[dreg:$0x5] =	wrdreg s17  }
0xb8: {  	[dreg:$0x6] =	wrdreg $0x9  }
0xb9: {  	_ =	task.clear_ibuf [dreg:s9], $0x7FFFF;
	_ =	strace $0x90000049  }
0xba: {  	s29 =	simm.s32 $0x9;
	_ =	strace $0x8000004B  }
0xbb: {  	_ =	swait.ge [sflag:s29], $0x1  }
0xbc: {  	[sflag:s29] =	ssyncadd.s32 $0xFFFFFFFF  }
0xbd: {  	_ =	strace $0x9000004B  }
0xbe: {  	_ =	sfence  }
0xbf: {  	s30 =	sld [smem:$0x0];
	_ =	sdelay $0x2  }
0xc0: {  	s31 =	sshll.u32 s1, $0xD;
	s1 =	sshrl.u32 s1, $0x2  }
0xc1: {  	s3 =	sand.u32 $0x4000, s31;
	s1 =	sadd.s32 s1, s30  }
0xc2: {  	s0 =	sor.u32 s3, s0;
	s1 =	sshll.u32 s1, $0x11  }
0xc3: {  	s0 =	sor.u32 s1, s0  }
0xc4: {  	s0 =	sadd.s32 $0x8F2B, s0  }
0xc5: {  	[sflag:s0] =	ssyncadd.remote.s32 $0x1  }
0xc6: {  	_ =	sfence.sel $0xFFFF  }
0xc7: {  	[dreg:$0x0] =	wrdreg $0xFFFFFFFF;
	(pc) =	sbr.abs _section_cstart, $3  }
0xc8: {  	[dreg:$0x1] =	wrdreg $0xFFFFFFFF  }
0xc9: {  	_ =	task.clear_ibuf [dreg:s9], $0x2FFFF;
	_ =	strace $0x9FFFFFFF  }
0xca: {  	(tm) =	ssettm $0x7FFFFFFF  }
0xcb: {  	_ =	shalt  }
tec
execute0_lowered:
.L_overlay_start_1:
0x0: {  	(tag) =	ssettag $0x1  }
0x1: {  	s0 =	rddreg [dreg:$0x0]  }
0x2: {  	s1 =	rddreg [dreg:$0x1]  }
0x3: {  	s2 =	srdreg.scid;
	s3 =	stileid.u32  }
0x4: {  	s8 =	rddreg [dreg:$0x3];
	s2 =	sand.u32 $0x1, s2;
	s4 =	sshll.u32 s3, $0x1  }
0x5: {  	s28 =	simm.s32 $0x2;
	s30 =	simm.s32 $0x80;
	s10 =	sor.u32 s2, s4  }
0x6: {  	s31 =	simm.s32 $0x600;
	s29 =	simm.s32 $0x12000;
	s7 =	smul.u32 $0x4A0, s10  }
0x7: {  	s3 =	simm.s32 $0x0;
	s5 =	sadd.s32 $0xB1A00, s0;
	s15 =	smul.u32 $0xF0, s10  }
0x8: {  	s6 =	sadd.s32 $0x400, s0;
	s2 =	ssub.s32 $0x2, s2;
	s18 =	smul.u32 $0xA00, s10  }
0x9: {  	[smem:$0x7FF] =	sst s3;
	s12 =	sshrl.u32 s2, $0x1;
	s10 =	smul.u32 $0xA, s10  }
0xa: {  	_ =	strace $0x8000004A;
	s2 =	ssub.s32 s2, s12;
	s1 =	sadd.s32 s1, s18  }
0xb: {  	s9 =	sshrl.u32 s7, $0x3;
	s21 =	sadd.s32 s6, s10;
	[dreg:$0xf] =	wrdreg s1  }
0xc: {  	s25 =	smax.u32 s2, $0x1;
	s11 =	sadd.s32 s9, s0;
	[dreg:$0x10] =	wrdreg s21  }
0xd: {  	s9 =	sadd.s32 s8, s9;
	[dreg:$0x14] =	wrdreg s25;
	s11 =	sadd.s32 $0x600, s11  }
0xe: {  	s4 =	sadd.s32 $0x63600, s0;
	s8 =	sadd.s32 $0x10, s9;
	[dreg:$0x5] =	wrdreg s11  }
0xf: {  	s7 =	sadd.s32 $0x1A00, s0;
	s12 =	sadd.s32 $0x30, s9;
	[dreg:$0x6] =	wrdreg s8  }
0x10: {  	s18 =	simm.s32 $0xF800;
	s13 =	sadd.s32 $0x40, s9;
	[dreg:$0x8] =	wrdreg s12  }
0x11: {  	s2 =	simm.s32 $0x11000;
	s14 =	sadd.s32 $0x50, s9;
	[dreg:$0x9] =	wrdreg s13  }
0x12: {  	s1 =	simm.s32 $0x680;
	s16 =	sadd.s32 $0x60, s9;
	[dreg:$0xa] =	wrdreg s14  }
0x13: {  	s25 =	simm.s32 $0xAF80;
	s17 =	sadd.s32 $0x70, s9;
	[dreg:$0xb] =	wrdreg s16  }
0x14: {  	s21 =	simm.s32 $0x10800;
	s19 =	sadd.s32 $0x80, s9;
	[dreg:$0xc] =	wrdreg s17  }
0x15: {  	s20 =	sadd.s32 $0x90, s9;
	s11 =	sadd.s32 $0x20, s9;
	[dreg:$0xd] =	wrdreg s19  }
0x16: {  	s8 =	sshrl.u32 s15, $0x3;
	[dreg:$0xe] =	wrdreg s20;
	s12 =	simm.s32 $0xCF80  }
0x17: {  	s13 =	simm.s32 $0xD780;
	s14 =	simm.s32 $0xDF80;
	s20 =	sadd.s32 s0, s8  }
0x18: {  	s15 =	simm.s32 $0xE780;
	[dreg:$0x7] =	wrdreg s11;
	s22 =	sadd.s32 $0x6, s20  }
0x19: {  	s16 =	simm.s32 $0xEF80;
	s23 =	sadd.s32 $0xC, s20;
	[dreg:$0x11] =	wrdreg s22  }
0x1a: {  	s17 =	simm.s32 $0xF780;
	s24 =	sadd.s32 $0x12, s20;
	[dreg:$0x12] =	wrdreg s23  }
0x1b: {  	v3 =	vlaneseq.u32;
	s19 =	simm.s32 $0x10000;
	s26 =	sadd.s32 $0x18, s20;
	[dreg:$0x13] =	wrdreg s24  }
0x1c: {  	v0 =	vimm.s32 $0x9FF;
	vm0 =	vmmov $0xffff;
	v2 =	vshrl.u32 v3, $0x3;
	s0 =	simm.s32 $0x1;
	[dreg:$0x15] =	wrdreg s26;
	s24 =	simm.s32 $0xA780  }
0x1d: {  	v1 =	vand.u32 $0x7, v3;
	v3 =	vor.u32 $0x8, v3;
	v2 =	vmul.u32 $0x8, v2;
	s26 =	simm.s32 $0xB780;
	s22 =	simm.s32 $0x11800;
	s23 =	simm.s32 $0x0  }
.LBB2_1:
0x1e: {  	s8 =	rddreg [dreg:$0x2]  }
0x1f: {  	[tilespmem:s3], [sflag:$0x2] =	stream.linear.gather [hbm4b:s8+s3], $0x100, $0x38;
	[tilespmem:$0x12800] =	vst v63  }
0x20: {  	_ =	swait.ge [sflag:s28], $0x100  }
0x21: {  	[sflag:s28] =	ssyncset.done $0x0  }
0x22: {  	s10 =	simm.s32 $0x100;
	s8 =	rddreg [dreg:$0x5];
	[sflag:s28] =	ssyncadd.s32 $0xFFFFFF00  }
0x23: {  	[tilespmem:s10], [sflag:$0x2] =	stream.linear.gather [hbm4b:s8+s3], $0x4A0, $0x38;
	[tilespmem:$0x12800] =	vst v63  }
0x24: {  	_ =	swait.ge [sflag:s28], $0x4A0  }
0x25: {  	[sflag:s28] =	ssyncset.done $0x0  }
0x26: {  	[sflag:s28] =	ssyncadd.s32 $0xFFFFFB60  }
0x27: {  	[tilespmem:$0x5A0] =	vst v0  }
0x28: {  	[tilespmem:$0x5B0] =	vst v0;
	v4 =	vld [tilespmem:$0x100]  }
0x29: {  	[tilespmem:$0x5C0] =	vst v0;
	v5 =	vld [tilespmem:$0x110]  }
0x2a: {  	[tilespmem:$0x5D0] =	vst v0;
	v6 =	vld [tilespmem:$0x120]  }
0x2b: {  	[tilespmem:$0x5E0] =	vst v0;
	v7 =	vld [tilespmem:$0x130]  }
0x2c: {  	[tilespmem:$0x5F0] =	vst v0;
	v8 =	vld [tilespmem:$0x140]  }
0x2d: {  	[tilespmem:$0x600] =	vst v4;
	v4 =	vld [tilespmem:$0x150]  }
0x2e: {  	[tilespmem:$0x610] =	vst v5;
	v5 =	vld [tilespmem:$0x160]  }
0x2f: {  	[tilespmem:$0x620] =	vst v6;
	v6 =	vld [tilespmem:$0x170]  }
0x30: {  	[tilespmem:$0x630] =	vst v7  }
0x31: {  	[tilespmem:$0x640] =	vst v8  }
0x32: {  	[tilespmem:$0x650] =	vst v4  }
0x33: {  	[tilespmem:$0x660] =	vst v5  }
0x34: {  	[tilespmem:$0x670] =	vst v6  }
0x35: {  	[tilespmem:s1], [sflag:$0x1] =	stream.indirect.gather [hbm4b:s6+s30], $0x1, s31, s30, $0xb8;
	[tilespmem:$0x12800] =	vst v63  }
0x36: {  	_ =	swait.ge [sflag:s0], $0x80  }
0x37: {  	[sflag:s0] =	ssyncset.done $0x0  }
0x38: {  	[sflag:s0] =	ssyncadd.s32 $0xFFFFFF80  }
0x39: {  	[hbm4b:s9+s3] =	stream.linear.scatter [tilespmem:s1], [sflag:$0x2], $0x80, $0x38;
	[tilespmem:$0x12800] =	vst v63  }
0x3a: {  	_ =	swait.ge [sflag:s28], $0x80  }
0x3b: {  	[sflag:s28] =	ssyncset.done $0x0  }
0x3c: {  	[sflag:s28] =	ssyncadd.s32 $0xFFFFFF80  }
0x3d: {  	v4 =	vld [tilespmem:$0x180]  }
0x3e: {  	v5 =	vld [tilespmem:$0x190]  }
0x3f: {  	v6 =	vld [tilespmem:$0x1A0]  }
0x40: {  	v7 =	vld [tilespmem:$0x1B0]  }
0x41: {  	v55 =	vld [tilespmem:$0x1C0]  }
0x42: {  	[tilespmem:$0x600] =	vst v4;
	v4 =	vld [tilespmem:$0x1D0]  }
0x43: {  	[tilespmem:$0x610] =	vst v5;
	v5 =	vld [tilespmem:$0x1E0]  }
0x44: {  	[tilespmem:$0x620] =	vst v6;
	v6 =	vld [tilespmem:$0x1F0]  }
0x45: {  	[tilespmem:$0x630] =	vst v7  }
0x46: {  	[tilespmem:$0x640] =	vst v55  }
0x47: {  	[tilespmem:$0x650] =	vst v4  }
0x48: {  	[tilespmem:$0x660] =	vst v5  }
0x49: {  	[tilespmem:$0x670] =	vst v6  }
0x4a: {  	[tilespmem:s1], [sflag:$0x1] =	stream.indirect.gather [hbm4b:s6+s30], $0x1, s31, s30, $0xb8;
	[tilespmem:$0x12800] =	vst v63  }
0x4b: {  	_ =	swait.ge [sflag:s0], $0x80  }
0x4c: {  	[sflag:s0] =	ssyncset.done $0x0  }
0x4d: {  	s10 =	rddreg [dreg:$0x6];
	[sflag:s0] =	ssyncadd.s32 $0xFFFFFF80  }
0x4e: {  	[hbm4b:s10+s3] =	stream.linear.scatter [tilespmem:s1], [sflag:$0x2], $0x80, $0x38;
	[tilespmem:$0x12800] =	vst v63  }
0x4f: {  	_ =	swait.ge [sflag:s28], $0x80  }
0x50: {  	[sflag:s28] =	ssyncset.done $0x0  }
0x51: {  	[sflag:s28] =	ssyncadd.s32 $0xFFFFFF80  }
0x52: {  	v4 =	vld [tilespmem:$0x200]  }
0x53: {  	v5 =	vld [tilespmem:$0x210]  }
0x54: {  	v6 =	vld [tilespmem:$0x220]  }
0x55: {  	v7 =	vld [tilespmem:$0x230]  }
0x56: {  	v56 =	vld [tilespmem:$0x240]  }
0x57: {  	[tilespmem:$0x600] =	vst v4;
	v4 =	vld [tilespmem:$0x250]  }
0x58: {  	[tilespmem:$0x610] =	vst v5;
	v5 =	vld [tilespmem:$0x260]  }
0x59: {  	[tilespmem:$0x620] =	vst v6;
	v6 =	vld [tilespmem:$0x270]  }
0x5a: {  	[tilespmem:$0x630] =	vst v7  }
0x5b: {  	[tilespmem:$0x640] =	vst v56  }
0x5c: {  	[tilespmem:$0x650] =	vst v4  }
0x5d: {  	[tilespmem:$0x660] =	vst v5  }
0x5e: {  	[tilespmem:$0x670] =	vst v6  }
0x5f: {  	[tilespmem:s1], [sflag:$0x1] =	stream.indirect.gather [hbm4b:s6+s30], $0x1, s31, s30, $0xb8;
	[tilespmem:$0x12800] =	vst v63  }
0x60: {  	_ =	swait.ge [sflag:s0], $0x80  }
0x61: {  	[sflag:s0] =	ssyncset.done $0x0  }
0x62: {  	s10 =	rddreg [dreg:$0x7];
	[sflag:s0] =	ssyncadd.s32 $0xFFFFFF80  }
0x63: {  	[hbm4b:s10+s3] =	stream.linear.scatter [tilespmem:s1], [sflag:$0x2], $0x80, $0x38;
	[tilespmem:$0x12800] =	vst v63  }
0x64: {  	_ =	swait.ge [sflag:s28], $0x80  }
0x65: {  	[sflag:s28] =	ssyncset.done $0x0  }
0x66: {  	[sflag:s28] =	ssyncadd.s32 $0xFFFFFF80  }
0x67: {  	v4 =	vld [tilespmem:$0x280]  }
0x68: {  	v5 =	vld [tilespmem:$0x290]  }
0x69: {  	v6 =	vld [tilespmem:$0x2A0]  }
0x6a: {  	v7 =	vld [tilespmem:$0x2B0]  }
0x6b: {  	v57 =	vld [tilespmem:$0x2C0]  }
0x6c: {  	[tilespmem:$0x600] =	vst v4;
	v4 =	vld [tilespmem:$0x2D0]  }
0x6d: {  	[tilespmem:$0x610] =	vst v5;
	v5 =	vld [tilespmem:$0x2E0]  }
0x6e: {  	[tilespmem:$0x620] =	vst v6;
	v6 =	vld [tilespmem:$0x2F0]  }
0x6f: {  	[tilespmem:$0x630] =	vst v7  }
0x70: {  	[tilespmem:$0x640] =	vst v57  }
0x71: {  	[tilespmem:$0x650] =	vst v4  }
0x72: {  	[tilespmem:$0x660] =	vst v5  }
0x73: {  	[tilespmem:$0x670] =	vst v6  }
0x74: {  	[tilespmem:s1], [sflag:$0x1] =	stream.indirect.gather [hbm4b:s6+s30], $0x1, s31, s30, $0xb8;
	[tilespmem:$0x12800] =	vst v63  }
0x75: {  	_ =	swait.ge [sflag:s0], $0x80  }
0x76: {  	[sflag:s0] =	ssyncset.done $0x0  }
0x77: {  	s10 =	rddreg [dreg:$0x8];
	[sflag:s0] =	ssyncadd.s32 $0xFFFFFF80  }
0x78: {  	[hbm4b:s10+s3] =	stream.linear.scatter [tilespmem:s1], [sflag:$0x2], $0x80, $0x38;
	[tilespmem:$0x12800] =	vst v63  }
0x79: {  	_ =	swait.ge [sflag:s28], $0x80  }
0x7a: {  	[sflag:s28] =	ssyncset.done $0x0  }
0x7b: {  	[sflag:s28] =	ssyncadd.s32 $0xFFFFFF80  }
0x7c: {  	v4 =	vld [tilespmem:$0x300]  }
0x7d: {  	v5 =	vld [tilespmem:$0x310]  }
0x7e: {  	v6 =	vld [tilespmem:$0x320]  }
0x7f: {  	v7 =	vld [tilespmem:$0x330]  }
0x80: {  	v58 =	vld [tilespmem:$0x340]  }
0x81: {  	[tilespmem:$0x600] =	vst v4;
	v4 =	vld [tilespmem:$0x350]  }
0x82: {  	[tilespmem:$0x610] =	vst v5;
	v5 =	vld [tilespmem:$0x360]  }
0x83: {  	[tilespmem:$0x620] =	vst v6;
	v6 =	vld [tilespmem:$0x370]  }
0x84: {  	[tilespmem:$0x630] =	vst v7  }
0x85: {  	[tilespmem:$0x640] =	vst v58  }
0x86: {  	[tilespmem:$0x650] =	vst v4  }
0x87: {  	[tilespmem:$0x660] =	vst v5  }
0x88: {  	[tilespmem:$0x670] =	vst v6  }
0x89: {  	[tilespmem:s1], [sflag:$0x1] =	stream.indirect.gather [hbm4b:s6+s30], $0x1, s31, s30, $0xb8;
	[tilespmem:$0x12800] =	vst v63  }
0x8a: {  	_ =	swait.ge [sflag:s0], $0x80  }
0x8b: {  	[sflag:s0] =	ssyncset.done $0x0  }
0x8c: {  	s10 =	rddreg [dreg:$0x9];
	[sflag:s0] =	ssyncadd.s32 $0xFFFFFF80  }
0x8d: {  	[hbm4b:s10+s3] =	stream.linear.scatter [tilespmem:s1], [sflag:$0x2], $0x80, $0x38;
	[tilespmem:$0x12800] =	vst v63  }
0x8e: {  	_ =	swait.ge [sflag:s28], $0x80  }
0x8f: {  	[sflag:s28] =	ssyncset.done $0x0  }
0x90: {  	[sflag:s28] =	ssyncadd.s32 $0xFFFFFF80  }
0x91: {  	v4 =	vld [tilespmem:$0x380]  }
0x92: {  	v5 =	vld [tilespmem:$0x390]  }
0x93: {  	v6 =	vld [tilespmem:$0x3A0]  }
0x94: {  	v7 =	vld [tilespmem:$0x3B0]  }
0x95: {  	v59 =	vld [tilespmem:$0x3C0]  }
0x96: {  	[tilespmem:$0x600] =	vst v4;
	v4 =	vld [tilespmem:$0x3D0]  }
0x97: {  	[tilespmem:$0x610] =	vst v5;
	v5 =	vld [tilespmem:$0x3E0]  }
0x98: {  	[tilespmem:$0x620] =	vst v6;
	v6 =	vld [tilespmem:$0x3F0]  }
0x99: {  	[tilespmem:$0x630] =	vst v7  }
0x9a: {  	[tilespmem:$0x640] =	vst v59  }
0x9b: {  	[tilespmem:$0x650] =	vst v4  }
0x9c: {  	[tilespmem:$0x660] =	vst v5  }
0x9d: {  	[tilespmem:$0x670] =	vst v6  }
0x9e: {  	[tilespmem:s1], [sflag:$0x1] =	stream.indirect.gather [hbm4b:s6+s30], $0x1, s31, s30, $0xb8;
	[tilespmem:$0x12800] =	vst v63  }
0x9f: {  	_ =	swait.ge [sflag:s0], $0x80  }
0xa0: {  	[sflag:s0] =	ssyncset.done $0x0  }
0xa1: {  	s10 =	rddreg [dreg:$0xa];
	[sflag:s0] =	ssyncadd.s32 $0xFFFFFF80  }
0xa2: {  	[hbm4b:s10+s3] =	stream.linear.scatter [tilespmem:s1], [sflag:$0x2], $0x80, $0x38;
	[tilespmem:$0x12800] =	vst v63  }
0xa3: {  	_ =	swait.ge [sflag:s28], $0x80  }
0xa4: {  	[sflag:s28] =	ssyncset.done $0x0  }
0xa5: {  	[sflag:s28] =	ssyncadd.s32 $0xFFFFFF80  }
0xa6: {  	v4 =	vld [tilespmem:$0x400]  }
0xa7: {  	v5 =	vld [tilespmem:$0x410]  }
0xa8: {  	v6 =	vld [tilespmem:$0x420]  }
0xa9: {  	v7 =	vld [tilespmem:$0x430]  }
0xaa: {  	v60 =	vld [tilespmem:$0x440]  }
0xab: {  	[tilespmem:$0x600] =	vst v4;
	v4 =	vld [tilespmem:$0x450]  }
0xac: {  	[tilespmem:$0x610] =	vst v5;
	v5 =	vld [tilespmem:$0x460]  }
0xad: {  	[tilespmem:$0x620] =	vst v6;
	v6 =	vld [tilespmem:$0x470]  }
0xae: {  	[tilespmem:$0x630] =	vst v7  }
0xaf: {  	[tilespmem:$0x640] =	vst v60  }
0xb0: {  	[tilespmem:$0x650] =	vst v4  }
0xb1: {  	[tilespmem:$0x660] =	vst v5  }
0xb2: {  	[tilespmem:$0x670] =	vst v6  }
0xb3: {  	[tilespmem:s1], [sflag:$0x1] =	stream.indirect.gather [hbm4b:s6+s30], $0x1, s31, s30, $0xb8;
	[tilespmem:$0x12800] =	vst v63  }
0xb4: {  	_ =	swait.ge [sflag:s0], $0x80  }
0xb5: {  	[sflag:s0] =	ssyncset.done $0x0  }
0xb6: {  	s10 =	rddreg [dreg:$0xb];
	[sflag:s0] =	ssyncadd.s32 $0xFFFFFF80  }
0xb7: {  	[hbm4b:s10+s3] =	stream.linear.scatter [tilespmem:s1], [sflag:$0x2], $0x80, $0x38;
	[tilespmem:$0x12800] =	vst v63  }
0xb8: {  	_ =	swait.ge [sflag:s28], $0x80  }
0xb9: {  	[sflag:s28] =	ssyncset.done $0x0  }
0xba: {  	[sflag:s28] =	ssyncadd.s32 $0xFFFFFF80  }
0xbb: {  	v4 =	vld [tilespmem:$0x480]  }
0xbc: {  	v5 =	vld [tilespmem:$0x490]  }
0xbd: {  	v6 =	vld [tilespmem:$0x4A0]  }
0xbe: {  	v7 =	vld [tilespmem:$0x4B0]  }
0xbf: {  	v61 =	vld [tilespmem:$0x4C0]  }
0xc0: {  	[tilespmem:$0x600] =	vst v4;
	v4 =	vld [tilespmem:$0x4D0]  }
0xc1: {  	[tilespmem:$0x610] =	vst v5;
	v5 =	vld [tilespmem:$0x4E0]  }
0xc2: {  	[tilespmem:$0x620] =	vst v6;
	v6 =	vld [tilespmem:$0x4F0]  }
0xc3: {  	[tilespmem:$0x630] =	vst v7  }
0xc4: {  	[tilespmem:$0x640] =	vst v61  }
0xc5: {  	[tilespmem:$0x650] =	vst v4  }
0xc6: {  	[tilespmem:$0x660] =	vst v5  }
0xc7: {  	[tilespmem:$0x670] =	vst v6  }
0xc8: {  	[tilespmem:s1], [sflag:$0x1] =	stream.indirect.gather [hbm4b:s6+s30], $0x1, s31, s30, $0xb8;
	[tilespmem:$0x12800] =	vst v63  }
0xc9: {  	_ =	swait.ge [sflag:s0], $0x80  }
0xca: {  	[sflag:s0] =	ssyncset.done $0x0  }
0xcb: {  	s10 =	rddreg [dreg:$0xc];
	[sflag:s0] =	ssyncadd.s32 $0xFFFFFF80  }
0xcc: {  	[hbm4b:s10+s3] =	stream.linear.scatter [tilespmem:s1], [sflag:$0x2], $0x80, $0x38;
	[tilespmem:$0x12800] =	vst v63  }
0xcd: {  	_ =	swait.ge [sflag:s28], $0x80  }
0xce: {  	[sflag:s28] =	ssyncset.done $0x0  }
0xcf: {  	[sflag:s28] =	ssyncadd.s32 $0xFFFFFF80  }
0xd0: {  	v4 =	vld [tilespmem:$0x500]  }
0xd1: {  	v5 =	vld [tilespmem:$0x510]  }
0xd2: {  	v6 =	vld [tilespmem:$0x520]  }
0xd3: {  	v7 =	vld [tilespmem:$0x530]  }
0xd4: {  	v62 =	vld [tilespmem:$0x540]  }
0xd5: {  	[tilespmem:$0x600] =	vst v4;
	v4 =	vld [tilespmem:$0x550]  }
0xd6: {  	[tilespmem:$0x610] =	vst v5;
	v5 =	vld [tilespmem:$0x560]  }
0xd7: {  	[tilespmem:$0x620] =	vst v6;
	v6 =	vld [tilespmem:$0x570]  }
0xd8: {  	[tilespmem:$0x630] =	vst v7  }
0xd9: {  	[tilespmem:$0x640] =	vst v62  }
0xda: {  	[tilespmem:$0x650] =	vst v4  }
0xdb: {  	[tilespmem:$0x660] =	vst v5  }
0xdc: {  	[tilespmem:$0x670] =	vst v6  }
0xdd: {  	[tilespmem:s1], [sflag:$0x1] =	stream.indirect.gather [hbm4b:s6+s30], $0x1, s31, s30, $0xb8;
	[tilespmem:$0x12800] =	vst v63  }
0xde: {  	_ =	swait.ge [sflag:s0], $0x80  }
0xdf: {  	[sflag:s0] =	ssyncset.done $0x0  }
0xe0: {  	s10 =	rddreg [dreg:$0xd];
	[sflag:s0] =	ssyncadd.s32 $0xFFFFFF80  }
0xe1: {  	[hbm4b:s10+s3] =	stream.linear.scatter [tilespmem:s1], [sflag:$0x2], $0x80, $0x38;
	[tilespmem:$0x12800] =	vst v63  }
0xe2: {  	_ =	swait.ge [sflag:s28], $0x80  }
0xe3: {  	[sflag:s28] =	ssyncset.done $0x0  }
0xe4: {  	[sflag:s28] =	ssyncadd.s32 $0xFFFFFF80  }
0xe5: {  	v4 =	vld [tilespmem:$0x580]  }
0xe6: {  	v5 =	vld [tilespmem:$0x590]  }
0xe7: {  	v6 =	vld [tilespmem:$0x5A0]  }
0xe8: {  	v7 =	vld [tilespmem:$0x5B0]  }
0xe9: {  	v63 =	vld [tilespmem:$0x5C0]  }
0xea: {  	[tilespmem:$0x600] =	vst v4;
	v4 =	vld [tilespmem:$0x5D0]  }
0xeb: {  	[tilespmem:$0x610] =	vst v5;
	v5 =	vld [tilespmem:$0x5E0]  }
0xec: {  	[tilespmem:$0x620] =	vst v6;
	v6 =	vld [tilespmem:$0x5F0]  }
0xed: {  	[tilespmem:$0x630] =	vst v7  }
0xee: {  	[tilespmem:$0x640] =	vst v63  }
0xef: {  	[tilespmem:$0x650] =	vst v4  }
0xf0: {  	[tilespmem:$0x660] =	vst v5  }
0xf1: {  	[tilespmem:$0x670] =	vst v6  }
0xf2: {  	[tilespmem:s1], [sflag:$0x1] =	stream.indirect.gather [hbm4b:s6+s30], $0x1, s31, s30, $0xb8;
	[tilespmem:$0x12800] =	vst v63  }
0xf3: {  	_ =	swait.ge [sflag:s0], $0x80  }
0xf4: {  	[sflag:s0] =	ssyncset.done $0x0  }
0xf5: {  	s10 =	rddreg [dreg:$0xe];
	[sflag:s0] =	ssyncadd.s32 $0xFFFFFF80  }
0xf6: {  	[hbm4b:s10+s3] =	stream.linear.scatter [tilespmem:s1], [sflag:$0x2], $0x20, $0x38;
	[tilespmem:$0x12800] =	vst v63  }
0xf7: {  	_ =	swait.ge [sflag:s28], $0x20  }
0xf8: {  	[sflag:s28] =	ssyncset.done $0x0  }
0xf9: {  	s10 =	simm.s32 $0x700;
	s8 =	rddreg [dreg:$0xf];
	[sflag:s28] =	ssyncadd.s32 $0xFFFFFFE0  }
0xfa: {  	[tilespmem:s10], [sflag:$0x2] =	stream.linear.gather [hbm4b:s8+s3], $0x5000, $0x38;
	[tilespmem:$0x12800] =	vst v63  }
0xfb: {  	_ =	swait.ge [sflag:s28], $0x5000  }
0xfc: {  	[sflag:s28] =	ssyncset.done $0x0  }
0xfd: {  	s10 =	simm.s32 $0x5700;
	s8 =	rddreg [dreg:$0x10];
	[sflag:s28] =	ssyncadd.s32 $0xFFFFB000  }
0xfe: {  	[tilespmem:s10], [sflag:$0x2] =	stream.linear.gather [hbm4b:s8+s3], $0x50, $0x38;
	[tilespmem:$0x12800] =	vst v63  }
0xff: {  	_ =	swait.ge [sflag:s28], $0x50  }
0x100: {  	[sflag:s28] =	ssyncset.done $0x0  }
0x101: {  	[sflag:s28] =	ssyncadd.s32 $0xFFFFFFB0  }
0x102: {  	v4 =	vld [tilespmem:$0x5700];
	_ =	sdelay $0x4  }
0x103: {  	v5 =	vshll.u32 v4, $0x1  }
0x104: {  	v4 =	vand.u32 $0x7, v4;
	v5 =	vand.u32 $0xFFFFFFF0, v5  }
0x105: {  	v4 =	vor.u32 v4, v5  }
0x106: {  	v5 =	vperm.xlane v4, v1;
	_ =	sdelay $0x1  }
0x107: {  	v4 =	vperm.xlane v4, v3;
	v5 =	vadd.s32 v2, v5;
	_ =	sdelay $0x1  }
0x108: {  	v4 =	vadd.s32 v2, v4;
	_ =	sdelay $0x1  }
0x109: {  	s10 =	simm.s32 $0x5780  }
0x10a: {  	[tilespmem:s10], [sflag:$0x1] =	stream.indirect_vreg.gather [hbm4b:s4+s3], $0x80, v5, vm0, $0xb8;
	[tilespmem:$0x12800] =	vst v63  }
0x10b: {  	s10 =	simm.s32 $0x5F80  }
0x10c: {  	[tilespmem:s10], [sflag:$0x1] =	stream.indirect_vreg.gather [hbm4b:s4+s3], $0x80, v4, vm0, $0xb8;
	[tilespmem:$0x12800] =	vst v63  }
0x10d: {  	v4 =	vld [tilespmem:$0x5710];
	_ =	sdelay $0x4  }
0x10e: {  	v5 =	vshll.u32 v4, $0x1  }
0x10f: {  	v4 =	vand.u32 $0x7, v4;
	v5 =	vand.u32 $0xFFFFFFF0, v5  }
0x110: {  	v4 =	vor.u32 v4, v5  }
0x111: {  	v5 =	vperm.xlane v4, v1;
	_ =	sdelay $0x1  }
0x112: {  	v4 =	vperm.xlane v4, v3;
	v5 =	vadd.s32 v2, v5;
	_ =	sdelay $0x1  }
0x113: {  	v4 =	vadd.s32 v2, v4;
	_ =	sdelay $0x1  }
0x114: {  	s10 =	simm.s32 $0x6780  }
0x115: {  	[tilespmem:s10], [sflag:$0x1] =	stream.indirect_vreg.gather [hbm4b:s4+s3], $0x80, v5, vm0, $0xb8;
	[tilespmem:$0x12800] =	vst v63  }
0x116: {  	s10 =	simm.s32 $0x6F80  }
0x117: {  	[tilespmem:s10], [sflag:$0x1] =	stream.indirect_vreg.gather [hbm4b:s4+s3], $0x80, v4, vm0, $0xb8;
	[tilespmem:$0x12800] =	vst v63  }
0x118: {  	v4 =	vld [tilespmem:$0x5720];
	_ =	sdelay $0x4  }
0x119: {  	v5 =	vshll.u32 v4, $0x1  }
0x11a: {  	v4 =	vand.u32 $0x7, v4;
	v5 =	vand.u32 $0xFFFFFFF0, v5  }
0x11b: {  	v4 =	vor.u32 v4, v5  }
0x11c: {  	v5 =	vperm.xlane v4, v1;
	_ =	sdelay $0x1  }
0x11d: {  	v4 =	vperm.xlane v4, v3;
	v5 =	vadd.s32 v2, v5;
	_ =	sdelay $0x1  }
0x11e: {  	v4 =	vadd.s32 v2, v4;
	_ =	sdelay $0x1  }
0x11f: {  	s10 =	simm.s32 $0x7780  }
0x120: {  	[tilespmem:s10], [sflag:$0x1] =	stream.indirect_vreg.gather [hbm4b:s4+s3], $0x80, v5, vm0, $0xb8;
	[tilespmem:$0x12800] =	vst v63  }
0x121: {  	s10 =	simm.s32 $0x7F80  }
0x122: {  	[tilespmem:s10], [sflag:$0x1] =	stream.indirect_vreg.gather [hbm4b:s4+s3], $0x80, v4, vm0, $0xb8;
	[tilespmem:$0x12800] =	vst v63  }
0x123: {  	v4 =	vld [tilespmem:$0x5730];
	_ =	sdelay $0x4  }
0x124: {  	v5 =	vshll.u32 v4, $0x1  }
0x125: {  	v4 =	vand.u32 $0x7, v4;
	v5 =	vand.u32 $0xFFFFFFF0, v5  }
0x126: {  	v4 =	vor.u32 v4, v5  }
0x127: {  	v5 =	vperm.xlane v4, v1;
	_ =	sdelay $0x1  }
0x128: {  	v4 =	vperm.xlane v4, v3;
	v5 =	vadd.s32 v2, v5;
	_ =	sdelay $0x1  }
0x129: {  	v4 =	vadd.s32 v2, v4;
	_ =	sdelay $0x1  }
0x12a: {  	s10 =	simm.s32 $0x8780  }
0x12b: {  	[tilespmem:s10], [sflag:$0x1] =	stream.indirect_vreg.gather [hbm4b:s4+s3], $0x80, v5, vm0, $0xb8;
	[tilespmem:$0x12800] =	vst v63  }
0x12c: {  	s10 =	simm.s32 $0x8F80  }
0x12d: {  	[tilespmem:s10], [sflag:$0x1] =	stream.indirect_vreg.gather [hbm4b:s4+s3], $0x80, v4, vm0, $0xb8;
	[tilespmem:$0x12800] =	vst v63  }
0x12e: {  	v4 =	vld [tilespmem:$0x5740];
	_ =	sdelay $0x4  }
0x12f: {  	v5 =	vshll.u32 v4, $0x1  }
0x130: {  	v4 =	vand.u32 $0x7, v4;
	v5 =	vand.u32 $0xFFFFFFF0, v5  }
0x131: {  	v4 =	vor.u32 v4, v5  }
0x132: {  	v5 =	vperm.xlane v4, v1;
	_ =	sdelay $0x1  }
0x133: {  	v4 =	vperm.xlane v4, v3;
	v5 =	vadd.s32 v2, v5;
	_ =	sdelay $0x1  }
0x134: {  	v4 =	vadd.s32 v2, v4;
	_ =	sdelay $0x1  }
0x135: {  	s10 =	simm.s32 $0x9780  }
0x136: {  	[tilespmem:s10], [sflag:$0x1] =	stream.indirect_vreg.gather [hbm4b:s4+s3], $0x80, v5, vm0, $0xb8;
	[tilespmem:$0x12800] =	vst v63  }
0x137: {  	s10 =	simm.s32 $0x9F80  }
0x138: {  	[tilespmem:s10], [sflag:$0x1] =	stream.indirect_vreg.gather [hbm4b:s4+s3], $0x80, v4, vm0, $0xb8;
	[tilespmem:$0x12800] =	vst v63  }
0x139: {  	_ =	swait.ge [sflag:s0], $0x5000  }
0x13a: {  	[sflag:s0] =	ssyncset.done $0x0  }
0x13b: {  	[sflag:s0] =	ssyncadd.s32 $0xFFFFB000  }
0x13c: {  	v4 =	vld [tilespmem:$0x5700];
	_ =	sdelay $0x4  }
0x13d: {  	v5 =	vshll.u32 v4, $0x1  }
0x13e: {  	v4 =	vand.u32 $0x7, v4;
	v5 =	vand.u32 $0xFFFFFFF0, v5  }
0x13f: {  	v4 =	vor.u32 v4, v5  }
0x140: {  	v5 =	vperm.xlane v4, v1;
	_ =	sdelay $0x1  }
0x141: {  	v4 =	vperm.xlane v4, v3;
	v5 =	vadd.s32 v2, v5;
	_ =	sdelay $0x1  }
0x142: {  	v4 =	vadd.s32 v2, v4;
	_ =	sdelay $0x2  }
0x143: {  	[tilespmem:s24], [sflag:$0x1] =	stream.indirect_vreg.gather [hbm4b:s5+s3], $0x80, v5, vm0, $0xb8;
	[tilespmem:$0x12800] =	vst v63  }
0x144: {  	_ = 	snop  }
0x145: {  	[tilespmem:s25], [sflag:$0x1] =	stream.indirect_vreg.gather [hbm4b:s5+s3], $0x80, v4, vm0, $0xb8;
	[tilespmem:$0x12800] =	vst v63  }
0x146: {  	v4 =	vld [tilespmem:$0x5710];
	_ =	sdelay $0x4  }
0x147: {  	v5 =	vshll.u32 v4, $0x1  }
0x148: {  	v4 =	vand.u32 $0x7, v4;
	v5 =	vand.u32 $0xFFFFFFF0, v5  }
0x149: {  	v4 =	vor.u32 v4, v5  }
0x14a: {  	v5 =	vperm.xlane v4, v1;
	_ =	sdelay $0x1  }
0x14b: {  	v4 =	vperm.xlane v4, v3;
	v5 =	vadd.s32 v2, v5;
	_ =	sdelay $0x1  }
0x14c: {  	v4 =	vadd.s32 v2, v4;
	_ =	sdelay $0x2  }
0x14d: {  	[tilespmem:s26], [sflag:$0x1] =	stream.indirect_vreg.gather [hbm4b:s5+s3], $0x80, v5, vm0, $0xb8;
	[tilespmem:$0x12800] =	vst v63  }
0x14e: {  	s11 =	simm.s32 $0xBF80  }
0x14f: {  	[tilespmem:s11], [sflag:$0x1] =	stream.indirect_vreg.gather [hbm4b:s5+s3], $0x80, v4, vm0, $0xb8;
	[tilespmem:$0x12800] =	vst v63  }
0x150: {  	v4 =	vld [tilespmem:$0x5720];
	_ =	sdelay $0x4  }
0x151: {  	v5 =	vshll.u32 v4, $0x1  }
0x152: {  	v4 =	vand.u32 $0x7, v4;
	v5 =	vand.u32 $0xFFFFFFF0, v5  }
0x153: {  	v4 =	vor.u32 v4, v5  }
0x154: {  	v5 =	vperm.xlane v4, v1;
	_ =	sdelay $0x1  }
0x155: {  	v4 =	vperm.xlane v4, v3;
	v5 =	vadd.s32 v2, v5;
	_ =	sdelay $0x1  }
0x156: {  	v4 =	vadd.s32 v2, v4;
	_ =	sdelay $0x1  }
0x157: {  	s11 =	simm.s32 $0xC780  }
0x158: {  	[tilespmem:s11], [sflag:$0x1] =	stream.indirect_vreg.gather [hbm4b:s5+s3], $0x80, v5, vm0, $0xb8;
	[tilespmem:$0x12800] =	vst v63  }
0x159: {  	_ = 	snop  }
0x15a: {  	[tilespmem:s12], [sflag:$0x1] =	stream.indirect_vreg.gather [hbm4b:s5+s3], $0x80, v4, vm0, $0xb8;
	[tilespmem:$0x12800] =	vst v63  }
0x15b: {  	v4 =	vld [tilespmem:$0x5730];
	_ =	sdelay $0x4  }
0x15c: {  	v5 =	vshll.u32 v4, $0x1  }
0x15d: {  	v4 =	vand.u32 $0x7, v4;
	v5 =	vand.u32 $0xFFFFFFF0, v5  }
0x15e: {  	v4 =	vor.u32 v4, v5  }
0x15f: {  	v5 =	vperm.xlane v4, v1;
	_ =	sdelay $0x1  }
0x160: {  	v4 =	vperm.xlane v4, v3;
	v5 =	vadd.s32 v2, v5;
	_ =	sdelay $0x1  }
0x161: {  	v4 =	vadd.s32 v2, v4;
	_ =	sdelay $0x2  }
0x162: {  	[tilespmem:s13], [sflag:$0x1] =	stream.indirect_vreg.gather [hbm4b:s5+s3], $0x80, v5, vm0, $0xb8;
	[tilespmem:$0x12800] =	vst v63  }
0x163: {  	_ = 	snop  }
0x164: {  	[tilespmem:s14], [sflag:$0x1] =	stream.indirect_vreg.gather [hbm4b:s5+s3], $0x80, v4, vm0, $0xb8;
	[tilespmem:$0x12800] =	vst v63  }
0x165: {  	v4 =	vld [tilespmem:$0x5740];
	_ =	sdelay $0x4  }
0x166: {  	v5 =	vshll.u32 v4, $0x1  }
0x167: {  	v4 =	vand.u32 $0x7, v4;
	v5 =	vand.u32 $0xFFFFFFF0, v5  }
0x168: {  	v4 =	vor.u32 v4, v5  }
0x169: {  	v5 =	vperm.xlane v4, v1;
	_ =	sdelay $0x1  }
0x16a: {  	v4 =	vperm.xlane v4, v3;
	v5 =	vadd.s32 v2, v5;
	_ =	sdelay $0x1  }
0x16b: {  	v4 =	vadd.s32 v2, v4;
	_ =	sdelay $0x2  }
0x16c: {  	[tilespmem:s15], [sflag:$0x1] =	stream.indirect_vreg.gather [hbm4b:s5+s3], $0x80, v5, vm0, $0xb8;
	[tilespmem:$0x12800] =	vst v63  }
0x16d: {  	_ = 	snop  }
0x16e: {  	[tilespmem:s16], [sflag:$0x1] =	stream.indirect_vreg.gather [hbm4b:s5+s3], $0x80, v4, vm0, $0xb8;
	[tilespmem:$0x12800] =	vst v63  }
0x16f: {  	_ =	swait.ge [sflag:s0], $0x5000  }
0x170: {  	s10 =	sand.u32 $0x7800, s3;
	s24 =	sand.u32 $0x380, s3;
	[sflag:s0] =	ssyncset.done $0x0  }
0x171: {  	s8 =	sor.u32 s24, s10;
	[sflag:s0] =	ssyncadd.s32 $0xFFFFB000  }
0x172: {  	v4 =	vld [tilespmem:s8+$0x700]  }
0x173: {  	v5 =	vld [tilespmem:s8+$0x5780];
	_ =	sdelay $0x1  }
0x174: {  	v6 =	vld [tilespmem:$0x0];
	_ =	sdelay $0x2  }
0x175: {  	v4 =	vsub.f32 v4, v5;
	v5 =	vld [tilespmem:s8+$0xA780];
	_ =	sdelay $0x1  }
0x176: {  	v4 =	vadd.f32 v6, v4;
	_ =	sdelay $0x1  }
0x177: {  	v4 =	vmax.f32 v4, $0.0e+00  }
0x178: {  	v6 =	vld [tilespmem:s8+$0x5790];
	v4 =	vadd.f32 v4, v5  }
0x179: {  	v5 =	vld [tilespmem:s8+$0x710]  }
0x17a: {  	[tilespmem:s8+$0xA780] =	vst v4  }
0x17b: {  	v4 =	vld [tilespmem:$0x10];
	_ =	sdelay $0x2  }
0x17c: {  	v5 =	vsub.f32 v5, v6;
	v6 =	vld [tilespmem:s8+$0xA790];
	_ =	sdelay $0x1  }
0x17d: {  	v4 =	vadd.f32 v4, v5;
	_ =	sdelay $0x1  }
0x17e: {  	v4 =	vmax.f32 v4, $0.0e+00  }
0x17f: {  	v5 =	vld [tilespmem:s8+$0x720];
	v4 =	vadd.f32 v4, v6  }
0x180: {  	v6 =	vld [tilespmem:s8+$0x57A0]  }
0x181: {  	[tilespmem:s8+$0xA790] =	vst v4  }
0x182: {  	v4 =	vld [tilespmem:$0x20];
	_ =	sdelay $0x2  }
0x183: {  	v5 =	vsub.f32 v5, v6;
	v6 =	vld [tilespmem:s8+$0xA7A0];
	_ =	sdelay $0x1  }
0x184: {  	v4 =	vadd.f32 v4, v5;
	_ =	sdelay $0x1  }
0x185: {  	v4 =	vmax.f32 v4, $0.0e+00  }
0x186: {  	v5 =	vld [tilespmem:s8+$0x730];
	v4 =	vadd.f32 v4, v6  }
0x187: {  	v6 =	vld [tilespmem:s8+$0x57B0]  }
0x188: {  	[tilespmem:s8+$0xA7A0] =	vst v4  }
0x189: {  	v4 =	vld [tilespmem:$0x30];
	_ =	sdelay $0x2  }
0x18a: {  	v5 =	vsub.f32 v5, v6;
	v6 =	vld [tilespmem:s8+$0xA7B0];
	_ =	sdelay $0x1  }
0x18b: {  	v4 =	vadd.f32 v4, v5;
	_ =	sdelay $0x1  }
0x18c: {  	v4 =	vmax.f32 v4, $0.0e+00  }
0x18d: {  	v5 =	vld [tilespmem:s8+$0x740];
	v4 =	vadd.f32 v4, v6  }
0x18e: {  	v6 =	vld [tilespmem:s8+$0x57C0]  }
0x18f: {  	[tilespmem:s8+$0xA7B0] =	vst v4  }
0x190: {  	v4 =	vld [tilespmem:$0x40];
	_ =	sdelay $0x2  }
0x191: {  	v5 =	vsub.f32 v5, v6;
	v6 =	vld [tilespmem:s8+$0xA7C0];
	_ =	sdelay $0x1  }
0x192: {  	v4 =	vadd.f32 v4, v5;
	_ =	sdelay $0x1  }
0x193: {  	v4 =	vmax.f32 v4, $0.0e+00  }
0x194: {  	v5 =	vld [tilespmem:s8+$0x750];
	v4 =	vadd.f32 v4, v6  }
0x195: {  	v6 =	vld [tilespmem:s8+$0x57D0]  }
0x196: {  	[tilespmem:s8+$0xA7C0] =	vst v4  }
0x197: {  	v4 =	vld [tilespmem:$0x50];
	_ =	sdelay $0x2  }
0x198: {  	v5 =	vsub.f32 v5, v6;
	v6 =	vld [tilespmem:s8+$0xA7D0];
	_ =	sdelay $0x1  }
0x199: {  	v4 =	vadd.f32 v4, v5;
	_ =	sdelay $0x1  }
0x19a: {  	v4 =	vmax.f32 v4, $0.0e+00  }
0x19b: {  	v5 =	vld [tilespmem:s8+$0x760];
	v4 =	vadd.f32 v4, v6  }
0x19c: {  	v6 =	vld [tilespmem:s8+$0x57E0]  }
0x19d: {  	[tilespmem:s8+$0xA7D0] =	vst v4  }
0x19e: {  	v4 =	vld [tilespmem:$0x60];
	_ =	sdelay $0x2  }
0x19f: {  	v5 =	vsub.f32 v5, v6;
	v6 =	vld [tilespmem:s8+$0xA7E0];
	_ =	sdelay $0x1  }
0x1a0: {  	v4 =	vadd.f32 v4, v5;
	_ =	sdelay $0x1  }
0x1a1: {  	v4 =	vmax.f32 v4, $0.0e+00  }
0x1a2: {  	v5 =	vld [tilespmem:s8+$0x770];
	v4 =	vadd.f32 v4, v6  }
0x1a3: {  	v6 =	vld [tilespmem:s8+$0x57F0]  }
0x1a4: {  	[tilespmem:s8+$0xA7E0] =	vst v4  }
0x1a5: {  	v4 =	vld [tilespmem:$0x70];
	_ =	sdelay $0x2  }
0x1a6: {  	v5 =	vsub.f32 v5, v6;
	v6 =	vld [tilespmem:s8+$0xA7F0];
	_ =	sdelay $0x1  }
0x1a7: {  	v4 =	vadd.f32 v4, v5;
	_ =	sdelay $0x1  }
0x1a8: {  	v4 =	vmax.f32 v4, $0.0e+00  }
0x1a9: {  	v5 =	vld [tilespmem:s8+$0xB00];
	v4 =	vadd.f32 v4, v6  }
0x1aa: {  	v6 =	vld [tilespmem:s8+$0x5B80]  }
0x1ab: {  	[tilespmem:s8+$0xA7F0] =	vst v4  }
0x1ac: {  	v4 =	vld [tilespmem:$0x80];
	_ =	sdelay $0x2  }
0x1ad: {  	v5 =	vsub.f32 v5, v6;
	v6 =	vld [tilespmem:s8+$0xAB80];
	_ =	sdelay $0x1  }
0x1ae: {  	v4 =	vadd.f32 v4, v5;
	_ =	sdelay $0x1  }
0x1af: {  	v4 =	vmax.f32 v4, $0.0e+00  }
0x1b0: {  	v5 =	vld [tilespmem:s8+$0xB10];
	v4 =	vadd.f32 v4, v6  }
0x1b1: {  	v6 =	vld [tilespmem:s8+$0x5B90]  }
0x1b2: {  	[tilespmem:s8+$0xAB80] =	vst v4  }
0x1b3: {  	v4 =	vld [tilespmem:$0x90];
	_ =	sdelay $0x2  }
0x1b4: {  	v5 =	vsub.f32 v5, v6;
	v6 =	vld [tilespmem:s8+$0xAB90];
	_ =	sdelay $0x1  }
0x1b5: {  	v4 =	vadd.f32 v4, v5;
	_ =	sdelay $0x1  }
0x1b6: {  	v4 =	vmax.f32 v4, $0.0e+00  }
0x1b7: {  	v5 =	vld [tilespmem:s8+$0xB20];
	v4 =	vadd.f32 v4, v6  }
0x1b8: {  	v6 =	vld [tilespmem:s8+$0x5BA0]  }
0x1b9: {  	[tilespmem:s8+$0xAB90] =	vst v4  }
0x1ba: {  	v4 =	vld [tilespmem:$0xA0];
	_ =	sdelay $0x2  }
0x1bb: {  	v5 =	vsub.f32 v5, v6;
	v6 =	vld [tilespmem:s8+$0xABA0];
	_ =	sdelay $0x1  }
0x1bc: {  	v4 =	vadd.f32 v4, v5;
	_ =	sdelay $0x1  }
0x1bd: {  	v4 =	vmax.f32 v4, $0.0e+00  }
0x1be: {  	v5 =	vld [tilespmem:s8+$0xB30];
	v4 =	vadd.f32 v4, v6  }
0x1bf: {  	v6 =	vld [tilespmem:s8+$0x5BB0]  }
0x1c0: {  	[tilespmem:s8+$0xABA0] =	vst v4  }
0x1c1: {  	v4 =	vld [tilespmem:$0xB0];
	_ =	sdelay $0x2  }
0x1c2: {  	v5 =	vsub.f32 v5, v6;
	v6 =	vld [tilespmem:s8+$0xABB0];
	_ =	sdelay $0x1  }
0x1c3: {  	v4 =	vadd.f32 v4, v5;
	_ =	sdelay $0x1  }
0x1c4: {  	v4 =	vmax.f32 v4, $0.0e+00  }
0x1c5: {  	v5 =	vld [tilespmem:s8+$0xB40];
	v4 =	vadd.f32 v4, v6  }
0x1c6: {  	v6 =	vld [tilespmem:s8+$0x5BC0]  }
0x1c7: {  	[tilespmem:s8+$0xABB0] =	vst v4  }
0x1c8: {  	v4 =	vld [tilespmem:$0xC0];
	_ =	sdelay $0x2  }
0x1c9: {  	v5 =	vsub.f32 v5, v6;
	v6 =	vld [tilespmem:s8+$0xABC0];
	_ =	sdelay $0x1  }
0x1ca: {  	v4 =	vadd.f32 v4, v5;
	_ =	sdelay $0x1  }
0x1cb: {  	v4 =	vmax.f32 v4, $0.0e+00  }
0x1cc: {  	v5 =	vld [tilespmem:s8+$0xB50];
	v4 =	vadd.f32 v4, v6  }
0x1cd: {  	v6 =	vld [tilespmem:s8+$0x5BD0]  }
0x1ce: {  	[tilespmem:s8+$0xABC0] =	vst v4  }
0x1cf: {  	v4 =	vld [tilespmem:$0xD0];
	_ =	sdelay $0x2  }
0x1d0: {  	v5 =	vsub.f32 v5, v6;
	v6 =	vld [tilespmem:s8+$0xABD0];
	_ =	sdelay $0x1  }
0x1d1: {  	v4 =	vadd.f32 v4, v5;
	_ =	sdelay $0x1  }
0x1d2: {  	v4 =	vmax.f32 v4, $0.0e+00  }
0x1d3: {  	v5 =	vld [tilespmem:s8+$0xB60];
	v4 =	vadd.f32 v4, v6  }
0x1d4: {  	v6 =	vld [tilespmem:s8+$0x5BE0]  }
0x1d5: {  	[tilespmem:s8+$0xABD0] =	vst v4  }
0x1d6: {  	v4 =	vld [tilespmem:$0xE0];
	_ =	sdelay $0x2  }
0x1d7: {  	v5 =	vsub.f32 v5, v6;
	v6 =	vld [tilespmem:s8+$0xABE0];
	_ =	sdelay $0x1  }
0x1d8: {  	v4 =	vadd.f32 v4, v5;
	_ =	sdelay $0x1  }
0x1d9: {  	v4 =	vmax.f32 v4, $0.0e+00  }
0x1da: {  	v5 =	vld [tilespmem:s8+$0xB70];
	v4 =	vadd.f32 v4, v6  }
0x1db: {  	v6 =	vld [tilespmem:s8+$0x5BF0]  }
0x1dc: {  	[tilespmem:s8+$0xABE0] =	vst v4  }
0x1dd: {  	v4 =	vld [tilespmem:$0xF0];
	_ =	sdelay $0x2  }
0x1de: {  	v5 =	vsub.f32 v5, v6;
	_ =	sdelay $0x1  }
0x1df: {  	v5 =	vadd.f32 v4, v5;
	v4 =	vld [tilespmem:s8+$0xABF0];
	_ =	sdelay $0x1  }
0x1e0: {  	s24 =	simm.s32 $0x80;
	s25 =	simm.s32 $0x100  }
0x1e1: {  	s10 =	sand.u32 $0x7800, s25;
	s26 =	sand.u32 $0x380, s24  }
0x1e2: {  	s25 =	sor.u32 s26, s10;
	s10 =	simm.s32 $0x200;
	v5 =	vmax.f32 v5, $0.0e+00  }
.LBB2_2:
0x1e3: {  	p0 =	sne.s32 s10, $0x4F00;
	v6 =	vld [tilespmem:s25+$0x700];
	v4 =	vadd.f32 v5, v4  }
0x1e4: {  	v5 =	vld [tilespmem:s25+$0x5780]  }
0x1e5: {  	[tilespmem:s8+$0xABF0] =	vst v4;
	s8 =	smov.u32 s25  }
0x1e6: {  	v4 =	vld [tilespmem:$0x0];
	_ =	sdelay $0x2  }
0x1e7: {  	v5 =	vsub.f32 v6, v5;
	v6 =	vld [tilespmem:s8+$0xA780];
	_ =	sdelay $0x1  }
0x1e8: {  	v4 =	vadd.f32 v4, v5;
	_ =	sdelay $0x1  }
0x1e9: {  	v4 =	vmax.f32 v4, $0.0e+00  }
0x1ea: {  	v4 =	vadd.f32 v4, v6;
	v5 =	vld [tilespmem:s8+$0x710]  }
0x1eb: {  	v6 =	vld [tilespmem:s8+$0x5790]  }
0x1ec: {  	[tilespmem:s8+$0xA780] =	vst v4  }
0x1ed: {  	v4 =	vld [tilespmem:$0x10];
	_ =	sdelay $0x2  }
0x1ee: {  	v5 =	vsub.f32 v5, v6;
	v6 =	vld [tilespmem:s8+$0xA790];
	_ =	sdelay $0x1  }
0x1ef: {  	v4 =	vadd.f32 v4, v5;
	_ =	sdelay $0x1  }
0x1f0: {  	v4 =	vmax.f32 v4, $0.0e+00  }
0x1f1: {  	v4 =	vadd.f32 v4, v6;
	v5 =	vld [tilespmem:s8+$0x720]  }
0x1f2: {  	v6 =	vld [tilespmem:s8+$0x57A0]  }
0x1f3: {  	[tilespmem:s8+$0xA790] =	vst v4  }
0x1f4: {  	v4 =	vld [tilespmem:$0x20];
	_ =	sdelay $0x2  }
0x1f5: {  	v5 =	vsub.f32 v5, v6;
	v6 =	vld [tilespmem:s8+$0xA7A0];
	_ =	sdelay $0x1  }
0x1f6: {  	v4 =	vadd.f32 v4, v5;
	_ =	sdelay $0x1  }
0x1f7: {  	v4 =	vmax.f32 v4, $0.0e+00  }
0x1f8: {  	v4 =	vadd.f32 v4, v6;
	v5 =	vld [tilespmem:s8+$0x730]  }
0x1f9: {  	v6 =	vld [tilespmem:s8+$0x57B0]  }
0x1fa: {  	[tilespmem:s8+$0xA7A0] =	vst v4  }
0x1fb: {  	v4 =	vld [tilespmem:$0x30];
	_ =	sdelay $0x2  }
0x1fc: {  	v5 =	vsub.f32 v5, v6;
	v6 =	vld [tilespmem:s8+$0xA7B0];
	_ =	sdelay $0x1  }
0x1fd: {  	v4 =	vadd.f32 v4, v5;
	_ =	sdelay $0x1  }
0x1fe: {  	v4 =	vmax.f32 v4, $0.0e+00  }
0x1ff: {  	v4 =	vadd.f32 v4, v6;
	v5 =	vld [tilespmem:s8+$0x740]  }
0x200: {  	v6 =	vld [tilespmem:s8+$0x57C0]  }
0x201: {  	[tilespmem:s8+$0xA7B0] =	vst v4  }
0x202: {  	v4 =	vld [tilespmem:$0x40];
	_ =	sdelay $0x2  }
0x203: {  	v5 =	vsub.f32 v5, v6;
	v6 =	vld [tilespmem:s8+$0xA7C0];
	_ =	sdelay $0x1  }
0x204: {  	v4 =	vadd.f32 v4, v5;
	_ =	sdelay $0x1  }
0x205: {  	v4 =	vmax.f32 v4, $0.0e+00  }
0x206: {  	v4 =	vadd.f32 v4, v6;
	v5 =	vld [tilespmem:s8+$0x750]  }
0x207: {  	v6 =	vld [tilespmem:s8+$0x57D0]  }
0x208: {  	[tilespmem:s8+$0xA7C0] =	vst v4  }
0x209: {  	v4 =	vld [tilespmem:$0x50];
	_ =	sdelay $0x2  }
0x20a: {  	v5 =	vsub.f32 v5, v6;
	v6 =	vld [tilespmem:s8+$0xA7D0];
	_ =	sdelay $0x1  }
0x20b: {  	v4 =	vadd.f32 v4, v5;
	_ =	sdelay $0x1  }
0x20c: {  	v4 =	vmax.f32 v4, $0.0e+00  }
0x20d: {  	v4 =	vadd.f32 v4, v6;
	v5 =	vld [tilespmem:s8+$0x760]  }
0x20e: {  	v6 =	vld [tilespmem:s8+$0x57E0]  }
0x20f: {  	[tilespmem:s8+$0xA7D0] =	vst v4  }
0x210: {  	v4 =	vld [tilespmem:$0x60];
	_ =	sdelay $0x2  }
0x211: {  	v5 =	vsub.f32 v5, v6;
	v6 =	vld [tilespmem:s8+$0xA7E0];
	_ =	sdelay $0x1  }
0x212: {  	v4 =	vadd.f32 v4, v5;
	_ =	sdelay $0x1  }
0x213: {  	v4 =	vmax.f32 v4, $0.0e+00  }
0x214: {  	v4 =	vadd.f32 v4, v6;
	v5 =	vld [tilespmem:s8+$0x770]  }
0x215: {  	v6 =	vld [tilespmem:s8+$0x57F0]  }
0x216: {  	[tilespmem:s8+$0xA7E0] =	vst v4  }
0x217: {  	v4 =	vld [tilespmem:$0x70];
	_ =	sdelay $0x2  }
0x218: {  	v5 =	vsub.f32 v5, v6;
	v6 =	vld [tilespmem:s8+$0xA7F0];
	_ =	sdelay $0x1  }
0x219: {  	v4 =	vadd.f32 v4, v5;
	_ =	sdelay $0x1  }
0x21a: {  	v4 =	vmax.f32 v4, $0.0e+00  }
0x21b: {  	v4 =	vadd.f32 v4, v6;
	v5 =	vld [tilespmem:s8+$0xB00]  }
0x21c: {  	v6 =	vld [tilespmem:s8+$0x5B80]  }
0x21d: {  	[tilespmem:s8+$0xA7F0] =	vst v4  }
0x21e: {  	v4 =	vld [tilespmem:$0x80];
	_ =	sdelay $0x2  }
0x21f: {  	v5 =	vsub.f32 v5, v6;
	v6 =	vld [tilespmem:s8+$0xAB80];
	_ =	sdelay $0x1  }
0x220: {  	v4 =	vadd.f32 v4, v5;
	_ =	sdelay $0x1  }
0x221: {  	v4 =	vmax.f32 v4, $0.0e+00  }
0x222: {  	v4 =	vadd.f32 v4, v6;
	v5 =	vld [tilespmem:s8+$0xB10]  }
0x223: {  	v6 =	vld [tilespmem:s8+$0x5B90]  }
0x224: {  	[tilespmem:s8+$0xAB80] =	vst v4  }
0x225: {  	v4 =	vld [tilespmem:$0x90];
	_ =	sdelay $0x2  }
0x226: {  	v5 =	vsub.f32 v5, v6;
	v6 =	vld [tilespmem:s8+$0xAB90];
	_ =	sdelay $0x1  }
0x227: {  	v4 =	vadd.f32 v4, v5;
	_ =	sdelay $0x1  }
0x228: {  	v4 =	vmax.f32 v4, $0.0e+00  }
0x229: {  	v4 =	vadd.f32 v4, v6;
	v5 =	vld [tilespmem:s8+$0xB20]  }
0x22a: {  	v6 =	vld [tilespmem:s8+$0x5BA0]  }
0x22b: {  	[tilespmem:s8+$0xAB90] =	vst v4  }
0x22c: {  	v4 =	vld [tilespmem:$0xA0];
	_ =	sdelay $0x2  }
0x22d: {  	v5 =	vsub.f32 v5, v6;
	v6 =	vld [tilespmem:s8+$0xABA0];
	_ =	sdelay $0x1  }
0x22e: {  	v4 =	vadd.f32 v4, v5;
	_ =	sdelay $0x1  }
0x22f: {  	v4 =	vmax.f32 v4, $0.0e+00  }
0x230: {  	v4 =	vadd.f32 v4, v6;
	v5 =	vld [tilespmem:s8+$0xB30]  }
0x231: {  	v6 =	vld [tilespmem:s8+$0x5BB0]  }
0x232: {  	[tilespmem:s8+$0xABA0] =	vst v4  }
0x233: {  	v4 =	vld [tilespmem:$0xB0];
	_ =	sdelay $0x2  }
0x234: {  	v5 =	vsub.f32 v5, v6;
	v6 =	vld [tilespmem:s8+$0xABB0];
	_ =	sdelay $0x1  }
0x235: {  	v4 =	vadd.f32 v4, v5;
	_ =	sdelay $0x1  }
0x236: {  	v4 =	vmax.f32 v4, $0.0e+00  }
0x237: {  	v4 =	vadd.f32 v4, v6;
	v5 =	vld [tilespmem:s8+$0xB40]  }
0x238: {  	v6 =	vld [tilespmem:s8+$0x5BC0]  }
0x239: {  	[tilespmem:s8+$0xABB0] =	vst v4  }
0x23a: {  	v4 =	vld [tilespmem:$0xC0];
	_ =	sdelay $0x2  }
0x23b: {  	v5 =	vsub.f32 v5, v6;
	v6 =	vld [tilespmem:s8+$0xABC0];
	_ =	sdelay $0x1  }
0x23c: {  	v4 =	vadd.f32 v4, v5;
	_ =	sdelay $0x1  }
0x23d: {  	v4 =	vmax.f32 v4, $0.0e+00  }
0x23e: {  	v4 =	vadd.f32 v4, v6;
	v5 =	vld [tilespmem:s8+$0xB50]  }
0x23f: {  	v6 =	vld [tilespmem:s8+$0x5BD0]  }
0x240: {  	[tilespmem:s8+$0xABC0] =	vst v4  }
0x241: {  	v4 =	vld [tilespmem:$0xD0];
	_ =	sdelay $0x2  }
0x242: {  	v5 =	vsub.f32 v5, v6;
	v6 =	vld [tilespmem:s8+$0xABD0];
	_ =	sdelay $0x1  }
0x243: {  	v4 =	vadd.f32 v4, v5;
	_ =	sdelay $0x1  }
0x244: {  	v4 =	vmax.f32 v4, $0.0e+00  }
0x245: {  	v4 =	vadd.f32 v4, v6;
	v5 =	vld [tilespmem:s8+$0xB60]  }
0x246: {  	v6 =	vld [tilespmem:s8+$0x5BE0]  }
0x247: {  	[tilespmem:s8+$0xABD0] =	vst v4  }
0x248: {  	v4 =	vld [tilespmem:$0xE0];
	_ =	sdelay $0x2  }
0x249: {  	v5 =	vsub.f32 v5, v6;
	v6 =	vld [tilespmem:s8+$0xABE0];
	_ =	sdelay $0x1  }
0x24a: {  	v4 =	vadd.f32 v4, v5;
	_ =	sdelay $0x1  }
0x24b: {  	v4 =	vmax.f32 v4, $0.0e+00  }
0x24c: {  	v4 =	vadd.f32 v4, v6;
	v5 =	vld [tilespmem:s8+$0xB70]  }
0x24d: {  	v6 =	vld [tilespmem:s8+$0x5BF0]  }
0x24e: {  	[tilespmem:s8+$0xABE0] =	vst v4  }
0x24f: {  	v7 =	vld [tilespmem:$0xF0];
	_ =	sdelay $0x2  }
.Ltmp0:
0x250: {  	v5 =	vsub.f32 v5, v6;
	v4 =	vld [tilespmem:s8+$0xABF0];
	(pc) =	sbr.rel @p0 .LBB2_2-.Ltmp0, $4  }
0x251: {  	_ = 	snop  }
0x252: {  	s24 =	sadd.s32 $0x80, s24;
	v5 =	vadd.f32 v7, v5  }
0x253: {  	s26 =	sand.u32 $0x380, s24;
	s25 =	sand.u32 $0x7800, s10  }
0x254: {  	s10 =	sadd.s32 $0x100, s10;
	s25 =	sor.u32 s26, s25;
	v5 =	vmax.f32 v5, $0.0e+00  }
0x255: {  	v6 =	vld [tilespmem:s25+$0x700];
	v4 =	vadd.f32 v5, v4  }
0x256: {  	v5 =	vld [tilespmem:s25+$0x5780]  }
0x257: {  	[tilespmem:s8+$0xABF0] =	vst v4  }
0x258: {  	v4 =	vld [tilespmem:$0x0];
	_ =	sdelay $0x2  }
0x259: {  	v33 =	vld [tilespmem:s25+$0xA780];
	v5 =	vsub.f32 v6, v5;
	_ =	sdelay $0x1  }
0x25a: {  	v4 =	vadd.f32 v4, v5;
	_ =	sdelay $0x1  }
0x25b: {  	v4 =	vmax.f32 v4, $0.0e+00  }
0x25c: {  	v34 =	vld [tilespmem:s25+$0x5790];
	v4 =	vadd.f32 v4, v33  }
0x25d: {  	v5 =	vld [tilespmem:s25+$0x710]  }
0x25e: {  	[tilespmem:s25+$0xA780] =	vst v4  }
0x25f: {  	v4 =	vld [tilespmem:$0x10];
	_ =	sdelay $0x2  }
0x260: {  	v35 =	vld [tilespmem:s25+$0xA790];
	v5 =	vsub.f32 v5, v34;
	_ =	sdelay $0x1  }
0x261: {  	v4 =	vadd.f32 v4, v5;
	_ =	sdelay $0x1  }
0x262: {  	v4 =	vmax.f32 v4, $0.0e+00  }
0x263: {  	v36 =	vld [tilespmem:s25+$0x57A0];
	v4 =	vadd.f32 v4, v35  }
0x264: {  	v5 =	vld [tilespmem:s25+$0x720]  }
0x265: {  	[tilespmem:s25+$0xA790] =	vst v4  }
0x266: {  	v4 =	vld [tilespmem:$0x20];
	_ =	sdelay $0x2  }
0x267: {  	v37 =	vld [tilespmem:s25+$0xA7A0];
	v5 =	vsub.f32 v5, v36;
	_ =	sdelay $0x1  }
0x268: {  	v4 =	vadd.f32 v4, v5;
	_ =	sdelay $0x1  }
0x269: {  	v4 =	vmax.f32 v4, $0.0e+00  }
0x26a: {  	v38 =	vld [tilespmem:s25+$0x57B0];
	v4 =	vadd.f32 v4, v37  }
0x26b: {  	v5 =	vld [tilespmem:s25+$0x730]  }
0x26c: {  	[tilespmem:s25+$0xA7A0] =	vst v4  }
0x26d: {  	v4 =	vld [tilespmem:$0x30];
	_ =	sdelay $0x2  }
0x26e: {  	v39 =	vld [tilespmem:s25+$0xA7B0];
	v5 =	vsub.f32 v5, v38;
	_ =	sdelay $0x1  }
0x26f: {  	v4 =	vadd.f32 v4, v5;
	_ =	sdelay $0x1  }
0x270: {  	v4 =	vmax.f32 v4, $0.0e+00  }
0x271: {  	v40 =	vld [tilespmem:s25+$0x57C0];
	v4 =	vadd.f32 v4, v39  }
0x272: {  	v5 =	vld [tilespmem:s25+$0x740]  }
0x273: {  	[tilespmem:s25+$0xA7B0] =	vst v4  }
0x274: {  	v4 =	vld [tilespmem:$0x40];
	_ =	sdelay $0x2  }
0x275: {  	v41 =	vld [tilespmem:s25+$0xA7C0];
	v5 =	vsub.f32 v5, v40;
	_ =	sdelay $0x1  }
0x276: {  	v4 =	vadd.f32 v4, v5;
	_ =	sdelay $0x1  }
0x277: {  	v4 =	vmax.f32 v4, $0.0e+00  }
0x278: {  	v42 =	vld [tilespmem:s25+$0x57D0];
	v4 =	vadd.f32 v4, v41  }
0x279: {  	v5 =	vld [tilespmem:s25+$0x750]  }
0x27a: {  	[tilespmem:s25+$0xA7C0] =	vst v4  }
0x27b: {  	v4 =	vld [tilespmem:$0x50];
	_ =	sdelay $0x2  }
0x27c: {  	v43 =	vld [tilespmem:s25+$0xA7D0];
	v5 =	vsub.f32 v5, v42;
	_ =	sdelay $0x1  }
0x27d: {  	v4 =	vadd.f32 v4, v5;
	_ =	sdelay $0x1  }
0x27e: {  	v4 =	vmax.f32 v4, $0.0e+00  }
0x27f: {  	v44 =	vld [tilespmem:s25+$0x57E0];
	v4 =	vadd.f32 v4, v43  }
0x280: {  	v5 =	vld [tilespmem:s25+$0x760]  }
0x281: {  	[tilespmem:s25+$0xA7D0] =	vst v4  }
0x282: {  	v4 =	vld [tilespmem:$0x60];
	_ =	sdelay $0x2  }
0x283: {  	v45 =	vld [tilespmem:s25+$0xA7E0];
	v5 =	vsub.f32 v5, v44;
	_ =	sdelay $0x1  }
0x284: {  	v4 =	vadd.f32 v4, v5;
	_ =	sdelay $0x1  }
0x285: {  	v4 =	vmax.f32 v4, $0.0e+00  }
0x286: {  	v46 =	vld [tilespmem:s25+$0x57F0];
	v4 =	vadd.f32 v4, v45  }
0x287: {  	v5 =	vld [tilespmem:s25+$0x770]  }
0x288: {  	[tilespmem:s25+$0xA7E0] =	vst v4  }
0x289: {  	v4 =	vld [tilespmem:$0x70];
	_ =	sdelay $0x2  }
0x28a: {  	v47 =	vld [tilespmem:s25+$0xA7F0];
	v5 =	vsub.f32 v5, v46;
	_ =	sdelay $0x1  }
0x28b: {  	v4 =	vadd.f32 v4, v5;
	_ =	sdelay $0x1  }
0x28c: {  	v4 =	vmax.f32 v4, $0.0e+00  }
0x28d: {  	v48 =	vld [tilespmem:s25+$0x5B80];
	v4 =	vadd.f32 v4, v47  }
0x28e: {  	v5 =	vld [tilespmem:s25+$0xB00]  }
0x28f: {  	[tilespmem:s25+$0xA7F0] =	vst v4  }
0x290: {  	v4 =	vld [tilespmem:$0x80];
	_ =	sdelay $0x2  }
0x291: {  	v49 =	vld [tilespmem:s25+$0xAB80];
	v5 =	vsub.f32 v5, v48;
	_ =	sdelay $0x1  }
0x292: {  	v4 =	vadd.f32 v4, v5;
	_ =	sdelay $0x1  }
0x293: {  	v4 =	vmax.f32 v4, $0.0e+00  }
0x294: {  	v50 =	vld [tilespmem:s25+$0x5B90];
	v4 =	vadd.f32 v4, v49  }
0x295: {  	v5 =	vld [tilespmem:s25+$0xB10]  }
0x296: {  	[tilespmem:s25+$0xAB80] =	vst v4  }
0x297: {  	v4 =	vld [tilespmem:$0x90];
	_ =	sdelay $0x2  }
0x298: {  	v51 =	vld [tilespmem:s25+$0xAB90];
	v5 =	vsub.f32 v5, v50;
	_ =	sdelay $0x1  }
0x299: {  	v4 =	vadd.f32 v4, v5;
	_ =	sdelay $0x1  }
0x29a: {  	v4 =	vmax.f32 v4, $0.0e+00  }
0x29b: {  	v52 =	vld [tilespmem:s25+$0x5BA0];
	v4 =	vadd.f32 v4, v51  }
0x29c: {  	v5 =	vld [tilespmem:s25+$0xB20]  }
0x29d: {  	[tilespmem:s25+$0xAB90] =	vst v4  }
0x29e: {  	v4 =	vld [tilespmem:$0xA0];
	_ =	sdelay $0x2  }
0x29f: {  	v53 =	vld [tilespmem:s25+$0xABA0];
	v5 =	vsub.f32 v5, v52;
	_ =	sdelay $0x1  }
0x2a0: {  	v4 =	vadd.f32 v4, v5;
	_ =	sdelay $0x1  }
0x2a1: {  	v4 =	vmax.f32 v4, $0.0e+00  }
0x2a2: {  	v54 =	vld [tilespmem:s25+$0x5BB0];
	v4 =	vadd.f32 v4, v53  }
0x2a3: {  	v5 =	vld [tilespmem:s25+$0xB30]  }
0x2a4: {  	[tilespmem:s25+$0xABA0] =	vst v4  }
0x2a5: {  	v4 =	vld [tilespmem:$0xB0];
	_ =	sdelay $0x2  }
0x2a6: {  	v55 =	vld [tilespmem:s25+$0xABB0];
	v5 =	vsub.f32 v5, v54;
	_ =	sdelay $0x1  }
0x2a7: {  	v4 =	vadd.f32 v4, v5;
	_ =	sdelay $0x1  }
0x2a8: {  	v4 =	vmax.f32 v4, $0.0e+00  }
0x2a9: {  	v56 =	vld [tilespmem:s25+$0x5BC0];
	v4 =	vadd.f32 v4, v55  }
0x2aa: {  	v5 =	vld [tilespmem:s25+$0xB40]  }
0x2ab: {  	[tilespmem:s25+$0xABB0] =	vst v4  }
0x2ac: {  	v4 =	vld [tilespmem:$0xC0];
	_ =	sdelay $0x2  }
0x2ad: {  	v57 =	vld [tilespmem:s25+$0xABC0];
	v5 =	vsub.f32 v5, v56;
	_ =	sdelay $0x1  }
0x2ae: {  	v4 =	vadd.f32 v4, v5;
	_ =	sdelay $0x1  }
0x2af: {  	v4 =	vmax.f32 v4, $0.0e+00  }
0x2b0: {  	v58 =	vld [tilespmem:s25+$0x5BD0];
	v4 =	vadd.f32 v4, v57  }
0x2b1: {  	v5 =	vld [tilespmem:s25+$0xB50]  }
0x2b2: {  	[tilespmem:s25+$0xABC0] =	vst v4  }
0x2b3: {  	v4 =	vld [tilespmem:$0xD0];
	_ =	sdelay $0x2  }
0x2b4: {  	v59 =	vld [tilespmem:s25+$0xABD0];
	v5 =	vsub.f32 v5, v58;
	_ =	sdelay $0x1  }
0x2b5: {  	v4 =	vadd.f32 v4, v5;
	_ =	sdelay $0x1  }
0x2b6: {  	v4 =	vmax.f32 v4, $0.0e+00  }
0x2b7: {  	v60 =	vld [tilespmem:s25+$0x5BE0];
	v4 =	vadd.f32 v4, v59  }
0x2b8: {  	v5 =	vld [tilespmem:s25+$0xB60]  }
0x2b9: {  	[tilespmem:s25+$0xABD0] =	vst v4  }
0x2ba: {  	v4 =	vld [tilespmem:$0xE0];
	_ =	sdelay $0x2  }
0x2bb: {  	v61 =	vld [tilespmem:s25+$0xABE0];
	v5 =	vsub.f32 v5, v60;
	_ =	sdelay $0x1  }
0x2bc: {  	v4 =	vadd.f32 v4, v5;
	_ =	sdelay $0x1  }
0x2bd: {  	v4 =	vmax.f32 v4, $0.0e+00  }
0x2be: {  	v62 =	vld [tilespmem:s25+$0x5BF0];
	v4 =	vadd.f32 v4, v61  }
0x2bf: {  	v5 =	vld [tilespmem:s25+$0xB70]  }
0x2c0: {  	[tilespmem:s25+$0xABE0] =	vst v4  }
0x2c1: {  	v4 =	vld [tilespmem:$0xF0];
	_ =	sdelay $0x2  }
0x2c2: {  	v63 =	vld [tilespmem:s25+$0xABF0];
	v5 =	vsub.f32 v5, v62;
	_ =	sdelay $0x1  }
0x2c3: {  	v4 =	vadd.f32 v4, v5;
	_ =	sdelay $0x1  }
0x2c4: {  	v4 =	vmax.f32 v4, $0.0e+00  }
0x2c5: {  	v4 =	vadd.f32 v4, v63;
	_ =	sdelay $0x1  }
0x2c6: {  	[tilespmem:s25+$0xABF0] =	vst v4  }
0x2c7: {  	v4 =	vld [tilespmem:$0x5700];
	_ =	sdelay $0x4  }
0x2c8: {  	v5 =	vshll.u32 v4, $0x1  }
0x2c9: {  	v4 =	vand.u32 $0x7, v4;
	v5 =	vand.u32 $0xFFFFFFF0, v5  }
0x2ca: {  	v4 =	vor.u32 v4, v5  }
0x2cb: {  	v5 =	vperm.xlane v4, v1;
	_ =	sdelay $0x1  }
0x2cc: {  	v4 =	vperm.xlane v4, v3;
	v5 =	vadd.s32 v2, v5;
	_ =	sdelay $0x1  }
0x2cd: {  	v4 =	vadd.s32 v2, v4;
	_ =	sdelay $0x1  }
0x2ce: {  	s24 =	simm.s32 $0xA780  }
0x2cf: {  	[hbm4b:s7+s3] =	stream.indirect_vreg.scatter [tilespmem:s24], [sflag:$0x1], $0x80, v5, vm0, $0xb8;
	[tilespmem:$0x12800] =	vst v63  }
0x2d0: {  	s25 =	simm.s32 $0xAF80  }
0x2d1: {  	[hbm4b:s7+s3] =	stream.indirect_vreg.scatter [tilespmem:s25], [sflag:$0x1], $0x80, v4, vm0, $0xb8;
	[tilespmem:$0x12800] =	vst v63  }
0x2d2: {  	v4 =	vld [tilespmem:$0x5710];
	_ =	sdelay $0x4  }
0x2d3: {  	v5 =	vshll.u32 v4, $0x1  }
0x2d4: {  	v4 =	vand.u32 $0x7, v4;
	v5 =	vand.u32 $0xFFFFFFF0, v5  }
0x2d5: {  	v4 =	vor.u32 v4, v5  }
0x2d6: {  	v5 =	vperm.xlane v4, v1;
	_ =	sdelay $0x1  }
0x2d7: {  	v4 =	vperm.xlane v4, v3;
	v5 =	vadd.s32 v2, v5;
	_ =	sdelay $0x1  }
0x2d8: {  	v4 =	vadd.s32 v2, v4;
	_ =	sdelay $0x1  }
0x2d9: {  	s26 =	simm.s32 $0xB780  }
0x2da: {  	[hbm4b:s7+s3] =	stream.indirect_vreg.scatter [tilespmem:s26], [sflag:$0x1], $0x80, v5, vm0, $0xb8;
	[tilespmem:$0x12800] =	vst v63  }
0x2db: {  	s10 =	simm.s32 $0xBF80  }
0x2dc: {  	[hbm4b:s7+s3] =	stream.indirect_vreg.scatter [tilespmem:s10], [sflag:$0x1], $0x80, v4, vm0, $0xb8;
	[tilespmem:$0x12800] =	vst v63  }
0x2dd: {  	v4 =	vld [tilespmem:$0x5720];
	_ =	sdelay $0x4  }
0x2de: {  	v5 =	vshll.u32 v4, $0x1  }
0x2df: {  	v4 =	vand.u32 $0x7, v4;
	v5 =	vand.u32 $0xFFFFFFF0, v5  }
0x2e0: {  	v4 =	vor.u32 v4, v5  }
0x2e1: {  	v5 =	vperm.xlane v4, v1;
	_ =	sdelay $0x1  }
0x2e2: {  	v4 =	vperm.xlane v4, v3;
	v5 =	vadd.s32 v2, v5;
	_ =	sdelay $0x1  }
0x2e3: {  	v4 =	vadd.s32 v2, v4;
	_ =	sdelay $0x2  }
0x2e4: {  	[hbm4b:s7+s3] =	stream.indirect_vreg.scatter [tilespmem:s11], [sflag:$0x1], $0x80, v5, vm0, $0xb8;
	[tilespmem:$0x12800] =	vst v63  }
0x2e5: {  	_ = 	snop  }
0x2e6: {  	[hbm4b:s7+s3] =	stream.indirect_vreg.scatter [tilespmem:s12], [sflag:$0x1], $0x80, v4, vm0, $0xb8;
	[tilespmem:$0x12800] =	vst v63  }
0x2e7: {  	v4 =	vld [tilespmem:$0x5730];
	_ =	sdelay $0x4  }
0x2e8: {  	v5 =	vshll.u32 v4, $0x1  }
0x2e9: {  	v4 =	vand.u32 $0x7, v4;
	v5 =	vand.u32 $0xFFFFFFF0, v5  }
0x2ea: {  	v4 =	vor.u32 v4, v5  }
0x2eb: {  	v5 =	vperm.xlane v4, v1;
	_ =	sdelay $0x1  }
0x2ec: {  	v4 =	vperm.xlane v4, v3;
	v5 =	vadd.s32 v2, v5;
	_ =	sdelay $0x1  }
0x2ed: {  	v4 =	vadd.s32 v2, v4;
	_ =	sdelay $0x2  }
0x2ee: {  	[hbm4b:s7+s3] =	stream.indirect_vreg.scatter [tilespmem:s13], [sflag:$0x1], $0x80, v5, vm0, $0xb8;
	[tilespmem:$0x12800] =	vst v63  }
0x2ef: {  	_ = 	snop  }
0x2f0: {  	[hbm4b:s7+s3] =	stream.indirect_vreg.scatter [tilespmem:s14], [sflag:$0x1], $0x80, v4, vm0, $0xb8;
	[tilespmem:$0x12800] =	vst v63  }
0x2f1: {  	v4 =	vld [tilespmem:$0x5740];
	_ =	sdelay $0x4  }
0x2f2: {  	v5 =	vshll.u32 v4, $0x1  }
0x2f3: {  	v4 =	vand.u32 $0x7, v4;
	v5 =	vand.u32 $0xFFFFFFF0, v5  }
0x2f4: {  	v4 =	vor.u32 v4, v5  }
0x2f5: {  	v5 =	vperm.xlane v4, v1;
	_ =	sdelay $0x1  }
0x2f6: {  	v4 =	vperm.xlane v4, v3;
	v5 =	vadd.s32 v2, v5;
	_ =	sdelay $0x1  }
0x2f7: {  	v4 =	vadd.s32 v2, v4;
	_ =	sdelay $0x2  }
0x2f8: {  	[hbm4b:s7+s3] =	stream.indirect_vreg.scatter [tilespmem:s15], [sflag:$0x1], $0x80, v5, vm0, $0xb8;
	[tilespmem:$0x12800] =	vst v63  }
0x2f9: {  	_ = 	snop  }
0x2fa: {  	[hbm4b:s7+s3] =	stream.indirect_vreg.scatter [tilespmem:s16], [sflag:$0x1], $0x80, v4, vm0, $0xb8;
	[tilespmem:$0x12800] =	vst v63  }
0x2fb: {  	_ =	swait.ge [sflag:s0], $0x5000  }
0x2fc: {  	[sflag:s0] =	ssyncset.done $0x0  }
0x2fd: {  	[sflag:s0] =	ssyncadd.s32 $0xFFFFB000  }
0x2fe: {  	[tilespmem:s17], [sflag:$0x2] =	stream.linear.gather [hbm4b:s20+s3], $0x30, $0x38;
	[tilespmem:$0x12800] =	vst v63  }
0x2ff: {  	_ =	swait.ge [sflag:s28], $0x30  }
0x300: {  	[sflag:s28] =	ssyncset.done $0x0  }
0x301: {  	[sflag:s28] =	ssyncadd.s32 $0xFFFFFFD0  }
0x302: {  	v4 =	vld [tilespmem:$0xF780];
	_ =	sdelay $0x4  }
0x303: {  	v5 =	vshll.u32 v4, $0x1  }
0x304: {  	v4 =	vand.u32 $0x7, v4;
	v5 =	vand.u32 $0xFFFFFFF0, v5  }
0x305: {  	v4 =	vor.u32 v4, v5  }
0x306: {  	v5 =	vperm.xlane v4, v1;
	_ =	sdelay $0x1  }
0x307: {  	v4 =	vperm.xlane v4, v3;
	v5 =	vadd.s32 v2, v5;
	_ =	sdelay $0x1  }
0x308: {  	v4 =	vadd.s32 v2, v4;
	_ =	sdelay $0x2  }
0x309: {  	[tilespmem:s18], [sflag:$0x1] =	stream.indirect_vreg.gather [hbm4b:s5+s3], $0x80, v5, vm0, $0xb8;
	[tilespmem:$0x12800] =	vst v63  }
0x30a: {  	_ = 	snop  }
0x30b: {  	[tilespmem:s19], [sflag:$0x1] =	stream.indirect_vreg.gather [hbm4b:s5+s3], $0x80, v4, vm0, $0xb8;
	[tilespmem:$0x12800] =	vst v63  }
0x30c: {  	v4 =	vld [tilespmem:$0xF790];
	_ =	sdelay $0x4  }
0x30d: {  	v5 =	vshll.u32 v4, $0x1  }
0x30e: {  	v4 =	vand.u32 $0x7, v4;
	v5 =	vand.u32 $0xFFFFFFF0, v5  }
0x30f: {  	v4 =	vor.u32 v4, v5  }
0x310: {  	v5 =	vperm.xlane v4, v1;
	_ =	sdelay $0x1  }
0x311: {  	v4 =	vperm.xlane v4, v3;
	v5 =	vadd.s32 v2, v5;
	_ =	sdelay $0x1  }
0x312: {  	v4 =	vadd.s32 v2, v4;
	_ =	sdelay $0x2  }
0x313: {  	[tilespmem:s21], [sflag:$0x1] =	stream.indirect_vreg.gather [hbm4b:s5+s3], $0x80, v5, vm0, $0xb8;
	[tilespmem:$0x12800] =	vst v63  }
0x314: {  	_ = 	snop  }
0x315: {  	[tilespmem:s2], [sflag:$0x1] =	stream.indirect_vreg.gather [hbm4b:s5+s3], $0x80, v4, vm0, $0xb8;
	[tilespmem:$0x12800] =	vst v63  }
0x316: {  	v4 =	vld [tilespmem:$0xF7A0];
	_ =	sdelay $0x4  }
0x317: {  	v5 =	vshll.u32 v4, $0x1  }
0x318: {  	v4 =	vand.u32 $0x7, v4;
	v5 =	vand.u32 $0xFFFFFFF0, v5  }
0x319: {  	v4 =	vor.u32 v4, v5  }
0x31a: {  	v5 =	vperm.xlane v4, v1;
	_ =	sdelay $0x1  }
0x31b: {  	v4 =	vperm.xlane v4, v3;
	v5 =	vadd.s32 v2, v5;
	_ =	sdelay $0x1  }
0x31c: {  	v4 =	vadd.s32 v2, v4;
	_ =	sdelay $0x2  }
0x31d: {  	[tilespmem:s22], [sflag:$0x1] =	stream.indirect_vreg.gather [hbm4b:s5+s3], $0x80, v5, vm0, $0xb8;
	[tilespmem:$0x12800] =	vst v63  }
0x31e: {  	_ = 	snop  }
0x31f: {  	[tilespmem:s29], [sflag:$0x1] =	stream.indirect_vreg.gather [hbm4b:s5+s3], $0x80, v4, vm0, $0xb8;
	[tilespmem:$0x12800] =	vst v63  }
0x320: {  	_ =	swait.ge [sflag:s0], $0x3000  }
0x321: {  	[sflag:s0] =	ssyncset.done $0x0  }
0x322: {  	[sflag:s0] =	ssyncadd.s32 $0xFFFFD000  }
0x323: {  	v4 =	vld [tilespmem:$0xF780];
	_ =	sdelay $0x4  }
0x324: {  	v5 =	vshll.u32 v4, $0x1  }
0x325: {  	v4 =	vand.u32 $0x7, v4;
	v5 =	vand.u32 $0xFFFFFFF0, v5  }
0x326: {  	v4 =	vor.u32 v4, v5  }
0x327: {  	v5 =	vperm.xlane v4, v1;
	_ =	sdelay $0x1  }
0x328: {  	v4 =	vperm.xlane v4, v3;
	v5 =	vadd.s32 v2, v5;
	_ =	sdelay $0x1  }
0x329: {  	v4 =	vadd.s32 v2, v4;
	_ =	sdelay $0x2  }
0x32a: {  	[hbm4b:s7+s3] =	stream.indirect_vreg.scatter [tilespmem:s18], [sflag:$0x1], $0x80, v5, vm0, $0xb8;
	[tilespmem:$0x12800] =	vst v63  }
0x32b: {  	_ = 	snop  }
0x32c: {  	[hbm4b:s7+s3] =	stream.indirect_vreg.scatter [tilespmem:s19], [sflag:$0x1], $0x80, v4, vm0, $0xb8;
	[tilespmem:$0x12800] =	vst v63  }
0x32d: {  	v4 =	vld [tilespmem:$0xF790];
	_ =	sdelay $0x4  }
0x32e: {  	v5 =	vshll.u32 v4, $0x1  }
0x32f: {  	v4 =	vand.u32 $0x7, v4;
	v5 =	vand.u32 $0xFFFFFFF0, v5  }
0x330: {  	v4 =	vor.u32 v4, v5  }
0x331: {  	v5 =	vperm.xlane v4, v1;
	_ =	sdelay $0x1  }
0x332: {  	v4 =	vperm.xlane v4, v3;
	v5 =	vadd.s32 v2, v5;
	_ =	sdelay $0x1  }
0x333: {  	v4 =	vadd.s32 v2, v4;
	_ =	sdelay $0x2  }
0x334: {  	[hbm4b:s7+s3] =	stream.indirect_vreg.scatter [tilespmem:s21], [sflag:$0x1], $0x80, v5, vm0, $0xb8;
	[tilespmem:$0x12800] =	vst v63  }
0x335: {  	_ = 	snop  }
0x336: {  	[hbm4b:s7+s3] =	stream.indirect_vreg.scatter [tilespmem:s2], [sflag:$0x1], $0x80, v4, vm0, $0xb8;
	[tilespmem:$0x12800] =	vst v63  }
0x337: {  	v4 =	vld [tilespmem:$0xF7A0];
	_ =	sdelay $0x4  }
0x338: {  	v5 =	vshll.u32 v4, $0x1  }
0x339: {  	v4 =	vand.u32 $0x7, v4;
	v5 =	vand.u32 $0xFFFFFFF0, v5  }
0x33a: {  	v4 =	vor.u32 v4, v5  }
0x33b: {  	v5 =	vperm.xlane v4, v1;
	_ =	sdelay $0x1  }
0x33c: {  	v4 =	vperm.xlane v4, v3;
	v5 =	vadd.s32 v2, v5;
	_ =	sdelay $0x1  }
0x33d: {  	v4 =	vadd.s32 v2, v4;
	_ =	sdelay $0x2  }
0x33e: {  	[hbm4b:s7+s3] =	stream.indirect_vreg.scatter [tilespmem:s22], [sflag:$0x1], $0x80, v5, vm0, $0xb8;
	[tilespmem:$0x12800] =	vst v63  }
0x33f: {  	_ = 	snop  }
0x340: {  	[hbm4b:s7+s3] =	stream.indirect_vreg.scatter [tilespmem:s29], [sflag:$0x1], $0x80, v4, vm0, $0xb8;
	[tilespmem:$0x12800] =	vst v63  }
0x341: {  	_ =	swait.ge [sflag:s0], $0x3000  }
0x342: {  	[sflag:s0] =	ssyncset.done $0x0  }
0x343: {  	s11 =	rddreg [dreg:$0x11];
	[sflag:s0] =	ssyncadd.s32 $0xFFFFD000  }
0x344: {  	[tilespmem:s17], [sflag:$0x2] =	stream.linear.gather [hbm4b:s11+s3], $0x30, $0x38;
	[tilespmem:$0x12800] =	vst v63  }
0x345: {  	_ =	swait.ge [sflag:s28], $0x30  }
0x346: {  	[sflag:s28] =	ssyncset.done $0x0  }
0x347: {  	[sflag:s28] =	ssyncadd.s32 $0xFFFFFFD0  }
0x348: {  	v4 =	vld [tilespmem:$0xF780];
	_ =	sdelay $0x4  }
0x349: {  	v5 =	vshll.u32 v4, $0x1  }
0x34a: {  	v4 =	vand.u32 $0x7, v4;
	v5 =	vand.u32 $0xFFFFFFF0, v5  }
0x34b: {  	v4 =	vor.u32 v4, v5  }
0x34c: {  	v5 =	vperm.xlane v4, v1;
	_ =	sdelay $0x1  }
0x34d: {  	v4 =	vperm.xlane v4, v3;
	v5 =	vadd.s32 v2, v5;
	_ =	sdelay $0x1  }
0x34e: {  	v4 =	vadd.s32 v2, v4;
	_ =	sdelay $0x2  }
0x34f: {  	[tilespmem:s18], [sflag:$0x1] =	stream.indirect_vreg.gather [hbm4b:s5+s3], $0x80, v5, vm0, $0xb8;
	[tilespmem:$0x12800] =	vst v63  }
0x350: {  	_ = 	snop  }
0x351: {  	[tilespmem:s19], [sflag:$0x1] =	stream.indirect_vreg.gather [hbm4b:s5+s3], $0x80, v4, vm0, $0xb8;
	[tilespmem:$0x12800] =	vst v63  }
0x352: {  	v4 =	vld [tilespmem:$0xF790];
	_ =	sdelay $0x4  }
0x353: {  	v5 =	vshll.u32 v4, $0x1  }
0x354: {  	v4 =	vand.u32 $0x7, v4;
	v5 =	vand.u32 $0xFFFFFFF0, v5  }
0x355: {  	v4 =	vor.u32 v4, v5  }
0x356: {  	v5 =	vperm.xlane v4, v1;
	_ =	sdelay $0x1  }
0x357: {  	v4 =	vperm.xlane v4, v3;
	v5 =	vadd.s32 v2, v5;
	_ =	sdelay $0x1  }
0x358: {  	v4 =	vadd.s32 v2, v4;
	_ =	sdelay $0x2  }
0x359: {  	[tilespmem:s21], [sflag:$0x1] =	stream.indirect_vreg.gather [hbm4b:s5+s3], $0x80, v5, vm0, $0xb8;
	[tilespmem:$0x12800] =	vst v63  }
0x35a: {  	_ = 	snop  }
0x35b: {  	[tilespmem:s2], [sflag:$0x1] =	stream.indirect_vreg.gather [hbm4b:s5+s3], $0x80, v4, vm0, $0xb8;
	[tilespmem:$0x12800] =	vst v63  }
0x35c: {  	v4 =	vld [tilespmem:$0xF7A0];
	_ =	sdelay $0x4  }
0x35d: {  	v5 =	vshll.u32 v4, $0x1  }
0x35e: {  	v4 =	vand.u32 $0x7, v4;
	v5 =	vand.u32 $0xFFFFFFF0, v5  }
0x35f: {  	v4 =	vor.u32 v4, v5  }
0x360: {  	v5 =	vperm.xlane v4, v1;
	_ =	sdelay $0x1  }
0x361: {  	v4 =	vperm.xlane v4, v3;
	v5 =	vadd.s32 v2, v5;
	_ =	sdelay $0x1  }
0x362: {  	v4 =	vadd.s32 v2, v4;
	_ =	sdelay $0x2  }
0x363: {  	[tilespmem:s22], [sflag:$0x1] =	stream.indirect_vreg.gather [hbm4b:s5+s3], $0x80, v5, vm0, $0xb8;
	[tilespmem:$0x12800] =	vst v63  }
0x364: {  	_ = 	snop  }
0x365: {  	[tilespmem:s29], [sflag:$0x1] =	stream.indirect_vreg.gather [hbm4b:s5+s3], $0x80, v4, vm0, $0xb8;
	[tilespmem:$0x12800] =	vst v63  }
0x366: {  	_ =	swait.ge [sflag:s0], $0x3000  }
0x367: {  	[sflag:s0] =	ssyncset.done $0x0  }
0x368: {  	[sflag:s0] =	ssyncadd.s32 $0xFFFFD000  }
0x369: {  	v4 =	vld [tilespmem:$0xF780];
	_ =	sdelay $0x4  }
0x36a: {  	v5 =	vshll.u32 v4, $0x1  }
0x36b: {  	v4 =	vand.u32 $0x7, v4;
	v5 =	vand.u32 $0xFFFFFFF0, v5  }
0x36c: {  	v4 =	vor.u32 v4, v5  }
0x36d: {  	v5 =	vperm.xlane v4, v1;
	_ =	sdelay $0x1  }
0x36e: {  	v4 =	vperm.xlane v4, v3;
	v5 =	vadd.s32 v2, v5;
	_ =	sdelay $0x1  }
0x36f: {  	v4 =	vadd.s32 v2, v4;
	_ =	sdelay $0x2  }
0x370: {  	[hbm4b:s7+s3] =	stream.indirect_vreg.scatter [tilespmem:s18], [sflag:$0x1], $0x80, v5, vm0, $0xb8;
	[tilespmem:$0x12800] =	vst v63  }
0x371: {  	_ = 	snop  }
0x372: {  	[hbm4b:s7+s3] =	stream.indirect_vreg.scatter [tilespmem:s19], [sflag:$0x1], $0x80, v4, vm0, $0xb8;
	[tilespmem:$0x12800] =	vst v63  }
0x373: {  	v4 =	vld [tilespmem:$0xF790];
	_ =	sdelay $0x4  }
0x374: {  	v5 =	vshll.u32 v4, $0x1  }
0x375: {  	v4 =	vand.u32 $0x7, v4;
	v5 =	vand.u32 $0xFFFFFFF0, v5  }
0x376: {  	v4 =	vor.u32 v4, v5  }
0x377: {  	v5 =	vperm.xlane v4, v1;
	_ =	sdelay $0x1  }
0x378: {  	v4 =	vperm.xlane v4, v3;
	v5 =	vadd.s32 v2, v5;
	_ =	sdelay $0x1  }
0x379: {  	v4 =	vadd.s32 v2, v4;
	_ =	sdelay $0x2  }
0x37a: {  	[hbm4b:s7+s3] =	stream.indirect_vreg.scatter [tilespmem:s21], [sflag:$0x1], $0x80, v5, vm0, $0xb8;
	[tilespmem:$0x12800] =	vst v63  }
0x37b: {  	_ = 	snop  }
0x37c: {  	[hbm4b:s7+s3] =	stream.indirect_vreg.scatter [tilespmem:s2], [sflag:$0x1], $0x80, v4, vm0, $0xb8;
	[tilespmem:$0x12800] =	vst v63  }
0x37d: {  	v4 =	vld [tilespmem:$0xF7A0];
	_ =	sdelay $0x4  }
0x37e: {  	v5 =	vshll.u32 v4, $0x1  }
0x37f: {  	v4 =	vand.u32 $0x7, v4;
	v5 =	vand.u32 $0xFFFFFFF0, v5  }
0x380: {  	v4 =	vor.u32 v4, v5  }
0x381: {  	v5 =	vperm.xlane v4, v1;
	_ =	sdelay $0x1  }
0x382: {  	v4 =	vperm.xlane v4, v3;
	v5 =	vadd.s32 v2, v5;
	_ =	sdelay $0x1  }
0x383: {  	v4 =	vadd.s32 v2, v4;
	_ =	sdelay $0x2  }
0x384: {  	[hbm4b:s7+s3] =	stream.indirect_vreg.scatter [tilespmem:s22], [sflag:$0x1], $0x80, v5, vm0, $0xb8;
	[tilespmem:$0x12800] =	vst v63  }
0x385: {  	_ = 	snop  }
0x386: {  	[hbm4b:s7+s3] =	stream.indirect_vreg.scatter [tilespmem:s29], [sflag:$0x1], $0x80, v4, vm0, $0xb8;
	[tilespmem:$0x12800] =	vst v63  }
0x387: {  	_ =	swait.ge [sflag:s0], $0x3000  }
0x388: {  	[sflag:s0] =	ssyncset.done $0x0  }
0x389: {  	s10 =	rddreg [dreg:$0x12];
	[sflag:s0] =	ssyncadd.s32 $0xFFFFD000  }
0x38a: {  	[tilespmem:s17], [sflag:$0x2] =	stream.linear.gather [hbm4b:s10+s3], $0x30, $0x38;
	[tilespmem:$0x12800] =	vst v63  }
0x38b: {  	_ =	swait.ge [sflag:s28], $0x30  }
0x38c: {  	[sflag:s28] =	ssyncset.done $0x0  }
0x38d: {  	[sflag:s28] =	ssyncadd.s32 $0xFFFFFFD0  }
0x38e: {  	v4 =	vld [tilespmem:$0xF780];
	_ =	sdelay $0x4  }
0x38f: {  	v5 =	vshll.u32 v4, $0x1  }
0x390: {  	v4 =	vand.u32 $0x7, v4;
	v5 =	vand.u32 $0xFFFFFFF0, v5  }
0x391: {  	v4 =	vor.u32 v4, v5  }
0x392: {  	v5 =	vperm.xlane v4, v1;
	_ =	sdelay $0x1  }
0x393: {  	v4 =	vperm.xlane v4, v3;
	v5 =	vadd.s32 v2, v5;
	_ =	sdelay $0x1  }
0x394: {  	v4 =	vadd.s32 v2, v4;
	_ =	sdelay $0x2  }
0x395: {  	[tilespmem:s18], [sflag:$0x1] =	stream.indirect_vreg.gather [hbm4b:s5+s3], $0x80, v5, vm0, $0xb8;
	[tilespmem:$0x12800] =	vst v63  }
0x396: {  	_ = 	snop  }
0x397: {  	[tilespmem:s19], [sflag:$0x1] =	stream.indirect_vreg.gather [hbm4b:s5+s3], $0x80, v4, vm0, $0xb8;
	[tilespmem:$0x12800] =	vst v63  }
0x398: {  	v4 =	vld [tilespmem:$0xF790];
	_ =	sdelay $0x4  }
0x399: {  	v5 =	vshll.u32 v4, $0x1  }
0x39a: {  	v4 =	vand.u32 $0x7, v4;
	v5 =	vand.u32 $0xFFFFFFF0, v5  }
0x39b: {  	v4 =	vor.u32 v4, v5  }
0x39c: {  	v5 =	vperm.xlane v4, v1;
	_ =	sdelay $0x1  }
0x39d: {  	v4 =	vperm.xlane v4, v3;
	v5 =	vadd.s32 v2, v5;
	_ =	sdelay $0x1  }
0x39e: {  	v4 =	vadd.s32 v2, v4;
	_ =	sdelay $0x2  }
0x39f: {  	[tilespmem:s21], [sflag:$0x1] =	stream.indirect_vreg.gather [hbm4b:s5+s3], $0x80, v5, vm0, $0xb8;
	[tilespmem:$0x12800] =	vst v63  }
0x3a0: {  	_ = 	snop  }
0x3a1: {  	[tilespmem:s2], [sflag:$0x1] =	stream.indirect_vreg.gather [hbm4b:s5+s3], $0x80, v4, vm0, $0xb8;
	[tilespmem:$0x12800] =	vst v63  }
0x3a2: {  	v4 =	vld [tilespmem:$0xF7A0];
	_ =	sdelay $0x4  }
0x3a3: {  	v5 =	vshll.u32 v4, $0x1  }
0x3a4: {  	v4 =	vand.u32 $0x7, v4;
	v5 =	vand.u32 $0xFFFFFFF0, v5  }
0x3a5: {  	v4 =	vor.u32 v4, v5  }
0x3a6: {  	v5 =	vperm.xlane v4, v1;
	_ =	sdelay $0x1  }
0x3a7: {  	v4 =	vperm.xlane v4, v3;
	v5 =	vadd.s32 v2, v5;
	_ =	sdelay $0x1  }
0x3a8: {  	v4 =	vadd.s32 v2, v4;
	_ =	sdelay $0x2  }
0x3a9: {  	[tilespmem:s22], [sflag:$0x1] =	stream.indirect_vreg.gather [hbm4b:s5+s3], $0x80, v5, vm0, $0xb8;
	[tilespmem:$0x12800] =	vst v63  }
0x3aa: {  	_ = 	snop  }
0x3ab: {  	[tilespmem:s29], [sflag:$0x1] =	stream.indirect_vreg.gather [hbm4b:s5+s3], $0x80, v4, vm0, $0xb8;
	[tilespmem:$0x12800] =	vst v63  }
0x3ac: {  	_ =	swait.ge [sflag:s0], $0x3000  }
0x3ad: {  	[sflag:s0] =	ssyncset.done $0x0  }
0x3ae: {  	[sflag:s0] =	ssyncadd.s32 $0xFFFFD000  }
0x3af: {  	v4 =	vld [tilespmem:$0xF780];
	_ =	sdelay $0x4  }
0x3b0: {  	v5 =	vshll.u32 v4, $0x1  }
0x3b1: {  	v4 =	vand.u32 $0x7, v4;
	v5 =	vand.u32 $0xFFFFFFF0, v5  }
0x3b2: {  	v4 =	vor.u32 v4, v5  }
0x3b3: {  	v5 =	vperm.xlane v4, v1;
	_ =	sdelay $0x1  }
0x3b4: {  	v4 =	vperm.xlane v4, v3;
	v5 =	vadd.s32 v2, v5;
	_ =	sdelay $0x1  }
0x3b5: {  	v4 =	vadd.s32 v2, v4;
	_ =	sdelay $0x2  }
0x3b6: {  	[hbm4b:s7+s3] =	stream.indirect_vreg.scatter [tilespmem:s18], [sflag:$0x1], $0x80, v5, vm0, $0xb8;
	[tilespmem:$0x12800] =	vst v63  }
0x3b7: {  	_ = 	snop  }
0x3b8: {  	[hbm4b:s7+s3] =	stream.indirect_vreg.scatter [tilespmem:s19], [sflag:$0x1], $0x80, v4, vm0, $0xb8;
	[tilespmem:$0x12800] =	vst v63  }
0x3b9: {  	v4 =	vld [tilespmem:$0xF790];
	_ =	sdelay $0x4  }
0x3ba: {  	v5 =	vshll.u32 v4, $0x1  }
0x3bb: {  	v4 =	vand.u32 $0x7, v4;
	v5 =	vand.u32 $0xFFFFFFF0, v5  }
0x3bc: {  	v4 =	vor.u32 v4, v5  }
0x3bd: {  	v5 =	vperm.xlane v4, v1;
	_ =	sdelay $0x1  }
0x3be: {  	v4 =	vperm.xlane v4, v3;
	v5 =	vadd.s32 v2, v5;
	_ =	sdelay $0x1  }
0x3bf: {  	v4 =	vadd.s32 v2, v4;
	_ =	sdelay $0x2  }
0x3c0: {  	[hbm4b:s7+s3] =	stream.indirect_vreg.scatter [tilespmem:s21], [sflag:$0x1], $0x80, v5, vm0, $0xb8;
	[tilespmem:$0x12800] =	vst v63  }
0x3c1: {  	_ = 	snop  }
0x3c2: {  	[hbm4b:s7+s3] =	stream.indirect_vreg.scatter [tilespmem:s2], [sflag:$0x1], $0x80, v4, vm0, $0xb8;
	[tilespmem:$0x12800] =	vst v63  }
0x3c3: {  	v4 =	vld [tilespmem:$0xF7A0];
	_ =	sdelay $0x4  }
0x3c4: {  	v5 =	vshll.u32 v4, $0x1  }
0x3c5: {  	v4 =	vand.u32 $0x7, v4;
	v5 =	vand.u32 $0xFFFFFFF0, v5  }
0x3c6: {  	v4 =	vor.u32 v4, v5  }
0x3c7: {  	v5 =	vperm.xlane v4, v1;
	_ =	sdelay $0x1  }
0x3c8: {  	v4 =	vperm.xlane v4, v3;
	v5 =	vadd.s32 v2, v5;
	_ =	sdelay $0x1  }
0x3c9: {  	v4 =	vadd.s32 v2, v4;
	_ =	sdelay $0x2  }
0x3ca: {  	[hbm4b:s7+s3] =	stream.indirect_vreg.scatter [tilespmem:s22], [sflag:$0x1], $0x80, v5, vm0, $0xb8;
	[tilespmem:$0x12800] =	vst v63  }
0x3cb: {  	_ = 	snop  }
0x3cc: {  	[hbm4b:s7+s3] =	stream.indirect_vreg.scatter [tilespmem:s29], [sflag:$0x1], $0x80, v4, vm0, $0xb8;
	[tilespmem:$0x12800] =	vst v63  }
0x3cd: {  	_ =	swait.ge [sflag:s0], $0x3000  }
0x3ce: {  	[sflag:s0] =	ssyncset.done $0x0  }
0x3cf: {  	s11 =	rddreg [dreg:$0x13];
	[sflag:s0] =	ssyncadd.s32 $0xFFFFD000  }
0x3d0: {  	[tilespmem:s17], [sflag:$0x2] =	stream.linear.gather [hbm4b:s11+s3], $0x30, $0x38;
	[tilespmem:$0x12800] =	vst v63  }
0x3d1: {  	_ =	swait.ge [sflag:s28], $0x30  }
0x3d2: {  	[sflag:s28] =	ssyncset.done $0x0  }
0x3d3: {  	[sflag:s28] =	ssyncadd.s32 $0xFFFFFFD0  }
0x3d4: {  	v4 =	vld [tilespmem:$0xF780];
	_ =	sdelay $0x4  }
0x3d5: {  	v5 =	vshll.u32 v4, $0x1  }
0x3d6: {  	v4 =	vand.u32 $0x7, v4;
	v5 =	vand.u32 $0xFFFFFFF0, v5  }
0x3d7: {  	v4 =	vor.u32 v4, v5  }
0x3d8: {  	v5 =	vperm.xlane v4, v1;
	_ =	sdelay $0x1  }
0x3d9: {  	v4 =	vperm.xlane v4, v3;
	v5 =	vadd.s32 v2, v5;
	_ =	sdelay $0x1  }
0x3da: {  	v4 =	vadd.s32 v2, v4;
	_ =	sdelay $0x2  }
0x3db: {  	[tilespmem:s18], [sflag:$0x1] =	stream.indirect_vreg.gather [hbm4b:s5+s3], $0x80, v5, vm0, $0xb8;
	[tilespmem:$0x12800] =	vst v63  }
0x3dc: {  	_ = 	snop  }
0x3dd: {  	[tilespmem:s19], [sflag:$0x1] =	stream.indirect_vreg.gather [hbm4b:s5+s3], $0x80, v4, vm0, $0xb8;
	[tilespmem:$0x12800] =	vst v63  }
0x3de: {  	v4 =	vld [tilespmem:$0xF790];
	_ =	sdelay $0x4  }
0x3df: {  	v5 =	vshll.u32 v4, $0x1  }
0x3e0: {  	v4 =	vand.u32 $0x7, v4;
	v5 =	vand.u32 $0xFFFFFFF0, v5  }
0x3e1: {  	v4 =	vor.u32 v4, v5  }
0x3e2: {  	v5 =	vperm.xlane v4, v1;
	_ =	sdelay $0x1  }
0x3e3: {  	v4 =	vperm.xlane v4, v3;
	v5 =	vadd.s32 v2, v5;
	_ =	sdelay $0x1  }
0x3e4: {  	v4 =	vadd.s32 v2, v4;
	_ =	sdelay $0x2  }
0x3e5: {  	[tilespmem:s21], [sflag:$0x1] =	stream.indirect_vreg.gather [hbm4b:s5+s3], $0x80, v5, vm0, $0xb8;
	[tilespmem:$0x12800] =	vst v63  }
0x3e6: {  	_ = 	snop  }
0x3e7: {  	[tilespmem:s2], [sflag:$0x1] =	stream.indirect_vreg.gather [hbm4b:s5+s3], $0x80, v4, vm0, $0xb8;
	[tilespmem:$0x12800] =	vst v63  }
0x3e8: {  	v4 =	vld [tilespmem:$0xF7A0];
	_ =	sdelay $0x4  }
0x3e9: {  	v5 =	vshll.u32 v4, $0x1  }
0x3ea: {  	v4 =	vand.u32 $0x7, v4;
	v5 =	vand.u32 $0xFFFFFFF0, v5  }
0x3eb: {  	v4 =	vor.u32 v4, v5  }
0x3ec: {  	v5 =	vperm.xlane v4, v1;
	_ =	sdelay $0x1  }
0x3ed: {  	v4 =	vperm.xlane v4, v3;
	v5 =	vadd.s32 v2, v5;
	_ =	sdelay $0x1  }
0x3ee: {  	v4 =	vadd.s32 v2, v4;
	_ =	sdelay $0x2  }
0x3ef: {  	[tilespmem:s22], [sflag:$0x1] =	stream.indirect_vreg.gather [hbm4b:s5+s3], $0x80, v5, vm0, $0xb8;
	[tilespmem:$0x12800] =	vst v63  }
0x3f0: {  	_ = 	snop  }
0x3f1: {  	[tilespmem:s29], [sflag:$0x1] =	stream.indirect_vreg.gather [hbm4b:s5+s3], $0x80, v4, vm0, $0xb8;
	[tilespmem:$0x12800] =	vst v63  }
0x3f2: {  	_ =	swait.ge [sflag:s0], $0x3000  }
0x3f3: {  	[sflag:s0] =	ssyncset.done $0x0  }
0x3f4: {  	[sflag:s0] =	ssyncadd.s32 $0xFFFFD000  }
0x3f5: {  	v4 =	vld [tilespmem:$0xF780];
	_ =	sdelay $0x4  }
0x3f6: {  	v5 =	vshll.u32 v4, $0x1  }
0x3f7: {  	v4 =	vand.u32 $0x7, v4;
	v5 =	vand.u32 $0xFFFFFFF0, v5  }
0x3f8: {  	v4 =	vor.u32 v4, v5  }
0x3f9: {  	v5 =	vperm.xlane v4, v1;
	_ =	sdelay $0x1  }
0x3fa: {  	v4 =	vperm.xlane v4, v3;
	v5 =	vadd.s32 v2, v5;
	_ =	sdelay $0x1  }
0x3fb: {  	v4 =	vadd.s32 v2, v4;
	_ =	sdelay $0x2  }
0x3fc: {  	[hbm4b:s7+s3] =	stream.indirect_vreg.scatter [tilespmem:s18], [sflag:$0x1], $0x80, v5, vm0, $0xb8;
	[tilespmem:$0x12800] =	vst v63  }
0x3fd: {  	_ = 	snop  }
0x3fe: {  	[hbm4b:s7+s3] =	stream.indirect_vreg.scatter [tilespmem:s19], [sflag:$0x1], $0x80, v4, vm0, $0xb8;
	[tilespmem:$0x12800] =	vst v63  }
0x3ff: {  	v4 =	vld [tilespmem:$0xF790];
	_ =	sdelay $0x4  }
0x400: {  	v5 =	vshll.u32 v4, $0x1  }
0x401: {  	v4 =	vand.u32 $0x7, v4;
	v5 =	vand.u32 $0xFFFFFFF0, v5  }
0x402: {  	v4 =	vor.u32 v4, v5  }
0x403: {  	v5 =	vperm.xlane v4, v1;
	_ =	sdelay $0x1  }
0x404: {  	v4 =	vperm.xlane v4, v3;
	v5 =	vadd.s32 v2, v5;
	_ =	sdelay $0x1  }
0x405: {  	v4 =	vadd.s32 v2, v4;
	_ =	sdelay $0x2  }
0x406: {  	[hbm4b:s7+s3] =	stream.indirect_vreg.scatter [tilespmem:s21], [sflag:$0x1], $0x80, v5, vm0, $0xb8;
	[tilespmem:$0x12800] =	vst v63  }
0x407: {  	_ = 	snop  }
0x408: {  	[hbm4b:s7+s3] =	stream.indirect_vreg.scatter [tilespmem:s2], [sflag:$0x1], $0x80, v4, vm0, $0xb8;
	[tilespmem:$0x12800] =	vst v63  }
0x409: {  	v4 =	vld [tilespmem:$0xF7A0];
	_ =	sdelay $0x4  }
0x40a: {  	v5 =	vshll.u32 v4, $0x1  }
0x40b: {  	v4 =	vand.u32 $0x7, v4;
	v5 =	vand.u32 $0xFFFFFFF0, v5  }
0x40c: {  	v4 =	vor.u32 v4, v5  }
0x40d: {  	v5 =	vperm.xlane v4, v1;
	_ =	sdelay $0x1  }
0x40e: {  	v4 =	vperm.xlane v4, v3;
	v5 =	vadd.s32 v2, v5;
	_ =	sdelay $0x1  }
0x40f: {  	v4 =	vadd.s32 v2, v4;
	_ =	sdelay $0x2  }
0x410: {  	[hbm4b:s7+s3] =	stream.indirect_vreg.scatter [tilespmem:s22], [sflag:$0x1], $0x80, v5, vm0, $0xb8;
	[tilespmem:$0x12800] =	vst v63  }
0x411: {  	_ = 	snop  }
0x412: {  	[hbm4b:s7+s3] =	stream.indirect_vreg.scatter [tilespmem:s29], [sflag:$0x1], $0x80, v4, vm0, $0xb8;
	[tilespmem:$0x12800] =	vst v63  }
0x413: {  	_ =	swait.ge [sflag:s0], $0x3000  }
0x414: {  	[sflag:s0] =	ssyncset.done $0x0  }
0x415: {  	s10 =	rddreg [dreg:$0x15];
	[sflag:s0] =	ssyncadd.s32 $0xFFFFD000  }
0x416: {  	[tilespmem:s17], [sflag:$0x2] =	stream.linear.gather [hbm4b:s10+s3], $0x30, $0x38;
	[tilespmem:$0x12800] =	vst v63  }
0x417: {  	_ =	swait.ge [sflag:s28], $0x30  }
0x418: {  	[sflag:s28] =	ssyncset.done $0x0  }
0x419: {  	[sflag:s28] =	ssyncadd.s32 $0xFFFFFFD0  }
0x41a: {  	v4 =	vld [tilespmem:$0xF780];
	_ =	sdelay $0x4  }
0x41b: {  	v5 =	vshll.u32 v4, $0x1  }
0x41c: {  	v4 =	vand.u32 $0x7, v4;
	v5 =	vand.u32 $0xFFFFFFF0, v5  }
0x41d: {  	v4 =	vor.u32 v4, v5  }
0x41e: {  	v5 =	vperm.xlane v4, v1;
	_ =	sdelay $0x1  }
0x41f: {  	v4 =	vperm.xlane v4, v3;
	v5 =	vadd.s32 v2, v5;
	_ =	sdelay $0x1  }
0x420: {  	v4 =	vadd.s32 v2, v4;
	_ =	sdelay $0x2  }
0x421: {  	[tilespmem:s18], [sflag:$0x1] =	stream.indirect_vreg.gather [hbm4b:s5+s3], $0x80, v5, vm0, $0xb8;
	[tilespmem:$0x12800] =	vst v63  }
0x422: {  	_ = 	snop  }
0x423: {  	[tilespmem:s19], [sflag:$0x1] =	stream.indirect_vreg.gather [hbm4b:s5+s3], $0x80, v4, vm0, $0xb8;
	[tilespmem:$0x12800] =	vst v63  }
0x424: {  	v4 =	vld [tilespmem:$0xF790];
	_ =	sdelay $0x4  }
0x425: {  	v5 =	vshll.u32 v4, $0x1  }
0x426: {  	v4 =	vand.u32 $0x7, v4;
	v5 =	vand.u32 $0xFFFFFFF0, v5  }
0x427: {  	v4 =	vor.u32 v4, v5  }
0x428: {  	v5 =	vperm.xlane v4, v1;
	_ =	sdelay $0x1  }
0x429: {  	v4 =	vperm.xlane v4, v3;
	v5 =	vadd.s32 v2, v5;
	_ =	sdelay $0x1  }
0x42a: {  	v4 =	vadd.s32 v2, v4;
	_ =	sdelay $0x2  }
0x42b: {  	[tilespmem:s21], [sflag:$0x1] =	stream.indirect_vreg.gather [hbm4b:s5+s3], $0x80, v5, vm0, $0xb8;
	[tilespmem:$0x12800] =	vst v63  }
0x42c: {  	_ = 	snop  }
0x42d: {  	[tilespmem:s2], [sflag:$0x1] =	stream.indirect_vreg.gather [hbm4b:s5+s3], $0x80, v4, vm0, $0xb8;
	[tilespmem:$0x12800] =	vst v63  }
0x42e: {  	v4 =	vld [tilespmem:$0xF7A0];
	_ =	sdelay $0x4  }
0x42f: {  	v5 =	vshll.u32 v4, $0x1  }
0x430: {  	v4 =	vand.u32 $0x7, v4;
	v5 =	vand.u32 $0xFFFFFFF0, v5  }
0x431: {  	v4 =	vor.u32 v4, v5  }
0x432: {  	v5 =	vperm.xlane v4, v1;
	_ =	sdelay $0x1  }
0x433: {  	v4 =	vperm.xlane v4, v3;
	v5 =	vadd.s32 v2, v5;
	_ =	sdelay $0x1  }
0x434: {  	v4 =	vadd.s32 v2, v4;
	_ =	sdelay $0x2  }
0x435: {  	[tilespmem:s22], [sflag:$0x1] =	stream.indirect_vreg.gather [hbm4b:s5+s3], $0x80, v5, vm0, $0xb8;
	[tilespmem:$0x12800] =	vst v63  }
0x436: {  	_ = 	snop  }
0x437: {  	[tilespmem:s29], [sflag:$0x1] =	stream.indirect_vreg.gather [hbm4b:s5+s3], $0x80, v4, vm0, $0xb8;
	[tilespmem:$0x12800] =	vst v63  }
0x438: {  	_ =	swait.ge [sflag:s0], $0x3000  }
0x439: {  	[sflag:s0] =	ssyncset.done $0x0  }
0x43a: {  	[sflag:s0] =	ssyncadd.s32 $0xFFFFD000  }
0x43b: {  	v4 =	vld [tilespmem:$0xF780];
	_ =	sdelay $0x4  }
0x43c: {  	v5 =	vshll.u32 v4, $0x1  }
0x43d: {  	v4 =	vand.u32 $0x7, v4;
	v5 =	vand.u32 $0xFFFFFFF0, v5  }
0x43e: {  	v4 =	vor.u32 v4, v5  }
0x43f: {  	v5 =	vperm.xlane v4, v1;
	_ =	sdelay $0x1  }
0x440: {  	v4 =	vperm.xlane v4, v3;
	v5 =	vadd.s32 v2, v5;
	_ =	sdelay $0x1  }
0x441: {  	v4 =	vadd.s32 v2, v4;
	_ =	sdelay $0x2  }
0x442: {  	[hbm4b:s7+s3] =	stream.indirect_vreg.scatter [tilespmem:s18], [sflag:$0x1], $0x80, v5, vm0, $0xb8;
	[tilespmem:$0x12800] =	vst v63  }
0x443: {  	_ = 	snop  }
0x444: {  	[hbm4b:s7+s3] =	stream.indirect_vreg.scatter [tilespmem:s19], [sflag:$0x1], $0x80, v4, vm0, $0xb8;
	[tilespmem:$0x12800] =	vst v63  }
0x445: {  	v4 =	vld [tilespmem:$0xF790];
	_ =	sdelay $0x4  }
0x446: {  	v5 =	vshll.u32 v4, $0x1  }
0x447: {  	v4 =	vand.u32 $0x7, v4;
	v5 =	vand.u32 $0xFFFFFFF0, v5  }
0x448: {  	v4 =	vor.u32 v4, v5  }
0x449: {  	v5 =	vperm.xlane v4, v1;
	_ =	sdelay $0x1  }
0x44a: {  	v4 =	vperm.xlane v4, v3;
	v5 =	vadd.s32 v2, v5;
	_ =	sdelay $0x1  }
0x44b: {  	v4 =	vadd.s32 v2, v4;
	_ =	sdelay $0x2  }
0x44c: {  	[hbm4b:s7+s3] =	stream.indirect_vreg.scatter [tilespmem:s21], [sflag:$0x1], $0x80, v5, vm0, $0xb8;
	[tilespmem:$0x12800] =	vst v63  }
0x44d: {  	_ = 	snop  }
0x44e: {  	[hbm4b:s7+s3] =	stream.indirect_vreg.scatter [tilespmem:s2], [sflag:$0x1], $0x80, v4, vm0, $0xb8;
	[tilespmem:$0x12800] =	vst v63  }
0x44f: {  	v4 =	vld [tilespmem:$0xF7A0];
	_ =	sdelay $0x4  }
0x450: {  	v5 =	vshll.u32 v4, $0x1  }
0x451: {  	v4 =	vand.u32 $0x7, v4;
	v5 =	vand.u32 $0xFFFFFFF0, v5  }
0x452: {  	v4 =	vor.u32 v4, v5  }
0x453: {  	v5 =	vperm.xlane v4, v1;
	_ =	sdelay $0x1  }
0x454: {  	v4 =	vperm.xlane v4, v3;
	v5 =	vadd.s32 v2, v5;
	_ =	sdelay $0x1  }
0x455: {  	v4 =	vadd.s32 v2, v4;
	_ =	sdelay $0x2  }
0x456: {  	[hbm4b:s7+s3] =	stream.indirect_vreg.scatter [tilespmem:s22], [sflag:$0x1], $0x80, v5, vm0, $0xb8;
	[tilespmem:$0x12800] =	vst v63  }
0x457: {  	_ = 	snop  }
0x458: {  	[hbm4b:s7+s3] =	stream.indirect_vreg.scatter [tilespmem:s29], [sflag:$0x1], $0x80, v4, vm0, $0xb8;
	[tilespmem:$0x12800] =	vst v63  }
0x459: {  	_ =	swait.ge [sflag:s0], $0x3000  }
0x45a: {  	s23 =	sadd.s32 $0x1, s23;
	s11 =	rddreg [dreg:$0x14]  }
0x45b: {  	p0 =	sne.s32 s23, s11  }
.Ltmp1:
0x45c: {  	_ = 	snop;
	(pc) =	sbr.rel @p0 .LBB2_1-.Ltmp1, $3  }
0x45d: {  	_ =	sdelay $0x1  }
0x45e: {  	[sflag:s0] =	ssyncset.done $0x0  }
0x45f: {  	[sflag:s0] =	ssyncadd.s32 $0xFFFFD000  }
0x460: {  	_ =	sfence.sel $0x180000  }
0x461: {  	[bflag:$0x0] =	sbarrier.arrive $0xFFFF  }
0x462: {  	_ =	strace $0x9000004A  }
0x463: {  	s0 =	stileid.u32;
	[bflag:$0x2] =	sbarrier.arrive $0xFFFF  }
0x464: {  	p0 =	sne.s32 s0, $0x0;
	s0 =	rddreg [dreg:$0x4]  }
0x465: {  	s0 =	sadd.s32 @!p0 $0x100000, s0  }
0x466: {  	[sflag:s0] =	ssyncadd.tile.s32 @!p0 $0x1;
	_ =	shalt  }
.Lfunc_end2:
_tile_overlayer_lowered:
.L_overlay_start_2:
0x467: {  	(tag) =	ssettag $0x2  }
0x468: {  	s0 =	rddreg [dreg:$0x0];
	s2 =	stileid.u32  }
0x469: {  	s1 =	rddreg [dreg:$0x1];
	p0 =	sne.s32 s2, $0x0  }
0x46a: {  	s3 =	rddreg [dreg:$0x2];
	[bflag:$0x3] =	sbarrier.arrive $0xFFFF;
	s2 =	simm.s32 @!p0 $0x1C02  }
0x46b: {  	[timem:s3], [sflag:s2] =	dma.local @!p0 [hbm:s0], s1  }
0x46c: {  	s0 =	simm.s32 @!p0 $0x2  }
0x46d: {  	_ =	swait.ge @!p0 [sflag:s0], s1  }
0x46e: {  	s1 =	ssub.s32 @!p0 $0x0, s1;
	[sflag:s0] =	ssyncset.done @!p0 $0x0  }
0x46f: {  	[sflag:s0] =	ssyncadd.s32 @!p0 s1  }
0x470: {  	[bflag:$0x3] =	sbarrier.arrive $0xFFFF  }
0x471: {  	_ =	shalt  }

// kernel: scatter_offload_async_start
scs
__scs_entry_jumppad:
0x0: {  	(pc) =	sbr.rel $0x88, $3  }
0x1: {  	(tag) =	ssettag $0x0;
	lr =	simm.s32 $0x1  }
0x2: {  	[smem:$0x3F9B] =	sst lr;
	_ =	strace $0xD0000000  }
0x3: {  	_ = 	snop  }
0x4: {  	_ = 	snop  }
0x5: {  	_ = 	snop  }
0x6: {  	_ = 	snop  }
0x7: {  	_ = 	snop  }
__scs_overlays_trampoline_lowered:
0x8: {  	[smem:$0x3FAA] =	sst s0  }
0x9: {  	[smem:$0x3FAB] =	sst s1  }
0xa: {  	[smem:$0x3FAC] =	sst s2  }
0xb: {  	[smem:$0x3FAD] =	sst s3  }
0xc: {  	[smem:$0x3FAE] =	sst s4  }
0xd: {  	[smem:$0x3FAF] =	sst s5  }
0xe: {  	[smem:$0x3FB0] =	sst s6  }
0xf: {  	[smem:$0x3FB1] =	sst s7  }
0x10: {  	[smem:$0x3FB2] =	sst s8  }
0x11: {  	[smem:$0x3FB3] =	sst s9;
	s0 =	simm.s32 @!p0 $0x0  }
0x12: {  	s1 =	sld [smem:$0x3F99];
	s0 =	simm.s32 @p0 $0x1  }
0x13: {  	[smem:$0x3FB4] =	sst s0;
	s0 =	simm.s32 @!p1 $0x0  }
0x14: {  	s2 =	sld [smem:$0x3F98];
	s0 =	simm.s32 @p1 $0x1  }
0x15: {  	[smem:$0x3FB5] =	sst s0;
	s0 =	simm.s32 @!p2 $0x0  }
0x16: {  	s3 =	sld [smem:$0x3FDB];
	s0 =	simm.s32 @p2 $0x1  }
0x17: {  	s4 =	simm.s32 $0x1BF5;
	[smem:$0x3FB7] =	sst s0  }
0x18: {  	s0 =	sld [smem:$0x3F9A];
	_ =	swait.ge [sflag:s4], $0x0  }
0x19: {  	s7 =	sld [smem:$0x3F9B]  }
0x1a: {  	s8 =	sadd.s32 $0xFFFFE003, lr  }
0x1b: {  	s9 =	sadd.s32 $0xFFFFFEF7, lr;
	s5 =	simm.s32 $0xFFFFFFFF;
	p2 =	slt.u32 s8, $0xFFFFF086  }
0x1c: {  	p1 =	slt.u32 s9, $0xF7A;
	s5 =	simm.s32 @!p2 $0x0  }
0x1d: {  	s5 =	simm.s32 @p1 $0x1;
	p0 =	seq.s32 s7, s2  }
0x1e: {  	s7 =	smul.u32 @!p0 $0xF7A, s2;
	p2 =	seq.s32 @!p0 s5, $0x0  }
0x1f: {  	s9 =	smul.u32 $0xF7A, s1;
	s8 =	simm.s32 @!p0 $0x1BF5;
	p2 =	por !p2, p0  }
0x20: {  	[sflag:s8] =	ssyncset.s32 @!p0 $0xFFFFF086;
	s6 =	sadd.s32 @!p0 s3, s7;
	s7 =	simm.s32 @!p0 $0x108  }
0x21: {  	s3 =	sadd.s32 s3, s9;
	s6 =	sadd.s32 @!p0 $0x88, s6;
	s7 =	simm.s32 @p2 $0x1082  }
0x22: {  	[simem:s7], [sflag:s8] =	dma.local @!p0 [hbm:s6], $0xF7A  }
0x23: {  	s9 =	sor.u32 $0xD0000000, s2;
	s6 =	simm.s32 $0x108;
	_ =	swait.ge @!p0 [sflag:s8], $0x0  }
0x24: {  	s3 =	sadd.s32 $0x88, s3;
	s6 =	simm.s32 @!p1 $0x1082;
	[sflag:s4] =	ssyncset.s32 $0xFFFFF086  }
0x25: {  	[simem:s6], [sflag:s4] =	dma.local [hbm:s3], $0xF7A  }
0x26: {  	[smem:$0x3F9B] =	sst s1;
	(tag) =	ssettag s2;
	_ =	strace s9  }
0x27: {  	s1 =	sld [smem:$0x3FAB]  }
0x28: {  	s2 =	sld [smem:$0x3FAC]  }
0x29: {  	s4 =	sld [smem:$0x3FAE]  }
0x2a: {  	p0 =	seq.s32 s5, $0x0;
	s5 =	sld [smem:$0x3FAF]  }
0x2b: {  	s6 =	sld [smem:$0x3FB0]  }
0x2c: {  	s7 =	sld [smem:$0x3FB1]  }
0x2d: {  	s3 =	simm.s32 $0x108;
	s8 =	sld [smem:$0x3FB2]  }
0x2e: {  	s3 =	simm.s32 @!p0 $0x1082;
	s9 =	sld [smem:$0x3FB3]  }
0x2f: {  	lr =	sadd.s32 s0, s3;
	s0 =	sld [smem:$0x3FAA]  }
0x30: {  	s3 =	sld [smem:$0x3FAD]  }
0x31: {  	[smem:$0x3FB6] =	sst s10  }
0x32: {  	s10 =	sld [smem:$0x3FB4];
	_ =	sdelay $0x3  }
0x33: {  	p0 =	seq.s32 s10, $0x1;
	s10 =	sld [smem:$0x3FB6];
	_ =	sdelay $0x3  }
0x34: {  	[smem:$0x3FB6] =	sst s10  }
0x35: {  	s10 =	sld [smem:$0x3FB5];
	_ =	sdelay $0x3  }
0x36: {  	p1 =	seq.s32 s10, $0x1;
	s10 =	sld [smem:$0x3FB6];
	_ =	sdelay $0x3  }
0x37: {  	[smem:$0x3FB6] =	sst s10  }
0x38: {  	s10 =	sld [smem:$0x3FB7]  }
0x39: {  	_ = 	snop;
	(pc) =	sbr.ind lr, $3  }
0x3a: {  	_ = 	snop  }
0x3b: {  	_ = 	snop  }
0x3c: {  	p2 =	seq.s32 s10, $0x1;
	s10 =	sld [smem:$0x3FB6]  }
0x3d: {  	_ =	shalt  }
0x3e: {  	_ =	shalt  }
0x3f: {  	_ =	shalt  }
0x40: {  	_ =	shalt  }
0x41: {  	_ =	shalt  }
0x42: {  	_ =	shalt  }
0x43: {  	_ =	shalt  }
0x44: {  	_ =	shalt  }
0x45: {  	_ =	shalt  }
0x46: {  	_ =	shalt  }
0x47: {  	_ =	shalt  }
0x48: {  	_ =	shalt  }
0x49: {  	_ =	shalt  }
0x4a: {  	_ =	shalt  }
0x4b: {  	_ =	shalt  }
0x4c: {  	_ =	shalt  }
0x4d: {  	_ =	shalt  }
0x4e: {  	_ =	shalt  }
0x4f: {  	_ =	shalt  }
0x50: {  	_ =	shalt  }
0x51: {  	_ =	shalt  }
0x52: {  	_ =	shalt  }
0x53: {  	_ =	shalt  }
0x54: {  	_ =	shalt  }
0x55: {  	_ =	shalt  }
0x56: {  	_ =	shalt  }
0x57: {  	_ =	shalt  }
0x58: {  	_ =	shalt  }
0x59: {  	_ =	shalt  }
0x5a: {  	_ =	shalt  }
0x5b: {  	_ =	shalt  }
0x5c: {  	_ =	shalt  }
0x5d: {  	_ =	shalt  }
0x5e: {  	_ =	shalt  }
0x5f: {  	_ =	shalt  }
0x60: {  	_ =	shalt  }
0x61: {  	_ =	shalt  }
0x62: {  	_ =	shalt  }
0x63: {  	_ =	shalt  }
0x64: {  	_ =	shalt  }
0x65: {  	_ =	shalt  }
0x66: {  	_ =	shalt  }
0x67: {  	_ =	shalt  }
0x68: {  	_ =	shalt  }
0x69: {  	_ =	shalt  }
0x6a: {  	_ =	shalt  }
0x6b: {  	_ =	shalt  }
0x6c: {  	_ =	shalt  }
0x6d: {  	_ =	shalt  }
0x6e: {  	_ =	shalt  }
0x6f: {  	_ =	shalt  }
0x70: {  	_ =	shalt  }
0x71: {  	_ =	shalt  }
0x72: {  	_ =	shalt  }
0x73: {  	_ =	shalt  }
0x74: {  	_ =	shalt  }
0x75: {  	_ =	shalt  }
0x76: {  	_ =	shalt  }
0x77: {  	_ =	shalt  }
0x78: {  	_ =	shalt  }
0x79: {  	_ =	shalt  }
0x7a: {  	_ =	shalt  }
0x7b: {  	_ =	shalt  }
0x7c: {  	_ =	shalt  }
0x7d: {  	_ =	shalt  }
0x7e: {  	_ =	shalt  }
0x7f: {  	_ =	shalt  }
0x80: {  	_ =	shalt  }
0x81: {  	_ =	shalt  }
0x82: {  	_ =	shalt  }
0x83: {  	_ =	shalt  }
0x84: {  	_ =	shalt  }
0x85: {  	_ =	shalt  }
0x86: {  	_ =	shalt  }
0x87: {  	_ =	shalt  }
.Lfunc_end0:
.L_simem_size_0:
called_computation_lowered:
.L_overlay_start_0:
0x88: {  	s0 =	sld [smem:$0x3FD9]  }
0x89: {  	s1 =	sld [smem:$0x3FFE];
	_ =	sdelay $0x3  }
0x8a: {  	s0 =	sadd.s32 s1, s0  }
0x8b: {  	[smem:$0x3FC2] =	sst s0  }
0x8c: {  	_ = 	snop  }
0x8d: {  	s0 =	sld [smem:$0x3FD0];
	_ =	sdelay $0x2  }
0x8e: {  	s13 =	simm.s32 $0xA;
	s2 =	simm.s32 $0x10  }
0x8f: {  	[smem:s2], [sflag:s13] =	dma.local [hbm:s0], $0x1  }
0x90: {  	_ =	swait.eq [sflag:s13], $0x1  }
0x91: {  	[sflag:s13] =	ssyncset.done $0x0  }
0x92: {  	s14 =	sld [smem:$0x12];
	[sflag:s13] =	ssyncadd.s32 $0xFFFFFFFF  }
0x93: {  	s15 =	sld [smem:$0x13];
	(tm) =	ssettm $0x1  }
0x94: {  	s16 =	sld [smem:$0x3FFB];
	_ =	sdelay $0x3  }
0x95: {  	_ =	strace s16  }
0x96: {  	s2 =	sld [smem:$0x3FFC];
	_ =	sdelay $0x3  }
0x97: {  	_ =	strace s2  }
0x98: {  	s2 =	sld [smem:$0x3FFD];
	_ =	sdelay $0x3  }
0x99: {  	_ =	strace s2  }
0x9a: {  	_ =	strace $0x8FFFFFFF  }
0x9b: {  	s17 =	sld [smem:$0x3FDB];
	_ =	sdelay $0x1  }
0x9c: {  	s3 =	simm.s32 $_scs_section_size  }
0x9d: {  	s4 =	simm.s32 $_size__tile_overlayer_lowered;
	s5 =	simm.s32 $_tile_overlayer_lowered  }
0x9e: {  	s20 =	simm.s32 $0x1BFF;
	s19 =	sshll.u32 s5, $0x1;
	s2 =	sadd.s32 s3, s17  }
0x9f: {  	s6 =	simm.s32 $0x0;
	s18 =	sshll.u32 s4, $0x1;
	s4 =	sadd.s32 s19, s2  }
0xa0: {  	[timem:s6], [sflag:s20] =	dma.local [hbm:s4], s18  }
0xa1: {  	_ =	swait.ge [sflag:s20], s18  }
0xa2: {  	s3 =	ssub.s32 $0x0, s18;
	[sflag:s20] =	ssyncset.done $0x0  }
0xa3: {  	[sflag:s20] =	ssyncadd.s32 s3;
	_ =	sdelay $0x1  }
0xa4: {  	s21 =	simm.s32 $0x1B8B  }
0xa5: {  	_ =	swait.ge [sflag:s21], $0x1  }
0xa6: {  	[sflag:s21] =	ssyncset.done $0x0  }
0xa7: {  	s23 =	simm.s32 $0x1B8E;
	s22 =	sld [smem:$0x3FFE];
	[sflag:s21] =	ssyncadd.s32 $0xFFFFFFFF  }
0xa8: {  	s24 =	simm.s32 $execute0_lowered;
	[smem:$0x3FD2] =	sst s23  }
0xa9: {  	s4 =	sshll.u32 s24, $0x1;
	_ =	strace $0x80000046;
	[dreg:$0x1] =	wrdreg $0xFFFFFFFF  }
0xaa: {  	s25 =	simm.s32 $_size_execute0_lowered;
	s2 =	sadd.s32 s2, s4;
	[dreg:$0x0] =	wrdreg $0x0  }
0xab: {  	s4 =	sshll.u32 s25, $0x1;
	[dreg:$0x2] =	wrdreg s2  }
0xac: {  	[dreg:$0x3] =	wrdreg s4  }
0xad: {  	[dreg:$0x4] =	wrdreg $0xC0  }
0xae: {  	_ =	task [dreg:s6], $0x5FFFF  }
0xaf: {  	[dreg:$0x1] =	wrdreg $0xFFFFFFFF  }
0xb0: {  	[dreg:$0x0] =	wrdreg $0x60  }
0xb1: {  	[dreg:$0x2] =	wrdreg s22  }
0xb2: {  	[dreg:$0x3] =	wrdreg s15  }
0xb3: {  	[dreg:$0x4] =	wrdreg s14  }
0xb4: {  	[dreg:$0x5] =	wrdreg $0x9  }
0xb5: {  	_ =	task.clear_ibuf [dreg:s6], $0x6FFFF;
	_ =	strace $0x90000046  }
0xb6: {  	s26 =	simm.s32 $0x9;
	_ =	strace $0x80000048  }
0xb7: {  	_ =	swait.ge [sflag:s26], $0x1  }
0xb8: {  	[sflag:s26] =	ssyncadd.s32 $0xFFFFFFFF  }
0xb9: {  	_ =	strace $0x90000048  }
0xba: {  	_ =	sfence  }
0xbb: {  	s28 =	sld [smem:$0x0];
	_ =	sdelay $0x1  }
0xbc: {  	s29 =	srdreg.scid  }
0xbd: {  	s30 =	sshll.u32 s29, $0xD;
	s31 =	sshrl.u32 s29, $0x2  }
0xbe: {  	s1 =	sand.u32 $0x1, s29;
	s2 =	sand.u32 $0x4000, s30;
	s0 =	sadd.s32 s31, s28  }
0xbf: {  	s1 =	sor.u32 s2, s1;
	s0 =	sshll.u32 s0, $0x11  }
0xc0: {  	s0 =	sor.u32 s0, s1  }
0xc1: {  	s0 =	sadd.s32 $0x8F2B, s0  }
0xc2: {  	[sflag:s0] =	ssyncadd.remote.s32 $0x1  }
0xc3: {  	_ =	sfence.sel $0xFFFF  }
0xc4: {  	[dreg:$0x0] =	wrdreg $0xFFFFFFFF;
	(pc) =	sbr.abs _section_cstart, $3  }
0xc5: {  	[dreg:$0x1] =	wrdreg $0xFFFFFFFF  }
0xc6: {  	_ =	task.clear_ibuf [dreg:s6], $0x2FFFF;
	_ =	strace $0x9FFFFFFF  }
0xc7: {  	(tm) =	ssettm $0x7FFFFFFF  }
tec
execute0_lowered:
.L_overlay_start_1:
0x0: {  	(tag) =	ssettag $0x1  }
0x1: {  	s0 =	rddreg [dreg:$0x0];
	_ =	strace $0x80000047;
	s1 =	simm.s32 $0x1  }
0x2: {  	s8 =	simm.s32 $0x208;
	v0 =	vimm.s32 $0x0;
	[sflag:s1] =	ssyncpa.u1 $0x0  }
0x3: {  	[tilespmem:s8+$0x70] =	vst v0  }
0x4: {  	[tilespmem:s8+$0x60] =	vst v0  }
0x5: {  	[tilespmem:s8+$0x50] =	vst v0  }
0x6: {  	[tilespmem:s8+$0x40] =	vst v0  }
0x7: {  	[tilespmem:s8+$0x30] =	vst v0  }
0x8: {  	[tilespmem:s8+$0x20] =	vst v0  }
0x9: {  	s1 =	sadd.s32 $0x4FC00, s0;
	s5 =	sadd.s32 $0x224800, s0;
	s0 =	simm.s32 $0x40;
	[tilespmem:s8+$0x10] =	vst v0  }
.LBB2_1:
0xa: {  	s0 =	sadd.s32 $0x40, s0;
	[tilespmem:s8+$0x0] =	vst v0;
	s8 =	sadd.s32 $0x80, s8  }
0xb: {  	p0 =	slt.u32 s0, $0x3880;
	[tilespmem:s8+$0x70] =	vst v0  }
0xc: {  	[tilespmem:s8+$0x60] =	vst v0  }
.Ltmp0:
0xd: {  	[tilespmem:s8+$0x50] =	vst v0;
	(pc) =	sbr.rel @p0 .LBB2_1-.Ltmp0, $4  }
0xe: {  	[tilespmem:s8+$0x40] =	vst v0  }
0xf: {  	[tilespmem:s8+$0x30] =	vst v0  }
0x10: {  	[tilespmem:s8+$0x20] =	vst v0  }
0x11: {  	[tilespmem:s8+$0x10] =	vst v0  }
0x12: {  	s9 =	stileid.u32  }
0x13: {  	s0 =	simm.s32 $0x8C0;
	s6 =	smul.u32 $0x930, s9;
	p0 =	seq.s32 s9, $0xF  }
0x14: {  	s0 =	simm.s32 @!p0 $0x930  }
0x15: {  	s0 =	sadd.s32 s6, s0  }
0x16: {  	s7 =	smin.u32 s0, $0x927C  }
0x17: {  	s0 =	ssub.s32 s7, s6  }
0x18: {  	p0 =	sgt.s32 s0, $0x0  }
0x19: {  	s0 =	simm.s32 @!p0 $0x0  }
0x1a: {  	s3 =	simm.s32 $0x2;
	s2 =	sand.u32 $0xFFF0, s0  }
0x1b: {  	s30 =	simm.s32 $0x7;
	s31 =	simm.s32 $0x8;
	s2 =	sshrl.u32 s2, $0x4  }
0x1c: {  	s10 =	simm.s32 $0x9;
	s11 =	simm.s32 $0x1;
	s2 =	smul.u32 $0x2493, s2  }
0x1d: {  	s21 =	simm.s32 $0x0;
	p1 =	por $0x0, $0x0;
	s15 =	simm.s32 $0x80  }
0x1e: {  	s16 =	simm.s32 $0x400;
	s17 =	simm.s32 $0xA;
	s2 =	sshrl.u32 s2, $0x10  }
0x1f: {  	[tilespmem:s8+$0x0] =	vst v0;
	v0 =	vimm.s32 $0xFFFFFFFF;
	s18 =	simm.s32 $0x0;
	[sflag:s3] =	ssyncpa.u1 $0x0;
	s4 =	smul.u32 $0x70, s2  }
.Ltmp1:
0x20: {  	s20 =	simm.s32 $0x0;
	[tilespmem:$0xE408] =	vst v0;
	[sflag:s30] =	ssyncpa.u1 $0x0;
	(pc) =	sbr.rel .LBB2_3-.Ltmp1, $4  }
0x21: {  	[sflag:s31] =	ssyncpa.u1 $0x0;
	p0 =	sne.s32 s0, s4;
	s0 =	simm.s32 $0x1  }
0x22: {  	s13 =	sshll.u32 s9, $0x9;
	[sflag:s10] =	ssyncpa.u1 $0x0;
	s0 =	simm.s32 @!p0 $0x0  }
0x23: {  	s19 =	smov.u32 s6;
	s8 =	rddreg [dreg:$0x1];
	s12 =	sadd.s32 s2, s0  }
0x24: {  	v0 =	vlaneseq.u32;
	s9 =	rddreg [dreg:$0x2];
	p0 =	por $0x1, $0x1;
	s14 =	sadd.s32 $0x1, s12  }
.LBB2_24:
0x25: {  	s0 =	sshrl.u32 s29, $0x2  }
.LBB2_26:
0x26: {  	_ =	swait.ge [sflag:s17], s0  }
0x27: {  	s31 =	ssub.s32 $0x0, s0;
	v1 =	vmov s23;
	vm0 =	veq.s32 v0, $0x0;
	[sflag:s17] =	ssyncset.done $0x0  }
0x28: {  	vm15 =	veq.s32 v0, $0x2;
	v1 =	vsel vm0, s28, v1;
	[sflag:s17] =	ssyncadd.s32 s31  }
0x29: {  	v1 =	vsel vm15, s21, v1;
	[sflag:s17] =	ssyncpa.u1 $0x1  }
0x2a: {  	[tilespmem:$0xE408] =	vst v1  }
.LBB2_27:
0x2b: {  	s0 =	sadd.s32 $0x70, s19  }
0x2c: {  	s2 =	smov.u32 s6;
	p2 =	slt.s32 s0, s7  }
0x2d: {  	s2 =	smov.u32 @p2 s0;
	p2 =	sne.s32 s20, s14  }
.Ltmp2:
0x2e: {  	_ = 	snop;
	(pc) =	sbr.rel @!p2 .LBB2_28-.Ltmp2, $4  }
0x2f: {  	_ = 	snop  }
0x30: {  	s21 =	smov.u32 s18  }
0x31: {  	s31 =	sadd.s32 $0x1, s20;
	s18 =	smov.u32 s19;
	p0 =	por !p0, !p0  }
0x32: {  	p1 =	por !p1, !p1;
	s20 =	smov.u32 s31;
	s19 =	smov.u32 s2  }
.LBB2_3:
0x33: {  	p2 =	sge.u32 s20, s12  }
0x34: {  	s0 =	smulhi.u32 @!p2 $0xAAAAAAAB, s20  }
0x35: {  	s2 =	smov.u32 s19;
	p3 =	sgt.s32 @!p2 s19, $0x920C  }
0x36: {  	s3 =	sshra.s32 @!p2 s19, $0x1F;
	p3 =	por !p3, p2;
	s0 =	sshrl.u32 @!p2 s0, $0x1  }
0x37: {  	s3 =	sand.u32 @!p2 s3, s19;
	s2 =	simm.s32 @p3 $0x920C;
	s0 =	smul.u32 @!p2 $0x3, s0  }
0x38: {  	s2 =	ssub.s32 @!p2 s2, s3  }
0x39: {  	s2 =	sadd.s32 @!p2 $0xFFFF6DF4, s2;
	s0 =	ssub.s32 @!p2 s20, s0  }
0x3a: {  	s3 =	sshll.u32 @!p2 s2, $0x2;
	p3 =	sgt.s32 @!p2 s2, $0x6F;
	s0 =	smul.u32 @!p2 $0x1C0, s0  }
0x3b: {  	s4 =	sand.u32 @!p2 $0x7, s19;
	s2 =	ssub.s32 @!p2 $0x1C0, s3;
	p3 =	por !p3, p2  }
0x3c: {  	s3 =	sshrl.u32 @!p2 s19, $0x3;
	s2 =	sshrl.u32 @!p2 s2, $0x2;
	s0 =	sshrl.u32 @!p2 s0, $0x2  }
0x3d: {  	s3 =	sadd.s32 @!p2 s9, s3;
	s2 =	simm.s32 @!p3 $0x0;
	s0 =	sadd.s32 @!p2 $0x10438, s0  }
0x3e: {  	[tilespmem:s0], [sflag:$0x8] =	stream.linear.gather @!p2 [hbm4b:s3+s4], s2, $0x38;
	[tilespmem:$0x1E668] =	vst v63  }
0x3f: {  	s0 =	sadd.s32 $0xFFFFFFFF, s20  }
0x40: {  	p2 =	sge.u32 s0, s12  }
0x41: {  	p3 =	sgt.s32 @!p2 s18, $0x920C  }
0x42: {  	s2 =	smov.u32 s18;
	s3 =	sshra.s32 @!p2 s18, $0x1F;
	p3 =	por !p3, p2  }
0x43: {  	s3 =	sand.u32 @!p2 s3, s18;
	s2 =	simm.s32 @p3 $0x920C  }
0x44: {  	s2 =	ssub.s32 @!p2 s2, s3  }
0x45: {  	s2 =	sadd.s32 @!p2 $0xFFFF6DF4, s2  }
0x46: {  	s3 =	sshll.u32 @!p2 s2, $0x2  }
0x47: {  	p3 =	sgt.s32 @!p2 s2, $0x6F;
	s2 =	ssub.s32 @!p2 $0x1C0, s3  }
0x48: {  	p3 =	por !p3, p2;
	s2 =	sshrl.u32 @!p2 s2, $0x2  }
0x49: {  	s4 =	simm.s32 @!p2 $0x8;
	s3 =	sand.u32 @!p2 $0x1, s0;
	s2 =	simm.s32 @!p3 $0x0  }
0x4a: {  	s3 =	smul.u32 @!p2 $0x1C0, s3;
	_ =	swait.ge @!p2 [sflag:s4], s2  }
0x4b: {  	s22 =	ssub.s32 @!p2 $0x0, s2;
	[sflag:s4] =	ssyncset.done @!p2 $0x0  }
0x4c: {  	s3 =	sshrl.u32 @!p2 s3, $0x2;
	[sflag:s4] =	ssyncadd.s32 @!p2 s22;
	s4 =	sshrl.u32 @!p2 s18, $0x3  }
0x4d: {  	s3 =	sor.u32 @!p2 $0x10588, s3;
	s22 =	sand.u32 @!p2 $0x7, s18;
	s4 =	sadd.s32 @!p2 s8, s4  }
0x4e: {  	[tilespmem:s3], [sflag:$0x9] =	stream.linear.gather @!p2 [hbm4b:s4+s22], s2, $0x38;
	[tilespmem:$0x1E668] =	vst v63  }
0x4f: {  	s22 =	ssub.s32 @!p2 $0x927C, s18  }
0x50: {  	p3 =	slt.s32 @!p2 s22, $0x1  }
0x51: {  	p3 =	por p2, p3  }
.Ltmp3:
0x52: {  	_ = 	snop;
	(pc) =	sbr.rel @p3 .LBB2_9-.Ltmp3, $1  }
0x53: {  	_ =	sdelay $0x3  }
0x54: {  	s2 =	smulhi.u32 $0xAAAAAAAB, s0;
	_ =	sdelay $0x1  }
0x55: {  	s2 =	sshrl.u32 s2, $0x1  }
0x56: {  	s2 =	smul.u32 $0x3, s2;
	_ =	sdelay $0x1  }
0x57: {  	s29 =	ssub.s32 s0, s2  }
0x58: {  	s3 =	simm.s32 $0x1;
	s0 =	smul.u32 $0x1C0, s29  }
.Ltmp4:
0x59: {  	s3 =	simm.s32 @!p0 $0x0;
	(pc) =	sbr.rel .LBB2_6-.Ltmp4, $4  }
0x5a: {  	s30 =	smul.u32 $0x1C000, s3  }
0x5b: {  	p3 =	slt.s32 @!p2 s22, $0x70;
	s0 =	sshrl.u32 s0, $0x2  }
0x5c: {  	p2 =	por !p3, p2;
	s2 =	sshrl.u32 s30, $0x2;
	s31 =	sadd.s32 $0x10438, s0  }
0x5d: {  	s22 =	simm.s32 @p2 $0x70;
	s23 =	sor.u32 $0x10668, s2;
	s0 =	simm.s32 $0x0;
	v1 =	vmov s31  }
.LBB2_5:
0x5e: {  	p2 =	sge.s32 s0, s22  }
.Ltmp5:
0x5f: {  	_ = 	snop;
	(pc) =	sbr.rel @p2 .LBB2_9-.Ltmp5, $2  }
0x60: {  	_ =	sdelay $0x2  }
0x61: {  	s23 =	sadd.s32 $0x1000, s23  }
.LBB2_6:
0x62: {  	p2 =	sle.s32 s22, s0  }
.Ltmp6:
0x63: {  	_ = 	snop;
	(pc) =	sbr.rel @p2 .LBB2_5-.Ltmp6, $2  }
0x64: {  	_ =	sdelay $0x2  }
0x65: {  	s24 =	smov.u32 s0;
	s0 =	sadd.s32 $0x10, s0  }
0x66: {  	s2 =	ssub.s32 s22, s24  }
0x67: {  	p2 =	slt.s32 s2, $0x10  }
0x68: {  	s2 =	simm.s32 @!p2 $0x10  }
0x69: {  	v2 =	vmov s2  }
0x6a: {  	vm0 =	vgt.s32 v2, v0;
	_ =	sdelay $0x5  }
0x6b: {  	v2 =	vld.idx.msk [tilespmem:v1+s24+$0x0 ss:$0x1], vm0;
	_ =	sdelay $0x2  }
0x6c: {  	p2 =	slt.s32 s0, s22;
	s2 =	smov.u32 s22  }
0x6d: {  	s3 =	smov.u32 s23;
	s25 =	simm.s32 $0x0;
	s2 =	smov.u32 @p2 s0  }
.LBB2_8:
0x6e: {  	(v2sf) =	vpush v2, s25;
	_ =	sdelay $0xe  }
0x6f: {  	s25 =	sadd.s32 $0x1, s25;
	s4 =	spop (v2sf)  }
0x70: {  	s31 =	sadd.s32 s25, s24;
	s26 =	sshll.u32 s4, $0x8;
	s4 =	sshll.u32 s4, $0x7  }
0x71: {  	p2 =	slt.s32 s31, s2;
	s26 =	sand.u32 $0xFFFFF800, s26;
	s4 =	sand.u32 $0x380, s4  }
.Ltmp7:
0x72: {  	s4 =	sor.u32 s4, s26;
	(pc) =	sbr.rel @p2 .LBB2_8-.Ltmp7, $4  }
0x73: {  	s4 =	sshrl.u32 s4, $0x3  }
0x74: {  	s4 =	sadd.s32 s5, s4  }
0x75: {  	[tilespmem:s3], [sflag:$0x7] =	stream.strided.gather [hbm4b:s4+s15], $0x100, s16, s15, $0x38;
	[tilespmem:$0x1E668] =	vst v63  }
0x76: {  	s3 =	sadd.s32 $0x100, s3  }
.Ltmp8:
0x77: {  	_ = 	snop;
	(pc) =	sbr.rel .LBB2_5-.Ltmp8, $1  }
0x78: {  	_ =	sdelay $0x3  }
.LBB2_9:
0x79: {  	p2 =	slt.u32 s20, $0x2  }
.Ltmp9:
0x7a: {  	_ = 	snop;
	(pc) =	sbr.rel @p2 .LBB2_27-.Ltmp9, $1  }
0x7b: {  	_ =	sdelay $0x3  }
0x7c: {  	p2 =	sgt.s32 s21, $0x920C;
	s0 =	smov.u32 s21  }
0x7d: {  	s2 =	sshra.s32 s21, $0x1F;
	s3 =	ssub.s32 $0x927C, s21;
	s0 =	simm.s32 @!p2 $0x920C  }
0x7e: {  	s2 =	sand.u32 s2, s21;
	p2 =	slt.s32 s3, $0x70;
	s4 =	smov.u32 s3  }
0x7f: {  	s0 =	ssub.s32 s0, s2;
	s4 =	simm.s32 @!p2 $0x70  }
0x80: {  	s0 =	sadd.s32 $0xFFFF6DF4, s0;
	s25 =	sshll.u32 s4, $0x8  }
0x81: {  	s30 =	simm.s32 $0x7;
	s26 =	sshll.u32 s0, $0x2;
	s2 =	sand.u32 $0x3FFFFF00, s25  }
0x82: {  	p2 =	sgt.s32 s0, $0x6F;
	s29 =	ssub.s32 $0x1C0, s26;
	_ =	swait.ge [sflag:s30], s2  }
0x83: {  	s2 =	ssub.s32 $0x0, s2;
	[sflag:s30] =	ssyncset.done $0x0;
	s0 =	sshrl.u32 s29, $0x2  }
0x84: {  	[sflag:s30] =	ssyncadd.s32 s2;
	s0 =	simm.s32 @p2 $0x0  }
0x85: {  	_ =	swait.ge [sflag:s10], s0  }
0x86: {  	s0 =	ssub.s32 $0x0, s0;
	[sflag:s10] =	ssyncset.done $0x0  }
0x87: {  	[sflag:s10] =	ssyncadd.s32 s0  }
0x88: {  	v1 =	vld [tilespmem:$0xE408];
	_ =	sdelay $0x4  }
0x89: {  	(v2sf) =	vpush v1, $0x0  }
0x8a: {  	(v2sf) =	vpush v1, $0x1  }
0x8b: {  	(v2sf) =	vpush v1, $0x2;
	_ =	sdelay $0x3  }
0x8c: {  	s0 =	sadd.s32 $0x70, s21  }
0x8d: {  	p2 =	slt.s32 s7, s0  }
0x8e: {  	s0 =	smov.u32 @p2 s7;
	p2 =	sgt.s32 s3, $0x0  }
0x8f: {  	s25 =	ssub.s32 s0, s21;
	s3 =	simm.s32 @!p2 $0x0  }
0x90: {  	p2 =	slt.s32 s3, s25  }
0x91: {  	s25 =	smov.u32 @p2 s3  }
0x92: {  	s24 =	simm.s32 $0x1;
	p2 =	slt.s32 s25, $0x1  }
.Ltmp10:
0x93: {  	s24 =	simm.s32 @!p1 $0x0;
	(pc) =	sbr.rel @p2 .LBB2_14-.Ltmp10, $4  }
0x94: {  	s31 =	smul.u32 $0x1C0, s24  }
0x95: {  	s26 =	spop (v2sf)  }
0x96: {  	s0 =	sshrl.u32 s31, $0x2;
	s28 =	spop (v2sf)  }
0x97: {  	s22 =	sor.u32 $0x10588, s0;
	s21 =	spop (v2sf)  }
0x98: {  	s0 =	smin.u32 s25, $0x10  }
0x99: {  	v1 =	vmov s0  }
0x9a: {  	vm1 =	vgt.u32 v1, v0  }
0x9b: {  	p3 =	sgt.s32 s25, $0x10  }
.Ltmp11:
0x9c: {  	_ = 	snop;
	(pc) =	sbr.rel @!p3 .LBB2_13-.Ltmp11, $2  }
0x9d: {  	_ =	sdelay $0x2  }
0x9e: {  	s23 =	simm.s32 $0x10;
	s29 =	sadd.s32 $0xFFFFFFF0, s25;
	s0 =	smov.u32 s22;
	vm0 =	vmmov vm1;
	v1 =	vld.msk [tilespmem:s22+$0x0 ss:$0x1], vm1  }
.LBB2_12:
0x9f: {  	s2 =	smin.u32 s29, $0x10;
	s23 =	sadd.s32 $0x10, s23  }
0xa0: {  	v2 =	vmov s2;
	p3 =	slt.s32 s23, s25  }
0xa1: {  	vm1 =	vgt.u32 v2, v0;
	_ =	sdelay $0x1  }
0xa2: {  	v2 =	vshll.u32 v1, $0x5;
	v1 =	vshll.u32 v1, $0x4  }
.Ltmp12:
0xa3: {  	v2 =	vand.u32 $0xFFFFFF00, v2;
	v1 =	vand.u32 $0x70, v1;
	(pc) =	sbr.rel @p3 .LBB2_12-.Ltmp12, $4  }
0xa4: {  	v1 =	vor.u32 v1, v2  }
0xa5: {  	[tilespmem:s0+$0x0] =	vst.msk vm0, v1;
	s0 =	sadd.s32 $0x10, s0;
	vm0 =	vmmov vm1  }
0xa6: {  	v1 =	vld.msk [tilespmem:s0+$0x0 ss:$0x1], vm1  }
0xa7: {  	s29 =	sadd.s32 $0xFFFFFFF0, s29  }
.LBB2_13:
0xa8: {  	_ =	sdelay $0x3  }
0xa9: {  	v2 =	vshll.u32 v1, $0x5;
	v1 =	vshll.u32 v1, $0x4  }
0xaa: {  	v2 =	vand.u32 $0xFFFFFF00, v2;
	v1 =	vand.u32 $0x70, v1  }
0xab: {  	v1 =	vor.u32 v1, v2  }
0xac: {  	[tilespmem:s0+$0x0] =	vst.msk vm0, v1  }
.LBB2_14:
0xad: {  	s0 =	sand.u32 $0x1, s20  }
0xae: {  	s2 =	smul.u32 $0x7000, s0  }
0xaf: {  	p3 =	sne.s32 s28, $0xFFFFFFFF  }
0xb0: {  	v1 =	vld @!p3 [tilespmem:s2+$0x10668];
	_ =	sdelay $0x2  }
0xb1: {  	s0 =	smul.u32 $0x70, s0;
	_ =	sdelay $0x1  }
0xb2: {  	v2 =	vld.msk @!p3 [tilespmem:s0+$0x10588], $0x1;
	[tilespmem:$0x208] =	vst @!p3 v1  }
0xb3: {  	v1 =	vld @!p3 [tilespmem:s2+$0x10678];
	_ =	sdelay $0x4  }
0xb4: {  	[tilespmem:$0x218] =	vst @!p3 v1  }
0xb5: {  	v1 =	vld @!p3 [tilespmem:s2+$0x10688];
	_ =	sdelay $0x4  }
0xb6: {  	[tilespmem:$0x228] =	vst @!p3 v1  }
0xb7: {  	v1 =	vld @!p3 [tilespmem:s2+$0x10698];
	_ =	sdelay $0x4  }
0xb8: {  	[tilespmem:$0x238] =	vst @!p3 v1  }
0xb9: {  	v1 =	vld @!p3 [tilespmem:s2+$0x106A8];
	_ =	sdelay $0x4  }
0xba: {  	[tilespmem:$0x248] =	vst @!p3 v1  }
0xbb: {  	v1 =	vld @!p3 [tilespmem:s2+$0x106B8];
	_ =	sdelay $0x4  }
0xbc: {  	[tilespmem:$0x258] =	vst @!p3 v1  }
0xbd: {  	v1 =	vld @!p3 [tilespmem:s2+$0x106C8];
	_ =	sdelay $0x4  }
0xbe: {  	[tilespmem:$0x268] =	vst @!p3 v1  }
0xbf: {  	v1 =	vld @!p3 [tilespmem:s2+$0x106D8];
	_ =	sdelay $0x4  }
0xc0: {  	[tilespmem:$0x278] =	vst @!p3 v1  }
0xc1: {  	v1 =	vld @!p3 [tilespmem:s2+$0x106E8];
	_ =	sdelay $0x4  }
0xc2: {  	[tilespmem:$0x288] =	vst @!p3 v1  }
0xc3: {  	v1 =	vld @!p3 [tilespmem:s2+$0x106F8];
	_ =	sdelay $0x4  }
0xc4: {  	[tilespmem:$0x298] =	vst @!p3 v1  }
0xc5: {  	v1 =	vld @!p3 [tilespmem:s2+$0x10708];
	_ =	sdelay $0x4  }
0xc6: {  	[tilespmem:$0x2A8] =	vst @!p3 v1  }
0xc7: {  	v1 =	vld @!p3 [tilespmem:s2+$0x10718];
	_ =	sdelay $0x4  }
0xc8: {  	[tilespmem:$0x2B8] =	vst @!p3 v1  }
0xc9: {  	v1 =	vld @!p3 [tilespmem:s2+$0x10728];
	_ =	sdelay $0x4  }
0xca: {  	[tilespmem:$0x2C8] =	vst @!p3 v1  }
0xcb: {  	(v2sf) =	vpush @!p3 v2, $0x0;
	v1 =	vld @!p3 [tilespmem:s2+$0x10738];
	_ =	sdelay $0x4  }
0xcc: {  	[tilespmem:$0x2D8] =	vst @!p3 v1  }
0xcd: {  	v1 =	vld @!p3 [tilespmem:s2+$0x10748];
	_ =	sdelay $0x4  }
0xce: {  	[tilespmem:$0x2E8] =	vst @!p3 v1  }
0xcf: {  	v1 =	vld @!p3 [tilespmem:s2+$0x10758]  }
.Ltmp13:
0xd0: {  	_ = 	snop;
	(pc) =	sbr.rel @p2 .LBB2_25-.Ltmp13, $4  }
0xd1: {  	_ = 	snop  }
0xd2: {  	s30 =	spop @!p3 (v2sf)  }
0xd3: {  	s21 =	simm.s32 @!p3 $0x0;
	s23 =	smov.u32 s30  }
0xd4: {  	s30 =	smov.u32 @p3 s26;
	s23 =	smov.u32 @p3 s28;
	[tilespmem:$0x2F8] =	vst @!p3 v1;
	[sflag:s17] =	ssyncpa.u1 $0x0  }
0xd5: {  	v1 =	vld.msk [tilespmem:s22+$0x0], $0x1;
	_ =	sdelay $0x4  }
0xd6: {  	(v2sf) =	vpush v1, $0x0;
	_ =	sdelay $0xe  }
0xd7: {  	s29 =	spop (v2sf)  }
0xd8: {  	s0 =	smul.u32 $0x1C000, s24;
	p2 =	seq.s32 s30, s29  }
0xd9: {  	s2 =	smov.u32 s30;
	s25 =	ssub.s32 $0x0, s25;
	p3 =	sgt.s32 @!p2 s30, $0x0  }
0xda: {  	s26 =	simm.s32 $0x0;
	s0 =	sshrl.u32 s0, $0x2;
	p3 =	por !p3, p2  }
0xdb: {  	s28 =	sadd.s32 $0x1, s25;
	s24 =	sor.u32 $0x106E8, s0;
	s2 =	simm.s32 @p3 $0x0  }
0xdc: {  	s0 =	simm.s32 @!p2 $0x1;
	p3 =	seq.s32 s28, $0x0;
	s2 =	smin.u32 @!p2 s2, $0x13870  }
.Ltmp14:
0xdd: {  	s4 =	simm.s32 @!p2 $0x7308;
	s3 =	sand.u32 @!p2 $0x1FFF8, s2;
	(pc) =	sbr.rel @p3 .LBB2_17-.Ltmp14, $4  }
0xde: {  	s31 =	sadd.s32 @!p2 $0x80, s2;
	s8 =	sadd.s32 @!p2 s1, s3;
	s3 =	sand.u32 @!p2 $0x7, s2  }
0xdf: {  	[tilespmem:s4], [sflag:$0x2] =	stream.linear.gather @!p2 [hbm4b:s8+s3], $0x80, $0x38;
	[tilespmem:$0x1E668] =	vst v63  }
0xe0: {  	s0 =	smov.u32 @p2 s26;
	s4 =	sand.u32 @!p2 $0x3FFF8, s31  }
0xe1: {  	s2 =	simm.s32 @!p2 $0x7388;
	s31 =	sadd.s32 $0x1, s22;
	s4 =	sadd.s32 @!p2 s1, s4  }
.LBB2_16:
0xe2: {  	s8 =	smov.u32 s0  }
0xe3: {  	[tilespmem:s2], [sflag:$0x2] =	stream.linear.gather @!p2 [hbm4b:s4+s3], $0x80, $0x38;
	[tilespmem:$0x1E668] =	vst v63  }
0xe4: {  	s28 =	sadd.s32 $0x1, s28;
	s3 =	smov.u32 s29;
	v1 =	vld.msk [tilespmem:s31+$0x0], $0x1  }
0xe5: {  	p3 =	seq.s32 s28, $0x0;
	_ =	sdelay $0x3  }
0xe6: {  	(v2sf) =	vpush v1, $0x0;
	_ =	sdelay $0xe  }
0xe7: {  	s29 =	spop (v2sf)  }
0xe8: {  	p2 =	seq.s32 s3, s29  }
0xe9: {  	p4 =	sgt.s32 @!p2 s3, $0x0;
	s2 =	sshll.u32 @!p2 s0, $0xA;
	s0 =	sadd.s32 @!p2 $0x1, s0  }
0xea: {  	p4 =	por !p4, p2;
	s2 =	sshra.s32 @!p2 s2, $0x2;
	s0 =	smov.u32 @p2 s8  }
0xeb: {  	s3 =	simm.s32 @p4 $0x0;
	s4 =	sadd.s32 @!p2 $0x7308, s2;
	s2 =	sadd.s32 @!p2 $0x7388, s2  }
.Ltmp15:
0xec: {  	s3 =	smin.u32 @!p2 s3, $0x13870;
	(pc) =	sbr.rel @!p3 .LBB2_16-.Ltmp15, $4  }
0xed: {  	s8 =	sand.u32 @!p2 $0x1FFF8, s3;
	s9 =	sadd.s32 @!p2 $0x80, s3  }
0xee: {  	s3 =	sand.u32 @!p2 $0x7, s3;
	s8 =	sadd.s32 @!p2 s1, s8;
	s9 =	sand.u32 @!p2 $0x3FFF8, s9  }
0xef: {  	[tilespmem:s4], [sflag:$0x2] =	stream.linear.gather @!p2 [hbm4b:s8+s3], $0x80, $0x38;
	[tilespmem:$0x1E668] =	vst v63  }
0xf0: {  	s31 =	sadd.s32 $0x1, s31;
	s4 =	sadd.s32 @!p2 s1, s9  }
.LBB2_17:
0xf1: {  	[tilespmem:s2], [sflag:$0x2] =	stream.linear.gather @!p2 [hbm4b:s4+s3], $0x80, $0x38;
	[tilespmem:$0x1E668] =	vst v63  }
0xf2: {  	s0 =	sshll.u32 s0, $0x8  }
0xf3: {  	s31 =	simm.s32 $0x2;
	s0 =	sand.u32 $0x3FFFFF00, s0  }
.Ltmp16:
0xf4: {  	_ =	swait.ge [sflag:s31], s0;
	(pc) =	sbr.rel .LBB2_18-.Ltmp16, $4  }
0xf5: {  	s0 =	ssub.s32 $0x0, s0;
	[sflag:s31] =	ssyncset.done $0x0  }
0xf6: {  	[sflag:s31] =	ssyncadd.s32 s0  }
0xf7: {  	s8 =	rddreg [dreg:$0x1]  }
0xf8: {  	s29 =	simm.s32 $0x0;
	s9 =	rddreg [dreg:$0x2]  }
.LBB2_19:
0xf9: {  	v1 =	vld [tilespmem:s24+$0xFFFFFF80]  }
0xfa: {  	v2 =	vld [tilespmem:s31+$0x208];
	_ =	sdelay $0x4  }
0xfb: {  	v1 =	vmax.f32 v1, v2  }
0xfc: {  	v2 =	vld [tilespmem:s31+$0x218];
	[tilespmem:s31+$0x208] =	vst v1  }
0xfd: {  	v1 =	vld [tilespmem:s24+$0xFFFFFF90];
	_ =	sdelay $0x4  }
0xfe: {  	v1 =	vmax.f32 v1, v2  }
0xff: {  	v2 =	vld [tilespmem:s31+$0x228];
	[tilespmem:s31+$0x218] =	vst v1  }
0x100: {  	v1 =	vld [tilespmem:s24+$0xFFFFFFA0];
	_ =	sdelay $0x4  }
0x101: {  	v1 =	vmax.f32 v1, v2  }
0x102: {  	v2 =	vld [tilespmem:s31+$0x238];
	[tilespmem:s31+$0x228] =	vst v1  }
0x103: {  	v1 =	vld [tilespmem:s24+$0xFFFFFFB0];
	_ =	sdelay $0x4  }
0x104: {  	v1 =	vmax.f32 v1, v2  }
0x105: {  	v2 =	vld [tilespmem:s31+$0x248];
	[tilespmem:s31+$0x238] =	vst v1  }
0x106: {  	v1 =	vld [tilespmem:s24+$0xFFFFFFC0];
	_ =	sdelay $0x4  }
0x107: {  	v1 =	vmax.f32 v1, v2  }
0x108: {  	v2 =	vld [tilespmem:s31+$0x258];
	[tilespmem:s31+$0x248] =	vst v1  }
0x109: {  	v1 =	vld [tilespmem:s24+$0xFFFFFFD0];
	_ =	sdelay $0x4  }
0x10a: {  	v1 =	vmax.f32 v1, v2  }
0x10b: {  	v2 =	vld [tilespmem:s31+$0x268];
	[tilespmem:s31+$0x258] =	vst v1  }
0x10c: {  	v1 =	vld [tilespmem:s24+$0xFFFFFFE0];
	_ =	sdelay $0x4  }
0x10d: {  	v1 =	vmax.f32 v1, v2  }
0x10e: {  	v2 =	vld [tilespmem:s31+$0x278];
	[tilespmem:s31+$0x268] =	vst v1  }
0x10f: {  	v1 =	vld [tilespmem:s24+$0xFFFFFFF0];
	_ =	sdelay $0x4  }
0x110: {  	v1 =	vmax.f32 v1, v2  }
0x111: {  	v2 =	vld [tilespmem:s31+$0x288];
	[tilespmem:s31+$0x278] =	vst v1  }
0x112: {  	v1 =	vld [tilespmem:s24+$0x0];
	_ =	sdelay $0x4  }
0x113: {  	v1 =	vmax.f32 v1, v2  }
0x114: {  	v2 =	vld [tilespmem:s31+$0x298];
	[tilespmem:s31+$0x288] =	vst v1  }
0x115: {  	v1 =	vld [tilespmem:s24+$0x10];
	_ =	sdelay $0x4  }
0x116: {  	v1 =	vmax.f32 v1, v2  }
0x117: {  	v2 =	vld [tilespmem:s31+$0x2A8];
	[tilespmem:s31+$0x298] =	vst v1  }
0x118: {  	v1 =	vld [tilespmem:s24+$0x20];
	_ =	sdelay $0x4  }
0x119: {  	v1 =	vmax.f32 v1, v2  }
0x11a: {  	v2 =	vld [tilespmem:s31+$0x2B8];
	[tilespmem:s31+$0x2A8] =	vst v1  }
0x11b: {  	v1 =	vld [tilespmem:s24+$0x30];
	_ =	sdelay $0x4  }
0x11c: {  	v1 =	vmax.f32 v1, v2  }
0x11d: {  	v2 =	vld [tilespmem:s31+$0x2C8];
	[tilespmem:s31+$0x2B8] =	vst v1  }
0x11e: {  	v1 =	vld [tilespmem:s24+$0x40];
	_ =	sdelay $0x4  }
0x11f: {  	v1 =	vmax.f32 v1, v2  }
0x120: {  	v2 =	vld [tilespmem:s31+$0x2D8];
	[tilespmem:s31+$0x2C8] =	vst v1  }
0x121: {  	v1 =	vld [tilespmem:s24+$0x50];
	_ =	sdelay $0x4  }
0x122: {  	v1 =	vmax.f32 v1, v2  }
0x123: {  	v2 =	vld [tilespmem:s31+$0x2E8];
	[tilespmem:s31+$0x2D8] =	vst v1  }
0x124: {  	v1 =	vld [tilespmem:s24+$0x60];
	_ =	sdelay $0x4  }
0x125: {  	v1 =	vmax.f32 v1, v2  }
0x126: {  	v2 =	vld [tilespmem:s31+$0x2F8];
	[tilespmem:s31+$0x2E8] =	vst v1  }
0x127: {  	v1 =	vld [tilespmem:s24+$0x70];
	_ =	sdelay $0x4  }
0x128: {  	v1 =	vmax.f32 v1, v2  }
0x129: {  	[tilespmem:s31+$0x2F8] =	vst v1  }
.LBB2_23:
0x12a: {  	s25 =	sadd.s32 $0x1, s25  }
0x12b: {  	p2 =	seq.s32 s25, $0x0  }
.Ltmp17:
0x12c: {  	_ = 	snop;
	(pc) =	sbr.rel @p2 .LBB2_24-.Ltmp17, $2  }
0x12d: {  	_ =	sdelay $0x2  }
0x12e: {  	s22 =	sadd.s32 $0x1, s22;
	s24 =	sadd.s32 $0x100, s24;
	s30 =	smov.u32 s28  }
.LBB2_18:
0x12f: {  	v1 =	vld.msk [tilespmem:s22+$0x0], $0x1;
	_ =	sdelay $0x4  }
0x130: {  	(v2sf) =	vpush v1, $0x0;
	_ =	sdelay $0xe  }
0x131: {  	s28 =	spop (v2sf)  }
0x132: {  	p2 =	sne.s32 s30, s28  }
.Ltmp18:
0x133: {  	_ = 	snop;
	(pc) =	sbr.rel @!p2 .LBB2_19-.Ltmp18, $3  }
0x134: {  	_ =	sdelay $0x1  }
0x135: {  	s0 =	sshll.u32 s21, $0xA  }
0x136: {  	s31 =	sshra.s32 s0, $0x2  }
0x137: {  	p2 =	seq.s32 s30, s23  }
.Ltmp19:
0x138: {  	_ = 	snop;
	(pc) =	sbr.rel @!p2 .LBB2_21-.Ltmp19, $1  }
0x139: {  	_ =	sdelay $0x3  }
.Ltmp20:
0x13a: {  	s0 =	sadd.s32 $0x208, s31;
	(pc) =	sbr.rel .LBB2_22-.Ltmp20, $4  }
0x13b: {  	[spmem:s13] =	stream.linear.scatter [tilespmem:s0], [sflag:$0x1], $0x100, $0x38;
	[tilespmem:$0x1E668] =	vst v63  }
0x13c: {  	_ =	swait.ge [sflag:s11], $0x100  }
0x13d: {  	[sflag:s11] =	ssyncset.done $0x0  }
0x13e: {  	[sflag:s11] =	ssyncadd.s32 $0xFFFFFF00  }
.LBB2_21:
0x13f: {  	s0 =	sshll.u32 s26, $0xA  }
0x140: {  	v2 =	vld [tilespmem:s31+$0x208];
	s0 =	sshra.s32 s0, $0x2  }
0x141: {  	v1 =	vld [tilespmem:s0+$0x7308];
	_ =	sdelay $0x4  }
0x142: {  	v1 =	vmax.f32 v1, v2  }
0x143: {  	v2 =	vld [tilespmem:s31+$0x218];
	[tilespmem:s31+$0x208] =	vst v1  }
0x144: {  	v1 =	vld [tilespmem:s0+$0x7318];
	_ =	sdelay $0x4  }
0x145: {  	v1 =	vmax.f32 v1, v2  }
0x146: {  	v2 =	vld [tilespmem:s31+$0x228];
	[tilespmem:s31+$0x218] =	vst v1  }
0x147: {  	v1 =	vld [tilespmem:s0+$0x7328];
	_ =	sdelay $0x4  }
0x148: {  	v1 =	vmax.f32 v1, v2  }
0x149: {  	v2 =	vld [tilespmem:s31+$0x238];
	[tilespmem:s31+$0x228] =	vst v1  }
0x14a: {  	v1 =	vld [tilespmem:s0+$0x7338];
	_ =	sdelay $0x4  }
0x14b: {  	v1 =	vmax.f32 v1, v2  }
0x14c: {  	v2 =	vld [tilespmem:s31+$0x248];
	[tilespmem:s31+$0x238] =	vst v1  }
0x14d: {  	v1 =	vld [tilespmem:s0+$0x7348];
	_ =	sdelay $0x4  }
0x14e: {  	v1 =	vmax.f32 v1, v2  }
0x14f: {  	v2 =	vld [tilespmem:s31+$0x258];
	[tilespmem:s31+$0x248] =	vst v1  }
0x150: {  	v1 =	vld [tilespmem:s0+$0x7358];
	_ =	sdelay $0x4  }
0x151: {  	v1 =	vmax.f32 v1, v2  }
0x152: {  	v2 =	vld [tilespmem:s31+$0x268];
	[tilespmem:s31+$0x258] =	vst v1  }
0x153: {  	v1 =	vld [tilespmem:s0+$0x7368];
	_ =	sdelay $0x4  }
0x154: {  	v1 =	vmax.f32 v1, v2  }
0x155: {  	v2 =	vld [tilespmem:s31+$0x278];
	[tilespmem:s31+$0x268] =	vst v1  }
0x156: {  	v1 =	vld [tilespmem:s0+$0x7378];
	_ =	sdelay $0x4  }
0x157: {  	v1 =	vmax.f32 v1, v2  }
0x158: {  	v2 =	vld [tilespmem:s31+$0x288];
	[tilespmem:s31+$0x278] =	vst v1  }
0x159: {  	v1 =	vld [tilespmem:s0+$0x7388];
	_ =	sdelay $0x4  }
0x15a: {  	v1 =	vmax.f32 v1, v2  }
0x15b: {  	v2 =	vld [tilespmem:s31+$0x298];
	[tilespmem:s31+$0x288] =	vst v1  }
0x15c: {  	v1 =	vld [tilespmem:s0+$0x7398];
	_ =	sdelay $0x4  }
0x15d: {  	v1 =	vmax.f32 v1, v2  }
0x15e: {  	v2 =	vld [tilespmem:s31+$0x2A8];
	[tilespmem:s31+$0x298] =	vst v1  }
0x15f: {  	v1 =	vld [tilespmem:s0+$0x73A8];
	_ =	sdelay $0x4  }
0x160: {  	v1 =	vmax.f32 v1, v2  }
0x161: {  	v2 =	vld [tilespmem:s31+$0x2B8];
	[tilespmem:s31+$0x2A8] =	vst v1  }
0x162: {  	v1 =	vld [tilespmem:s0+$0x73B8];
	_ =	sdelay $0x4  }
0x163: {  	v1 =	vmax.f32 v1, v2  }
0x164: {  	v2 =	vld [tilespmem:s31+$0x2C8];
	[tilespmem:s31+$0x2B8] =	vst v1  }
0x165: {  	v1 =	vld [tilespmem:s0+$0x73C8];
	_ =	sdelay $0x4  }
0x166: {  	v1 =	vmax.f32 v1, v2  }
0x167: {  	v2 =	vld [tilespmem:s31+$0x2D8];
	[tilespmem:s31+$0x2C8] =	vst v1  }
0x168: {  	v1 =	vld [tilespmem:s0+$0x73D8];
	_ =	sdelay $0x4  }
0x169: {  	v1 =	vmax.f32 v1, v2  }
0x16a: {  	v2 =	vld [tilespmem:s31+$0x2E8];
	[tilespmem:s31+$0x2D8] =	vst v1  }
0x16b: {  	v1 =	vld [tilespmem:s0+$0x73E8];
	_ =	sdelay $0x4  }
0x16c: {  	v1 =	vmax.f32 v1, v2  }
0x16d: {  	v2 =	vld [tilespmem:s31+$0x2F8];
	[tilespmem:s31+$0x2E8] =	vst v1  }
0x16e: {  	v1 =	vld [tilespmem:s0+$0x73F8];
	_ =	sdelay $0x3  }
0x16f: {  	p2 =	sgt.u32 s30, $0x13870  }
0x170: {  	s0 =	sand.u32 @!p2 $0x1FFF8, s30;
	v1 =	vmax.f32 v1, v2  }
0x171: {  	s2 =	sadd.s32 $0x208, s31;
	s3 =	sand.u32 @!p2 $0x7, s30;
	s0 =	sadd.s32 @!p2 s1, s0;
	[tilespmem:s31+$0x2F8] =	vst v1  }
0x172: {  	[hbm4b:s0+s3] =	stream.linear.scatter @!p2 [tilespmem:s2], [sflag:$0xA], $0x80, $0x38;
	[tilespmem:$0x1E668] =	vst v63  }
0x173: {  	s0 =	sadd.s32 @!p2 $0x80, s30  }
0x174: {  	s0 =	sand.u32 @!p2 $0x3FFF8, s0  }
0x175: {  	s2 =	sadd.s32 $0x288, s31;
	s0 =	sadd.s32 @!p2 s1, s0  }
0x176: {  	[hbm4b:s0+s3] =	stream.linear.scatter @!p2 [tilespmem:s2], [sflag:$0xA], $0x80, $0x38;
	[tilespmem:$0x1E668] =	vst v63  }
0x177: {  	s0 =	simm.s32 $0x0  }
0x178: {  	s0 =	simm.s32 @!p2 $0x400  }
0x179: {  	s29 =	sadd.s32 s0, s29  }
.LBB2_22:
0x17a: {  	s0 =	sadd.s32 $0x1, s21  }
0x17b: {  	s2 =	sshrl.u32 s0, $0x4  }
0x17c: {  	s2 =	smulhi.u32 $0x24924925, s2  }
0x17d: {  	v1 =	vld [tilespmem:s24+$0xFFFFFF80]  }
0x17e: {  	s2 =	smul.u32 $0x70, s2;
	_ =	sdelay $0x1  }
0x17f: {  	s21 =	ssub.s32 s0, s2  }
0x180: {  	s0 =	sshll.u32 s21, $0x8  }
0x181: {  	[tilespmem:s0+$0x208] =	vst v1  }
0x182: {  	v1 =	vld [tilespmem:s24+$0xFFFFFF90];
	_ =	sdelay $0x4  }
0x183: {  	[tilespmem:s0+$0x218] =	vst v1  }
0x184: {  	v1 =	vld [tilespmem:s24+$0xFFFFFFA0];
	_ =	sdelay $0x4  }
0x185: {  	[tilespmem:s0+$0x228] =	vst v1  }
0x186: {  	v1 =	vld [tilespmem:s24+$0xFFFFFFB0];
	_ =	sdelay $0x4  }
0x187: {  	[tilespmem:s0+$0x238] =	vst v1  }
0x188: {  	v1 =	vld [tilespmem:s24+$0xFFFFFFC0];
	_ =	sdelay $0x4  }
0x189: {  	[tilespmem:s0+$0x248] =	vst v1  }
0x18a: {  	v1 =	vld [tilespmem:s24+$0xFFFFFFD0];
	_ =	sdelay $0x4  }
0x18b: {  	[tilespmem:s0+$0x258] =	vst v1  }
0x18c: {  	v1 =	vld [tilespmem:s24+$0xFFFFFFE0];
	_ =	sdelay $0x4  }
0x18d: {  	[tilespmem:s0+$0x268] =	vst v1  }
0x18e: {  	v1 =	vld [tilespmem:s24+$0xFFFFFFF0];
	_ =	sdelay $0x4  }
0x18f: {  	[tilespmem:s0+$0x278] =	vst v1  }
0x190: {  	v1 =	vld [tilespmem:s24+$0x0];
	_ =	sdelay $0x4  }
0x191: {  	[tilespmem:s0+$0x288] =	vst v1  }
0x192: {  	v1 =	vld [tilespmem:s24+$0x10];
	_ =	sdelay $0x4  }
0x193: {  	[tilespmem:s0+$0x298] =	vst v1  }
0x194: {  	v1 =	vld [tilespmem:s24+$0x20];
	_ =	sdelay $0x4  }
0x195: {  	[tilespmem:s0+$0x2A8] =	vst v1  }
0x196: {  	v1 =	vld [tilespmem:s24+$0x30];
	_ =	sdelay $0x4  }
0x197: {  	[tilespmem:s0+$0x2B8] =	vst v1  }
0x198: {  	v1 =	vld [tilespmem:s24+$0x40];
	_ =	sdelay $0x4  }
0x199: {  	[tilespmem:s0+$0x2C8] =	vst v1  }
0x19a: {  	v1 =	vld [tilespmem:s24+$0x50];
	_ =	sdelay $0x4  }
0x19b: {  	[tilespmem:s0+$0x2D8] =	vst v1  }
0x19c: {  	v1 =	vld [tilespmem:s24+$0x60];
	_ =	sdelay $0x4  }
0x19d: {  	[tilespmem:s0+$0x2E8] =	vst v1  }
0x19e: {  	v1 =	vld [tilespmem:s24+$0x70]  }
.Ltmp21:
0x19f: {  	_ = 	snop;
	(pc) =	sbr.rel .LBB2_23-.Ltmp21, $2  }
0x1a0: {  	_ =	sdelay $0x2  }
0x1a1: {  	s26 =	sadd.s32 $0x1, s26;
	[tilespmem:s0+$0x2F8] =	vst v1  }
.LBB2_25:
.Ltmp22:
0x1a2: {  	(pc) =	sbr.rel .LBB2_26-.Ltmp22, $4  }
0x1a3: {  	_ = 	snop  }
0x1a4: {  	s0 =	simm.s32 $0x2  }
0x1a5: {  	_ =	swait.ge [sflag:s0], $0x0  }
0x1a6: {  	s28 =	smov.u32 s30;
	[sflag:s0] =	ssyncset.done $0x0;
	s0 =	simm.s32 $0x0  }
.LBB2_28:
0x1a7: {  	_ =	sfence.sel $0x180000  }
0x1a8: {  	s0 =	simm.s32 $0x7;
	[bflag:$0x0] =	sbarrier.arrive $0xFFFF  }
0x1a9: {  	s25 =	simm.s32 $0x8;
	[sflag:s0] =	ssyncpa.u1 $0x1  }
0x1aa: {  	s26 =	simm.s32 $0x9;
	[sflag:s25] =	ssyncpa.u1 $0x1  }
0x1ab: {  	s28 =	simm.s32 $0x2;
	[sflag:s26] =	ssyncpa.u1 $0x1  }
0x1ac: {  	[sflag:s28] =	ssyncpa.u1 $0x1  }
0x1ad: {  	v0 =	vld [tilespmem:$0xE408];
	_ =	sdelay $0x4  }
0x1ae: {  	(v2sf) =	vpush v0, $0x0  }
0x1af: {  	(v2sf) =	vpush v0, $0x1;
	_ =	sdelay $0x1  }
0x1b0: {  	(v2sf) =	vpush v0, $0x2;
	_ =	sdelay $0xb  }
0x1b1: {  	s0 =	spop (v2sf)  }
0x1b2: {  	s2 =	spop (v2sf)  }
0x1b3: {  	s3 =	smov.u32 s0;
	p0 =	sne.s32 s0, s2  }
0x1b4: {  	s4 =	spop (v2sf);
	s3 =	simm.s32 @!p0 $0xFFFFFFFF  }
0x1b5: {  	v2 =	vimm.s32 $0x1;
	v3 =	vlaneseq.u32;
	p0 =	seq.s32 s4, $0xFFFFFFFF;
	v1 =	vmov s3  }
0x1b6: {  	s7 =	stileid.u32;
	v0 =	vperm.xlane v0, v2;
	p1 =	sne.s32 @!p0 s0, s2;
	v1 =	vperm.xlane v1, v3  }
0x1b7: {  	vm0 =	vcmask $0x3F04;
	s6 =	simm.s32 $0xE408;
	s0 =	simm.s32 @!p0 $0x1;
	p1 =	por !p1, p0  }
0x1b8: {  	s3 =	sshll.u32 s7, $0x1;
	s2 =	sshll.u32 @!p0 s4, $0xA;
	s0 =	simm.s32 @p1 $0x0;
	v0 =	vsel vm0, v1, v0  }
0x1b9: {  	s5 =	sor.u32 $0x2000, s3;
	s2 =	sshra.s32 @!p0 s2, $0x2;
	s0 =	sor.u32 @!p0 s0, s3;
	[tilespmem:$0xE408] =	vst v0  }
0x1ba: {  	[spmem:s5] =	stream.linear.scatter [tilespmem:s6], [sflag:$0x1], $0x2, $0x38;
	[tilespmem:$0x1E668] =	vst v63  }
0x1bb: {  	s2 =	sadd.s32 @!p0 $0x208, s2;
	s0 =	sshll.u32 @!p0 s0, $0x8  }
0x1bc: {  	[spmem:s0] =	stream.linear.scatter @!p0 [tilespmem:s2], [sflag:$0x1], $0x100, $0x38;
	[tilespmem:$0x1E668] =	vst v63  }
0x1bd: {  	s2 =	simm.s32 @!p0 $0x102  }
0x1be: {  	s0 =	simm.s32 $0x1;
	s2 =	simm.s32 @p0 $0x2  }
0x1bf: {  	_ =	swait.ge [sflag:s0], s2  }
0x1c0: {  	s2 =	ssub.s32 $0x0, s2;
	[sflag:s0] =	ssyncset.done $0x0  }
0x1c1: {  	[sflag:s0] =	ssyncadd.s32 s2  }
0x1c2: {  	_ =	sfence.stream.spmem  }
0x1c3: {  	s29 =	simm.s32 $0x3;
	[bflag:$0x0] =	sbarrier.arrive $0xFFFF  }
0x1c4: {  	s30 =	simm.s32 $0x4;
	[sflag:s29] =	ssyncpa.u1 $0x1  }
0x1c5: {  	s31 =	simm.s32 $0x3C;
	[sflag:s30] =	ssyncpa.u1 $0x1  }
0x1c6: {  	p0 =	sne.s32 s7, $0x0;
	[sflag:s31] =	ssyncpa.u1 $0x1  }
0x1c7: {  	_ =	sfence @p0  }
0x1c8: {  	[sflag:s0] =	ssyncpa.u1 @p0 $0x1  }
0x1c9: {  	_ =	strace @p0 $0x90000047  }
0x1ca: {  	[bflag:$0x2] =	sbarrier.arrive @p0 $0xFFFF  }
0x1cb: {  	_ =	shalt @p0  }
.LBB2_29:
0x1cc: {  	_ =	sfence.stream.spmem;
	s0 =	simm.s32 $0x5  }
0x1cd: {  	s2 =	simm.s32 $0x2000;
	s3 =	simm.s32 $0xE418;
	[sflag:s0] =	ssyncpa.u1 $0x0  }
0x1ce: {  	[tilespmem:s3], [sflag:$0x5] =	stream.linear.gather [spmem:s2], $0x20, $0x38;
	[tilespmem:$0x1E668] =	vst v63  }
0x1cf: {  	s31 =	simm.s32 $0xE438;
	s2 =	simm.s32 $0x0  }
0x1d0: {  	[tilespmem:s31], [sflag:$0x5] =	stream.linear.gather [spmem:s2], $0x2000, $0x38;
	[tilespmem:$0x1E668] =	vst v63  }
.Ltmp23:
0x1d1: {  	_ = 	snop;
	(pc) =	sbr.rel .LBB2_30-.Ltmp23, $4  }
0x1d2: {  	_ =	swait.ge [sflag:s0], $0x2020  }
0x1d3: {  	[sflag:s0] =	ssyncset.done $0x0  }
0x1d4: {  	s4 =	simm.s32 $0xE308;
	s3 =	simm.s32 $0x6;
	[sflag:s0] =	ssyncadd.s32 $0xFFFFDFE0  }
0x1d5: {  	s5 =	simm.s32 $0xE388;
	s6 =	simm.s32 $0x0;
	[sflag:s3] =	ssyncpa.u1 $0x0  }
.LBB2_38:
0x1d6: {  	s0 =	sand.u32 $0x1FFF8, s7  }
0x1d7: {  	s8 =	sand.u32 $0x7, s7;
	s30 =	sadd.s32 $0x80, s7;
	s0 =	sadd.s32 s1, s0  }
0x1d8: {  	[tilespmem:s4], [sflag:$0x6] =	stream.linear.gather [hbm4b:s0+s8], $0x80, $0x38;
	[tilespmem:$0x1E668] =	vst v63  }
0x1d9: {  	s0 =	sand.u32 $0x3FFF8, s30  }
0x1da: {  	s0 =	sadd.s32 s1, s0  }
0x1db: {  	[tilespmem:s5], [sflag:$0x6] =	stream.linear.gather [hbm4b:s0+s8], $0x80, $0x38;
	[tilespmem:$0x1E668] =	vst v63  }
0x1dc: {  	_ =	swait.ge [sflag:s3], $0x100  }
0x1dd: {  	[sflag:s3] =	ssyncset.done $0x0  }
0x1de: {  	s7 =	sshll.u32 s6, $0xA;
	[sflag:s3] =	ssyncadd.s32 $0xFFFFFF00  }
0x1df: {  	s31 =	sshrl.u32 s7, $0x2;
	v1 =	vld [tilespmem:$0xE308]  }
0x1e0: {  	v2 =	vld [tilespmem:s31+$0xE438];
	_ =	sdelay $0x4  }
0x1e1: {  	v1 =	vmax.f32 v1, v2  }
0x1e2: {  	v2 =	vld [tilespmem:s31+$0xE448];
	[tilespmem:s31+$0xE438] =	vst v1  }
0x1e3: {  	v1 =	vld [tilespmem:$0xE318];
	_ =	sdelay $0x4  }
0x1e4: {  	v1 =	vmax.f32 v1, v2  }
0x1e5: {  	v2 =	vld [tilespmem:s31+$0xE458];
	[tilespmem:s31+$0xE448] =	vst v1  }
0x1e6: {  	v1 =	vld [tilespmem:$0xE328];
	_ =	sdelay $0x4  }
0x1e7: {  	v1 =	vmax.f32 v1, v2  }
0x1e8: {  	v2 =	vld [tilespmem:s31+$0xE468];
	[tilespmem:s31+$0xE458] =	vst v1  }
0x1e9: {  	v1 =	vld [tilespmem:$0xE338];
	_ =	sdelay $0x4  }
0x1ea: {  	v1 =	vmax.f32 v1, v2  }
0x1eb: {  	v2 =	vld [tilespmem:s31+$0xE478];
	[tilespmem:s31+$0xE468] =	vst v1  }
0x1ec: {  	v1 =	vld [tilespmem:$0xE348];
	_ =	sdelay $0x4  }
0x1ed: {  	v1 =	vmax.f32 v1, v2  }
0x1ee: {  	v2 =	vld [tilespmem:s31+$0xE488];
	[tilespmem:s31+$0xE478] =	vst v1  }
0x1ef: {  	v1 =	vld [tilespmem:$0xE358];
	_ =	sdelay $0x4  }
0x1f0: {  	v1 =	vmax.f32 v1, v2  }
0x1f1: {  	v2 =	vld [tilespmem:s31+$0xE498];
	[tilespmem:s31+$0xE488] =	vst v1  }
0x1f2: {  	v1 =	vld [tilespmem:$0xE368];
	_ =	sdelay $0x4  }
0x1f3: {  	v1 =	vmax.f32 v1, v2  }
0x1f4: {  	v2 =	vld [tilespmem:s31+$0xE4A8];
	[tilespmem:s31+$0xE498] =	vst v1  }
0x1f5: {  	v1 =	vld [tilespmem:$0xE378];
	_ =	sdelay $0x4  }
0x1f6: {  	v1 =	vmax.f32 v1, v2  }
0x1f7: {  	v2 =	vld [tilespmem:s31+$0xE4B8];
	[tilespmem:s31+$0xE4A8] =	vst v1  }
0x1f8: {  	v1 =	vld [tilespmem:$0xE388];
	_ =	sdelay $0x4  }
0x1f9: {  	v1 =	vmax.f32 v1, v2  }
0x1fa: {  	v2 =	vld [tilespmem:s31+$0xE4C8];
	[tilespmem:s31+$0xE4B8] =	vst v1  }
0x1fb: {  	v1 =	vld [tilespmem:$0xE398];
	_ =	sdelay $0x4  }
0x1fc: {  	v1 =	vmax.f32 v1, v2  }
0x1fd: {  	v2 =	vld [tilespmem:s31+$0xE4D8];
	[tilespmem:s31+$0xE4C8] =	vst v1  }
0x1fe: {  	v1 =	vld [tilespmem:$0xE3A8];
	_ =	sdelay $0x4  }
0x1ff: {  	v1 =	vmax.f32 v1, v2  }
0x200: {  	v2 =	vld [tilespmem:s31+$0xE4E8];
	[tilespmem:s31+$0xE4D8] =	vst v1  }
0x201: {  	v1 =	vld [tilespmem:$0xE3B8];
	_ =	sdelay $0x4  }
0x202: {  	v1 =	vmax.f32 v1, v2  }
0x203: {  	v2 =	vld [tilespmem:s31+$0xE4F8];
	[tilespmem:s31+$0xE4E8] =	vst v1  }
0x204: {  	v1 =	vld [tilespmem:$0xE3C8];
	_ =	sdelay $0x4  }
0x205: {  	v1 =	vmax.f32 v1, v2  }
0x206: {  	v2 =	vld [tilespmem:s31+$0xE508];
	[tilespmem:s31+$0xE4F8] =	vst v1  }
0x207: {  	v1 =	vld [tilespmem:$0xE3D8];
	_ =	sdelay $0x4  }
0x208: {  	v1 =	vmax.f32 v1, v2  }
0x209: {  	v2 =	vld [tilespmem:s31+$0xE518];
	[tilespmem:s31+$0xE508] =	vst v1  }
0x20a: {  	v1 =	vld [tilespmem:$0xE3E8];
	_ =	sdelay $0x4  }
0x20b: {  	v1 =	vmax.f32 v1, v2  }
0x20c: {  	v2 =	vld [tilespmem:s31+$0xE528];
	[tilespmem:s31+$0xE518] =	vst v1  }
0x20d: {  	v1 =	vld [tilespmem:$0xE3F8];
	_ =	sdelay $0x4  }
0x20e: {  	v1 =	vmax.f32 v1, v2  }
0x20f: {  	[tilespmem:s31+$0xE528] =	vst v1  }
.LBB2_39:
0x210: {  	[tilespmem:s2+$0xE418] =	vst.msk $0x1, v0;
	s0 =	sshrl.u32 s7, $0x2  }
0x211: {  	v0 =	vld [tilespmem:s0+$0xE438];
	_ =	sdelay $0x2  }
0x212: {  	s31 =	sshll.u32 s2, $0xA  }
0x213: {  	s7 =	sshra.s32 s31, $0x2  }
0x214: {  	[tilespmem:s7+$0xE438] =	vst v0  }
0x215: {  	v0 =	vld [tilespmem:s0+$0xE448];
	_ =	sdelay $0x4  }
0x216: {  	[tilespmem:s7+$0xE448] =	vst v0  }
0x217: {  	v0 =	vld [tilespmem:s0+$0xE458];
	_ =	sdelay $0x4  }
0x218: {  	[tilespmem:s7+$0xE458] =	vst v0  }
0x219: {  	v0 =	vld [tilespmem:s0+$0xE468];
	_ =	sdelay $0x4  }
0x21a: {  	[tilespmem:s7+$0xE468] =	vst v0  }
0x21b: {  	v0 =	vld [tilespmem:s0+$0xE478];
	_ =	sdelay $0x4  }
0x21c: {  	[tilespmem:s7+$0xE478] =	vst v0  }
0x21d: {  	v0 =	vld [tilespmem:s0+$0xE488];
	_ =	sdelay $0x4  }
0x21e: {  	[tilespmem:s7+$0xE488] =	vst v0  }
0x21f: {  	v0 =	vld [tilespmem:s0+$0xE498];
	_ =	sdelay $0x4  }
0x220: {  	[tilespmem:s7+$0xE498] =	vst v0  }
0x221: {  	v0 =	vld [tilespmem:s0+$0xE4A8];
	_ =	sdelay $0x4  }
0x222: {  	[tilespmem:s7+$0xE4A8] =	vst v0  }
0x223: {  	v0 =	vld [tilespmem:s0+$0xE4B8];
	_ =	sdelay $0x4  }
0x224: {  	[tilespmem:s7+$0xE4B8] =	vst v0  }
0x225: {  	v0 =	vld [tilespmem:s0+$0xE4C8];
	_ =	sdelay $0x4  }
0x226: {  	[tilespmem:s7+$0xE4C8] =	vst v0  }
0x227: {  	v0 =	vld [tilespmem:s0+$0xE4D8];
	_ =	sdelay $0x4  }
0x228: {  	[tilespmem:s7+$0xE4D8] =	vst v0  }
0x229: {  	v0 =	vld [tilespmem:s0+$0xE4E8];
	_ =	sdelay $0x4  }
0x22a: {  	[tilespmem:s7+$0xE4E8] =	vst v0  }
0x22b: {  	v0 =	vld [tilespmem:s0+$0xE4F8];
	_ =	sdelay $0x4  }
0x22c: {  	[tilespmem:s7+$0xE4F8] =	vst v0  }
0x22d: {  	v0 =	vld [tilespmem:s0+$0xE508];
	_ =	sdelay $0x4  }
0x22e: {  	[tilespmem:s7+$0xE508] =	vst v0  }
0x22f: {  	v0 =	vld [tilespmem:s0+$0xE518];
	_ =	sdelay $0x4  }
0x230: {  	[tilespmem:s7+$0xE518] =	vst v0  }
0x231: {  	v0 =	vld [tilespmem:s0+$0xE528];
	_ =	sdelay $0x4  }
0x232: {  	s2 =	sadd.s32 $0x1, s2;
	[tilespmem:s7+$0xE528] =	vst v0  }
.LBB2_40:
0x233: {  	s6 =	sadd.s32 $0x1, s6  }
0x234: {  	p0 =	sne.s32 s6, $0x20  }
.Ltmp24:
0x235: {  	_ = 	snop;
	(pc) =	sbr.rel @!p0 .LBB2_41-.Ltmp24, $1  }
0x236: {  	_ =	sdelay $0x3  }
.LBB2_30:
0x237: {  	v0 =	vld.msk [tilespmem:s6+$0xE418], $0x1;
	_ =	sdelay $0x4  }
0x238: {  	(v2sf) =	vpush v0, $0x0;
	_ =	sdelay $0xe  }
0x239: {  	s7 =	spop (v2sf)  }
0x23a: {  	p0 =	seq.s32 s7, $0xFFFFFFFF  }
.Ltmp25:
0x23b: {  	_ = 	snop;
	(pc) =	sbr.rel @p0 .LBB2_40-.Ltmp25, $1  }
0x23c: {  	_ =	sdelay $0x3  }
0x23d: {  	p0 =	slt.s32 s2, $0x1  }
.Ltmp26:
0x23e: {  	_ = 	snop;
	(pc) =	sbr.rel @p0 .LBB2_36-.Ltmp26, $1  }
0x23f: {  	_ =	sdelay $0x3  }
0x240: {  	s8 =	simm.s32 $0xE418;
	p0 =	por $0x0, $0x0  }
0x241: {  	v1 =	vld.msk @!p0 [tilespmem:s8+$0x0], $0x1;
	_ =	sdelay $0x4  }
0x242: {  	(v2sf) =	vpush @!p0 v1, $0x0;
	_ =	sdelay $0xd  }
0x243: {  	p2 =	sne.s32 s2, $0x1  }
.Ltmp27:
0x244: {  	s0 =	spop @!p0 (v2sf);
	(pc) =	sbr.rel @!p2 .LBB2_34-.Ltmp27, $4  }
0x245: {  	p1 =	seq.s32 @!p0 s7, s0  }
0x246: {  	s9 =	simm.s32 $0x0;
	p1 =	por !p1, p0  }
0x247: {  	s0 =	simm.s32 $0xFFFFFFFF;
	s9 =	simm.s32 @p1 $0xFFFFFFFF  }
0x248: {  	s10 =	simm.s32 $0x1;
	s9 =	smov.u32 @p0 s0  }
.LBB2_33:
0x249: {  	s0 =	smov.u32 s9;
	p0 =	sne.s32 s9, $0xFFFFFFFF  }
0x24a: {  	s8 =	sadd.s32 $0x1, s8;
	s9 =	smov.u32 s10;
	s10 =	sadd.s32 $0x1, s10  }
0x24b: {  	p1 =	sne.s32 s2, s10;
	v1 =	vld.msk @!p0 [tilespmem:s8+$0x0], $0x1;
	_ =	sdelay $0x4  }
0x24c: {  	(v2sf) =	vpush @!p0 v1, $0x0;
	_ =	sdelay $0xe  }
.Ltmp28:
0x24d: {  	s11 =	spop @!p0 (v2sf);
	(pc) =	sbr.rel @p1 .LBB2_33-.Ltmp28, $4  }
0x24e: {  	p2 =	seq.s32 @!p0 s7, s11  }
0x24f: {  	p2 =	por !p2, p0  }
0x250: {  	s9 =	simm.s32 @p2 $0xFFFFFFFF  }
0x251: {  	s9 =	smov.u32 @p0 s0  }
.LBB2_34:
0x252: {  	p0 =	seq.s32 s9, $0xFFFFFFFF  }
.Ltmp29:
0x253: {  	_ = 	snop;
	(pc) =	sbr.rel @p0 .LBB2_36-.Ltmp29, $1  }
0x254: {  	_ =	sdelay $0x3  }
0x255: {  	s0 =	sshll.u32 s6, $0x8  }
0x256: {  	s31 =	sshll.u32 s9, $0xA;
	s8 =	sand.u32 $0x3FFFFF00, s0  }
0x257: {  	s7 =	sshra.s32 s31, $0x2;
	v0 =	vld [tilespmem:s8+$0xE438]  }
0x258: {  	v1 =	vld [tilespmem:s7+$0xE438];
	_ =	sdelay $0x4  }
0x259: {  	v0 =	vmax.f32 v0, v1  }
0x25a: {  	v49 =	vld [tilespmem:s7+$0xE448];
	[tilespmem:s7+$0xE438] =	vst v0  }
0x25b: {  	v0 =	vld [tilespmem:s8+$0xE448];
	_ =	sdelay $0x4  }
0x25c: {  	v0 =	vmax.f32 v0, v49  }
0x25d: {  	v50 =	vld [tilespmem:s7+$0xE458];
	[tilespmem:s7+$0xE448] =	vst v0  }
0x25e: {  	v0 =	vld [tilespmem:s8+$0xE458];
	_ =	sdelay $0x4  }
0x25f: {  	v0 =	vmax.f32 v0, v50  }
0x260: {  	v51 =	vld [tilespmem:s7+$0xE468];
	[tilespmem:s7+$0xE458] =	vst v0  }
0x261: {  	v0 =	vld [tilespmem:s8+$0xE468];
	_ =	sdelay $0x4  }
0x262: {  	v0 =	vmax.f32 v0, v51  }
0x263: {  	v52 =	vld [tilespmem:s7+$0xE478];
	[tilespmem:s7+$0xE468] =	vst v0  }
0x264: {  	v0 =	vld [tilespmem:s8+$0xE478];
	_ =	sdelay $0x4  }
0x265: {  	v0 =	vmax.f32 v0, v52  }
0x266: {  	v53 =	vld [tilespmem:s7+$0xE488];
	[tilespmem:s7+$0xE478] =	vst v0  }
0x267: {  	v0 =	vld [tilespmem:s8+$0xE488];
	_ =	sdelay $0x4  }
0x268: {  	v0 =	vmax.f32 v0, v53  }
0x269: {  	v54 =	vld [tilespmem:s7+$0xE498];
	[tilespmem:s7+$0xE488] =	vst v0  }
0x26a: {  	v0 =	vld [tilespmem:s8+$0xE498];
	_ =	sdelay $0x4  }
0x26b: {  	v0 =	vmax.f32 v0, v54  }
0x26c: {  	v55 =	vld [tilespmem:s7+$0xE4A8];
	[tilespmem:s7+$0xE498] =	vst v0  }
0x26d: {  	v0 =	vld [tilespmem:s8+$0xE4A8];
	_ =	sdelay $0x4  }
0x26e: {  	v0 =	vmax.f32 v0, v55  }
0x26f: {  	v56 =	vld [tilespmem:s7+$0xE4B8];
	[tilespmem:s7+$0xE4A8] =	vst v0  }
0x270: {  	v0 =	vld [tilespmem:s8+$0xE4B8];
	_ =	sdelay $0x4  }
0x271: {  	v0 =	vmax.f32 v0, v56  }
0x272: {  	v57 =	vld [tilespmem:s7+$0xE4C8];
	[tilespmem:s7+$0xE4B8] =	vst v0  }
0x273: {  	v0 =	vld [tilespmem:s8+$0xE4C8];
	_ =	sdelay $0x4  }
0x274: {  	v0 =	vmax.f32 v0, v57  }
0x275: {  	v58 =	vld [tilespmem:s7+$0xE4D8];
	[tilespmem:s7+$0xE4C8] =	vst v0  }
0x276: {  	v0 =	vld [tilespmem:s8+$0xE4D8];
	_ =	sdelay $0x4  }
0x277: {  	v0 =	vmax.f32 v0, v58  }
0x278: {  	v59 =	vld [tilespmem:s7+$0xE4E8];
	[tilespmem:s7+$0xE4D8] =	vst v0  }
0x279: {  	v0 =	vld [tilespmem:s8+$0xE4E8];
	_ =	sdelay $0x4  }
0x27a: {  	v0 =	vmax.f32 v0, v59  }
0x27b: {  	v60 =	vld [tilespmem:s7+$0xE4F8];
	[tilespmem:s7+$0xE4E8] =	vst v0  }
0x27c: {  	v0 =	vld [tilespmem:s8+$0xE4F8];
	_ =	sdelay $0x4  }
0x27d: {  	v0 =	vmax.f32 v0, v60  }
0x27e: {  	v61 =	vld [tilespmem:s7+$0xE508];
	[tilespmem:s7+$0xE4F8] =	vst v0  }
0x27f: {  	v0 =	vld [tilespmem:s8+$0xE508];
	_ =	sdelay $0x4  }
0x280: {  	v0 =	vmax.f32 v0, v61  }
0x281: {  	v62 =	vld [tilespmem:s7+$0xE518];
	[tilespmem:s7+$0xE508] =	vst v0  }
0x282: {  	v0 =	vld [tilespmem:s8+$0xE518];
	_ =	sdelay $0x4  }
0x283: {  	v0 =	vmax.f32 v0, v62  }
0x284: {  	v63 =	vld [tilespmem:s7+$0xE528];
	[tilespmem:s7+$0xE518] =	vst v0  }
0x285: {  	v0 =	vld [tilespmem:s8+$0xE528];
	_ =	sdelay $0x1  }
.Ltmp30:
0x286: {  	_ = 	snop;
	(pc) =	sbr.rel .LBB2_40-.Ltmp30, $3  }
0x287: {  	_ =	sdelay $0x1  }
0x288: {  	v0 =	vmax.f32 v0, v63  }
0x289: {  	[tilespmem:s7+$0xE528] =	vst v0  }
.LBB2_36:
0x28a: {  	p0 =	slt.u32 s7, $0x13871  }
.Ltmp31:
0x28b: {  	_ = 	snop;
	(pc) =	sbr.rel @p0 .LBB2_38-.Ltmp31, $1  }
0x28c: {  	_ =	sdelay $0x3  }
.Ltmp32:
0x28d: {  	(pc) =	sbr.rel .LBB2_39-.Ltmp32, $2  }
0x28e: {  	_ =	sdelay $0x2  }
0x28f: {  	s7 =	sshll.u32 s6, $0xA  }
.LBB2_41:
0x290: {  	p0 =	slt.s32 s2, $0x1  }
.Ltmp33:
0x291: {  	_ = 	snop;
	(pc) =	sbr.rel @p0 .LBB2_45-.Ltmp33, $3  }
0x292: {  	_ =	sdelay $0x1  }
0x293: {  	s0 =	simm.s32 $0x6  }
0x294: {  	[sflag:s0] =	ssyncpa.u1 $0x1;
	s0 =	simm.s32 $0x0  }
0x295: {  	s3 =	simm.s32 $0xE418  }
0x296: {  	v0 =	vld.msk [tilespmem:s3+$0x0], $0x1;
	_ =	sdelay $0x4  }
0x297: {  	(v2sf) =	vpush v0, $0x0;
	_ =	sdelay $0xe  }
0x298: {  	s2 =	sadd.s32 $0xFFFFFFFF, s2;
	s4 =	spop (v2sf)  }
0x299: {  	s5 =	simm.s32 $0xE438;
	p0 =	sne.s32 s2, $0x0;
	p1 =	sgt.u32 s4, $0x13870  }
.Ltmp34:
0x29a: {  	s3 =	simm.s32 $0xE538;
	s6 =	sand.u32 @!p1 $0x1FFF8, s4;
	(pc) =	sbr.rel @!p0 .LBB2_44-.Ltmp34, $4  }
0x29b: {  	s7 =	sadd.s32 @!p1 $0x80, s4;
	s8 =	sadd.s32 @!p1 s1, s6;
	s6 =	sand.u32 @!p1 $0x7, s4  }
0x29c: {  	[hbm4b:s8+s6] =	stream.linear.scatter @!p1 [tilespmem:s5], [sflag:$0x5], $0x80, $0x38;
	[tilespmem:$0x1E668] =	vst v63  }
0x29d: {  	s0 =	simm.s32 @!p1 $0x400;
	s4 =	simm.s32 $0xE419;
	s5 =	sand.u32 @!p1 $0x3FFF8, s7  }
0x29e: {  	s7 =	simm.s32 @!p1 $0xE4B8;
	s8 =	sadd.s32 @!p1 s1, s5;
	s5 =	sadd.s32 $0x0, s0  }
.LBB2_43:
0x29f: {  	[hbm4b:s8+s6] =	stream.linear.scatter @!p1 [tilespmem:s7], [sflag:$0x5], $0x80, $0x38;
	[tilespmem:$0x1E668] =	vst v63  }
0x2a0: {  	s2 =	sadd.s32 $0xFFFFFFFF, s2;
	s0 =	smov.u32 s3;
	v0 =	vld.msk [tilespmem:s4+$0x0], $0x1  }
0x2a1: {  	p0 =	sne.s32 s2, $0x0;
	_ =	sdelay $0x3  }
0x2a2: {  	(v2sf) =	vpush v0, $0x0;
	_ =	sdelay $0xe  }
0x2a3: {  	s3 =	sadd.s32 $0x100, s3;
	s9 =	simm.s32 $0x0;
	s6 =	spop (v2sf)  }
.Ltmp35:
0x2a4: {  	s4 =	sadd.s32 $0x1, s4;
	p1 =	sgt.u32 s6, $0x13870;
	(pc) =	sbr.rel @p0 .LBB2_43-.Ltmp35, $4  }
0x2a5: {  	s9 =	simm.s32 @!p1 $0x400;
	s7 =	sand.u32 @!p1 $0x1FFF8, s6;
	s8 =	sadd.s32 @!p1 $0x80, s6  }
0x2a6: {  	s6 =	sand.u32 @!p1 $0x7, s6;
	s7 =	sadd.s32 @!p1 s1, s7;
	s8 =	sand.u32 @!p1 $0x3FFF8, s8  }
0x2a7: {  	[hbm4b:s7+s6] =	stream.linear.scatter @!p1 [tilespmem:s0], [sflag:$0x5], $0x80, $0x38;
	[tilespmem:$0x1E668] =	vst v63  }
0x2a8: {  	s5 =	sadd.s32 s5, s9;
	s7 =	sadd.s32 @!p1 $0x80, s0;
	s8 =	sadd.s32 @!p1 s1, s8  }
.LBB2_44:
0x2a9: {  	[hbm4b:s8+s6] =	stream.linear.scatter @!p1 [tilespmem:s7], [sflag:$0x5], $0x80, $0x38;
	[tilespmem:$0x1E668] =	vst v63  }
0x2aa: {  	s0 =	sshrl.u32 s5, $0x2  }
.LBB2_45:
0x2ab: {  	s1 =	simm.s32 $0x5  }
0x2ac: {  	_ =	swait.ge [sflag:s1], s0  }
0x2ad: {  	s29 =	ssub.s32 $0x0, s0;
	[sflag:s1] =	ssyncset.done $0x0  }
0x2ae: {  	[sflag:s1] =	ssyncadd.s32 s29  }
0x2af: {  	[sflag:s1] =	ssyncpa.u1 $0x1  }
0x2b0: {  	s30 =	simm.s32 $0x1;
	_ =	sfence  }
0x2b1: {  	[sflag:s30] =	ssyncpa.u1 $0x1  }
0x2b2: {  	_ =	strace $0x90000047  }
0x2b3: {  	[bflag:$0x2] =	sbarrier.arrive $0xFFFF  }
0x2b4: {  	s31 =	rddreg [dreg:$0x3]  }
0x2b5: {  	s0 =	sadd.s32 $0x100000, s31  }
0x2b6: {  	[sflag:s0] =	ssyncadd.tile.s32 $0x1;
	_ =	shalt  }
.Lfunc_end2:
_tile_overlayer_lowered:
.L_overlay_start_2:
0x2b7: {  	(tag) =	ssettag $0x2  }
0x2b8: {  	s0 =	rddreg [dreg:$0x0];
	s2 =	stileid.u32  }
0x2b9: {  	s1 =	rddreg [dreg:$0x1];
	p0 =	sne.s32 s2, $0x0  }
0x2ba: {  	s3 =	rddreg [dreg:$0x2];
	[bflag:$0x3] =	sbarrier.arrive $0xFFFF;
	s2 =	simm.s32 @!p0 $0x1C01  }
0x2bb: {  	[timem:s3], [sflag:s2] =	dma.local @!p0 [hbm:s0], s1  }
0x2bc: {  	s0 =	simm.s32 @!p0 $0x1  }
0x2bd: {  	_ =	swait.ge @!p0 [sflag:s0], s1  }
0x2be: {  	s1 =	ssub.s32 @!p0 $0x0, s1;
	[sflag:s0] =	ssyncset.done @!p0 $0x0  }
0x2bf: {  	[sflag:s0] =	ssyncadd.s32 @!p0 s1  }
0x2c0: {  	[bflag:$0x3] =	sbarrier.arrive $0xFFFF  }
0x2c1: {  	_ =	shalt  }

</sc_bundles>
